<compile_context>
chip_gen: v7x
topology: tpu7x:2x2x1
jax: 0.10.2.dev20260603
libtpu: 0.0.44.dev20260713+nightly
codegen_flags: <defaults>
</compile_context>

<pallas_src>
import functools

import jax
import jax.numpy as jnp
from jax import lax
from jax.experimental import pallas as pl
from jax.experimental.pallas import tpu as pltpu
from jax.experimental.pallas import tpu_sc as plsc

N = 10000
NT = 10240
E = 160000
E_P = 163840
EPT = 10240
CH = 128
NCHUNK = EPT // CH
DH = 128
ROWS_PT = NT // 16
NTYPES = 8
EPW = E_P // 32
DCH = 128
DNCH = EPW // DCH
BLK = 512
BLKN = 500

_mesh = plsc.VectorSubcoreMesh(core_axis_name="c", subcore_axis_name="s")



@functools.partial(
    pl.kernel,
    mesh=_mesh,
    out_type=[jax.ShapeDtypeStruct((NT, DH), jnp.float32),
              jax.ShapeDtypeStruct((NT, DH), jnp.float32)],
    scratch_types=[
        pltpu.VMEM((2, CH), jnp.int32),
        pltpu.VMEM((2, CH), jnp.int32),
        pltpu.VMEM((CH, DH), jnp.float32),
        pltpu.VMEM((CH, DH), jnp.float32),
        pltpu.VMEM_SHARED((NT, DH), jnp.float32),
        pltpu.SemaphoreType.DMA,
        pltpu.SemaphoreType.DMA,
        pltpu.SemaphoreType.DMA,
        pltpu.SemaphoreType.DMA,
        pltpu.SemaphoreType.DMA,
        pltpu.SemaphoreType.DMA,
        pltpu.SemaphoreType.DMA,
        pltpu.SemaphoreType.DMA,
    ],
)
def _mp(tabA, tabB, gidx3, dst3, outA, outB,
        gidx_r, dst_r, rows0, rows1, acc,
        gs0, gs1, ss0, ss1, is0, is1, ds0, ds1):
    c = lax.axis_index("c")
    s = lax.axis_index("s")
    zero16 = jnp.zeros((16,), jnp.float32)

    def run(table, out):
        def zrow(r, carry):
            for j in range(DH // 16):
                rows0[r, pl.ds(j * 16, 16)] = zero16
            return carry
        lax.fori_loop(0, CH, zrow, 0)
        for k in range(ROWS_PT // CH):
            pltpu.sync_copy(rows0, acc.at[pl.ds(s * ROWS_PT + k * CH, CH)])
        plsc.subcore_barrier()

        rows = (rows0, rows1)
        gsem = (gs0, gs1)
        ssem = (ss0, ss1)
        isem = (is0, is1)
        dsem = (ds0, ds1)

        def g_wait(b):
            pltpu.make_async_copy(table.at[gidx_r.at[b]],
                                  rows[b], gsem[b]).wait()

        def s_wait(b):
            pltpu.make_async_copy(rows[b], acc.at[dst_r.at[b]],
                                  ssem[b]).wait()

        def i_wait(b):
            pltpu.make_async_copy(gidx3.at[s, 0], gidx_r.at[b],
                                  isem[b]).wait()

        def d_wait(b):
            pltpu.make_async_copy(dst3.at[s, 0], dst_r.at[b],
                                  dsem[b]).wait()

        for b in range(2):
            pltpu.async_copy(gidx3.at[s, b], gidx_r.at[b], isem[b])
            pltpu.async_copy(dst3.at[s, b], dst_r.at[b], dsem[b])
        for b in range(2):
            i_wait(b)
            pltpu.async_copy(table.at[gidx_r.at[b]], rows[b], gsem[b])

        def pair(p, carry):
            g0 = 2 * p
            for b in range(2):
                g = g0 + b
                g_wait(b)
                d_wait(b)
                pltpu.async_copy(rows[b], acc.at[dst_r.at[b]],
                                 ssem[b], add=True)
                pltpu.async_copy(gidx3.at[s, g + 2], gidx_r.at[b], isem[b])
            for b in range(2):
                g = g0 + b
                s_wait(b)
                pltpu.async_copy(dst3.at[s, g + 2], dst_r.at[b], dsem[b])
            for b in range(2):
                i_wait(b)
                pltpu.async_copy(table.at[gidx_r.at[b]], rows[b], gsem[b])
            return carry
        lax.fori_loop(0, NCHUNK // 2 - 1, pair, 0)

        for b in range(2):
            g_wait(b)
            d_wait(b)
            pltpu.async_copy(rows[b], acc.at[dst_r.at[b]], ssem[b], add=True)
        for b in range(2):
            s_wait(b)

        plsc.subcore_barrier()
        sl = pl.ds(s * ROWS_PT, ROWS_PT)
        pltpu.sync_copy(acc.at[sl], out.at[sl])

    @pl.when(c == 0)
    def _():
        run(tabA, outA)

    @pl.when(c == 1)
    def _():
        run(tabB, outB)



@functools.partial(
    pl.kernel,
    mesh=_mesh,
    out_type=[jax.ShapeDtypeStruct((NT,), jnp.float32),
              jax.ShapeDtypeStruct((NT,), jnp.float32),
              jax.ShapeDtypeStruct((16,), jnp.float32)],
    scratch_types=[
        pltpu.VMEM((EPW,), jnp.int32),
        pltpu.VMEM((DNCH, DCH), jnp.int32),
        pltpu.VMEM((EPW,), jnp.float32),
        pltpu.VMEM((16,), jnp.float32),
        pltpu.VMEM_SHARED((NT,), jnp.float32),
    ],
)
def _deg(etl16, dstD, etidD, degA, degB, gatesO,
         etid_v, dst_v, ew_v, gate_v, accd):
    c = lax.axis_index("c")
    s = lax.axis_index("s")
    w = c * 16 + s
    zero16 = jnp.zeros((16,), jnp.float32)

    pltpu.sync_copy(etl16, gate_v)
    gates_reg = 1.0 / (1.0 + jnp.exp(-gate_v[...]))
    gate_v[...] = gates_reg

    @pl.when(w == 0)
    def _():
        pltpu.sync_copy(gate_v, gatesO)

    def zv(i, carry):
        ew_v[pl.ds(i * 16, 16)] = zero16
        return carry
    lax.fori_loop(0, ROWS_PT // 16, zv, 0)
    pltpu.sync_copy(ew_v.at[pl.ds(0, ROWS_PT)],
                    accd.at[pl.ds(s * ROWS_PT, ROWS_PT)])

    pltpu.sync_copy(etidD.at[w], etid_v)
    pltpu.sync_copy(dstD.at[w], dst_v)
    plsc.subcore_barrier()

    def eww(i, carry):
        etv = etid_v[pl.ds(i * 16, 16)]
        ew_v[pl.ds(i * 16, 16)] = gates_reg.at[etv].get(
            mode="promise_in_bounds")
        return carry
    lax.fori_loop(0, EPW // 16, eww, 0)

    def chunk(j, carry):
        pltpu.sync_copy(ew_v.at[pl.ds(j * DCH, DCH)],
                        accd.at[dst_v.at[j]], add=True)
        return carry
    lax.fori_loop(0, DNCH, chunk, 0)

    plsc.subcore_barrier()
    sl = pl.ds(s * ROWS_PT, ROWS_PT)

    @pl.when(c == 0)
    def _():
        pltpu.sync_copy(accd.at[sl], degA.at[sl])

    @pl.when(c == 1)
    def _():
        pltpu.sync_copy(accd.at[sl], degB.at[sl])



def _gidx_body(srcp_ref, etid_ref, o_ref):
    o_ref[...] = etid_ref[...] * NT + srcp_ref[...]


def _gidx_tc(srcp2, etidp2):
    return pl.pallas_call(
        _gidx_body,
        out_shape=jax.ShapeDtypeStruct(srcp2.shape, jnp.int32),
    )(srcp2, etidp2)


def _mm_body(x_ref, w_ref, o_ref):
    o_ref[...] = jnp.dot(x_ref[...], w_ref[...],
                         preferred_element_type=jnp.float32,
                 precision=lax.Precision.HIGHEST)


def _matmul(x, W):
    m, k = x.shape
    _, nn = W.shape
    mb = 1000
    return pl.pallas_call(
        _mm_body,
        grid=(m // mb,),
        in_specs=[pl.BlockSpec((mb, k), lambda i: (i, 0)),
                  pl.BlockSpec((k, nn), lambda i: (0, 0))],
        out_specs=pl.BlockSpec((mb, nn), lambda i: (i, 0)),
        out_shape=jax.ShapeDtypeStruct((m, nn), jnp.float32),
    )(x, W)


def _tab1_body(degA_ref, degB_ref, xl_ref, gates_ref,
               tabA_ref, tabB_ref, dis_ref, selfw_ref):
    deg = 1.0 + degA_ref[...] + degB_ref[...]
    dis = lax.rsqrt(deg)
    dis_ref[...] = dis
    selfw_ref[...] = 1.0 / deg
    scaled = dis * xl_ref[...]
    for t in range(NTYPES):
        gt = gates_ref[0, t]
        tabA_ref[t, :, :] = gt * scaled[:, :DH]
        tabB_ref[t, :, :] = gt * scaled[:, DH:]


def _tab1_tc(degA, degB, xl1p, gates128):
    nblk = NT // BLK
    return pl.pallas_call(
        _tab1_body,
        grid=(nblk,),
        in_specs=[pl.BlockSpec((BLK, 1), lambda i: (i, 0)),
                  pl.BlockSpec((BLK, 1), lambda i: (i, 0)),
                  pl.BlockSpec((BLK, 2 * DH), lambda i: (i, 0)),
                  pl.BlockSpec((1, 128), lambda i: (0, 0))],
        out_specs=[pl.BlockSpec((NTYPES, BLK, DH), lambda i: (0, i, 0)),
                   pl.BlockSpec((NTYPES, BLK, DH), lambda i: (0, i, 0)),
                   pl.BlockSpec((BLK, 1), lambda i: (i, 0)),
                   pl.BlockSpec((BLK, 1), lambda i: (i, 0))],
        out_shape=[jax.ShapeDtypeStruct((NTYPES, NT, DH), jnp.float32),
                   jax.ShapeDtypeStruct((NTYPES, NT, DH), jnp.float32),
                   jax.ShapeDtypeStruct((NT, 1), jnp.float32),
                   jax.ShapeDtypeStruct((NT, 1), jnp.float32)],
    )(degA, degB, xl1p, gates128)


def _bn_elu(v, gamma, beta, eps=1e-5):
    u = v / jnp.sqrt(1.0 + eps) * gamma + beta
    return jnp.where(u > 0, u, jnp.exp(u) - 1.0)


def _mid_body(mA_ref, mB_ref, xl1_ref, dis_ref, selfw_ref,
              b1_ref, g1_ref, be1_ref, W2_ref, gates_ref,
              x1_ref, xl2_ref, tabA_ref, tabB_ref):
    i = pl.program_id(0)
    dis = dis_ref[...]
    msg = jnp.concatenate([mA_ref[...], mB_ref[...]], axis=1)
    v = dis * msg + selfw_ref[...] * xl1_ref[...] + b1_ref[...]
    x1 = _bn_elu(v, g1_ref[...], be1_ref[...])
    x1_ref[...] = x1
    xl2 = jnp.dot(x1, W2_ref[...], preferred_element_type=jnp.float32,
                 precision=lax.Precision.HIGHEST)
    rows = i * BLK + lax.broadcasted_iota(jnp.int32, (BLK, 1), 0)
    xl2 = jnp.where(rows < N, xl2, 0.0)
    xl2_ref[...] = xl2
    scaled = dis * xl2
    for t in range(NTYPES):
        gt = gates_ref[0, t]
        tabA_ref[t, :, :] = gt * scaled[:, :DH]
        tabB_ref[t, :, :] = gt * scaled[:, DH:]


def _mid_tc(mA, mB, xl1p, dis, selfw, b1, g1, be1, W2, gates128):
    nblk = NT // BLK
    return pl.pallas_call(
        _mid_body,
        grid=(nblk,),
        in_specs=[pl.BlockSpec((BLK, DH), lambda i: (i, 0)),
                  pl.BlockSpec((BLK, DH), lambda i: (i, 0)),
                  pl.BlockSpec((BLK, 2 * DH), lambda i: (i, 0)),
                  pl.BlockSpec((BLK, 1), lambda i: (i, 0)),
                  pl.BlockSpec((BLK, 1), lambda i: (i, 0)),
                  pl.BlockSpec((1, 2 * DH), lambda i: (0, 0)),
                  pl.BlockSpec((1, 2 * DH), lambda i: (0, 0)),
                  pl.BlockSpec((1, 2 * DH), lambda i: (0, 0)),
                  pl.BlockSpec((2 * DH, 2 * DH), lambda i: (0, 0)),
                  pl.BlockSpec((1, 128), lambda i: (0, 0))],
        out_specs=[pl.BlockSpec((BLK, 2 * DH), lambda i: (i, 0)),
                   pl.BlockSpec((BLK, 2 * DH), lambda i: (i, 0)),
                   pl.BlockSpec((NTYPES, BLK, DH), lambda i: (0, i, 0)),
                   pl.BlockSpec((NTYPES, BLK, DH), lambda i: (0, i, 0))],
        out_shape=[jax.ShapeDtypeStruct((NT, 2 * DH), jnp.float32),
                   jax.ShapeDtypeStruct((NT, 2 * DH), jnp.float32),
                   jax.ShapeDtypeStruct((NTYPES, NT, DH), jnp.float32),
                   jax.ShapeDtypeStruct((NTYPES, NT, DH), jnp.float32)],
    )(mA, mB, xl1p, dis, selfw, b1, g1, be1, W2, gates128)


def _sigmoid(v):
    return 1.0 / (1.0 + jnp.exp(-v))


def _epi_body(mA_ref, mB_ref, xl2_ref, x1_ref, dis_ref, selfw_ref,
              b2_ref, g2_ref, be2_ref, seW1_ref, seb1_ref, seW2_ref,
              seb2_ref, gf_ref, lgW_ref, lgb_ref, fW1_ref, fb1_ref,
              fW2_ref, fb2_ref, o_ref, psum, pmax):
    i = pl.program_id(0)
    msg = jnp.concatenate([mA_ref[...], mB_ref[...]], axis=1)
    v = dis_ref[...] * msg + selfw_ref[...] * xl2_ref[...] + b2_ref[...]
    x2 = _bn_elu(v, g2_ref[...], be2_ref[...]) + x1_ref[...]
    t = jnp.maximum(jnp.dot(x2, seW1_ref[...],
                            preferred_element_type=jnp.float32,
                 precision=lax.Precision.HIGHEST)
                    + seb1_ref[...], 0.0)
    se = _sigmoid(jnp.dot(t, seW2_ref[...],
                          preferred_element_type=jnp.float32,
                 precision=lax.Precision.HIGHEST) + seb2_ref[...])
    x2 = x2 * se
    mask = (i * BLK + lax.broadcasted_iota(jnp.int32, (BLK, 1), 0)) < N

    @pl.when(i == 0)
    def _():
        psum[...] = jnp.zeros_like(psum)
        pmax[...] = jnp.full_like(pmax, -jnp.inf)

    psum[...] = psum[...] + jnp.sum(jnp.where(mask, x2, 0.0),
                                    axis=0, keepdims=True)
    pmax[...] = jnp.maximum(pmax[...], jnp.max(
        jnp.where(mask, x2, -jnp.inf), axis=0, keepdims=True))

    @pl.when(i == pl.num_programs(0) - 1)
    def _():
        mean = psum[...] / float(N)
        mx = pmax[...]
        g = jnp.maximum(jnp.dot(gf_ref[...], lgW_ref[...],
                                preferred_element_type=jnp.float32,
                 precision=lax.Precision.HIGHEST)
                        + lgb_ref[...], 0.0)
        h = jnp.concatenate([mean, mx, g, mean * mx], axis=1)
        hh = jnp.maximum(jnp.dot(h, fW1_ref[...],
                                 preferred_element_type=jnp.float32,
                 precision=lax.Precision.HIGHEST)
                         + fb1_ref[...], 0.0)
        o_ref[...] = jnp.dot(hh, fW2_ref[...],
                             preferred_element_type=jnp.float32,
                 precision=lax.Precision.HIGHEST) + fb2_ref[...]


def _epi_tc(mA, mB, xl2o, x1o, dis, selfw, b2, g2, be2,
            seW1, seb1, seW2, seb2, gf, lgW, lgb, fW1, fb1, fW2, fb2):
    nblk = NT // BLK
    D = 2 * DH
    return pl.pallas_call(
        _epi_body,
        grid=(nblk,),
        in_specs=[pl.BlockSpec((BLK, DH), lambda i: (i, 0)),
                  pl.BlockSpec((BLK, DH), lambda i: (i, 0)),
                  pl.BlockSpec((BLK, D), lambda i: (i, 0)),
                  pl.BlockSpec((BLK, D), lambda i: (i, 0)),
                  pl.BlockSpec((BLK, 1), lambda i: (i, 0)),
                  pl.BlockSpec((BLK, 1), lambda i: (i, 0)),
                  pl.BlockSpec((1, D), lambda i: (0, 0)),
                  pl.BlockSpec((1, D), lambda i: (0, 0)),
                  pl.BlockSpec((1, D), lambda i: (0, 0)),
                  pl.BlockSpec((D, DH), lambda i: (0, 0)),
                  pl.BlockSpec((1, DH), lambda i: (0, 0)),
                  pl.BlockSpec((DH, D), lambda i: (0, 0)),
                  pl.BlockSpec((1, D), lambda i: (0, 0)),
                  pl.BlockSpec((1, 64), lambda i: (0, 0)),
                  pl.BlockSpec((64, D), lambda i: (0, 0)),
                  pl.BlockSpec((1, D), lambda i: (0, 0)),
                  pl.BlockSpec((4 * D, D), lambda i: (0, 0)),
                  pl.BlockSpec((1, D), lambda i: (0, 0)),
                  pl.BlockSpec((D, 1), lambda i: (0, 0)),
                  pl.BlockSpec((1, 1), lambda i: (0, 0))],
        out_specs=pl.BlockSpec((1, 1), lambda i: (0, 0)),
        out_shape=jax.ShapeDtypeStruct((1, 1), jnp.float32),
        scratch_shapes=[pltpu.VMEM((1, D), jnp.float32),
                        pltpu.VMEM((1, D), jnp.float32)],
    )(mA, mB, xl2o, x1o, dis, selfw, b2, g2, be2,
      seW1, seb1, seW2, seb2, gf, lgW, lgb, fW1, fb1, fW2, fb2)



def kernel(x, edge_index, edge_attr, edge_type_id, batch, graph_feat,
           W1, b1, g1, be1, W2, b2, g2, be2,
           seW1, seb1, seW2, seb2, lgW, lgb, fW1, fb1, fW2, fb2, etl):
    src, dst = edge_index[0], edge_index[1]
    etid = edge_type_id.astype(jnp.int32)

    npad = E_P - E
    padi = jnp.arange(npad, dtype=jnp.int32)
    srcp = jnp.concatenate([src, jnp.full((npad,), N, jnp.int32)])
    etidp = jnp.concatenate([etid, jnp.zeros((npad,), jnp.int32)])
    dstp = jnp.concatenate([dst, N + (padi % 16)])
    dst3 = dstp.reshape(16, NCHUNK, CH)
    etl16 = jnp.pad(etl, (0, 16 - NTYPES))

    gidx2 = _gidx_tc(srcp.reshape(E_P // 128, 128),
                     etidp.reshape(E_P // 128, 128))
    gidx3 = gidx2.reshape(16, NCHUNK, CH)

    degA, degB, gatesO = _deg(etl16, dstp.reshape(32, DNCH, DCH),
                              etidp.reshape(32, EPW))
    gates128 = jnp.pad(gatesO, (0, 128 - 16)).reshape(1, 128)

    xl1 = _matmul(x, W1)
    xl1p = jnp.concatenate([xl1, jnp.zeros((NT - N, 2 * DH), jnp.float32)])
    tab1A, tab1B, dis, selfw = _tab1_tc(degA.reshape(NT, 1),
                                        degB.reshape(NT, 1), xl1p, gates128)
    m1A, m1B = _mp(tab1A.reshape(NTYPES * NT, DH),
                   tab1B.reshape(NTYPES * NT, DH), gidx3, dst3)

    x1o, xl2o, tab2A, tab2B = _mid_tc(
        m1A, m1B, xl1p, dis, selfw, b1.reshape(1, -1), g1.reshape(1, -1),
        be1.reshape(1, -1), W2, gates128)
    m2A, m2B = _mp(tab2A.reshape(NTYPES * NT, DH),
                   tab2B.reshape(NTYPES * NT, DH), gidx3, dst3)

    return _epi_tc(m2A, m2B, xl2o, x1o, dis, selfw,
                   b2.reshape(1, -1), g2.reshape(1, -1), be2.reshape(1, -1),
                   seW1, seb1.reshape(1, -1), seW2, seb2.reshape(1, -1),
                   graph_feat, lgW, lgb.reshape(1, -1),
                   fW1, fb1.reshape(1, -1), fW2, fb2.reshape(1, 1))

# --- scband reference (transcript-rebuilt; emitter-appended) ---
"""Pipeline reference for scband-ultra-enhanced-gnn-physics-50285477101990 (READ-ONLY COPY).

The authoritative reference and input builder live on the scoring server;
editing this copy changes nothing except your own understanding.
"""

import jax, jax.numpy as jnp
import numpy as np

N = 10000
E = 160000
D_IN = 256
HID = 256
G_IN = 64
E_DIM = 16
NTYPES = 8


def setup_inputs(seed: int = 0) -> dict:
    key = jax.random.key(seed)
    ks = jax.random.split(key, 24)
    inp = {}
    inp["x"] = jax.random.normal(ks[0], (N, D_IN), dtype=jnp.float32)
    inp["edge_index"] = jax.random.randint(ks[1], (2, E), 0, N, dtype=jnp.int32)
    inp["edge_attr"] = jax.random.normal(ks[2], (E, E_DIM), dtype=jnp.float32)
    inp["edge_type_id"] = jax.random.randint(ks[3], (E,), 0, NTYPES, dtype=jnp.int32)
    inp["batch"] = jnp.zeros((N,), dtype=jnp.int32)
    inp["graph_feat"] = jax.random.normal(ks[4], (1, G_IN), dtype=jnp.float32)
    s = 0.05
    inp["W1"] = jax.random.normal(ks[5], (D_IN, HID), dtype=jnp.float32) * s
    inp["b1"] = jnp.zeros((HID,), jnp.float32)
    inp["g1"] = jnp.ones((HID,), jnp.float32)
    inp["be1"] = jnp.zeros((HID,), jnp.float32)
    inp["W2"] = jax.random.normal(ks[6], (HID, HID), dtype=jnp.float32) * s
    inp["b2"] = jnp.zeros((HID,), jnp.float32)
    inp["g2"] = jnp.ones((HID,), jnp.float32)
    inp["be2"] = jnp.zeros((HID,), jnp.float32)
    inp["seW1"] = jax.random.normal(ks[7], (HID, HID // 2), dtype=jnp.float32) * s
    inp["seb1"] = jnp.zeros((HID // 2,), jnp.float32)
    inp["seW2"] = jax.random.normal(ks[8], (HID // 2, HID), dtype=jnp.float32) * s
    inp["seb2"] = jnp.zeros((HID,), jnp.float32)
    inp["lgW"] = jax.random.normal(ks[9], (G_IN, HID), dtype=jnp.float32) * s
    inp["lgb"] = jnp.zeros((HID,), jnp.float32)
    inp["fW1"] = jax.random.normal(ks[10], (HID * 4, HID), dtype=jnp.float32) * s
    inp["fb1"] = jnp.zeros((HID,), jnp.float32)
    inp["fW2"] = jax.random.normal(ks[11], (HID, 1), dtype=jnp.float32) * s
    inp["fb2"] = jnp.zeros((1,), jnp.float32)
    inp["etl"] = jnp.zeros((NTYPES,), jnp.float32)
    return inp


def _gcn(x, src, dst, ew, W, b, n):
    xl = x @ W
    sl = jnp.arange(n, dtype=src.dtype)
    src2 = jnp.concatenate([src, sl])
    dst2 = jnp.concatenate([dst, sl])
    ew2 = jnp.concatenate([ew, jnp.ones((n,), dtype=ew.dtype)])
    deg = jax.ops.segment_sum(ew2, dst2, num_segments=n)
    dis = jnp.where(deg > 0, jax.lax.rsqrt(jnp.maximum(deg, 1e-12)), 0.0)
    norm = dis[src2] * ew2 * dis[dst2]
    out = jax.ops.segment_sum(xl[src2] * norm[:, None], dst2, num_segments=n)
    return out + b


def _bn_eval(x, gamma, beta, eps=1e-5):
    # eval-mode BatchNorm1d with running_mean=0, running_var=1
    return x / jnp.sqrt(1.0 + eps) * gamma + beta


def reference(x, edge_index, edge_attr, edge_type_id, batch, graph_feat,
              W1, b1, g1, be1, W2, b2, g2, be2,
              seW1, seb1, seW2, seb2, lgW, lgb, fW1, fb1, fW2, fb2, etl):
    n = x.shape[0]
    gates = jax.nn.sigmoid(etl)
    ew = gates[edge_type_id]
    src, dst = edge_index[0], edge_index[1]
    x1 = jax.nn.elu(_bn_eval(_gcn(x, src, dst, ew, W1, b1, n), g1, be1))
    x2 = jax.nn.elu(_bn_eval(_gcn(x1, src, dst, ew, W2, b2, n), g2, be2)) + x1
    se = jax.nn.sigmoid(jax.nn.relu(x2 @ seW1 + seb1) @ seW2 + seb2)
    x2 = x2 * se
    nseg = 1
    counts = jax.ops.segment_sum(jnp.ones((n,), jnp.float32), batch, num_segments=nseg)
    mean_pool = jax.ops.segment_sum(x2, batch, num_segments=nseg) / jnp.maximum(counts, 1.0)[:, None]
    max_pool = jax.ops.segment_max(x2, batch, num_segments=nseg)
    g = jax.nn.relu(graph_feat @ lgW + lgb)
    h = jnp.concatenate([mean_pool, max_pool, g, mean_pool * max_pool], axis=1)
    out = jax.nn.relu(h @ fW1 + fb1) @ fW2 + fb2
    return out

if __name__ == "__main__":
    import jax
    _d = setup_inputs()
    print(jax.jit(kernel)(*tuple(_d.values())))

</pallas_src>

<mosaic_0001>
#map = affine_map<(d0, d1) -> (0)>
#map1 = affine_map<(d0, d1) -> (0, 0, 0)>
#map2 = affine_map<(d0, d1) -> (0, 0)>
module attributes {stable_mosaic.version = 14 : i64} {
  func.func @_deg(%arg0: i32, %arg1: i32, %arg2: memref<16xf32, #tpu.memory_space<hbm>>, %arg3: memref<32x40x128xi32, #tpu.memory_space<hbm>>, %arg4: memref<32x5120xi32, #tpu.memory_space<hbm>>, %arg5: memref<10240xf32, #tpu.memory_space<hbm>>, %arg6: memref<10240xf32, #tpu.memory_space<hbm>>, %arg7: memref<16xf32, #tpu.memory_space<hbm>>, %arg8: memref<5120xi32, #tpu.memory_space<vmem>>, %arg9: memref<40x128xi32, #tpu.memory_space<vmem>>, %arg10: memref<5120xf32, #tpu.memory_space<vmem>>, %arg11: memref<16xf32, #tpu.memory_space<vmem>>, %arg12: memref<10240xf32, #tpu.memory_space<vmem_shared>>) attributes {dimension_semantics = [#tpu.dimension_semantics<core_parallel>, #tpu.dimension_semantics<subcore_parallel>], iteration_bounds = array<i64: 2, 16>, scalar_prefetch = 0 : i64, scratch_operands = 5 : i64, tpu.core_type = #tpu.core_type<sc_vector_subcore>, window_params = [{transform_indices = #map}, {transform_indices = #map1}, {transform_indices = #map2}, {transform_indices = #map}, {transform_indices = #map}, {transform_indices = #map}]} {
    %mul3A = arith.constant 16 : i32
    %mul3A_0 = arith.muli %arg0, %mul3A : i32
    %add3A = arith.addi %mul3A_0, %arg1 : i32
    %broadcast_in_dim3A = arith.constant 0.000000e+00 : f32
    %broadcast_in_dim3A_1 = vector.broadcast %broadcast_in_dim3A : f32 to vector<16xf32>
    "tpu.region"() ({
      %run_scoped3A = tpu.sem_alloc : memref<!tpu.dma_semaphore, #tpu.memory_space<semaphore_mem>>
      tpu.enqueue_dma source(%arg2 : memref<16xf32, #tpu.memory_space<hbm>>) target(%arg11 : memref<16xf32, #tpu.memory_space<vmem>>) target_semaphore(%run_scoped3A : memref<!tpu.dma_semaphore, #tpu.memory_space<semaphore_mem>>)
      tpu.wait_dma2 semaphore(%run_scoped3A : memref<!tpu.dma_semaphore, #tpu.memory_space<semaphore_mem>>) src(%arg2 : memref<16xf32, #tpu.memory_space<hbm>>) dst(%arg11 : memref<16xf32, #tpu.memory_space<vmem>>)
      tpu.yield
    }) : () -> ()
    %get3A = arith.constant 0 : index
    %get3A_2 = tpu.vector_load %arg11[%get3A] {strides = array<i32>} : memref<16xf32, #tpu.memory_space<vmem>>, vector<16xf32>,
    %get3A_3 = vector.shape_cast %get3A_2 : vector<16xf32> to vector<16xf32>
    %neg3A = arith.constant 0.000000e+00 : f32
    %neg3A_4 = vector.broadcast %neg3A : f32 to vector<16xf32>
    %neg3A_5 = arith.subf %neg3A_4, %get3A_3 : vector<16xf32>
    %exp3A = math.exp %neg3A_5 : vector<16xf32>
    %add3A_6 = arith.constant 1.000000e+00 : f32
    %add3A_7 = vector.broadcast %add3A_6 : f32 to vector<16xf32>
    %add3A_8 = arith.addf %add3A_7, %exp3A : vector<16xf32>
    %div3A = arith.constant 1.000000e+00 : f32
    %div3A_9 = vector.broadcast %div3A : f32 to vector<16xf32>
    %div3A_10 = arith.divf %div3A_9, %add3A_8 : vector<16xf32>
    %swap3A = arith.constant 0 : index
    %swap3A_11 = tpu.vector_load %arg11[%swap3A] {strides = array<i32>} : memref<16xf32, #tpu.memory_space<vmem>>, vector<16xf32>,
    %swap3A_12 = vector.shape_cast %swap3A_11 : vector<16xf32> to vector<16xf32>
    %swap3A_13 = vector.shape_cast %div3A_10 : vector<16xf32> to vector<16xf32>
    tpu.vector_store %arg11[%swap3A], %swap3A_13 {strides = array<i32>} : memref<16xf32, #tpu.memory_space<vmem>>, vector<16xf32>,
    %eq3A = arith.constant 0 : i32
    %eq3A_14 = arith.cmpi eq, %add3A, %eq3A : i32
    %convert_element_type3A = arith.extui %eq3A_14 : i1 to i32
    %cond3A = arith.constant 0 : i32
    %cond3A_15 = arith.cmpi ne, %convert_element_type3A, %cond3A : i32
    scf.if %cond3A_15 {
      "tpu.region"() ({
        %run_scoped3A = tpu.sem_alloc : memref<!tpu.dma_semaphore, #tpu.memory_space<semaphore_mem>>
        tpu.enqueue_dma source(%arg11 : memref<16xf32, #tpu.memory_space<vmem>>) target(%arg7 : memref<16xf32, #tpu.memory_space<hbm>>) target_semaphore(%run_scoped3A : memref<!tpu.dma_semaphore, #tpu.memory_space<semaphore_mem>>)
        tpu.wait_dma2 semaphore(%run_scoped3A : memref<!tpu.dma_semaphore, #tpu.memory_space<semaphore_mem>>) src(%arg11 : memref<16xf32, #tpu.memory_space<vmem>>) dst(%arg7 : memref<16xf32, #tpu.memory_space<hbm>>)
        tpu.yield
      }) : () -> ()
    } else {
    }
    %scan3A = arith.constant 0 : i32
    %scan3A_16 = arith.constant 0 : i32
    %scan3A_17 = arith.constant 40 : i32
    %scan3A_18 = arith.addi %scan3A_16, %scan3A_17 : i32
    %scan3A_19 = arith.constant 1 : i32
    scf.for %scan3A_48 = %scan3A_16 to %scan3A_18 step %scan3A_19  : i32 {
      %mul3A_49 = arith.constant 16 : i32
      %mul3A_50 = arith.muli %scan3A_48, %mul3A_49 : i32
      %swap3A_51 = arith.index_cast %mul3A_50 : i32 to index
      %swap3A_52 = tpu.vector_load %arg10[%swap3A_51] {strides = array<i32>} : memref<5120xf32, #tpu.memory_space<vmem>>, vector<16xf32>,
      %swap3A_53 = vector.shape_cast %swap3A_52 : vector<16xf32> to vector<16xf32>
      %swap3A_54 = vector.shape_cast %broadcast_in_dim3A_1 : vector<16xf32> to vector<16xf32>
      tpu.vector_store %arg10[%swap3A_51], %swap3A_54 {strides = array<i32>} : memref<5120xf32, #tpu.memory_space<vmem>>, vector<16xf32>,
    }
    %scan3A_20 = arith.constant 40 : i32
    %mul3A_21 = arith.constant 640 : i32
    %mul3A_22 = arith.muli %arg1, %mul3A_21 : i32
    "tpu.region"() ({
      %run_scoped3A = tpu.sem_alloc : memref<!tpu.dma_semaphore, #tpu.memory_space<semaphore_mem>>
      %dma_start3A = arith.constant 0 : i32
      %dma_start3A_48 = tpu.memref_slice %arg10[%dma_start3A] : memref<5120xf32, #tpu.memory_space<vmem>> -> memref<640xf32, #tpu.memory_space<vmem>>
      %dma_start3A_49 = tpu.memref_slice %arg12[%mul3A_22] : memref<10240xf32, #tpu.memory_space<vmem_shared>> -> memref<640xf32, #tpu.memory_space<vmem_shared>>
      %dma_start3A_50 = tpu.memref_slice %arg12[%mul3A_22] : memref<10240xf32, #tpu.memory_space<vmem_shared>> -> memref<640xf32, #tpu.memory_space<vmem_shared>>
      %dma_start3A_51 = arith.constant 0 : i32
      %dma_start3A_52 = tpu.memref_slice %arg10[%dma_start3A_51] : memref<5120xf32, #tpu.memory_space<vmem>> -> memref<640xf32, #tpu.memory_space<vmem>>
      tpu.enqueue_dma source(%dma_start3A_52 : memref<640xf32, #tpu.memory_space<vmem>>) target(%dma_start3A_50 : memref<640xf32, #tpu.memory_space<vmem_shared>>) target_semaphore(%run_scoped3A : memref<!tpu.dma_semaphore, #tpu.memory_space<semaphore_mem>>)
      %dma_wait3A = arith.constant 0 : i32
      %dma_wait3A_53 = tpu.memref_slice %arg10[%dma_wait3A] : memref<5120xf32, #tpu.memory_space<vmem>> -> memref<640xf32, #tpu.memory_space<vmem>>
      %dma_wait3A_54 = tpu.memref_slice %arg12[%mul3A_22] : memref<10240xf32, #tpu.memory_space<vmem_shared>> -> memref<640xf32, #tpu.memory_space<vmem_shared>>
      %dma_wait3A_55 = tpu.memref_slice %arg12[%mul3A_22] : memref<10240xf32, #tpu.memory_space<vmem_shared>> -> memref<640xf32, #tpu.memory_space<vmem_shared>>
      %dma_wait3A_56 = arith.constant 0 : i32
      %dma_wait3A_57 = tpu.memref_slice %arg10[%dma_wait3A_56] : memref<5120xf32, #tpu.memory_space<vmem>> -> memref<640xf32, #tpu.memory_space<vmem>>
      tpu.wait_dma2 semaphore(%run_scoped3A : memref<!tpu.dma_semaphore, #tpu.memory_space<semaphore_mem>>) src(%dma_wait3A_57 : memref<640xf32, #tpu.memory_space<vmem>>) dst(%dma_wait3A_55 : memref<640xf32, #tpu.memory_space<vmem_shared>>)
      tpu.yield
    }) : () -> ()
    "tpu.region"() ({
      %run_scoped3A = tpu.sem_alloc : memref<!tpu.dma_semaphore, #tpu.memory_space<semaphore_mem>>
      %dma_start3A = arith.constant 0 : i32
      %dma_start3A_48 = tpu.memref_slice %arg4[%add3A, %dma_start3A] : memref<32x5120xi32, #tpu.memory_space<hbm>> -> memref<1x5120xi32, #tpu.memory_space<hbm>>
      %dma_start3A_49 = tpu.memref_squeeze %dma_start3A_48 : memref<1x5120xi32, #tpu.memory_space<hbm>> -> memref<5120xi32, #tpu.memory_space<hbm>>
      %dma_start3A_50 = arith.constant 0 : i32
      %dma_start3A_51 = tpu.memref_slice %arg4[%add3A, %dma_start3A_50] : memref<32x5120xi32, #tpu.memory_space<hbm>> -> memref<1x5120xi32, #tpu.memory_space<hbm>>
      %dma_start3A_52 = tpu.memref_squeeze %dma_start3A_51 : memref<1x5120xi32, #tpu.memory_space<hbm>> -> memref<5120xi32, #tpu.memory_space<hbm>>
      tpu.enqueue_dma source(%dma_start3A_52 : memref<5120xi32, #tpu.memory_space<hbm>>) target(%arg8 : memref<5120xi32, #tpu.memory_space<vmem>>) target_semaphore(%run_scoped3A : memref<!tpu.dma_semaphore, #tpu.memory_space<semaphore_mem>>)
      %dma_wait3A = arith.constant 0 : i32
      %dma_wait3A_53 = tpu.memref_slice %arg4[%add3A, %dma_wait3A] : memref<32x5120xi32, #tpu.memory_space<hbm>> -> memref<1x5120xi32, #tpu.memory_space<hbm>>
      %dma_wait3A_54 = tpu.memref_squeeze %dma_wait3A_53 : memref<1x5120xi32, #tpu.memory_space<hbm>> -> memref<5120xi32, #tpu.memory_space<hbm>>
      %dma_wait3A_55 = arith.constant 0 : i32
      %dma_wait3A_56 = tpu.memref_slice %arg4[%add3A, %dma_wait3A_55] : memref<32x5120xi32, #tpu.memory_space<hbm>> -> memref<1x5120xi32, #tpu.memory_space<hbm>>
      %dma_wait3A_57 = tpu.memref_squeeze %dma_wait3A_56 : memref<1x5120xi32, #tpu.memory_space<hbm>> -> memref<5120xi32, #tpu.memory_space<hbm>>
      tpu.wait_dma2 semaphore(%run_scoped3A : memref<!tpu.dma_semaphore, #tpu.memory_space<semaphore_mem>>) src(%dma_wait3A_57 : memref<5120xi32, #tpu.memory_space<hbm>>) dst(%arg8 : memref<5120xi32, #tpu.memory_space<vmem>>)
      tpu.yield
    }) : () -> ()
    "tpu.region"() ({
      %run_scoped3A = tpu.sem_alloc : memref<!tpu.dma_semaphore, #tpu.memory_space<semaphore_mem>>
      %dma_start3A = arith.constant 0 : i32
      %dma_start3A_48 = arith.constant 0 : i32
      %dma_start3A_49 = tpu.memref_slice %arg3[%add3A, %dma_start3A, %dma_start3A_48] : memref<32x40x128xi32, #tpu.memory_space<hbm>> -> memref<1x40x128xi32, #tpu.memory_space<hbm>>
      %dma_start3A_50 = tpu.memref_squeeze %dma_start3A_49 : memref<1x40x128xi32, #tpu.memory_space<hbm>> -> memref<40x128xi32, #tpu.memory_space<hbm>>
      %dma_start3A_51 = arith.constant 0 : i32
      %dma_start3A_52 = arith.constant 0 : i32
      %dma_start3A_53 = tpu.memref_slice %arg3[%add3A, %dma_start3A_51, %dma_start3A_52] : memref<32x40x128xi32, #tpu.memory_space<hbm>> -> memref<1x40x128xi32, #tpu.memory_space<hbm>>
      %dma_start3A_54 = tpu.memref_squeeze %dma_start3A_53 : memref<1x40x128xi32, #tpu.memory_space<hbm>> -> memref<40x128xi32, #tpu.memory_space<hbm>>
      tpu.enqueue_dma source(%dma_start3A_54 : memref<40x128xi32, #tpu.memory_space<hbm>>) target(%arg9 : memref<40x128xi32, #tpu.memory_space<vmem>>) target_semaphore(%run_scoped3A : memref<!tpu.dma_semaphore, #tpu.memory_space<semaphore_mem>>)
      %dma_wait3A = arith.constant 0 : i32
      %dma_wait3A_55 = arith.constant 0 : i32
      %dma_wait3A_56 = tpu.memref_slice %arg3[%add3A, %dma_wait3A, %dma_wait3A_55] : memref<32x40x128xi32, #tpu.memory_space<hbm>> -> memref<1x40x128xi32, #tpu.memory_space<hbm>>
      %dma_wait3A_57 = tpu.memref_squeeze %dma_wait3A_56 : memref<1x40x128xi32, #tpu.memory_space<hbm>> -> memref<40x128xi32, #tpu.memory_space<hbm>>
      %dma_wait3A_58 = arith.constant 0 : i32
      %dma_wait3A_59 = arith.constant 0 : i32
      %dma_wait3A_60 = tpu.memref_slice %arg3[%add3A, %dma_wait3A_58, %dma_wait3A_59] : memref<32x40x128xi32, #tpu.memory_space<hbm>> -> memref<1x40x128xi32, #tpu.memory_space<hbm>>
      %dma_wait3A_61 = tpu.memref_squeeze %dma_wait3A_60 : memref<1x40x128xi32, #tpu.memory_space<hbm>> -> memref<40x128xi32, #tpu.memory_space<hbm>>
      tpu.wait_dma2 semaphore(%run_scoped3A : memref<!tpu.dma_semaphore, #tpu.memory_space<semaphore_mem>>) src(%dma_wait3A_61 : memref<40x128xi32, #tpu.memory_space<hbm>>) dst(%arg9 : memref<40x128xi32, #tpu.memory_space<vmem>>)
      tpu.yield
    }) : () -> ()
    %barrier3A = arith.constant 0 : index
    tpu.barrier barrier_id(%barrier3A)
    %scan3A_23 = arith.constant 0 : i32
    %scan3A_24 = arith.constant 0 : i32
    %scan3A_25 = arith.constant 320 : i32
    %scan3A_26 = arith.addi %scan3A_24, %scan3A_25 : i32
    %scan3A_27 = arith.constant 1 : i32
    scf.for %scan3A_48 = %scan3A_24 to %scan3A_26 step %scan3A_27  : i32 {
      %mul3A_49 = arith.constant 16 : i32
      %mul3A_50 = arith.muli %scan3A_48, %mul3A_49 : i32
      %get3A_51 = arith.index_cast %mul3A_50 : i32 to index
      %get3A_52 = tpu.vector_load %arg8[%get3A_51] {strides = array<i32>} : memref<5120xi32, #tpu.memory_space<vmem>>, vector<16xi32>,
      %get3A_53 = vector.shape_cast %get3A_52 : vector<16xi32> to vector<16xi32>
      %lt3A = arith.constant 0 : i32
      %lt3A_54 = vector.broadcast %lt3A : i32 to vector<16xi32>
      %lt3A_55 = arith.cmpi slt, %get3A_53, %lt3A_54 : vector<16xi32>
      %add3A_56 = arith.constant 16 : i32
      %add3A_57 = vector.broadcast %add3A_56 : i32 to vector<16xi32>
      %add3A_58 = arith.addi %get3A_53, %add3A_57 : vector<16xi32>
      %select_n3A = arith.select %lt3A_55, %add3A_58, %get3A_53 : vector<16xi1>, vector<16xi32>
      %broadcast_in_dim3A_59 = vector.shape_cast %select_n3A : vector<16xi32> to vector<16x1xi32>
      %gather3A = vector.shape_cast %broadcast_in_dim3A_59 : vector<16x1xi32> to vector<16xi32>
      %gather3A_60 = tpu.dynamic_gather %div3A_10[%gather3A] in [0] : vector<16xf32>, vector<16xi32> -> vector<16xf32>
      %mul3A_61 = arith.constant 16 : i32
      %mul3A_62 = arith.muli %scan3A_48, %mul3A_61 : i32
      %swap3A_63 = arith.index_cast %mul3A_62 : i32 to index
      %swap3A_64 = tpu.vector_load %arg10[%swap3A_63] {strides = array<i32>} : memref<5120xf32, #tpu.memory_space<vmem>>, vector<16xf32>,
      %swap3A_65 = vector.shape_cast %swap3A_64 : vector<16xf32> to vector<16xf32>
      %swap3A_66 = vector.shape_cast %gather3A_60 : vector<16xf32> to vector<16xf32>
      tpu.vector_store %arg10[%swap3A_63], %swap3A_66 {strides = array<i32>} : memref<5120xf32, #tpu.memory_space<vmem>>, vector<16xf32>,
    }
    %scan3A_28 = arith.constant 320 : i32
    %scan3A_29 = arith.constant 0 : i32
    %scan3A_30 = arith.constant 0 : i32
    %scan3A_31 = arith.constant 40 : i32
    %scan3A_32 = arith.addi %scan3A_30, %scan3A_31 : i32
    %scan3A_33 = arith.constant 1 : i32
    scf.for %scan3A_48 = %scan3A_30 to %scan3A_32 step %scan3A_33  : i32 {
      %mul3A_49 = arith.constant 128 : i32
      %mul3A_50 = arith.muli %scan3A_48, %mul3A_49 : i32
      "tpu.region"() ({
        %run_scoped3A = tpu.sem_alloc : memref<!tpu.dma_semaphore, #tpu.memory_space<semaphore_mem>>
        %dma_start3A = tpu.memref_slice %arg10[%mul3A_50] : memref<5120xf32, #tpu.memory_space<vmem>> -> memref<128xf32, #tpu.memory_space<vmem>>
        %dma_start3A_51 = arith.constant 0 : i32
        %dma_start3A_52 = tpu.memref_slice %arg9[%scan3A_48, %dma_start3A_51] : memref<40x128xi32, #tpu.memory_space<vmem>> -> memref<1x128xi32, #tpu.memory_space<vmem>>
        %dma_start3A_53 = tpu.memref_squeeze %dma_start3A_52 : memref<1x128xi32, #tpu.memory_space<vmem>> -> memref<128xi32, #tpu.memory_space<vmem>>
        %dma_start3A_54 = arith.constant 0 : i32
        %dma_start3A_55 = tpu.memref_slice %arg12[%dma_start3A_54] : memref<10240xf32, #tpu.memory_space<vmem_shared>> -> memref<10240xf32, #tpu.memory_space<vmem_shared>>
        tpu.enqueue_indirect_dma source(%dma_start3A : memref<128xf32, #tpu.memory_space<vmem>>) target(%dma_start3A_55 : memref<10240xf32, #tpu.memory_space<vmem_shared>>) offsets(%dma_start3A_53 : memref<128xi32, #tpu.memory_space<vmem>>) semaphore(%run_scoped3A : memref<!tpu.dma_semaphore, #tpu.memory_space<semaphore_mem>>) {add = true}
        %dma_wait3A = tpu.memref_slice %arg10[%mul3A_50] : memref<5120xf32, #tpu.memory_space<vmem>> -> memref<128xf32, #tpu.memory_space<vmem>>
        %dma_wait3A_56 = arith.constant 0 : i32
        %dma_wait3A_57 = tpu.memref_slice %arg9[%scan3A_48, %dma_wait3A_56] : memref<40x128xi32, #tpu.memory_space<vmem>> -> memref<1x128xi32, #tpu.memory_space<vmem>>
        %dma_wait3A_58 = tpu.memref_squeeze %dma_wait3A_57 : memref<1x128xi32, #tpu.memory_space<vmem>> -> memref<128xi32, #tpu.memory_space<vmem>>
        %dma_wait3A_59 = arith.constant 0 : i32
        %dma_wait3A_60 = tpu.memref_slice %arg12[%dma_wait3A_59] : memref<10240xf32, #tpu.memory_space<vmem_shared>> -> memref<10240xf32, #tpu.memory_space<vmem_shared>>
        tpu.wait_indirect_dma semaphore(%run_scoped3A : memref<!tpu.dma_semaphore, #tpu.memory_space<semaphore_mem>>) src(%dma_wait3A : memref<128xf32, #tpu.memory_space<vmem>>) dst(%dma_wait3A_60 : memref<10240xf32, #tpu.memory_space<vmem_shared>>)
        tpu.yield
      }) : () -> ()
    }
    %scan3A_34 = arith.constant 40 : i32
    %barrier3A_35 = arith.constant 0 : index
    tpu.barrier barrier_id(%barrier3A_35)
    %mul3A_36 = arith.constant 640 : i32
    %mul3A_37 = arith.muli %arg1, %mul3A_36 : i32
    %eq3A_38 = arith.constant 0 : i32
    %eq3A_39 = arith.cmpi eq, %arg0, %eq3A_38 : i32
    %convert_element_type3A_40 = arith.extui %eq3A_39 : i1 to i32
    %cond3A_41 = arith.constant 0 : i32
    %cond3A_42 = arith.cmpi ne, %convert_element_type3A_40, %cond3A_41 : i32
    scf.if %cond3A_42 {
      "tpu.region"() ({
        %run_scoped3A = tpu.sem_alloc : memref<!tpu.dma_semaphore, #tpu.memory_space<semaphore_mem>>
        %dma_start3A = tpu.memref_slice %arg5[%mul3A_37] : memref<10240xf32, #tpu.memory_space<hbm>> -> memref<640xf32, #tpu.memory_space<hbm>>
        %dma_start3A_48 = tpu.memref_slice %arg12[%mul3A_37] : memref<10240xf32, #tpu.memory_space<vmem_shared>> -> memref<640xf32, #tpu.memory_space<vmem_shared>>
        tpu.enqueue_dma source(%dma_start3A_48 : memref<640xf32, #tpu.memory_space<vmem_shared>>) target(%dma_start3A : memref<640xf32, #tpu.memory_space<hbm>>) target_semaphore(%run_scoped3A : memref<!tpu.dma_semaphore, #tpu.memory_space<semaphore_mem>>)
        %dma_wait3A = tpu.memref_slice %arg5[%mul3A_37] : memref<10240xf32, #tpu.memory_space<hbm>> -> memref<640xf32, #tpu.memory_space<hbm>>
        %dma_wait3A_49 = tpu.memref_slice %arg12[%mul3A_37] : memref<10240xf32, #tpu.memory_space<vmem_shared>> -> memref<640xf32, #tpu.memory_space<vmem_shared>>
        tpu.wait_dma2 semaphore(%run_scoped3A : memref<!tpu.dma_semaphore, #tpu.memory_space<semaphore_mem>>) src(%dma_wait3A_49 : memref<640xf32, #tpu.memory_space<vmem_shared>>) dst(%dma_wait3A : memref<640xf32, #tpu.memory_space<hbm>>)
        tpu.yield
      }) : () -> ()
    } else {
    }
    %eq3A_43 = arith.constant 1 : i32
    %eq3A_44 = arith.cmpi eq, %arg0, %eq3A_43 : i32
    %convert_element_type3A_45 = arith.extui %eq3A_44 : i1 to i32
    %cond3A_46 = arith.constant 0 : i32
    %cond3A_47 = arith.cmpi ne, %convert_element_type3A_45, %cond3A_46 : i32
    scf.if %cond3A_47 {
      "tpu.region"() ({
        %run_scoped3A = tpu.sem_alloc : memref<!tpu.dma_semaphore, #tpu.memory_space<semaphore_mem>>
        %dma_start3A = tpu.memref_slice %arg6[%mul3A_37] : memref<10240xf32, #tpu.memory_space<hbm>> -> memref<640xf32, #tpu.memory_space<hbm>>
        %dma_start3A_48 = tpu.memref_slice %arg12[%mul3A_37] : memref<10240xf32, #tpu.memory_space<vmem_shared>> -> memref<640xf32, #tpu.memory_space<vmem_shared>>
        tpu.enqueue_dma source(%dma_start3A_48 : memref<640xf32, #tpu.memory_space<vmem_shared>>) target(%dma_start3A : memref<640xf32, #tpu.memory_space<hbm>>) target_semaphore(%run_scoped3A : memref<!tpu.dma_semaphore, #tpu.memory_space<semaphore_mem>>)
        %dma_wait3A = tpu.memref_slice %arg6[%mul3A_37] : memref<10240xf32, #tpu.memory_space<hbm>> -> memref<640xf32, #tpu.memory_space<hbm>>
        %dma_wait3A_49 = tpu.memref_slice %arg12[%mul3A_37] : memref<10240xf32, #tpu.memory_space<vmem_shared>> -> memref<640xf32, #tpu.memory_space<vmem_shared>>
        tpu.wait_dma2 semaphore(%run_scoped3A : memref<!tpu.dma_semaphore, #tpu.memory_space<semaphore_mem>>) src(%dma_wait3A_49 : memref<640xf32, #tpu.memory_space<vmem_shared>>) dst(%dma_wait3A : memref<640xf32, #tpu.memory_space<hbm>>)
        tpu.yield
      }) : () -> ()
    } else {
    }
    return
  }
}

#map = affine_map<(d0, d1) -> (0, 0)>
#map1 = affine_map<(d0, d1) -> (0, 0, 0)>
module attributes {stable_mosaic.version = 14 : i64} {
  func.func @_mp(%arg0: i32, %arg1: i32, %arg2: memref<81920x128xf32, #tpu.memory_space<hbm>>, %arg3: memref<81920x128xf32, #tpu.memory_space<hbm>>, %arg4: memref<16x80x128xi32, #tpu.memory_space<hbm>>, %arg5: memref<16x80x128xi32, #tpu.memory_space<hbm>>, %arg6: memref<10240x128xf32, #tpu.memory_space<hbm>>, %arg7: memref<10240x128xf32, #tpu.memory_space<hbm>>, %arg8: memref<2x128xi32, #tpu.memory_space<vmem>>, %arg9: memref<2x128xi32, #tpu.memory_space<vmem>>, %arg10: memref<128x128xf32, #tpu.memory_space<vmem>>, %arg11: memref<128x128xf32, #tpu.memory_space<vmem>>, %arg12: memref<10240x128xf32, #tpu.memory_space<vmem_shared>>, %arg13: memref<!tpu.dma_semaphore, #tpu.memory_space<semaphore_mem>>, %arg14: memref<!tpu.dma_semaphore, #tpu.memory_space<semaphore_mem>>, %arg15: memref<!tpu.dma_semaphore, #tpu.memory_space<semaphore_mem>>, %arg16: memref<!tpu.dma_semaphore, #tpu.memory_space<semaphore_mem>>, %arg17: memref<!tpu.dma_semaphore, #tpu.memory_space<semaphore_mem>>, %arg18: memref<!tpu.dma_semaphore, #tpu.memory_space<semaphore_mem>>, %arg19: memref<!tpu.dma_semaphore, #tpu.memory_space<semaphore_mem>>, %arg20: memref<!tpu.dma_semaphore, #tpu.memory_space<semaphore_mem>>) attributes {dimension_semantics = [#tpu.dimension_semantics<core_parallel>, #tpu.dimension_semantics<subcore_parallel>], iteration_bounds = array<i64: 2, 16>, scalar_prefetch = 0 : i64, scratch_operands = 13 : i64, tpu.core_type = #tpu.core_type<sc_vector_subcore>, window_params = [{transform_indices = #map}, {transform_indices = #map}, {transform_indices = #map1}, {transform_indices = #map1}, {transform_indices = #map}, {transform_indices = #map}]} {
    %broadcast_in_dim3A = arith.constant 0.000000e+00 : f32
    %broadcast_in_dim3A_0 = vector.broadcast %broadcast_in_dim3A : f32 to vector<16xf32>
    %eq3A = arith.constant 0 : i32
    %eq3A_1 = arith.cmpi eq, %arg0, %eq3A : i32
    %convert_element_type3A = arith.extui %eq3A_1 : i1 to i32
    %cond3A = arith.constant 0 : i32
    %cond3A_2 = arith.cmpi ne, %convert_element_type3A, %cond3A : i32
    scf.if %cond3A_2 {
      %scan3A = arith.constant 0 : i32
      %scan3A_8 = arith.constant 0 : i32
      %scan3A_9 = arith.constant 128 : i32
      %scan3A_10 = arith.addi %scan3A_8, %scan3A_9 : i32
      %scan3A_11 = arith.constant 1 : i32
      scf.for %scan3A_206 = %scan3A_8 to %scan3A_10 step %scan3A_11  : i32 {
        %swap3A = arith.index_cast %scan3A_206 : i32 to index
        %swap3A_207 = arith.constant 0 : index
        %swap3A_208 = tpu.vector_load %arg10[%swap3A, %swap3A_207] {strides = array<i32>} : memref<128x128xf32, #tpu.memory_space<vmem>>, vector<1x16xf32>,
        %swap3A_209 = vector.shape_cast %swap3A_208 : vector<1x16xf32> to vector<16xf32>
        %swap3A_210 = vector.shape_cast %broadcast_in_dim3A_0 : vector<16xf32> to vector<1x16xf32>
        tpu.vector_store %arg10[%swap3A, %swap3A_207], %swap3A_210 {strides = array<i32>} : memref<128x128xf32, #tpu.memory_space<vmem>>, vector<1x16xf32>,
        %swap3A_211 = arith.index_cast %scan3A_206 : i32 to index
        %swap3A_212 = arith.constant 16 : index
        %swap3A_213 = tpu.vector_load %arg10[%swap3A_211, %swap3A_212] {strides = array<i32>} : memref<128x128xf32, #tpu.memory_space<vmem>>, vector<1x16xf32>,
        %swap3A_214 = vector.shape_cast %swap3A_213 : vector<1x16xf32> to vector<16xf32>
        %swap3A_215 = vector.shape_cast %broadcast_in_dim3A_0 : vector<16xf32> to vector<1x16xf32>
        tpu.vector_store %arg10[%swap3A_211, %swap3A_212], %swap3A_215 {strides = array<i32>} : memref<128x128xf32, #tpu.memory_space<vmem>>, vector<1x16xf32>,
        %swap3A_216 = arith.index_cast %scan3A_206 : i32 to index
        %swap3A_217 = arith.constant 32 : index
        %swap3A_218 = tpu.vector_load %arg10[%swap3A_216, %swap3A_217] {strides = array<i32>} : memref<128x128xf32, #tpu.memory_space<vmem>>, vector<1x16xf32>,
        %swap3A_219 = vector.shape_cast %swap3A_218 : vector<1x16xf32> to vector<16xf32>
        %swap3A_220 = vector.shape_cast %broadcast_in_dim3A_0 : vector<16xf32> to vector<1x16xf32>
        tpu.vector_store %arg10[%swap3A_216, %swap3A_217], %swap3A_220 {strides = array<i32>} : memref<128x128xf32, #tpu.memory_space<vmem>>, vector<1x16xf32>,
        %swap3A_221 = arith.index_cast %scan3A_206 : i32 to index
        %swap3A_222 = arith.constant 48 : index
        %swap3A_223 = tpu.vector_load %arg10[%swap3A_221, %swap3A_222] {strides = array<i32>} : memref<128x128xf32, #tpu.memory_space<vmem>>, vector<1x16xf32>,
        %swap3A_224 = vector.shape_cast %swap3A_223 : vector<1x16xf32> to vector<16xf32>
        %swap3A_225 = vector.shape_cast %broadcast_in_dim3A_0 : vector<16xf32> to vector<1x16xf32>
        tpu.vector_store %arg10[%swap3A_221, %swap3A_222], %swap3A_225 {strides = array<i32>} : memref<128x128xf32, #tpu.memory_space<vmem>>, vector<1x16xf32>,
        %swap3A_226 = arith.index_cast %scan3A_206 : i32 to index
        %swap3A_227 = arith.constant 64 : index
        %swap3A_228 = tpu.vector_load %arg10[%swap3A_226, %swap3A_227] {strides = array<i32>} : memref<128x128xf32, #tpu.memory_space<vmem>>, vector<1x16xf32>,
        %swap3A_229 = vector.shape_cast %swap3A_228 : vector<1x16xf32> to vector<16xf32>
        %swap3A_230 = vector.shape_cast %broadcast_in_dim3A_0 : vector<16xf32> to vector<1x16xf32>
        tpu.vector_store %arg10[%swap3A_226, %swap3A_227], %swap3A_230 {strides = array<i32>} : memref<128x128xf32, #tpu.memory_space<vmem>>, vector<1x16xf32>,
        %swap3A_231 = arith.index_cast %scan3A_206 : i32 to index
        %swap3A_232 = arith.constant 80 : index
        %swap3A_233 = tpu.vector_load %arg10[%swap3A_231, %swap3A_232] {strides = array<i32>} : memref<128x128xf32, #tpu.memory_space<vmem>>, vector<1x16xf32>,
        %swap3A_234 = vector.shape_cast %swap3A_233 : vector<1x16xf32> to vector<16xf32>
        %swap3A_235 = vector.shape_cast %broadcast_in_dim3A_0 : vector<16xf32> to vector<1x16xf32>
        tpu.vector_store %arg10[%swap3A_231, %swap3A_232], %swap3A_235 {strides = array<i32>} : memref<128x128xf32, #tpu.memory_space<vmem>>, vector<1x16xf32>,
        %swap3A_236 = arith.index_cast %scan3A_206 : i32 to index
        %swap3A_237 = arith.constant 96 : index
        %swap3A_238 = tpu.vector_load %arg10[%swap3A_236, %swap3A_237] {strides = array<i32>} : memref<128x128xf32, #tpu.memory_space<vmem>>, vector<1x16xf32>,
        %swap3A_239 = vector.shape_cast %swap3A_238 : vector<1x16xf32> to vector<16xf32>
        %swap3A_240 = vector.shape_cast %broadcast_in_dim3A_0 : vector<16xf32> to vector<1x16xf32>
        tpu.vector_store %arg10[%swap3A_236, %swap3A_237], %swap3A_240 {strides = array<i32>} : memref<128x128xf32, #tpu.memory_space<vmem>>, vector<1x16xf32>,
        %swap3A_241 = arith.index_cast %scan3A_206 : i32 to index
        %swap3A_242 = arith.constant 112 : index
        %swap3A_243 = tpu.vector_load %arg10[%swap3A_241, %swap3A_242] {strides = array<i32>} : memref<128x128xf32, #tpu.memory_space<vmem>>, vector<1x16xf32>,
        %swap3A_244 = vector.shape_cast %swap3A_243 : vector<1x16xf32> to vector<16xf32>
        %swap3A_245 = vector.shape_cast %broadcast_in_dim3A_0 : vector<16xf32> to vector<1x16xf32>
        tpu.vector_store %arg10[%swap3A_241, %swap3A_242], %swap3A_245 {strides = array<i32>} : memref<128x128xf32, #tpu.memory_space<vmem>>, vector<1x16xf32>,
      }
      %scan3A_12 = arith.constant 128 : i32
      %mul3A = arith.constant 640 : i32
      %mul3A_13 = arith.muli %arg1, %mul3A : i32
      %add3A = arith.constant 0 : i32
      %add3A_14 = arith.addi %mul3A_13, %add3A : i32
      "tpu.region"() ({
        %run_scoped3A = tpu.sem_alloc : memref<!tpu.dma_semaphore, #tpu.memory_space<semaphore_mem>>
        %dma_start3A_206 = arith.constant 0 : i32
        %dma_start3A_207 = tpu.memref_slice %arg12[%add3A_14, %dma_start3A_206] : memref<10240x128xf32, #tpu.memory_space<vmem_shared>> -> memref<128x128xf32, #tpu.memory_space<vmem_shared>>
        %dma_start3A_208 = arith.constant 0 : i32
        %dma_start3A_209 = tpu.memref_slice %arg12[%add3A_14, %dma_start3A_208] : memref<10240x128xf32, #tpu.memory_space<vmem_shared>> -> memref<128x128xf32, #tpu.memory_space<vmem_shared>>
        tpu.enqueue_dma source(%arg10 : memref<128x128xf32, #tpu.memory_space<vmem>>) target(%dma_start3A_209 : memref<128x128xf32, #tpu.memory_space<vmem_shared>>) target_semaphore(%run_scoped3A : memref<!tpu.dma_semaphore, #tpu.memory_space<semaphore_mem>>)
        %dma_wait3A_210 = arith.constant 0 : i32
        %dma_wait3A_211 = tpu.memref_slice %arg12[%add3A_14, %dma_wait3A_210] : memref<10240x128xf32, #tpu.memory_space<vmem_shared>> -> memref<128x128xf32, #tpu.memory_space<vmem_shared>>
        %dma_wait3A_212 = arith.constant 0 : i32
        %dma_wait3A_213 = tpu.memref_slice %arg12[%add3A_14, %dma_wait3A_212] : memref<10240x128xf32, #tpu.memory_space<vmem_shared>> -> memref<128x128xf32, #tpu.memory_space<vmem_shared>>
        tpu.wait_dma2 semaphore(%run_scoped3A : memref<!tpu.dma_semaphore, #tpu.memory_space<semaphore_mem>>) src(%arg10 : memref<128x128xf32, #tpu.memory_space<vmem>>) dst(%dma_wait3A_213 : memref<128x128xf32, #tpu.memory_space<vmem_shared>>)
        tpu.yield
      }) : () -> ()
      %mul3A_15 = arith.constant 640 : i32
      %mul3A_16 = arith.muli %arg1, %mul3A_15 : i32
      %add3A_17 = arith.constant 128 : i32
      %add3A_18 = arith.addi %mul3A_16, %add3A_17 : i32
      "tpu.region"() ({
        %run_scoped3A = tpu.sem_alloc : memref<!tpu.dma_semaphore, #tpu.memory_space<semaphore_mem>>
        %dma_start3A_206 = arith.constant 0 : i32
        %dma_start3A_207 = tpu.memref_slice %arg12[%add3A_18, %dma_start3A_206] : memref<10240x128xf32, #tpu.memory_space<vmem_shared>> -> memref<128x128xf32, #tpu.memory_space<vmem_shared>>
        %dma_start3A_208 = arith.constant 0 : i32
        %dma_start3A_209 = tpu.memref_slice %arg12[%add3A_18, %dma_start3A_208] : memref<10240x128xf32, #tpu.memory_space<vmem_shared>> -> memref<128x128xf32, #tpu.memory_space<vmem_shared>>
        tpu.enqueue_dma source(%arg10 : memref<128x128xf32, #tpu.memory_space<vmem>>) target(%dma_start3A_209 : memref<128x128xf32, #tpu.memory_space<vmem_shared>>) target_semaphore(%run_scoped3A : memref<!tpu.dma_semaphore, #tpu.memory_space<semaphore_mem>>)
        %dma_wait3A_210 = arith.constant 0 : i32
        %dma_wait3A_211 = tpu.memref_slice %arg12[%add3A_18, %dma_wait3A_210] : memref<10240x128xf32, #tpu.memory_space<vmem_shared>> -> memref<128x128xf32, #tpu.memory_space<vmem_shared>>
        %dma_wait3A_212 = arith.constant 0 : i32
        %dma_wait3A_213 = tpu.memref_slice %arg12[%add3A_18, %dma_wait3A_212] : memref<10240x128xf32, #tpu.memory_space<vmem_shared>> -> memref<128x128xf32, #tpu.memory_space<vmem_shared>>
        tpu.wait_dma2 semaphore(%run_scoped3A : memref<!tpu.dma_semaphore, #tpu.memory_space<semaphore_mem>>) src(%arg10 : memref<128x128xf32, #tpu.memory_space<vmem>>) dst(%dma_wait3A_213 : memref<128x128xf32, #tpu.memory_space<vmem_shared>>)
        tpu.yield
      }) : () -> ()
      %mul3A_19 = arith.constant 640 : i32
      %mul3A_20 = arith.muli %arg1, %mul3A_19 : i32
      %add3A_21 = arith.constant 256 : i32
      %add3A_22 = arith.addi %mul3A_20, %add3A_21 : i32
      "tpu.region"() ({
        %run_scoped3A = tpu.sem_alloc : memref<!tpu.dma_semaphore, #tpu.memory_space<semaphore_mem>>
        %dma_start3A_206 = arith.constant 0 : i32
        %dma_start3A_207 = tpu.memref_slice %arg12[%add3A_22, %dma_start3A_206] : memref<10240x128xf32, #tpu.memory_space<vmem_shared>> -> memref<128x128xf32, #tpu.memory_space<vmem_shared>>
        %dma_start3A_208 = arith.constant 0 : i32
        %dma_start3A_209 = tpu.memref_slice %arg12[%add3A_22, %dma_start3A_208] : memref<10240x128xf32, #tpu.memory_space<vmem_shared>> -> memref<128x128xf32, #tpu.memory_space<vmem_shared>>
        tpu.enqueue_dma source(%arg10 : memref<128x128xf32, #tpu.memory_space<vmem>>) target(%dma_start3A_209 : memref<128x128xf32, #tpu.memory_space<vmem_shared>>) target_semaphore(%run_scoped3A : memref<!tpu.dma_semaphore, #tpu.memory_space<semaphore_mem>>)
        %dma_wait3A_210 = arith.constant 0 : i32
        %dma_wait3A_211 = tpu.memref_slice %arg12[%add3A_22, %dma_wait3A_210] : memref<10240x128xf32, #tpu.memory_space<vmem_shared>> -> memref<128x128xf32, #tpu.memory_space<vmem_shared>>
        %dma_wait3A_212 = arith.constant 0 : i32
        %dma_wait3A_213 = tpu.memref_slice %arg12[%add3A_22, %dma_wait3A_212] : memref<10240x128xf32, #tpu.memory_space<vmem_shared>> -> memref<128x128xf32, #tpu.memory_space<vmem_shared>>
        tpu.wait_dma2 semaphore(%run_scoped3A : memref<!tpu.dma_semaphore, #tpu.memory_space<semaphore_mem>>) src(%arg10 : memref<128x128xf32, #tpu.memory_space<vmem>>) dst(%dma_wait3A_213 : memref<128x128xf32, #tpu.memory_space<vmem_shared>>)
        tpu.yield
      }) : () -> ()
      %mul3A_23 = arith.constant 640 : i32
      %mul3A_24 = arith.muli %arg1, %mul3A_23 : i32
      %add3A_25 = arith.constant 384 : i32
      %add3A_26 = arith.addi %mul3A_24, %add3A_25 : i32
      "tpu.region"() ({
        %run_scoped3A = tpu.sem_alloc : memref<!tpu.dma_semaphore, #tpu.memory_space<semaphore_mem>>
        %dma_start3A_206 = arith.constant 0 : i32
        %dma_start3A_207 = tpu.memref_slice %arg12[%add3A_26, %dma_start3A_206] : memref<10240x128xf32, #tpu.memory_space<vmem_shared>> -> memref<128x128xf32, #tpu.memory_space<vmem_shared>>
        %dma_start3A_208 = arith.constant 0 : i32
        %dma_start3A_209 = tpu.memref_slice %arg12[%add3A_26, %dma_start3A_208] : memref<10240x128xf32, #tpu.memory_space<vmem_shared>> -> memref<128x128xf32, #tpu.memory_space<vmem_shared>>
        tpu.enqueue_dma source(%arg10 : memref<128x128xf32, #tpu.memory_space<vmem>>) target(%dma_start3A_209 : memref<128x128xf32, #tpu.memory_space<vmem_shared>>) target_semaphore(%run_scoped3A : memref<!tpu.dma_semaphore, #tpu.memory_space<semaphore_mem>>)
        %dma_wait3A_210 = arith.constant 0 : i32
        %dma_wait3A_211 = tpu.memref_slice %arg12[%add3A_26, %dma_wait3A_210] : memref<10240x128xf32, #tpu.memory_space<vmem_shared>> -> memref<128x128xf32, #tpu.memory_space<vmem_shared>>
        %dma_wait3A_212 = arith.constant 0 : i32
        %dma_wait3A_213 = tpu.memref_slice %arg12[%add3A_26, %dma_wait3A_212] : memref<10240x128xf32, #tpu.memory_space<vmem_shared>> -> memref<128x128xf32, #tpu.memory_space<vmem_shared>>
        tpu.wait_dma2 semaphore(%run_scoped3A : memref<!tpu.dma_semaphore, #tpu.memory_space<semaphore_mem>>) src(%arg10 : memref<128x128xf32, #tpu.memory_space<vmem>>) dst(%dma_wait3A_213 : memref<128x128xf32, #tpu.memory_space<vmem_shared>>)
        tpu.yield
      }) : () -> ()
      %mul3A_27 = arith.constant 640 : i32
      %mul3A_28 = arith.muli %arg1, %mul3A_27 : i32
      %add3A_29 = arith.constant 512 : i32
      %add3A_30 = arith.addi %mul3A_28, %add3A_29 : i32
      "tpu.region"() ({
        %run_scoped3A = tpu.sem_alloc : memref<!tpu.dma_semaphore, #tpu.memory_space<semaphore_mem>>
        %dma_start3A_206 = arith.constant 0 : i32
        %dma_start3A_207 = tpu.memref_slice %arg12[%add3A_30, %dma_start3A_206] : memref<10240x128xf32, #tpu.memory_space<vmem_shared>> -> memref<128x128xf32, #tpu.memory_space<vmem_shared>>
        %dma_start3A_208 = arith.constant 0 : i32
        %dma_start3A_209 = tpu.memref_slice %arg12[%add3A_30, %dma_start3A_208] : memref<10240x128xf32, #tpu.memory_space<vmem_shared>> -> memref<128x128xf32, #tpu.memory_space<vmem_shared>>
        tpu.enqueue_dma source(%arg10 : memref<128x128xf32, #tpu.memory_space<vmem>>) target(%dma_start3A_209 : memref<128x128xf32, #tpu.memory_space<vmem_shared>>) target_semaphore(%run_scoped3A : memref<!tpu.dma_semaphore, #tpu.memory_space<semaphore_mem>>)
        %dma_wait3A_210 = arith.constant 0 : i32
        %dma_wait3A_211 = tpu.memref_slice %arg12[%add3A_30, %dma_wait3A_210] : memref<10240x128xf32, #tpu.memory_space<vmem_shared>> -> memref<128x128xf32, #tpu.memory_space<vmem_shared>>
        %dma_wait3A_212 = arith.constant 0 : i32
        %dma_wait3A_213 = tpu.memref_slice %arg12[%add3A_30, %dma_wait3A_212] : memref<10240x128xf32, #tpu.memory_space<vmem_shared>> -> memref<128x128xf32, #tpu.memory_space<vmem_shared>>
        tpu.wait_dma2 semaphore(%run_scoped3A : memref<!tpu.dma_semaphore, #tpu.memory_space<semaphore_mem>>) src(%arg10 : memref<128x128xf32, #tpu.memory_space<vmem>>) dst(%dma_wait3A_213 : memref<128x128xf32, #tpu.memory_space<vmem_shared>>)
        tpu.yield
      }) : () -> ()
      %barrier3A = arith.constant 0 : index
      tpu.barrier barrier_id(%barrier3A)
      %dma_start3A = arith.constant 0 : i32
      %dma_start3A_31 = arith.constant 0 : i32
      %dma_start3A_32 = arith.constant 0 : i32
      %dma_start3A_33 = tpu.memref_slice %arg8[%dma_start3A_31, %dma_start3A_32] : memref<2x128xi32, #tpu.memory_space<vmem>> -> memref<1x128xi32, #tpu.memory_space<vmem>>
      %dma_start3A_34 = tpu.memref_squeeze %dma_start3A_33 : memref<1x128xi32, #tpu.memory_space<vmem>> -> memref<128xi32, #tpu.memory_space<vmem>>
      %dma_start3A_35 = arith.constant 0 : i32
      %dma_start3A_36 = tpu.memref_slice %arg4[%arg1, %dma_start3A, %dma_start3A_35] : memref<16x80x128xi32, #tpu.memory_space<hbm>> -> memref<1x1x128xi32, #tpu.memory_space<hbm>>
      %dma_start3A_37 = tpu.memref_squeeze %dma_start3A_36 : memref<1x1x128xi32, #tpu.memory_space<hbm>> -> memref<128xi32, #tpu.memory_space<hbm>>
      %dma_start3A_38 = arith.constant 0 : i32
      %dma_start3A_39 = tpu.memref_slice %arg8[%dma_start3A_31, %dma_start3A_38] : memref<2x128xi32, #tpu.memory_space<vmem>> -> memref<1x128xi32, #tpu.memory_space<vmem>>
      %dma_start3A_40 = tpu.memref_squeeze %dma_start3A_39 : memref<1x128xi32, #tpu.memory_space<vmem>> -> memref<128xi32, #tpu.memory_space<vmem>>
      %dma_start3A_41 = arith.constant 0 : i32
      %dma_start3A_42 = tpu.memref_slice %arg4[%arg1, %dma_start3A, %dma_start3A_41] : memref<16x80x128xi32, #tpu.memory_space<hbm>> -> memref<1x1x128xi32, #tpu.memory_space<hbm>>
      %dma_start3A_43 = tpu.memref_squeeze %dma_start3A_42 : memref<1x1x128xi32, #tpu.memory_space<hbm>> -> memref<128xi32, #tpu.memory_space<hbm>>
      tpu.enqueue_dma source(%dma_start3A_43 : memref<128xi32, #tpu.memory_space<hbm>>) target(%dma_start3A_40 : memref<128xi32, #tpu.memory_space<vmem>>) target_semaphore(%arg17 : memref<!tpu.dma_semaphore, #tpu.memory_space<semaphore_mem>>)
      %dma_start3A_44 = arith.constant 0 : i32
      %dma_start3A_45 = arith.constant 0 : i32
      %dma_start3A_46 = arith.constant 0 : i32
      %dma_start3A_47 = tpu.memref_slice %arg9[%dma_start3A_45, %dma_start3A_46] : memref<2x128xi32, #tpu.memory_space<vmem>> -> memref<1x128xi32, #tpu.memory_space<vmem>>
      %dma_start3A_48 = tpu.memref_squeeze %dma_start3A_47 : memref<1x128xi32, #tpu.memory_space<vmem>> -> memref<128xi32, #tpu.memory_space<vmem>>
      %dma_start3A_49 = arith.constant 0 : i32
      %dma_start3A_50 = tpu.memref_slice %arg5[%arg1, %dma_start3A_44, %dma_start3A_49] : memref<16x80x128xi32, #tpu.memory_space<hbm>> -> memref<1x1x128xi32, #tpu.memory_space<hbm>>
      %dma_start3A_51 = tpu.memref_squeeze %dma_start3A_50 : memref<1x1x128xi32, #tpu.memory_space<hbm>> -> memref<128xi32, #tpu.memory_space<hbm>>
      %dma_start3A_52 = arith.constant 0 : i32
      %dma_start3A_53 = tpu.memref_slice %arg9[%dma_start3A_45, %dma_start3A_52] : memref<2x128xi32, #tpu.memory_space<vmem>> -> memref<1x128xi32, #tpu.memory_space<vmem>>
      %dma_start3A_54 = tpu.memref_squeeze %dma_start3A_53 : memref<1x128xi32, #tpu.memory_space<vmem>> -> memref<128xi32, #tpu.memory_space<vmem>>
      %dma_start3A_55 = arith.constant 0 : i32
      %dma_start3A_56 = tpu.memref_slice %arg5[%arg1, %dma_start3A_44, %dma_start3A_55] : memref<16x80x128xi32, #tpu.memory_space<hbm>> -> memref<1x1x128xi32, #tpu.memory_space<hbm>>
      %dma_start3A_57 = tpu.memref_squeeze %dma_start3A_56 : memref<1x1x128xi32, #tpu.memory_space<hbm>> -> memref<128xi32, #tpu.memory_space<hbm>>
      tpu.enqueue_dma source(%dma_start3A_57 : memref<128xi32, #tpu.memory_space<hbm>>) target(%dma_start3A_54 : memref<128xi32, #tpu.memory_space<vmem>>) target_semaphore(%arg19 : memref<!tpu.dma_semaphore, #tpu.memory_space<semaphore_mem>>)
      %dma_start3A_58 = arith.constant 1 : i32
      %dma_start3A_59 = arith.constant 1 : i32
      %dma_start3A_60 = arith.constant 0 : i32
      %dma_start3A_61 = tpu.memref_slice %arg8[%dma_start3A_59, %dma_start3A_60] : memref<2x128xi32, #tpu.memory_space<vmem>> -> memref<1x128xi32, #tpu.memory_space<vmem>>
      %dma_start3A_62 = tpu.memref_squeeze %dma_start3A_61 : memref<1x128xi32, #tpu.memory_space<vmem>> -> memref<128xi32, #tpu.memory_space<vmem>>
      %dma_start3A_63 = arith.constant 0 : i32
      %dma_start3A_64 = tpu.memref_slice %arg4[%arg1, %dma_start3A_58, %dma_start3A_63] : memref<16x80x128xi32, #tpu.memory_space<hbm>> -> memref<1x1x128xi32, #tpu.memory_space<hbm>>
      %dma_start3A_65 = tpu.memref_squeeze %dma_start3A_64 : memref<1x1x128xi32, #tpu.memory_space<hbm>> -> memref<128xi32, #tpu.memory_space<hbm>>
      %dma_start3A_66 = arith.constant 0 : i32
      %dma_start3A_67 = tpu.memref_slice %arg8[%dma_start3A_59, %dma_start3A_66] : memref<2x128xi32, #tpu.memory_space<vmem>> -> memref<1x128xi32, #tpu.memory_space<vmem>>
      %dma_start3A_68 = tpu.memref_squeeze %dma_start3A_67 : memref<1x128xi32, #tpu.memory_space<vmem>> -> memref<128xi32, #tpu.memory_space<vmem>>
      %dma_start3A_69 = arith.constant 0 : i32
      %dma_start3A_70 = tpu.memref_slice %arg4[%arg1, %dma_start3A_58, %dma_start3A_69] : memref<16x80x128xi32, #tpu.memory_space<hbm>> -> memref<1x1x128xi32, #tpu.memory_space<hbm>>
      %dma_start3A_71 = tpu.memref_squeeze %dma_start3A_70 : memref<1x1x128xi32, #tpu.memory_space<hbm>> -> memref<128xi32, #tpu.memory_space<hbm>>
      tpu.enqueue_dma source(%dma_start3A_71 : memref<128xi32, #tpu.memory_space<hbm>>) target(%dma_start3A_68 : memref<128xi32, #tpu.memory_space<vmem>>) target_semaphore(%arg18 : memref<!tpu.dma_semaphore, #tpu.memory_space<semaphore_mem>>)
      %dma_start3A_72 = arith.constant 1 : i32
      %dma_start3A_73 = arith.constant 1 : i32
      %dma_start3A_74 = arith.constant 0 : i32
      %dma_start3A_75 = tpu.memref_slice %arg9[%dma_start3A_73, %dma_start3A_74] : memref<2x128xi32, #tpu.memory_space<vmem>> -> memref<1x128xi32, #tpu.memory_space<vmem>>
      %dma_start3A_76 = tpu.memref_squeeze %dma_start3A_75 : memref<1x128xi32, #tpu.memory_space<vmem>> -> memref<128xi32, #tpu.memory_space<vmem>>
      %dma_start3A_77 = arith.constant 0 : i32
      %dma_start3A_78 = tpu.memref_slice %arg5[%arg1, %dma_start3A_72, %dma_start3A_77] : memref<16x80x128xi32, #tpu.memory_space<hbm>> -> memref<1x1x128xi32, #tpu.memory_space<hbm>>
      %dma_start3A_79 = tpu.memref_squeeze %dma_start3A_78 : memref<1x1x128xi32, #tpu.memory_space<hbm>> -> memref<128xi32, #tpu.memory_space<hbm>>
      %dma_start3A_80 = arith.constant 0 : i32
      %dma_start3A_81 = tpu.memref_slice %arg9[%dma_start3A_73, %dma_start3A_80] : memref<2x128xi32, #tpu.memory_space<vmem>> -> memref<1x128xi32, #tpu.memory_space<vmem>>
      %dma_start3A_82 = tpu.memref_squeeze %dma_start3A_81 : memref<1x128xi32, #tpu.memory_space<vmem>> -> memref<128xi32, #tpu.memory_space<vmem>>
      %dma_start3A_83 = arith.constant 0 : i32
      %dma_start3A_84 = tpu.memref_slice %arg5[%arg1, %dma_start3A_72, %dma_start3A_83] : memref<16x80x128xi32, #tpu.memory_space<hbm>> -> memref<1x1x128xi32, #tpu.memory_space<hbm>>
      %dma_start3A_85 = tpu.memref_squeeze %dma_start3A_84 : memref<1x1x128xi32, #tpu.memory_space<hbm>> -> memref<128xi32, #tpu.memory_space<hbm>>
      tpu.enqueue_dma source(%dma_start3A_85 : memref<128xi32, #tpu.memory_space<hbm>>) target(%dma_start3A_82 : memref<128xi32, #tpu.memory_space<vmem>>) target_semaphore(%arg20 : memref<!tpu.dma_semaphore, #tpu.memory_space<semaphore_mem>>)
      %dma_wait3A = arith.constant 0 : i32
      %dma_wait3A_86 = arith.constant 0 : i32
      %dma_wait3A_87 = arith.constant 0 : i32
      %dma_wait3A_88 = tpu.memref_slice %arg8[%dma_wait3A_86, %dma_wait3A_87] : memref<2x128xi32, #tpu.memory_space<vmem>> -> memref<1x128xi32, #tpu.memory_space<vmem>>
      %dma_wait3A_89 = tpu.memref_squeeze %dma_wait3A_88 : memref<1x128xi32, #tpu.memory_space<vmem>> -> memref<128xi32, #tpu.memory_space<vmem>>
      %dma_wait3A_90 = arith.constant 0 : i32
      %dma_wait3A_91 = tpu.memref_slice %arg4[%arg1, %dma_wait3A, %dma_wait3A_90] : memref<16x80x128xi32, #tpu.memory_space<hbm>> -> memref<1x1x128xi32, #tpu.memory_space<hbm>>
      %dma_wait3A_92 = tpu.memref_squeeze %dma_wait3A_91 : memref<1x1x128xi32, #tpu.memory_space<hbm>> -> memref<128xi32, #tpu.memory_space<hbm>>
      %dma_wait3A_93 = arith.constant 0 : i32
      %dma_wait3A_94 = tpu.memref_slice %arg8[%dma_wait3A_86, %dma_wait3A_93] : memref<2x128xi32, #tpu.memory_space<vmem>> -> memref<1x128xi32, #tpu.memory_space<vmem>>
      %dma_wait3A_95 = tpu.memref_squeeze %dma_wait3A_94 : memref<1x128xi32, #tpu.memory_space<vmem>> -> memref<128xi32, #tpu.memory_space<vmem>>
      %dma_wait3A_96 = arith.constant 0 : i32
      %dma_wait3A_97 = tpu.memref_slice %arg4[%arg1, %dma_wait3A, %dma_wait3A_96] : memref<16x80x128xi32, #tpu.memory_space<hbm>> -> memref<1x1x128xi32, #tpu.memory_space<hbm>>
      %dma_wait3A_98 = tpu.memref_squeeze %dma_wait3A_97 : memref<1x1x128xi32, #tpu.memory_space<hbm>> -> memref<128xi32, #tpu.memory_space<hbm>>
      tpu.wait_dma2 semaphore(%arg17 : memref<!tpu.dma_semaphore, #tpu.memory_space<semaphore_mem>>) src(%dma_wait3A_98 : memref<128xi32, #tpu.memory_space<hbm>>) dst(%dma_wait3A_95 : memref<128xi32, #tpu.memory_space<vmem>>)
      %dma_start3A_99 = arith.constant 0 : i32
      %dma_start3A_100 = arith.constant 0 : i32
      %dma_start3A_101 = tpu.memref_slice %arg8[%dma_start3A_99, %dma_start3A_100] : memref<2x128xi32, #tpu.memory_space<vmem>> -> memref<1x128xi32, #tpu.memory_space<vmem>>
      %dma_start3A_102 = tpu.memref_squeeze %dma_start3A_101 : memref<1x128xi32, #tpu.memory_space<vmem>> -> memref<128xi32, #tpu.memory_space<vmem>>
      %dma_start3A_103 = arith.constant 0 : i32
      %dma_start3A_104 = arith.constant 0 : i32
      %dma_start3A_105 = tpu.memref_slice %arg2[%dma_start3A_103, %dma_start3A_104] : memref<81920x128xf32, #tpu.memory_space<hbm>> -> memref<81920x128xf32, #tpu.memory_space<hbm>>
      tpu.enqueue_indirect_dma source(%dma_start3A_105 : memref<81920x128xf32, #tpu.memory_space<hbm>>) target(%arg10 : memref<128x128xf32, #tpu.memory_space<vmem>>) offsets(%dma_start3A_102 : memref<128xi32, #tpu.memory_space<vmem>>) semaphore(%arg13 : memref<!tpu.dma_semaphore, #tpu.memory_space<semaphore_mem>>)
      %dma_wait3A_106 = arith.constant 0 : i32
      %dma_wait3A_107 = arith.constant 1 : i32
      %dma_wait3A_108 = arith.constant 0 : i32
      %dma_wait3A_109 = tpu.memref_slice %arg8[%dma_wait3A_107, %dma_wait3A_108] : memref<2x128xi32, #tpu.memory_space<vmem>> -> memref<1x128xi32, #tpu.memory_space<vmem>>
      %dma_wait3A_110 = tpu.memref_squeeze %dma_wait3A_109 : memref<1x128xi32, #tpu.memory_space<vmem>> -> memref<128xi32, #tpu.memory_space<vmem>>
      %dma_wait3A_111 = arith.constant 0 : i32
      %dma_wait3A_112 = tpu.memref_slice %arg4[%arg1, %dma_wait3A_106, %dma_wait3A_111] : memref<16x80x128xi32, #tpu.memory_space<hbm>> -> memref<1x1x128xi32, #tpu.memory_space<hbm>>
      %dma_wait3A_113 = tpu.memref_squeeze %dma_wait3A_112 : memref<1x1x128xi32, #tpu.memory_space<hbm>> -> memref<128xi32, #tpu.memory_space<hbm>>
      %dma_wait3A_114 = arith.constant 0 : i32
      %dma_wait3A_115 = tpu.memref_slice %arg8[%dma_wait3A_107, %dma_wait3A_114] : memref<2x128xi32, #tpu.memory_space<vmem>> -> memref<1x128xi32, #tpu.memory_space<vmem>>
      %dma_wait3A_116 = tpu.memref_squeeze %dma_wait3A_115 : memref<1x128xi32, #tpu.memory_space<vmem>> -> memref<128xi32, #tpu.memory_space<vmem>>
      %dma_wait3A_117 = arith.constant 0 : i32
      %dma_wait3A_118 = tpu.memref_slice %arg4[%arg1, %dma_wait3A_106, %dma_wait3A_117] : memref<16x80x128xi32, #tpu.memory_space<hbm>> -> memref<1x1x128xi32, #tpu.memory_space<hbm>>
      %dma_wait3A_119 = tpu.memref_squeeze %dma_wait3A_118 : memref<1x1x128xi32, #tpu.memory_space<hbm>> -> memref<128xi32, #tpu.memory_space<hbm>>
      tpu.wait_dma2 semaphore(%arg18 : memref<!tpu.dma_semaphore, #tpu.memory_space<semaphore_mem>>) src(%dma_wait3A_119 : memref<128xi32, #tpu.memory_space<hbm>>) dst(%dma_wait3A_116 : memref<128xi32, #tpu.memory_space<vmem>>)
      %dma_start3A_120 = arith.constant 1 : i32
      %dma_start3A_121 = arith.constant 0 : i32
      %dma_start3A_122 = tpu.memref_slice %arg8[%dma_start3A_120, %dma_start3A_121] : memref<2x128xi32, #tpu.memory_space<vmem>> -> memref<1x128xi32, #tpu.memory_space<vmem>>
      %dma_start3A_123 = tpu.memref_squeeze %dma_start3A_122 : memref<1x128xi32, #tpu.memory_space<vmem>> -> memref<128xi32, #tpu.memory_space<vmem>>
      %dma_start3A_124 = arith.constant 0 : i32
      %dma_start3A_125 = arith.constant 0 : i32
      %dma_start3A_126 = tpu.memref_slice %arg2[%dma_start3A_124, %dma_start3A_125] : memref<81920x128xf32, #tpu.memory_space<hbm>> -> memref<81920x128xf32, #tpu.memory_space<hbm>>
      tpu.enqueue_indirect_dma source(%dma_start3A_126 : memref<81920x128xf32, #tpu.memory_space<hbm>>) target(%arg11 : memref<128x128xf32, #tpu.memory_space<vmem>>) offsets(%dma_start3A_123 : memref<128xi32, #tpu.memory_space<vmem>>) semaphore(%arg14 : memref<!tpu.dma_semaphore, #tpu.memory_space<semaphore_mem>>)
      %scan3A_127 = arith.constant 0 : i32
      %scan3A_128 = arith.constant 0 : i32
      %scan3A_129 = arith.constant 39 : i32
      %scan3A_130 = arith.addi %scan3A_128, %scan3A_129 : i32
      %scan3A_131 = arith.constant 1 : i32
      scf.for %scan3A_206 = %scan3A_128 to %scan3A_130 step %scan3A_131  : i32 {
        %mul3A_207 = arith.constant 2 : i32
        %mul3A_208 = arith.muli %mul3A_207, %scan3A_206 : i32
        %add3A_209 = arith.constant 0 : i32
        %add3A_210 = arith.addi %mul3A_208, %add3A_209 : i32
        %dma_wait3A_211 = arith.constant 0 : i32
        %dma_wait3A_212 = arith.constant 0 : i32
        %dma_wait3A_213 = tpu.memref_slice %arg8[%dma_wait3A_211, %dma_wait3A_212] : memref<2x128xi32, #tpu.memory_space<vmem>> -> memref<1x128xi32, #tpu.memory_space<vmem>>
        %dma_wait3A_214 = tpu.memref_squeeze %dma_wait3A_213 : memref<1x128xi32, #tpu.memory_space<vmem>> -> memref<128xi32, #tpu.memory_space<vmem>>
        %dma_wait3A_215 = arith.constant 0 : i32
        %dma_wait3A_216 = arith.constant 0 : i32
        %dma_wait3A_217 = tpu.memref_slice %arg2[%dma_wait3A_215, %dma_wait3A_216] : memref<81920x128xf32, #tpu.memory_space<hbm>> -> memref<81920x128xf32, #tpu.memory_space<hbm>>
        tpu.wait_indirect_dma semaphore(%arg13 : memref<!tpu.dma_semaphore, #tpu.memory_space<semaphore_mem>>) src(%dma_wait3A_217 : memref<81920x128xf32, #tpu.memory_space<hbm>>) dst(%arg10 : memref<128x128xf32, #tpu.memory_space<vmem>>)
        %dma_wait3A_218 = arith.constant 0 : i32
        %dma_wait3A_219 = arith.constant 0 : i32
        %dma_wait3A_220 = arith.constant 0 : i32
        %dma_wait3A_221 = tpu.memref_slice %arg9[%dma_wait3A_219, %dma_wait3A_220] : memref<2x128xi32, #tpu.memory_space<vmem>> -> memref<1x128xi32, #tpu.memory_space<vmem>>
        %dma_wait3A_222 = tpu.memref_squeeze %dma_wait3A_221 : memref<1x128xi32, #tpu.memory_space<vmem>> -> memref<128xi32, #tpu.memory_space<vmem>>
        %dma_wait3A_223 = arith.constant 0 : i32
        %dma_wait3A_224 = tpu.memref_slice %arg5[%arg1, %dma_wait3A_218, %dma_wait3A_223] : memref<16x80x128xi32, #tpu.memory_space<hbm>> -> memref<1x1x128xi32, #tpu.memory_space<hbm>>
        %dma_wait3A_225 = tpu.memref_squeeze %dma_wait3A_224 : memref<1x1x128xi32, #tpu.memory_space<hbm>> -> memref<128xi32, #tpu.memory_space<hbm>>
        %dma_wait3A_226 = arith.constant 0 : i32
        %dma_wait3A_227 = tpu.memref_slice %arg9[%dma_wait3A_219, %dma_wait3A_226] : memref<2x128xi32, #tpu.memory_space<vmem>> -> memref<1x128xi32, #tpu.memory_space<vmem>>
        %dma_wait3A_228 = tpu.memref_squeeze %dma_wait3A_227 : memref<1x128xi32, #tpu.memory_space<vmem>> -> memref<128xi32, #tpu.memory_space<vmem>>
        %dma_wait3A_229 = arith.constant 0 : i32
        %dma_wait3A_230 = tpu.memref_slice %arg5[%arg1, %dma_wait3A_218, %dma_wait3A_229] : memref<16x80x128xi32, #tpu.memory_space<hbm>> -> memref<1x1x128xi32, #tpu.memory_space<hbm>>
        %dma_wait3A_231 = tpu.memref_squeeze %dma_wait3A_230 : memref<1x1x128xi32, #tpu.memory_space<hbm>> -> memref<128xi32, #tpu.memory_space<hbm>>
        tpu.wait_dma2 semaphore(%arg19 : memref<!tpu.dma_semaphore, #tpu.memory_space<semaphore_mem>>) src(%dma_wait3A_231 : memref<128xi32, #tpu.memory_space<hbm>>) dst(%dma_wait3A_228 : memref<128xi32, #tpu.memory_space<vmem>>)
        %dma_start3A_232 = arith.constant 0 : i32
        %dma_start3A_233 = arith.constant 0 : i32
        %dma_start3A_234 = tpu.memref_slice %arg9[%dma_start3A_232, %dma_start3A_233] : memref<2x128xi32, #tpu.memory_space<vmem>> -> memref<1x128xi32, #tpu.memory_space<vmem>>
        %dma_start3A_235 = tpu.memref_squeeze %dma_start3A_234 : memref<1x128xi32, #tpu.memory_space<vmem>> -> memref<128xi32, #tpu.memory_space<vmem>>
        %dma_start3A_236 = arith.constant 0 : i32
        %dma_start3A_237 = arith.constant 0 : i32
        %dma_start3A_238 = tpu.memref_slice %arg12[%dma_start3A_236, %dma_start3A_237] : memref<10240x128xf32, #tpu.memory_space<vmem_shared>> -> memref<10240x128xf32, #tpu.memory_space<vmem_shared>>
        tpu.enqueue_indirect_dma source(%arg10 : memref<128x128xf32, #tpu.memory_space<vmem>>) target(%dma_start3A_238 : memref<10240x128xf32, #tpu.memory_space<vmem_shared>>) offsets(%dma_start3A_235 : memref<128xi32, #tpu.memory_space<vmem>>) semaphore(%arg15 : memref<!tpu.dma_semaphore, #tpu.memory_space<semaphore_mem>>) {add = true}
        %add3A_239 = arith.constant 2 : i32
        %add3A_240 = arith.addi %add3A_210, %add3A_239 : i32
        %dma_start3A_241 = arith.constant 0 : i32
        %dma_start3A_242 = arith.constant 0 : i32
        %dma_start3A_243 = tpu.memref_slice %arg8[%dma_start3A_241, %dma_start3A_242] : memref<2x128xi32, #tpu.memory_space<vmem>> -> memref<1x128xi32, #tpu.memory_space<vmem>>
        %dma_start3A_244 = tpu.memref_squeeze %dma_start3A_243 : memref<1x128xi32, #tpu.memory_space<vmem>> -> memref<128xi32, #tpu.memory_space<vmem>>
        %dma_start3A_245 = arith.constant 0 : i32
        %dma_start3A_246 = tpu.memref_slice %arg4[%arg1, %add3A_240, %dma_start3A_245] : memref<16x80x128xi32, #tpu.memory_space<hbm>> -> memref<1x1x128xi32, #tpu.memory_space<hbm>>
        %dma_start3A_247 = tpu.memref_squeeze %dma_start3A_246 : memref<1x1x128xi32, #tpu.memory_space<hbm>> -> memref<128xi32, #tpu.memory_space<hbm>>
        %dma_start3A_248 = arith.constant 0 : i32
        %dma_start3A_249 = tpu.memref_slice %arg8[%dma_start3A_241, %dma_start3A_248] : memref<2x128xi32, #tpu.memory_space<vmem>> -> memref<1x128xi32, #tpu.memory_space<vmem>>
        %dma_start3A_250 = tpu.memref_squeeze %dma_start3A_249 : memref<1x128xi32, #tpu.memory_space<vmem>> -> memref<128xi32, #tpu.memory_space<vmem>>
        %dma_start3A_251 = arith.constant 0 : i32
        %dma_start3A_252 = tpu.memref_slice %arg4[%arg1, %add3A_240, %dma_start3A_251] : memref<16x80x128xi32, #tpu.memory_space<hbm>> -> memref<1x1x128xi32, #tpu.memory_space<hbm>>
        %dma_start3A_253 = tpu.memref_squeeze %dma_start3A_252 : memref<1x1x128xi32, #tpu.memory_space<hbm>> -> memref<128xi32, #tpu.memory_space<hbm>>
        tpu.enqueue_dma source(%dma_start3A_253 : memref<128xi32, #tpu.memory_space<hbm>>) target(%dma_start3A_250 : memref<128xi32, #tpu.memory_space<vmem>>) target_semaphore(%arg17 : memref<!tpu.dma_semaphore, #tpu.memory_space<semaphore_mem>>)
        %add3A_254 = arith.constant 1 : i32
        %add3A_255 = arith.addi %mul3A_208, %add3A_254 : i32
        %dma_wait3A_256 = arith.constant 1 : i32
        %dma_wait3A_257 = arith.constant 0 : i32
        %dma_wait3A_258 = tpu.memref_slice %arg8[%dma_wait3A_256, %dma_wait3A_257] : memref<2x128xi32, #tpu.memory_space<vmem>> -> memref<1x128xi32, #tpu.memory_space<vmem>>
        %dma_wait3A_259 = tpu.memref_squeeze %dma_wait3A_258 : memref<1x128xi32, #tpu.memory_space<vmem>> -> memref<128xi32, #tpu.memory_space<vmem>>
        %dma_wait3A_260 = arith.constant 0 : i32
        %dma_wait3A_261 = arith.constant 0 : i32
        %dma_wait3A_262 = tpu.memref_slice %arg2[%dma_wait3A_260, %dma_wait3A_261] : memref<81920x128xf32, #tpu.memory_space<hbm>> -> memref<81920x128xf32, #tpu.memory_space<hbm>>
        tpu.wait_indirect_dma semaphore(%arg14 : memref<!tpu.dma_semaphore, #tpu.memory_space<semaphore_mem>>) src(%dma_wait3A_262 : memref<81920x128xf32, #tpu.memory_space<hbm>>) dst(%arg11 : memref<128x128xf32, #tpu.memory_space<vmem>>)
        %dma_wait3A_263 = arith.constant 0 : i32
        %dma_wait3A_264 = arith.constant 1 : i32
        %dma_wait3A_265 = arith.constant 0 : i32
        %dma_wait3A_266 = tpu.memref_slice %arg9[%dma_wait3A_264, %dma_wait3A_265] : memref<2x128xi32, #tpu.memory_space<vmem>> -> memref<1x128xi32, #tpu.memory_space<vmem>>
        %dma_wait3A_267 = tpu.memref_squeeze %dma_wait3A_266 : memref<1x128xi32, #tpu.memory_space<vmem>> -> memref<128xi32, #tpu.memory_space<vmem>>
        %dma_wait3A_268 = arith.constant 0 : i32
        %dma_wait3A_269 = tpu.memref_slice %arg5[%arg1, %dma_wait3A_263, %dma_wait3A_268] : memref<16x80x128xi32, #tpu.memory_space<hbm>> -> memref<1x1x128xi32, #tpu.memory_space<hbm>>
        %dma_wait3A_270 = tpu.memref_squeeze %dma_wait3A_269 : memref<1x1x128xi32, #tpu.memory_space<hbm>> -> memref<128xi32, #tpu.memory_space<hbm>>
        %dma_wait3A_271 = arith.constant 0 : i32
        %dma_wait3A_272 = tpu.memref_slice %arg9[%dma_wait3A_264, %dma_wait3A_271] : memref<2x128xi32, #tpu.memory_space<vmem>> -> memref<1x128xi32, #tpu.memory_space<vmem>>
        %dma_wait3A_273 = tpu.memref_squeeze %dma_wait3A_272 : memref<1x128xi32, #tpu.memory_space<vmem>> -> memref<128xi32, #tpu.memory_space<vmem>>
        %dma_wait3A_274 = arith.constant 0 : i32
        %dma_wait3A_275 = tpu.memref_slice %arg5[%arg1, %dma_wait3A_263, %dma_wait3A_274] : memref<16x80x128xi32, #tpu.memory_space<hbm>> -> memref<1x1x128xi32, #tpu.memory_space<hbm>>
        %dma_wait3A_276 = tpu.memref_squeeze %dma_wait3A_275 : memref<1x1x128xi32, #tpu.memory_space<hbm>> -> memref<128xi32, #tpu.memory_space<hbm>>
        tpu.wait_dma2 semaphore(%arg20 : memref<!tpu.dma_semaphore, #tpu.memory_space<semaphore_mem>>) src(%dma_wait3A_276 : memref<128xi32, #tpu.memory_space<hbm>>) dst(%dma_wait3A_273 : memref<128xi32, #tpu.memory_space<vmem>>)
        %dma_start3A_277 = arith.constant 1 : i32
        %dma_start3A_278 = arith.constant 0 : i32
        %dma_start3A_279 = tpu.memref_slice %arg9[%dma_start3A_277, %dma_start3A_278] : memref<2x128xi32, #tpu.memory_space<vmem>> -> memref<1x128xi32, #tpu.memory_space<vmem>>
        %dma_start3A_280 = tpu.memref_squeeze %dma_start3A_279 : memref<1x128xi32, #tpu.memory_space<vmem>> -> memref<128xi32, #tpu.memory_space<vmem>>
        %dma_start3A_281 = arith.constant 0 : i32
        %dma_start3A_282 = arith.constant 0 : i32
        %dma_start3A_283 = tpu.memref_slice %arg12[%dma_start3A_281, %dma_start3A_282] : memref<10240x128xf32, #tpu.memory_space<vmem_shared>> -> memref<10240x128xf32, #tpu.memory_space<vmem_shared>>
        tpu.enqueue_indirect_dma source(%arg11 : memref<128x128xf32, #tpu.memory_space<vmem>>) target(%dma_start3A_283 : memref<10240x128xf32, #tpu.memory_space<vmem_shared>>) offsets(%dma_start3A_280 : memref<128xi32, #tpu.memory_space<vmem>>) semaphore(%arg16 : memref<!tpu.dma_semaphore, #tpu.memory_space<semaphore_mem>>) {add = true}
        %add3A_284 = arith.constant 2 : i32
        %add3A_285 = arith.addi %add3A_255, %add3A_284 : i32
        %dma_start3A_286 = arith.constant 1 : i32
        %dma_start3A_287 = arith.constant 0 : i32
        %dma_start3A_288 = tpu.memref_slice %arg8[%dma_start3A_286, %dma_start3A_287] : memref<2x128xi32, #tpu.memory_space<vmem>> -> memref<1x128xi32, #tpu.memory_space<vmem>>
        %dma_start3A_289 = tpu.memref_squeeze %dma_start3A_288 : memref<1x128xi32, #tpu.memory_space<vmem>> -> memref<128xi32, #tpu.memory_space<vmem>>
        %dma_start3A_290 = arith.constant 0 : i32
        %dma_start3A_291 = tpu.memref_slice %arg4[%arg1, %add3A_285, %dma_start3A_290] : memref<16x80x128xi32, #tpu.memory_space<hbm>> -> memref<1x1x128xi32, #tpu.memory_space<hbm>>
        %dma_start3A_292 = tpu.memref_squeeze %dma_start3A_291 : memref<1x1x128xi32, #tpu.memory_space<hbm>> -> memref<128xi32, #tpu.memory_space<hbm>>
        %dma_start3A_293 = arith.constant 0 : i32
        %dma_start3A_294 = tpu.memref_slice %arg8[%dma_start3A_286, %dma_start3A_293] : memref<2x128xi32, #tpu.memory_space<vmem>> -> memref<1x128xi32, #tpu.memory_space<vmem>>
        %dma_start3A_295 = tpu.memref_squeeze %dma_start3A_294 : memref<1x128xi32, #tpu.memory_space<vmem>> -> memref<128xi32, #tpu.memory_space<vmem>>
        %dma_start3A_296 = arith.constant 0 : i32
        %dma_start3A_297 = tpu.memref_slice %arg4[%arg1, %add3A_285, %dma_start3A_296] : memref<16x80x128xi32, #tpu.memory_space<hbm>> -> memref<1x1x128xi32, #tpu.memory_space<hbm>>
        %dma_start3A_298 = tpu.memref_squeeze %dma_start3A_297 : memref<1x1x128xi32, #tpu.memory_space<hbm>> -> memref<128xi32, #tpu.memory_space<hbm>>
        tpu.enqueue_dma source(%dma_start3A_298 : memref<128xi32, #tpu.memory_space<hbm>>) target(%dma_start3A_295 : memref<128xi32, #tpu.memory_space<vmem>>) target_semaphore(%arg18 : memref<!tpu.dma_semaphore, #tpu.memory_space<semaphore_mem>>)
        %add3A_299 = arith.constant 0 : i32
        %add3A_300 = arith.addi %mul3A_208, %add3A_299 : i32
        %dma_wait3A_301 = arith.constant 0 : i32
        %dma_wait3A_302 = arith.constant 0 : i32
        %dma_wait3A_303 = tpu.memref_slice %arg9[%dma_wait3A_301, %dma_wait3A_302] : memref<2x128xi32, #tpu.memory_space<vmem>> -> memref<1x128xi32, #tpu.memory_space<vmem>>
        %dma_wait3A_304 = tpu.memref_squeeze %dma_wait3A_303 : memref<1x128xi32, #tpu.memory_space<vmem>> -> memref<128xi32, #tpu.memory_space<vmem>>
        %dma_wait3A_305 = arith.constant 0 : i32
        %dma_wait3A_306 = arith.constant 0 : i32
        %dma_wait3A_307 = tpu.memref_slice %arg12[%dma_wait3A_305, %dma_wait3A_306] : memref<10240x128xf32, #tpu.memory_space<vmem_shared>> -> memref<10240x128xf32, #tpu.memory_space<vmem_shared>>
        tpu.wait_indirect_dma semaphore(%arg15 : memref<!tpu.dma_semaphore, #tpu.memory_space<semaphore_mem>>) src(%arg10 : memref<128x128xf32, #tpu.memory_space<vmem>>) dst(%dma_wait3A_307 : memref<10240x128xf32, #tpu.memory_space<vmem_shared>>)
        %add3A_308 = arith.constant 2 : i32
        %add3A_309 = arith.addi %add3A_300, %add3A_308 : i32
        %dma_start3A_310 = arith.constant 0 : i32
        %dma_start3A_311 = arith.constant 0 : i32
        %dma_start3A_312 = tpu.memref_slice %arg9[%dma_start3A_310, %dma_start3A_311] : memref<2x128xi32, #tpu.memory_space<vmem>> -> memref<1x128xi32, #tpu.memory_space<vmem>>
        %dma_start3A_313 = tpu.memref_squeeze %dma_start3A_312 : memref<1x128xi32, #tpu.memory_space<vmem>> -> memref<128xi32, #tpu.memory_space<vmem>>
        %dma_start3A_314 = arith.constant 0 : i32
        %dma_start3A_315 = tpu.memref_slice %arg5[%arg1, %add3A_309, %dma_start3A_314] : memref<16x80x128xi32, #tpu.memory_space<hbm>> -> memref<1x1x128xi32, #tpu.memory_space<hbm>>
        %dma_start3A_316 = tpu.memref_squeeze %dma_start3A_315 : memref<1x1x128xi32, #tpu.memory_space<hbm>> -> memref<128xi32, #tpu.memory_space<hbm>>
        %dma_start3A_317 = arith.constant 0 : i32
        %dma_start3A_318 = tpu.memref_slice %arg9[%dma_start3A_310, %dma_start3A_317] : memref<2x128xi32, #tpu.memory_space<vmem>> -> memref<1x128xi32, #tpu.memory_space<vmem>>
        %dma_start3A_319 = tpu.memref_squeeze %dma_start3A_318 : memref<1x128xi32, #tpu.memory_space<vmem>> -> memref<128xi32, #tpu.memory_space<vmem>>
        %dma_start3A_320 = arith.constant 0 : i32
        %dma_start3A_321 = tpu.memref_slice %arg5[%arg1, %add3A_309, %dma_start3A_320] : memref<16x80x128xi32, #tpu.memory_space<hbm>> -> memref<1x1x128xi32, #tpu.memory_space<hbm>>
        %dma_start3A_322 = tpu.memref_squeeze %dma_start3A_321 : memref<1x1x128xi32, #tpu.memory_space<hbm>> -> memref<128xi32, #tpu.memory_space<hbm>>
        tpu.enqueue_dma source(%dma_start3A_322 : memref<128xi32, #tpu.memory_space<hbm>>) target(%dma_start3A_319 : memref<128xi32, #tpu.memory_space<vmem>>) target_semaphore(%arg19 : memref<!tpu.dma_semaphore, #tpu.memory_space<semaphore_mem>>)
        %add3A_323 = arith.constant 1 : i32
        %add3A_324 = arith.addi %mul3A_208, %add3A_323 : i32
        %dma_wait3A_325 = arith.constant 1 : i32
        %dma_wait3A_326 = arith.constant 0 : i32
        %dma_wait3A_327 = tpu.memref_slice %arg9[%dma_wait3A_325, %dma_wait3A_326] : memref<2x128xi32, #tpu.memory_space<vmem>> -> memref<1x128xi32, #tpu.memory_space<vmem>>
        %dma_wait3A_328 = tpu.memref_squeeze %dma_wait3A_327 : memref<1x128xi32, #tpu.memory_space<vmem>> -> memref<128xi32, #tpu.memory_space<vmem>>
        %dma_wait3A_329 = arith.constant 0 : i32
        %dma_wait3A_330 = arith.constant 0 : i32
        %dma_wait3A_331 = tpu.memref_slice %arg12[%dma_wait3A_329, %dma_wait3A_330] : memref<10240x128xf32, #tpu.memory_space<vmem_shared>> -> memref<10240x128xf32, #tpu.memory_space<vmem_shared>>
        tpu.wait_indirect_dma semaphore(%arg16 : memref<!tpu.dma_semaphore, #tpu.memory_space<semaphore_mem>>) src(%arg11 : memref<128x128xf32, #tpu.memory_space<vmem>>) dst(%dma_wait3A_331 : memref<10240x128xf32, #tpu.memory_space<vmem_shared>>)
        %add3A_332 = arith.constant 2 : i32
        %add3A_333 = arith.addi %add3A_324, %add3A_332 : i32
        %dma_start3A_334 = arith.constant 1 : i32
        %dma_start3A_335 = arith.constant 0 : i32
        %dma_start3A_336 = tpu.memref_slice %arg9[%dma_start3A_334, %dma_start3A_335] : memref<2x128xi32, #tpu.memory_space<vmem>> -> memref<1x128xi32, #tpu.memory_space<vmem>>
        %dma_start3A_337 = tpu.memref_squeeze %dma_start3A_336 : memref<1x128xi32, #tpu.memory_space<vmem>> -> memref<128xi32, #tpu.memory_space<vmem>>
        %dma_start3A_338 = arith.constant 0 : i32
        %dma_start3A_339 = tpu.memref_slice %arg5[%arg1, %add3A_333, %dma_start3A_338] : memref<16x80x128xi32, #tpu.memory_space<hbm>> -> memref<1x1x128xi32, #tpu.memory_space<hbm>>
        %dma_start3A_340 = tpu.memref_squeeze %dma_start3A_339 : memref<1x1x128xi32, #tpu.memory_space<hbm>> -> memref<128xi32, #tpu.memory_space<hbm>>
        %dma_start3A_341 = arith.constant 0 : i32
        %dma_start3A_342 = tpu.memref_slice %arg9[%dma_start3A_334, %dma_start3A_341] : memref<2x128xi32, #tpu.memory_space<vmem>> -> memref<1x128xi32, #tpu.memory_space<vmem>>
        %dma_start3A_343 = tpu.memref_squeeze %dma_start3A_342 : memref<1x128xi32, #tpu.memory_space<vmem>> -> memref<128xi32, #tpu.memory_space<vmem>>
        %dma_start3A_344 = arith.constant 0 : i32
        %dma_start3A_345 = tpu.memref_slice %arg5[%arg1, %add3A_333, %dma_start3A_344] : memref<16x80x128xi32, #tpu.memory_space<hbm>> -> memref<1x1x128xi32, #tpu.memory_space<hbm>>
        %dma_start3A_346 = tpu.memref_squeeze %dma_start3A_345 : memref<1x1x128xi32, #tpu.memory_space<hbm>> -> memref<128xi32, #tpu.memory_space<hbm>>
        tpu.enqueue_dma source(%dma_start3A_346 : memref<128xi32, #tpu.memory_space<hbm>>) target(%dma_start3A_343 : memref<128xi32, #tpu.memory_space<vmem>>) target_semaphore(%arg20 : memref<!tpu.dma_semaphore, #tpu.memory_space<semaphore_mem>>)
        %dma_wait3A_347 = arith.constant 0 : i32
        %dma_wait3A_348 = arith.constant 0 : i32
        %dma_wait3A_349 = arith.constant 0 : i32
        %dma_wait3A_350 = tpu.memref_slice %arg8[%dma_wait3A_348, %dma_wait3A_349] : memref<2x128xi32, #tpu.memory_space<vmem>> -> memref<1x128xi32, #tpu.memory_space<vmem>>
        %dma_wait3A_351 = tpu.memref_squeeze %dma_wait3A_350 : memref<1x128xi32, #tpu.memory_space<vmem>> -> memref<128xi32, #tpu.memory_space<vmem>>
        %dma_wait3A_352 = arith.constant 0 : i32
        %dma_wait3A_353 = tpu.memref_slice %arg4[%arg1, %dma_wait3A_347, %dma_wait3A_352] : memref<16x80x128xi32, #tpu.memory_space<hbm>> -> memref<1x1x128xi32, #tpu.memory_space<hbm>>
        %dma_wait3A_354 = tpu.memref_squeeze %dma_wait3A_353 : memref<1x1x128xi32, #tpu.memory_space<hbm>> -> memref<128xi32, #tpu.memory_space<hbm>>
        %dma_wait3A_355 = arith.constant 0 : i32
        %dma_wait3A_356 = tpu.memref_slice %arg8[%dma_wait3A_348, %dma_wait3A_355] : memref<2x128xi32, #tpu.memory_space<vmem>> -> memref<1x128xi32, #tpu.memory_space<vmem>>
        %dma_wait3A_357 = tpu.memref_squeeze %dma_wait3A_356 : memref<1x128xi32, #tpu.memory_space<vmem>> -> memref<128xi32, #tpu.memory_space<vmem>>
        %dma_wait3A_358 = arith.constant 0 : i32
        %dma_wait3A_359 = tpu.memref_slice %arg4[%arg1, %dma_wait3A_347, %dma_wait3A_358] : memref<16x80x128xi32, #tpu.memory_space<hbm>> -> memref<1x1x128xi32, #tpu.memory_space<hbm>>
        %dma_wait3A_360 = tpu.memref_squeeze %dma_wait3A_359 : memref<1x1x128xi32, #tpu.memory_space<hbm>> -> memref<128xi32, #tpu.memory_space<hbm>>
        tpu.wait_dma2 semaphore(%arg17 : memref<!tpu.dma_semaphore, #tpu.memory_space<semaphore_mem>>) src(%dma_wait3A_360 : memref<128xi32, #tpu.memory_space<hbm>>) dst(%dma_wait3A_357 : memref<128xi32, #tpu.memory_space<vmem>>)
        %dma_start3A_361 = arith.constant 0 : i32
        %dma_start3A_362 = arith.constant 0 : i32
        %dma_start3A_363 = tpu.memref_slice %arg8[%dma_start3A_361, %dma_start3A_362] : memref<2x128xi32, #tpu.memory_space<vmem>> -> memref<1x128xi32, #tpu.memory_space<vmem>>
        %dma_start3A_364 = tpu.memref_squeeze %dma_start3A_363 : memref<1x128xi32, #tpu.memory_space<vmem>> -> memref<128xi32, #tpu.memory_space<vmem>>
        %dma_start3A_365 = arith.constant 0 : i32
        %dma_start3A_366 = arith.constant 0 : i32
        %dma_start3A_367 = tpu.memref_slice %arg2[%dma_start3A_365, %dma_start3A_366] : memref<81920x128xf32, #tpu.memory_space<hbm>> -> memref<81920x128xf32, #tpu.memory_space<hbm>>
        tpu.enqueue_indirect_dma source(%dma_start3A_367 : memref<81920x128xf32, #tpu.memory_space<hbm>>) target(%arg10 : memref<128x128xf32, #tpu.memory_space<vmem>>) offsets(%dma_start3A_364 : memref<128xi32, #tpu.memory_space<vmem>>) semaphore(%arg13 : memref<!tpu.dma_semaphore, #tpu.memory_space<semaphore_mem>>)
        %dma_wait3A_368 = arith.constant 0 : i32
        %dma_wait3A_369 = arith.constant 1 : i32
        %dma_wait3A_370 = arith.constant 0 : i32
        %dma_wait3A_371 = tpu.memref_slice %arg8[%dma_wait3A_369, %dma_wait3A_370] : memref<2x128xi32, #tpu.memory_space<vmem>> -> memref<1x128xi32, #tpu.memory_space<vmem>>
        %dma_wait3A_372 = tpu.memref_squeeze %dma_wait3A_371 : memref<1x128xi32, #tpu.memory_space<vmem>> -> memref<128xi32, #tpu.memory_space<vmem>>
        %dma_wait3A_373 = arith.constant 0 : i32
        %dma_wait3A_374 = tpu.memref_slice %arg4[%arg1, %dma_wait3A_368, %dma_wait3A_373] : memref<16x80x128xi32, #tpu.memory_space<hbm>> -> memref<1x1x128xi32, #tpu.memory_space<hbm>>
        %dma_wait3A_375 = tpu.memref_squeeze %dma_wait3A_374 : memref<1x1x128xi32, #tpu.memory_space<hbm>> -> memref<128xi32, #tpu.memory_space<hbm>>
        %dma_wait3A_376 = arith.constant 0 : i32
        %dma_wait3A_377 = tpu.memref_slice %arg8[%dma_wait3A_369, %dma_wait3A_376] : memref<2x128xi32, #tpu.memory_space<vmem>> -> memref<1x128xi32, #tpu.memory_space<vmem>>
        %dma_wait3A_378 = tpu.memref_squeeze %dma_wait3A_377 : memref<1x128xi32, #tpu.memory_space<vmem>> -> memref<128xi32, #tpu.memory_space<vmem>>
        %dma_wait3A_379 = arith.constant 0 : i32
        %dma_wait3A_380 = tpu.memref_slice %arg4[%arg1, %dma_wait3A_368, %dma_wait3A_379] : memref<16x80x128xi32, #tpu.memory_space<hbm>> -> memref<1x1x128xi32, #tpu.memory_space<hbm>>
        %dma_wait3A_381 = tpu.memref_squeeze %dma_wait3A_380 : memref<1x1x128xi32, #tpu.memory_space<hbm>> -> memref<128xi32, #tpu.memory_space<hbm>>
        tpu.wait_dma2 semaphore(%arg18 : memref<!tpu.dma_semaphore, #tpu.memory_space<semaphore_mem>>) src(%dma_wait3A_381 : memref<128xi32, #tpu.memory_space<hbm>>) dst(%dma_wait3A_378 : memref<128xi32, #tpu.memory_space<vmem>>)
        %dma_start3A_382 = arith.constant 1 : i32
        %dma_start3A_383 = arith.constant 0 : i32
        %dma_start3A_384 = tpu.memref_slice %arg8[%dma_start3A_382, %dma_start3A_383] : memref<2x128xi32, #tpu.memory_space<vmem>> -> memref<1x128xi32, #tpu.memory_space<vmem>>
        %dma_start3A_385 = tpu.memref_squeeze %dma_start3A_384 : memref<1x128xi32, #tpu.memory_space<vmem>> -> memref<128xi32, #tpu.memory_space<vmem>>
        %dma_start3A_386 = arith.constant 0 : i32
        %dma_start3A_387 = arith.constant 0 : i32
        %dma_start3A_388 = tpu.memref_slice %arg2[%dma_start3A_386, %dma_start3A_387] : memref<81920x128xf32, #tpu.memory_space<hbm>> -> memref<81920x128xf32, #tpu.memory_space<hbm>>
        tpu.enqueue_indirect_dma source(%dma_start3A_388 : memref<81920x128xf32, #tpu.memory_space<hbm>>) target(%arg11 : memref<128x128xf32, #tpu.memory_space<vmem>>) offsets(%dma_start3A_385 : memref<128xi32, #tpu.memory_space<vmem>>) semaphore(%arg14 : memref<!tpu.dma_semaphore, #tpu.memory_space<semaphore_mem>>)
      }
      %scan3A_132 = arith.constant 39 : i32
      %dma_wait3A_133 = arith.constant 0 : i32
      %dma_wait3A_134 = arith.constant 0 : i32
      %dma_wait3A_135 = tpu.memref_slice %arg8[%dma_wait3A_133, %dma_wait3A_134] : memref<2x128xi32, #tpu.memory_space<vmem>> -> memref<1x128xi32, #tpu.memory_space<vmem>>
      %dma_wait3A_136 = tpu.memref_squeeze %dma_wait3A_135 : memref<1x128xi32, #tpu.memory_space<vmem>> -> memref<128xi32, #tpu.memory_space<vmem>>
      %dma_wait3A_137 = arith.constant 0 : i32
      %dma_wait3A_138 = arith.constant 0 : i32
      %dma_wait3A_139 = tpu.memref_slice %arg2[%dma_wait3A_137, %dma_wait3A_138] : memref<81920x128xf32, #tpu.memory_space<hbm>> -> memref<81920x128xf32, #tpu.memory_space<hbm>>
      tpu.wait_indirect_dma semaphore(%arg13 : memref<!tpu.dma_semaphore, #tpu.memory_space<semaphore_mem>>) src(%dma_wait3A_139 : memref<81920x128xf32, #tpu.memory_space<hbm>>) dst(%arg10 : memref<128x128xf32, #tpu.memory_space<vmem>>)
      %dma_wait3A_140 = arith.constant 0 : i32
      %dma_wait3A_141 = arith.constant 0 : i32
      %dma_wait3A_142 = arith.constant 0 : i32
      %dma_wait3A_143 = tpu.memref_slice %arg9[%dma_wait3A_141, %dma_wait3A_142] : memref<2x128xi32, #tpu.memory_space<vmem>> -> memref<1x128xi32, #tpu.memory_space<vmem>>
      %dma_wait3A_144 = tpu.memref_squeeze %dma_wait3A_143 : memref<1x128xi32, #tpu.memory_space<vmem>> -> memref<128xi32, #tpu.memory_space<vmem>>
      %dma_wait3A_145 = arith.constant 0 : i32
      %dma_wait3A_146 = tpu.memref_slice %arg5[%arg1, %dma_wait3A_140, %dma_wait3A_145] : memref<16x80x128xi32, #tpu.memory_space<hbm>> -> memref<1x1x128xi32, #tpu.memory_space<hbm>>
      %dma_wait3A_147 = tpu.memref_squeeze %dma_wait3A_146 : memref<1x1x128xi32, #tpu.memory_space<hbm>> -> memref<128xi32, #tpu.memory_space<hbm>>
      %dma_wait3A_148 = arith.constant 0 : i32
      %dma_wait3A_149 = tpu.memref_slice %arg9[%dma_wait3A_141, %dma_wait3A_148] : memref<2x128xi32, #tpu.memory_space<vmem>> -> memref<1x128xi32, #tpu.memory_space<vmem>>
      %dma_wait3A_150 = tpu.memref_squeeze %dma_wait3A_149 : memref<1x128xi32, #tpu.memory_space<vmem>> -> memref<128xi32, #tpu.memory_space<vmem>>
      %dma_wait3A_151 = arith.constant 0 : i32
      %dma_wait3A_152 = tpu.memref_slice %arg5[%arg1, %dma_wait3A_140, %dma_wait3A_151] : memref<16x80x128xi32, #tpu.memory_space<hbm>> -> memref<1x1x128xi32, #tpu.memory_space<hbm>>
      %dma_wait3A_153 = tpu.memref_squeeze %dma_wait3A_152 : memref<1x1x128xi32, #tpu.memory_space<hbm>> -> memref<128xi32, #tpu.memory_space<hbm>>
      tpu.wait_dma2 semaphore(%arg19 : memref<!tpu.dma_semaphore, #tpu.memory_space<semaphore_mem>>) src(%dma_wait3A_153 : memref<128xi32, #tpu.memory_space<hbm>>) dst(%dma_wait3A_150 : memref<128xi32, #tpu.memory_space<vmem>>)
      %dma_start3A_154 = arith.constant 0 : i32
      %dma_start3A_155 = arith.constant 0 : i32
      %dma_start3A_156 = tpu.memref_slice %arg9[%dma_start3A_154, %dma_start3A_155] : memref<2x128xi32, #tpu.memory_space<vmem>> -> memref<1x128xi32, #tpu.memory_space<vmem>>
      %dma_start3A_157 = tpu.memref_squeeze %dma_start3A_156 : memref<1x128xi32, #tpu.memory_space<vmem>> -> memref<128xi32, #tpu.memory_space<vmem>>
      %dma_start3A_158 = arith.constant 0 : i32
      %dma_start3A_159 = arith.constant 0 : i32
      %dma_start3A_160 = tpu.memref_slice %arg12[%dma_start3A_158, %dma_start3A_159] : memref<10240x128xf32, #tpu.memory_space<vmem_shared>> -> memref<10240x128xf32, #tpu.memory_space<vmem_shared>>
      tpu.enqueue_indirect_dma source(%arg10 : memref<128x128xf32, #tpu.memory_space<vmem>>) target(%dma_start3A_160 : memref<10240x128xf32, #tpu.memory_space<vmem_shared>>) offsets(%dma_start3A_157 : memref<128xi32, #tpu.memory_space<vmem>>) semaphore(%arg15 : memref<!tpu.dma_semaphore, #tpu.memory_space<semaphore_mem>>) {add = true}
      %dma_wait3A_161 = arith.constant 1 : i32
      %dma_wait3A_162 = arith.constant 0 : i32
      %dma_wait3A_163 = tpu.memref_slice %arg8[%dma_wait3A_161, %dma_wait3A_162] : memref<2x128xi32, #tpu.memory_space<vmem>> -> memref<1x128xi32, #tpu.memory_space<vmem>>
      %dma_wait3A_164 = tpu.memref_squeeze %dma_wait3A_163 : memref<1x128xi32, #tpu.memory_space<vmem>> -> memref<128xi32, #tpu.memory_space<vmem>>
      %dma_wait3A_165 = arith.constant 0 : i32
      %dma_wait3A_166 = arith.constant 0 : i32
      %dma_wait3A_167 = tpu.memref_slice %arg2[%dma_wait3A_165, %dma_wait3A_166] : memref<81920x128xf32, #tpu.memory_space<hbm>> -> memref<81920x128xf32, #tpu.memory_space<hbm>>
      tpu.wait_indirect_dma semaphore(%arg14 : memref<!tpu.dma_semaphore, #tpu.memory_space<semaphore_mem>>) src(%dma_wait3A_167 : memref<81920x128xf32, #tpu.memory_space<hbm>>) dst(%arg11 : memref<128x128xf32, #tpu.memory_space<vmem>>)
      %dma_wait3A_168 = arith.constant 0 : i32
      %dma_wait3A_169 = arith.constant 1 : i32
      %dma_wait3A_170 = arith.constant 0 : i32
      %dma_wait3A_171 = tpu.memref_slice %arg9[%dma_wait3A_169, %dma_wait3A_170] : memref<2x128xi32, #tpu.memory_space<vmem>> -> memref<1x128xi32, #tpu.memory_space<vmem>>
      %dma_wait3A_172 = tpu.memref_squeeze %dma_wait3A_171 : memref<1x128xi32, #tpu.memory_space<vmem>> -> memref<128xi32, #tpu.memory_space<vmem>>
      %dma_wait3A_173 = arith.constant 0 : i32
      %dma_wait3A_174 = tpu.memref_slice %arg5[%arg1, %dma_wait3A_168, %dma_wait3A_173] : memref<16x80x128xi32, #tpu.memory_space<hbm>> -> memref<1x1x128xi32, #tpu.memory_space<hbm>>
      %dma_wait3A_175 = tpu.memref_squeeze %dma_wait3A_174 : memref<1x1x128xi32, #tpu.memory_space<hbm>> -> memref<128xi32, #tpu.memory_space<hbm>>
      %dma_wait3A_176 = arith.constant 0 : i32
      %dma_wait3A_177 = tpu.memref_slice %arg9[%dma_wait3A_169, %dma_wait3A_176] : memref<2x128xi32, #tpu.memory_space<vmem>> -> memref<1x128xi32, #tpu.memory_space<vmem>>
      %dma_wait3A_178 = tpu.memref_squeeze %dma_wait3A_177 : memref<1x128xi32, #tpu.memory_space<vmem>> -> memref<128xi32, #tpu.memory_space<vmem>>
      %dma_wait3A_179 = arith.constant 0 : i32
      %dma_wait3A_180 = tpu.memref_slice %arg5[%arg1, %dma_wait3A_168, %dma_wait3A_179] : memref<16x80x128xi32, #tpu.memory_space<hbm>> -> memref<1x1x128xi32, #tpu.memory_space<hbm>>
      %dma_wait3A_181 = tpu.memref_squeeze %dma_wait3A_180 : memref<1x1x128xi32, #tpu.memory_space<hbm>> -> memref<128xi32, #tpu.memory_space<hbm>>
      tpu.wait_dma2 semaphore(%arg20 : memref<!tpu.dma_semaphore, #tpu.memory_space<semaphore_mem>>) src(%dma_wait3A_181 : memref<128xi32, #tpu.memory_space<hbm>>) dst(%dma_wait3A_178 : memref<128xi32, #tpu.memory_space<vmem>>)
      %dma_start3A_182 = arith.constant 1 : i32
      %dma_start3A_183 = arith.constant 0 : i32
      %dma_start3A_184 = tpu.memref_slice %arg9[%dma_start3A_182, %dma_start3A_183] : memref<2x128xi32, #tpu.memory_space<vmem>> -> memref<1x128xi32, #tpu.memory_space<vmem>>
      %dma_start3A_185 = tpu.memref_squeeze %dma_start3A_184 : memref<1x128xi32, #tpu.memory_space<vmem>> -> memref<128xi32, #tpu.memory_space<vmem>>
      %dma_start3A_186 = arith.constant 0 : i32
      %dma_start3A_187 = arith.constant 0 : i32
      %dma_start3A_188 = tpu.memref_slice %arg12[%dma_start3A_186, %dma_start3A_187] : memref<10240x128xf32, #tpu.memory_space<vmem_shared>> -> memref<10240x128xf32, #tpu.memory_space<vmem_shared>>
      tpu.enqueue_indirect_dma source(%arg11 : memref<128x128xf32, #tpu.memory_space<vmem>>) target(%dma_start3A_188 : memref<10240x128xf32, #tpu.memory_space<vmem_shared>>) offsets(%dma_start3A_185 : memref<128xi32, #tpu.memory_space<vmem>>) semaphore(%arg16 : memref<!tpu.dma_semaphore, #tpu.memory_space<semaphore_mem>>) {add = true}
      %dma_wait3A_189 = arith.constant 0 : i32
      %dma_wait3A_190 = arith.constant 0 : i32
      %dma_wait3A_191 = tpu.memref_slice %arg9[%dma_wait3A_189, %dma_wait3A_190] : memref<2x128xi32, #tpu.memory_space<vmem>> -> memref<1x128xi32, #tpu.memory_space<vmem>>
      %dma_wait3A_192 = tpu.memref_squeeze %dma_wait3A_191 : memref<1x128xi32, #tpu.memory_space<vmem>> -> memref<128xi32, #tpu.memory_space<vmem>>
      %dma_wait3A_193 = arith.constant 0 : i32
      %dma_wait3A_194 = arith.constant 0 : i32
      %dma_wait3A_195 = tpu.memref_slice %arg12[%dma_wait3A_193, %dma_wait3A_194] : memref<10240x128xf32, #tpu.memory_space<vmem_shared>> -> memref<10240x128xf32, #tpu.memory_space<vmem_shared>>
      tpu.wait_indirect_dma semaphore(%arg15 : memref<!tpu.dma_semaphore, #tpu.memory_space<semaphore_mem>>) src(%arg10 : memref<128x128xf32, #tpu.memory_space<vmem>>) dst(%dma_wait3A_195 : memref<10240x128xf32, #tpu.memory_space<vmem_shared>>)
      %dma_wait3A_196 = arith.constant 1 : i32
      %dma_wait3A_197 = arith.constant 0 : i32
      %dma_wait3A_198 = tpu.memref_slice %arg9[%dma_wait3A_196, %dma_wait3A_197] : memref<2x128xi32, #tpu.memory_space<vmem>> -> memref<1x128xi32, #tpu.memory_space<vmem>>
      %dma_wait3A_199 = tpu.memref_squeeze %dma_wait3A_198 : memref<1x128xi32, #tpu.memory_space<vmem>> -> memref<128xi32, #tpu.memory_space<vmem>>
      %dma_wait3A_200 = arith.constant 0 : i32
      %dma_wait3A_201 = arith.constant 0 : i32
      %dma_wait3A_202 = tpu.memref_slice %arg12[%dma_wait3A_200, %dma_wait3A_201] : memref<10240x128xf32, #tpu.memory_space<vmem_shared>> -> memref<10240x128xf32, #tpu.memory_space<vmem_shared>>
      tpu.wait_indirect_dma semaphore(%arg16 : memref<!tpu.dma_semaphore, #tpu.memory_space<semaphore_mem>>) src(%arg11 : memref<128x128xf32, #tpu.memory_space<vmem>>) dst(%dma_wait3A_202 : memref<10240x128xf32, #tpu.memory_space<vmem_shared>>)
      %barrier3A_203 = arith.constant 0 : index
      tpu.barrier barrier_id(%barrier3A_203)
      %mul3A_204 = arith.constant 640 : i32
      %mul3A_205 = arith.muli %arg1, %mul3A_204 : i32
      "tpu.region"() ({
        %run_scoped3A = tpu.sem_alloc : memref<!tpu.dma_semaphore, #tpu.memory_space<semaphore_mem>>
        %dma_start3A_206 = arith.constant 0 : i32
        %dma_start3A_207 = tpu.memref_slice %arg6[%mul3A_205, %dma_start3A_206] : memref<10240x128xf32, #tpu.memory_space<hbm>> -> memref<640x128xf32, #tpu.memory_space<hbm>>
        %dma_start3A_208 = arith.constant 0 : i32
        %dma_start3A_209 = tpu.memref_slice %arg12[%mul3A_205, %dma_start3A_208] : memref<10240x128xf32, #tpu.memory_space<vmem_shared>> -> memref<640x128xf32, #tpu.memory_space<vmem_shared>>
        tpu.enqueue_dma source(%dma_start3A_209 : memref<640x128xf32, #tpu.memory_space<vmem_shared>>) target(%dma_start3A_207 : memref<640x128xf32, #tpu.memory_space<hbm>>) target_semaphore(%run_scoped3A : memref<!tpu.dma_semaphore, #tpu.memory_space<semaphore_mem>>)
        %dma_wait3A_210 = arith.constant 0 : i32
        %dma_wait3A_211 = tpu.memref_slice %arg6[%mul3A_205, %dma_wait3A_210] : memref<10240x128xf32, #tpu.memory_space<hbm>> -> memref<640x128xf32, #tpu.memory_space<hbm>>
        %dma_wait3A_212 = arith.constant 0 : i32
        %dma_wait3A_213 = tpu.memref_slice %arg12[%mul3A_205, %dma_wait3A_212] : memref<10240x128xf32, #tpu.memory_space<vmem_shared>> -> memref<640x128xf32, #tpu.memory_space<vmem_shared>>
        tpu.wait_dma2 semaphore(%run_scoped3A : memref<!tpu.dma_semaphore, #tpu.memory_space<semaphore_mem>>) src(%dma_wait3A_213 : memref<640x128xf32, #tpu.memory_space<vmem_shared>>) dst(%dma_wait3A_211 : memref<640x128xf32, #tpu.memory_space<hbm>>)
        tpu.yield
      }) : () -> ()
    } else {
    }
    %eq3A_3 = arith.constant 1 : i32
    %eq3A_4 = arith.cmpi eq, %arg0, %eq3A_3 : i32
    %convert_element_type3A_5 = arith.extui %eq3A_4 : i1 to i32
    %cond3A_6 = arith.constant 0 : i32
    %cond3A_7 = arith.cmpi ne, %convert_element_type3A_5, %cond3A_6 : i32
    scf.if %cond3A_7 {
      %scan3A = arith.constant 0 : i32
      %scan3A_8 = arith.constant 0 : i32
      %scan3A_9 = arith.constant 128 : i32
      %scan3A_10 = arith.addi %scan3A_8, %scan3A_9 : i32
      %scan3A_11 = arith.constant 1 : i32
      scf.for %scan3A_206 = %scan3A_8 to %scan3A_10 step %scan3A_11  : i32 {
        %swap3A = arith.index_cast %scan3A_206 : i32 to index
        %swap3A_207 = arith.constant 0 : index
        %swap3A_208 = tpu.vector_load %arg10[%swap3A, %swap3A_207] {strides = array<i32>} : memref<128x128xf32, #tpu.memory_space<vmem>>, vector<1x16xf32>,
        %swap3A_209 = vector.shape_cast %swap3A_208 : vector<1x16xf32> to vector<16xf32>
        %swap3A_210 = vector.shape_cast %broadcast_in_dim3A_0 : vector<16xf32> to vector<1x16xf32>
        tpu.vector_store %arg10[%swap3A, %swap3A_207], %swap3A_210 {strides = array<i32>} : memref<128x128xf32, #tpu.memory_space<vmem>>, vector<1x16xf32>,
        %swap3A_211 = arith.index_cast %scan3A_206 : i32 to index
        %swap3A_212 = arith.constant 16 : index
        %swap3A_213 = tpu.vector_load %arg10[%swap3A_211, %swap3A_212] {strides = array<i32>} : memref<128x128xf32, #tpu.memory_space<vmem>>, vector<1x16xf32>,
        %swap3A_214 = vector.shape_cast %swap3A_213 : vector<1x16xf32> to vector<16xf32>
        %swap3A_215 = vector.shape_cast %broadcast_in_dim3A_0 : vector<16xf32> to vector<1x16xf32>
        tpu.vector_store %arg10[%swap3A_211, %swap3A_212], %swap3A_215 {strides = array<i32>} : memref<128x128xf32, #tpu.memory_space<vmem>>, vector<1x16xf32>,
        %swap3A_216 = arith.index_cast %scan3A_206 : i32 to index
        %swap3A_217 = arith.constant 32 : index
        %swap3A_218 = tpu.vector_load %arg10[%swap3A_216, %swap3A_217] {strides = array<i32>} : memref<128x128xf32, #tpu.memory_space<vmem>>, vector<1x16xf32>,
        %swap3A_219 = vector.shape_cast %swap3A_218 : vector<1x16xf32> to vector<16xf32>
        %swap3A_220 = vector.shape_cast %broadcast_in_dim3A_0 : vector<16xf32> to vector<1x16xf32>
        tpu.vector_store %arg10[%swap3A_216, %swap3A_217], %swap3A_220 {strides = array<i32>} : memref<128x128xf32, #tpu.memory_space<vmem>>, vector<1x16xf32>,
        %swap3A_221 = arith.index_cast %scan3A_206 : i32 to index
        %swap3A_222 = arith.constant 48 : index
        %swap3A_223 = tpu.vector_load %arg10[%swap3A_221, %swap3A_222] {strides = array<i32>} : memref<128x128xf32, #tpu.memory_space<vmem>>, vector<1x16xf32>,
        %swap3A_224 = vector.shape_cast %swap3A_223 : vector<1x16xf32> to vector<16xf32>
        %swap3A_225 = vector.shape_cast %broadcast_in_dim3A_0 : vector<16xf32> to vector<1x16xf32>
        tpu.vector_store %arg10[%swap3A_221, %swap3A_222], %swap3A_225 {strides = array<i32>} : memref<128x128xf32, #tpu.memory_space<vmem>>, vector<1x16xf32>,
        %swap3A_226 = arith.index_cast %scan3A_206 : i32 to index
        %swap3A_227 = arith.constant 64 : index
        %swap3A_228 = tpu.vector_load %arg10[%swap3A_226, %swap3A_227] {strides = array<i32>} : memref<128x128xf32, #tpu.memory_space<vmem>>, vector<1x16xf32>,
        %swap3A_229 = vector.shape_cast %swap3A_228 : vector<1x16xf32> to vector<16xf32>
        %swap3A_230 = vector.shape_cast %broadcast_in_dim3A_0 : vector<16xf32> to vector<1x16xf32>
        tpu.vector_store %arg10[%swap3A_226, %swap3A_227], %swap3A_230 {strides = array<i32>} : memref<128x128xf32, #tpu.memory_space<vmem>>, vector<1x16xf32>,
        %swap3A_231 = arith.index_cast %scan3A_206 : i32 to index
        %swap3A_232 = arith.constant 80 : index
        %swap3A_233 = tpu.vector_load %arg10[%swap3A_231, %swap3A_232] {strides = array<i32>} : memref<128x128xf32, #tpu.memory_space<vmem>>, vector<1x16xf32>,
        %swap3A_234 = vector.shape_cast %swap3A_233 : vector<1x16xf32> to vector<16xf32>
        %swap3A_235 = vector.shape_cast %broadcast_in_dim3A_0 : vector<16xf32> to vector<1x16xf32>
        tpu.vector_store %arg10[%swap3A_231, %swap3A_232], %swap3A_235 {strides = array<i32>} : memref<128x128xf32, #tpu.memory_space<vmem>>, vector<1x16xf32>,
        %swap3A_236 = arith.index_cast %scan3A_206 : i32 to index
        %swap3A_237 = arith.constant 96 : index
        %swap3A_238 = tpu.vector_load %arg10[%swap3A_236, %swap3A_237] {strides = array<i32>} : memref<128x128xf32, #tpu.memory_space<vmem>>, vector<1x16xf32>,
        %swap3A_239 = vector.shape_cast %swap3A_238 : vector<1x16xf32> to vector<16xf32>
        %swap3A_240 = vector.shape_cast %broadcast_in_dim3A_0 : vector<16xf32> to vector<1x16xf32>
        tpu.vector_store %arg10[%swap3A_236, %swap3A_237], %swap3A_240 {strides = array<i32>} : memref<128x128xf32, #tpu.memory_space<vmem>>, vector<1x16xf32>,
        %swap3A_241 = arith.index_cast %scan3A_206 : i32 to index
        %swap3A_242 = arith.constant 112 : index
        %swap3A_243 = tpu.vector_load %arg10[%swap3A_241, %swap3A_242] {strides = array<i32>} : memref<128x128xf32, #tpu.memory_space<vmem>>, vector<1x16xf32>,
        %swap3A_244 = vector.shape_cast %swap3A_243 : vector<1x16xf32> to vector<16xf32>
        %swap3A_245 = vector.shape_cast %broadcast_in_dim3A_0 : vector<16xf32> to vector<1x16xf32>
        tpu.vector_store %arg10[%swap3A_241, %swap3A_242], %swap3A_245 {strides = array<i32>} : memref<128x128xf32, #tpu.memory_space<vmem>>, vector<1x16xf32>,
      }
      %scan3A_12 = arith.constant 128 : i32
      %mul3A = arith.constant 640 : i32
      %mul3A_13 = arith.muli %arg1, %mul3A : i32
      %add3A = arith.constant 0 : i32
      %add3A_14 = arith.addi %mul3A_13, %add3A : i32
      "tpu.region"() ({
        %run_scoped3A = tpu.sem_alloc : memref<!tpu.dma_semaphore, #tpu.memory_space<semaphore_mem>>
        %dma_start3A_206 = arith.constant 0 : i32
        %dma_start3A_207 = tpu.memref_slice %arg12[%add3A_14, %dma_start3A_206] : memref<10240x128xf32, #tpu.memory_space<vmem_shared>> -> memref<128x128xf32, #tpu.memory_space<vmem_shared>>
        %dma_start3A_208 = arith.constant 0 : i32
        %dma_start3A_209 = tpu.memref_slice %arg12[%add3A_14, %dma_start3A_208] : memref<10240x128xf32, #tpu.memory_space<vmem_shared>> -> memref<128x128xf32, #tpu.memory_space<vmem_shared>>
        tpu.enqueue_dma source(%arg10 : memref<128x128xf32, #tpu.memory_space<vmem>>) target(%dma_start3A_209 : memref<128x128xf32, #tpu.memory_space<vmem_shared>>) target_semaphore(%run_scoped3A : memref<!tpu.dma_semaphore, #tpu.memory_space<semaphore_mem>>)
        %dma_wait3A_210 = arith.constant 0 : i32
        %dma_wait3A_211 = tpu.memref_slice %arg12[%add3A_14, %dma_wait3A_210] : memref<10240x128xf32, #tpu.memory_space<vmem_shared>> -> memref<128x128xf32, #tpu.memory_space<vmem_shared>>
        %dma_wait3A_212 = arith.constant 0 : i32
        %dma_wait3A_213 = tpu.memref_slice %arg12[%add3A_14, %dma_wait3A_212] : memref<10240x128xf32, #tpu.memory_space<vmem_shared>> -> memref<128x128xf32, #tpu.memory_space<vmem_shared>>
        tpu.wait_dma2 semaphore(%run_scoped3A : memref<!tpu.dma_semaphore, #tpu.memory_space<semaphore_mem>>) src(%arg10 : memref<128x128xf32, #tpu.memory_space<vmem>>) dst(%dma_wait3A_213 : memref<128x128xf32, #tpu.memory_space<vmem_shared>>)
        tpu.yield
      }) : () -> ()
      %mul3A_15 = arith.constant 640 : i32
      %mul3A_16 = arith.muli %arg1, %mul3A_15 : i32
      %add3A_17 = arith.constant 128 : i32
      %add3A_18 = arith.addi %mul3A_16, %add3A_17 : i32
      "tpu.region"() ({
        %run_scoped3A = tpu.sem_alloc : memref<!tpu.dma_semaphore, #tpu.memory_space<semaphore_mem>>
        %dma_start3A_206 = arith.constant 0 : i32
        %dma_start3A_207 = tpu.memref_slice %arg12[%add3A_18, %dma_start3A_206] : memref<10240x128xf32, #tpu.memory_space<vmem_shared>> -> memref<128x128xf32, #tpu.memory_space<vmem_shared>>
        %dma_start3A_208 = arith.constant 0 : i32
        %dma_start3A_209 = tpu.memref_slice %arg12[%add3A_18, %dma_start3A_208] : memref<10240x128xf32, #tpu.memory_space<vmem_shared>> -> memref<128x128xf32, #tpu.memory_space<vmem_shared>>
        tpu.enqueue_dma source(%arg10 : memref<128x128xf32, #tpu.memory_space<vmem>>) target(%dma_start3A_209 : memref<128x128xf32, #tpu.memory_space<vmem_shared>>) target_semaphore(%run_scoped3A : memref<!tpu.dma_semaphore, #tpu.memory_space<semaphore_mem>>)
        %dma_wait3A_210 = arith.constant 0 : i32
        %dma_wait3A_211 = tpu.memref_slice %arg12[%add3A_18, %dma_wait3A_210] : memref<10240x128xf32, #tpu.memory_space<vmem_shared>> -> memref<128x128xf32, #tpu.memory_space<vmem_shared>>
        %dma_wait3A_212 = arith.constant 0 : i32
        %dma_wait3A_213 = tpu.memref_slice %arg12[%add3A_18, %dma_wait3A_212] : memref<10240x128xf32, #tpu.memory_space<vmem_shared>> -> memref<128x128xf32, #tpu.memory_space<vmem_shared>>
        tpu.wait_dma2 semaphore(%run_scoped3A : memref<!tpu.dma_semaphore, #tpu.memory_space<semaphore_mem>>) src(%arg10 : memref<128x128xf32, #tpu.memory_space<vmem>>) dst(%dma_wait3A_213 : memref<128x128xf32, #tpu.memory_space<vmem_shared>>)
        tpu.yield
      }) : () -> ()
      %mul3A_19 = arith.constant 640 : i32
      %mul3A_20 = arith.muli %arg1, %mul3A_19 : i32
      %add3A_21 = arith.constant 256 : i32
      %add3A_22 = arith.addi %mul3A_20, %add3A_21 : i32
      "tpu.region"() ({
        %run_scoped3A = tpu.sem_alloc : memref<!tpu.dma_semaphore, #tpu.memory_space<semaphore_mem>>
        %dma_start3A_206 = arith.constant 0 : i32
        %dma_start3A_207 = tpu.memref_slice %arg12[%add3A_22, %dma_start3A_206] : memref<10240x128xf32, #tpu.memory_space<vmem_shared>> -> memref<128x128xf32, #tpu.memory_space<vmem_shared>>
        %dma_start3A_208 = arith.constant 0 : i32
        %dma_start3A_209 = tpu.memref_slice %arg12[%add3A_22, %dma_start3A_208] : memref<10240x128xf32, #tpu.memory_space<vmem_shared>> -> memref<128x128xf32, #tpu.memory_space<vmem_shared>>
        tpu.enqueue_dma source(%arg10 : memref<128x128xf32, #tpu.memory_space<vmem>>) target(%dma_start3A_209 : memref<128x128xf32, #tpu.memory_space<vmem_shared>>) target_semaphore(%run_scoped3A : memref<!tpu.dma_semaphore, #tpu.memory_space<semaphore_mem>>)
        %dma_wait3A_210 = arith.constant 0 : i32
        %dma_wait3A_211 = tpu.memref_slice %arg12[%add3A_22, %dma_wait3A_210] : memref<10240x128xf32, #tpu.memory_space<vmem_shared>> -> memref<128x128xf32, #tpu.memory_space<vmem_shared>>
        %dma_wait3A_212 = arith.constant 0 : i32
        %dma_wait3A_213 = tpu.memref_slice %arg12[%add3A_22, %dma_wait3A_212] : memref<10240x128xf32, #tpu.memory_space<vmem_shared>> -> memref<128x128xf32, #tpu.memory_space<vmem_shared>>
        tpu.wait_dma2 semaphore(%run_scoped3A : memref<!tpu.dma_semaphore, #tpu.memory_space<semaphore_mem>>) src(%arg10 : memref<128x128xf32, #tpu.memory_space<vmem>>) dst(%dma_wait3A_213 : memref<128x128xf32, #tpu.memory_space<vmem_shared>>)
        tpu.yield
      }) : () -> ()
      %mul3A_23 = arith.constant 640 : i32
      %mul3A_24 = arith.muli %arg1, %mul3A_23 : i32
      %add3A_25 = arith.constant 384 : i32
      %add3A_26 = arith.addi %mul3A_24, %add3A_25 : i32
      "tpu.region"() ({
        %run_scoped3A = tpu.sem_alloc : memref<!tpu.dma_semaphore, #tpu.memory_space<semaphore_mem>>
        %dma_start3A_206 = arith.constant 0 : i32
        %dma_start3A_207 = tpu.memref_slice %arg12[%add3A_26, %dma_start3A_206] : memref<10240x128xf32, #tpu.memory_space<vmem_shared>> -> memref<128x128xf32, #tpu.memory_space<vmem_shared>>
        %dma_start3A_208 = arith.constant 0 : i32
        %dma_start3A_209 = tpu.memref_slice %arg12[%add3A_26, %dma_start3A_208] : memref<10240x128xf32, #tpu.memory_space<vmem_shared>> -> memref<128x128xf32, #tpu.memory_space<vmem_shared>>
        tpu.enqueue_dma source(%arg10 : memref<128x128xf32, #tpu.memory_space<vmem>>) target(%dma_start3A_209 : memref<128x128xf32, #tpu.memory_space<vmem_shared>>) target_semaphore(%run_scoped3A : memref<!tpu.dma_semaphore, #tpu.memory_space<semaphore_mem>>)
        %dma_wait3A_210 = arith.constant 0 : i32
        %dma_wait3A_211 = tpu.memref_slice %arg12[%add3A_26, %dma_wait3A_210] : memref<10240x128xf32, #tpu.memory_space<vmem_shared>> -> memref<128x128xf32, #tpu.memory_space<vmem_shared>>
        %dma_wait3A_212 = arith.constant 0 : i32
        %dma_wait3A_213 = tpu.memref_slice %arg12[%add3A_26, %dma_wait3A_212] : memref<10240x128xf32, #tpu.memory_space<vmem_shared>> -> memref<128x128xf32, #tpu.memory_space<vmem_shared>>
        tpu.wait_dma2 semaphore(%run_scoped3A : memref<!tpu.dma_semaphore, #tpu.memory_space<semaphore_mem>>) src(%arg10 : memref<128x128xf32, #tpu.memory_space<vmem>>) dst(%dma_wait3A_213 : memref<128x128xf32, #tpu.memory_space<vmem_shared>>)
        tpu.yield
      }) : () -> ()
      %mul3A_27 = arith.constant 640 : i32
      %mul3A_28 = arith.muli %arg1, %mul3A_27 : i32
      %add3A_29 = arith.constant 512 : i32
      %add3A_30 = arith.addi %mul3A_28, %add3A_29 : i32
      "tpu.region"() ({
        %run_scoped3A = tpu.sem_alloc : memref<!tpu.dma_semaphore, #tpu.memory_space<semaphore_mem>>
        %dma_start3A_206 = arith.constant 0 : i32
        %dma_start3A_207 = tpu.memref_slice %arg12[%add3A_30, %dma_start3A_206] : memref<10240x128xf32, #tpu.memory_space<vmem_shared>> -> memref<128x128xf32, #tpu.memory_space<vmem_shared>>
        %dma_start3A_208 = arith.constant 0 : i32
        %dma_start3A_209 = tpu.memref_slice %arg12[%add3A_30, %dma_start3A_208] : memref<10240x128xf32, #tpu.memory_space<vmem_shared>> -> memref<128x128xf32, #tpu.memory_space<vmem_shared>>
        tpu.enqueue_dma source(%arg10 : memref<128x128xf32, #tpu.memory_space<vmem>>) target(%dma_start3A_209 : memref<128x128xf32, #tpu.memory_space<vmem_shared>>) target_semaphore(%run_scoped3A : memref<!tpu.dma_semaphore, #tpu.memory_space<semaphore_mem>>)
        %dma_wait3A_210 = arith.constant 0 : i32
        %dma_wait3A_211 = tpu.memref_slice %arg12[%add3A_30, %dma_wait3A_210] : memref<10240x128xf32, #tpu.memory_space<vmem_shared>> -> memref<128x128xf32, #tpu.memory_space<vmem_shared>>
        %dma_wait3A_212 = arith.constant 0 : i32
        %dma_wait3A_213 = tpu.memref_slice %arg12[%add3A_30, %dma_wait3A_212] : memref<10240x128xf32, #tpu.memory_space<vmem_shared>> -> memref<128x128xf32, #tpu.memory_space<vmem_shared>>
        tpu.wait_dma2 semaphore(%run_scoped3A : memref<!tpu.dma_semaphore, #tpu.memory_space<semaphore_mem>>) src(%arg10 : memref<128x128xf32, #tpu.memory_space<vmem>>) dst(%dma_wait3A_213 : memref<128x128xf32, #tpu.memory_space<vmem_shared>>)
        tpu.yield
      }) : () -> ()
      %barrier3A = arith.constant 0 : index
      tpu.barrier barrier_id(%barrier3A)
      %dma_start3A = arith.constant 0 : i32
      %dma_start3A_31 = arith.constant 0 : i32
      %dma_start3A_32 = arith.constant 0 : i32
      %dma_start3A_33 = tpu.memref_slice %arg8[%dma_start3A_31, %dma_start3A_32] : memref<2x128xi32, #tpu.memory_space<vmem>> -> memref<1x128xi32, #tpu.memory_space<vmem>>
      %dma_start3A_34 = tpu.memref_squeeze %dma_start3A_33 : memref<1x128xi32, #tpu.memory_space<vmem>> -> memref<128xi32, #tpu.memory_space<vmem>>
      %dma_start3A_35 = arith.constant 0 : i32
      %dma_start3A_36 = tpu.memref_slice %arg4[%arg1, %dma_start3A, %dma_start3A_35] : memref<16x80x128xi32, #tpu.memory_space<hbm>> -> memref<1x1x128xi32, #tpu.memory_space<hbm>>
      %dma_start3A_37 = tpu.memref_squeeze %dma_start3A_36 : memref<1x1x128xi32, #tpu.memory_space<hbm>> -> memref<128xi32, #tpu.memory_space<hbm>>
      %dma_start3A_38 = arith.constant 0 : i32
      %dma_start3A_39 = tpu.memref_slice %arg8[%dma_start3A_31, %dma_start3A_38] : memref<2x128xi32, #tpu.memory_space<vmem>> -> memref<1x128xi32, #tpu.memory_space<vmem>>
      %dma_start3A_40 = tpu.memref_squeeze %dma_start3A_39 : memref<1x128xi32, #tpu.memory_space<vmem>> -> memref<128xi32, #tpu.memory_space<vmem>>
      %dma_start3A_41 = arith.constant 0 : i32
      %dma_start3A_42 = tpu.memref_slice %arg4[%arg1, %dma_start3A, %dma_start3A_41] : memref<16x80x128xi32, #tpu.memory_space<hbm>> -> memref<1x1x128xi32, #tpu.memory_space<hbm>>
      %dma_start3A_43 = tpu.memref_squeeze %dma_start3A_42 : memref<1x1x128xi32, #tpu.memory_space<hbm>> -> memref<128xi32, #tpu.memory_space<hbm>>
      tpu.enqueue_dma source(%dma_start3A_43 : memref<128xi32, #tpu.memory_space<hbm>>) target(%dma_start3A_40 : memref<128xi32, #tpu.memory_space<vmem>>) target_semaphore(%arg17 : memref<!tpu.dma_semaphore, #tpu.memory_space<semaphore_mem>>)
      %dma_start3A_44 = arith.constant 0 : i32
      %dma_start3A_45 = arith.constant 0 : i32
      %dma_start3A_46 = arith.constant 0 : i32
      %dma_start3A_47 = tpu.memref_slice %arg9[%dma_start3A_45, %dma_start3A_46] : memref<2x128xi32, #tpu.memory_space<vmem>> -> memref<1x128xi32, #tpu.memory_space<vmem>>
      %dma_start3A_48 = tpu.memref_squeeze %dma_start3A_47 : memref<1x128xi32, #tpu.memory_space<vmem>> -> memref<128xi32, #tpu.memory_space<vmem>>
      %dma_start3A_49 = arith.constant 0 : i32
      %dma_start3A_50 = tpu.memref_slice %arg5[%arg1, %dma_start3A_44, %dma_start3A_49] : memref<16x80x128xi32, #tpu.memory_space<hbm>> -> memref<1x1x128xi32, #tpu.memory_space<hbm>>
      %dma_start3A_51 = tpu.memref_squeeze %dma_start3A_50 : memref<1x1x128xi32, #tpu.memory_space<hbm>> -> memref<128xi32, #tpu.memory_space<hbm>>
      %dma_start3A_52 = arith.constant 0 : i32
      %dma_start3A_53 = tpu.memref_slice %arg9[%dma_start3A_45, %dma_start3A_52] : memref<2x128xi32, #tpu.memory_space<vmem>> -> memref<1x128xi32, #tpu.memory_space<vmem>>
      %dma_start3A_54 = tpu.memref_squeeze %dma_start3A_53 : memref<1x128xi32, #tpu.memory_space<vmem>> -> memref<128xi32, #tpu.memory_space<vmem>>
      %dma_start3A_55 = arith.constant 0 : i32
      %dma_start3A_56 = tpu.memref_slice %arg5[%arg1, %dma_start3A_44, %dma_start3A_55] : memref<16x80x128xi32, #tpu.memory_space<hbm>> -> memref<1x1x128xi32, #tpu.memory_space<hbm>>
      %dma_start3A_57 = tpu.memref_squeeze %dma_start3A_56 : memref<1x1x128xi32, #tpu.memory_space<hbm>> -> memref<128xi32, #tpu.memory_space<hbm>>
      tpu.enqueue_dma source(%dma_start3A_57 : memref<128xi32, #tpu.memory_space<hbm>>) target(%dma_start3A_54 : memref<128xi32, #tpu.memory_space<vmem>>) target_semaphore(%arg19 : memref<!tpu.dma_semaphore, #tpu.memory_space<semaphore_mem>>)
      %dma_start3A_58 = arith.constant 1 : i32
      %dma_start3A_59 = arith.constant 1 : i32
      %dma_start3A_60 = arith.constant 0 : i32
      %dma_start3A_61 = tpu.memref_slice %arg8[%dma_start3A_59, %dma_start3A_60] : memref<2x128xi32, #tpu.memory_space<vmem>> -> memref<1x128xi32, #tpu.memory_space<vmem>>
      %dma_start3A_62 = tpu.memref_squeeze %dma_start3A_61 : memref<1x128xi32, #tpu.memory_space<vmem>> -> memref<128xi32, #tpu.memory_space<vmem>>
      %dma_start3A_63 = arith.constant 0 : i32
      %dma_start3A_64 = tpu.memref_slice %arg4[%arg1, %dma_start3A_58, %dma_start3A_63] : memref<16x80x128xi32, #tpu.memory_space<hbm>> -> memref<1x1x128xi32, #tpu.memory_space<hbm>>
      %dma_start3A_65 = tpu.memref_squeeze %dma_start3A_64 : memref<1x1x128xi32, #tpu.memory_space<hbm>> -> memref<128xi32, #tpu.memory_space<hbm>>
      %dma_start3A_66 = arith.constant 0 : i32
      %dma_start3A_67 = tpu.memref_slice %arg8[%dma_start3A_59, %dma_start3A_66] : memref<2x128xi32, #tpu.memory_space<vmem>> -> memref<1x128xi32, #tpu.memory_space<vmem>>
      %dma_start3A_68 = tpu.memref_squeeze %dma_start3A_67 : memref<1x128xi32, #tpu.memory_space<vmem>> -> memref<128xi32, #tpu.memory_space<vmem>>
      %dma_start3A_69 = arith.constant 0 : i32
      %dma_start3A_70 = tpu.memref_slice %arg4[%arg1, %dma_start3A_58, %dma_start3A_69] : memref<16x80x128xi32, #tpu.memory_space<hbm>> -> memref<1x1x128xi32, #tpu.memory_space<hbm>>
      %dma_start3A_71 = tpu.memref_squeeze %dma_start3A_70 : memref<1x1x128xi32, #tpu.memory_space<hbm>> -> memref<128xi32, #tpu.memory_space<hbm>>
      tpu.enqueue_dma source(%dma_start3A_71 : memref<128xi32, #tpu.memory_space<hbm>>) target(%dma_start3A_68 : memref<128xi32, #tpu.memory_space<vmem>>) target_semaphore(%arg18 : memref<!tpu.dma_semaphore, #tpu.memory_space<semaphore_mem>>)
      %dma_start3A_72 = arith.constant 1 : i32
      %dma_start3A_73 = arith.constant 1 : i32
      %dma_start3A_74 = arith.constant 0 : i32
      %dma_start3A_75 = tpu.memref_slice %arg9[%dma_start3A_73, %dma_start3A_74] : memref<2x128xi32, #tpu.memory_space<vmem>> -> memref<1x128xi32, #tpu.memory_space<vmem>>
      %dma_start3A_76 = tpu.memref_squeeze %dma_start3A_75 : memref<1x128xi32, #tpu.memory_space<vmem>> -> memref<128xi32, #tpu.memory_space<vmem>>
      %dma_start3A_77 = arith.constant 0 : i32
      %dma_start3A_78 = tpu.memref_slice %arg5[%arg1, %dma_start3A_72, %dma_start3A_77] : memref<16x80x128xi32, #tpu.memory_space<hbm>> -> memref<1x1x128xi32, #tpu.memory_space<hbm>>
      %dma_start3A_79 = tpu.memref_squeeze %dma_start3A_78 : memref<1x1x128xi32, #tpu.memory_space<hbm>> -> memref<128xi32, #tpu.memory_space<hbm>>
      %dma_start3A_80 = arith.constant 0 : i32
      %dma_start3A_81 = tpu.memref_slice %arg9[%dma_start3A_73, %dma_start3A_80] : memref<2x128xi32, #tpu.memory_space<vmem>> -> memref<1x128xi32, #tpu.memory_space<vmem>>
      %dma_start3A_82 = tpu.memref_squeeze %dma_start3A_81 : memref<1x128xi32, #tpu.memory_space<vmem>> -> memref<128xi32, #tpu.memory_space<vmem>>
      %dma_start3A_83 = arith.constant 0 : i32
      %dma_start3A_84 = tpu.memref_slice %arg5[%arg1, %dma_start3A_72, %dma_start3A_83] : memref<16x80x128xi32, #tpu.memory_space<hbm>> -> memref<1x1x128xi32, #tpu.memory_space<hbm>>
      %dma_start3A_85 = tpu.memref_squeeze %dma_start3A_84 : memref<1x1x128xi32, #tpu.memory_space<hbm>> -> memref<128xi32, #tpu.memory_space<hbm>>
      tpu.enqueue_dma source(%dma_start3A_85 : memref<128xi32, #tpu.memory_space<hbm>>) target(%dma_start3A_82 : memref<128xi32, #tpu.memory_space<vmem>>) target_semaphore(%arg20 : memref<!tpu.dma_semaphore, #tpu.memory_space<semaphore_mem>>)
      %dma_wait3A = arith.constant 0 : i32
      %dma_wait3A_86 = arith.constant 0 : i32
      %dma_wait3A_87 = arith.constant 0 : i32
      %dma_wait3A_88 = tpu.memref_slice %arg8[%dma_wait3A_86, %dma_wait3A_87] : memref<2x128xi32, #tpu.memory_space<vmem>> -> memref<1x128xi32, #tpu.memory_space<vmem>>
      %dma_wait3A_89 = tpu.memref_squeeze %dma_wait3A_88 : memref<1x128xi32, #tpu.memory_space<vmem>> -> memref<128xi32, #tpu.memory_space<vmem>>
      %dma_wait3A_90 = arith.constant 0 : i32
      %dma_wait3A_91 = tpu.memref_slice %arg4[%arg1, %dma_wait3A, %dma_wait3A_90] : memref<16x80x128xi32, #tpu.memory_space<hbm>> -> memref<1x1x128xi32, #tpu.memory_space<hbm>>
      %dma_wait3A_92 = tpu.memref_squeeze %dma_wait3A_91 : memref<1x1x128xi32, #tpu.memory_space<hbm>> -> memref<128xi32, #tpu.memory_space<hbm>>
      %dma_wait3A_93 = arith.constant 0 : i32
      %dma_wait3A_94 = tpu.memref_slice %arg8[%dma_wait3A_86, %dma_wait3A_93] : memref<2x128xi32, #tpu.memory_space<vmem>> -> memref<1x128xi32, #tpu.memory_space<vmem>>
      %dma_wait3A_95 = tpu.memref_squeeze %dma_wait3A_94 : memref<1x128xi32, #tpu.memory_space<vmem>> -> memref<128xi32, #tpu.memory_space<vmem>>
      %dma_wait3A_96 = arith.constant 0 : i32
      %dma_wait3A_97 = tpu.memref_slice %arg4[%arg1, %dma_wait3A, %dma_wait3A_96] : memref<16x80x128xi32, #tpu.memory_space<hbm>> -> memref<1x1x128xi32, #tpu.memory_space<hbm>>
      %dma_wait3A_98 = tpu.memref_squeeze %dma_wait3A_97 : memref<1x1x128xi32, #tpu.memory_space<hbm>> -> memref<128xi32, #tpu.memory_space<hbm>>
      tpu.wait_dma2 semaphore(%arg17 : memref<!tpu.dma_semaphore, #tpu.memory_space<semaphore_mem>>) src(%dma_wait3A_98 : memref<128xi32, #tpu.memory_space<hbm>>) dst(%dma_wait3A_95 : memref<128xi32, #tpu.memory_space<vmem>>)
      %dma_start3A_99 = arith.constant 0 : i32
      %dma_start3A_100 = arith.constant 0 : i32
      %dma_start3A_101 = tpu.memref_slice %arg8[%dma_start3A_99, %dma_start3A_100] : memref<2x128xi32, #tpu.memory_space<vmem>> -> memref<1x128xi32, #tpu.memory_space<vmem>>
      %dma_start3A_102 = tpu.memref_squeeze %dma_start3A_101 : memref<1x128xi32, #tpu.memory_space<vmem>> -> memref<128xi32, #tpu.memory_space<vmem>>
      %dma_start3A_103 = arith.constant 0 : i32
      %dma_start3A_104 = arith.constant 0 : i32
      %dma_start3A_105 = tpu.memref_slice %arg3[%dma_start3A_103, %dma_start3A_104] : memref<81920x128xf32, #tpu.memory_space<hbm>> -> memref<81920x128xf32, #tpu.memory_space<hbm>>
      tpu.enqueue_indirect_dma source(%dma_start3A_105 : memref<81920x128xf32, #tpu.memory_space<hbm>>) target(%arg10 : memref<128x128xf32, #tpu.memory_space<vmem>>) offsets(%dma_start3A_102 : memref<128xi32, #tpu.memory_space<vmem>>) semaphore(%arg13 : memref<!tpu.dma_semaphore, #tpu.memory_space<semaphore_mem>>)
      %dma_wait3A_106 = arith.constant 0 : i32
      %dma_wait3A_107 = arith.constant 1 : i32
      %dma_wait3A_108 = arith.constant 0 : i32
      %dma_wait3A_109 = tpu.memref_slice %arg8[%dma_wait3A_107, %dma_wait3A_108] : memref<2x128xi32, #tpu.memory_space<vmem>> -> memref<1x128xi32, #tpu.memory_space<vmem>>
      %dma_wait3A_110 = tpu.memref_squeeze %dma_wait3A_109 : memref<1x128xi32, #tpu.memory_space<vmem>> -> memref<128xi32, #tpu.memory_space<vmem>>
      %dma_wait3A_111 = arith.constant 0 : i32
      %dma_wait3A_112 = tpu.memref_slice %arg4[%arg1, %dma_wait3A_106, %dma_wait3A_111] : memref<16x80x128xi32, #tpu.memory_space<hbm>> -> memref<1x1x128xi32, #tpu.memory_space<hbm>>
      %dma_wait3A_113 = tpu.memref_squeeze %dma_wait3A_112 : memref<1x1x128xi32, #tpu.memory_space<hbm>> -> memref<128xi32, #tpu.memory_space<hbm>>
      %dma_wait3A_114 = arith.constant 0 : i32
      %dma_wait3A_115 = tpu.memref_slice %arg8[%dma_wait3A_107, %dma_wait3A_114] : memref<2x128xi32, #tpu.memory_space<vmem>> -> memref<1x128xi32, #tpu.memory_space<vmem>>
      %dma_wait3A_116 = tpu.memref_squeeze %dma_wait3A_115 : memref<1x128xi32, #tpu.memory_space<vmem>> -> memref<128xi32, #tpu.memory_space<vmem>>
      %dma_wait3A_117 = arith.constant 0 : i32
      %dma_wait3A_118 = tpu.memref_slice %arg4[%arg1, %dma_wait3A_106, %dma_wait3A_117] : memref<16x80x128xi32, #tpu.memory_space<hbm>> -> memref<1x1x128xi32, #tpu.memory_space<hbm>>
      %dma_wait3A_119 = tpu.memref_squeeze %dma_wait3A_118 : memref<1x1x128xi32, #tpu.memory_space<hbm>> -> memref<128xi32, #tpu.memory_space<hbm>>
      tpu.wait_dma2 semaphore(%arg18 : memref<!tpu.dma_semaphore, #tpu.memory_space<semaphore_mem>>) src(%dma_wait3A_119 : memref<128xi32, #tpu.memory_space<hbm>>) dst(%dma_wait3A_116 : memref<128xi32, #tpu.memory_space<vmem>>)
      %dma_start3A_120 = arith.constant 1 : i32
      %dma_start3A_121 = arith.constant 0 : i32
      %dma_start3A_122 = tpu.memref_slice %arg8[%dma_start3A_120, %dma_start3A_121] : memref<2x128xi32, #tpu.memory_space<vmem>> -> memref<1x128xi32, #tpu.memory_space<vmem>>
      %dma_start3A_123 = tpu.memref_squeeze %dma_start3A_122 : memref<1x128xi32, #tpu.memory_space<vmem>> -> memref<128xi32, #tpu.memory_space<vmem>>
      %dma_start3A_124 = arith.constant 0 : i32
      %dma_start3A_125 = arith.constant 0 : i32
      %dma_start3A_126 = tpu.memref_slice %arg3[%dma_start3A_124, %dma_start3A_125] : memref<81920x128xf32, #tpu.memory_space<hbm>> -> memref<81920x128xf32, #tpu.memory_space<hbm>>
      tpu.enqueue_indirect_dma source(%dma_start3A_126 : memref<81920x128xf32, #tpu.memory_space<hbm>>) target(%arg11 : memref<128x128xf32, #tpu.memory_space<vmem>>) offsets(%dma_start3A_123 : memref<128xi32, #tpu.memory_space<vmem>>) semaphore(%arg14 : memref<!tpu.dma_semaphore, #tpu.memory_space<semaphore_mem>>)
      %scan3A_127 = arith.constant 0 : i32
      %scan3A_128 = arith.constant 0 : i32
      %scan3A_129 = arith.constant 39 : i32
      %scan3A_130 = arith.addi %scan3A_128, %scan3A_129 : i32
      %scan3A_131 = arith.constant 1 : i32
      scf.for %scan3A_206 = %scan3A_128 to %scan3A_130 step %scan3A_131  : i32 {
        %mul3A_207 = arith.constant 2 : i32
        %mul3A_208 = arith.muli %mul3A_207, %scan3A_206 : i32
        %add3A_209 = arith.constant 0 : i32
        %add3A_210 = arith.addi %mul3A_208, %add3A_209 : i32
        %dma_wait3A_211 = arith.constant 0 : i32
        %dma_wait3A_212 = arith.constant 0 : i32
        %dma_wait3A_213 = tpu.memref_slice %arg8[%dma_wait3A_211, %dma_wait3A_212] : memref<2x128xi32, #tpu.memory_space<vmem>> -> memref<1x128xi32, #tpu.memory_space<vmem>>
        %dma_wait3A_214 = tpu.memref_squeeze %dma_wait3A_213 : memref<1x128xi32, #tpu.memory_space<vmem>> -> memref<128xi32, #tpu.memory_space<vmem>>
        %dma_wait3A_215 = arith.constant 0 : i32
        %dma_wait3A_216 = arith.constant 0 : i32
        %dma_wait3A_217 = tpu.memref_slice %arg3[%dma_wait3A_215, %dma_wait3A_216] : memref<81920x128xf32, #tpu.memory_space<hbm>> -> memref<81920x128xf32, #tpu.memory_space<hbm>>
        tpu.wait_indirect_dma semaphore(%arg13 : memref<!tpu.dma_semaphore, #tpu.memory_space<semaphore_mem>>) src(%dma_wait3A_217 : memref<81920x128xf32, #tpu.memory_space<hbm>>) dst(%arg10 : memref<128x128xf32, #tpu.memory_space<vmem>>)
        %dma_wait3A_218 = arith.constant 0 : i32
        %dma_wait3A_219 = arith.constant 0 : i32
        %dma_wait3A_220 = arith.constant 0 : i32
        %dma_wait3A_221 = tpu.memref_slice %arg9[%dma_wait3A_219, %dma_wait3A_220] : memref<2x128xi32, #tpu.memory_space<vmem>> -> memref<1x128xi32, #tpu.memory_space<vmem>>
        %dma_wait3A_222 = tpu.memref_squeeze %dma_wait3A_221 : memref<1x128xi32, #tpu.memory_space<vmem>> -> memref<128xi32, #tpu.memory_space<vmem>>
        %dma_wait3A_223 = arith.constant 0 : i32
        %dma_wait3A_224 = tpu.memref_slice %arg5[%arg1, %dma_wait3A_218, %dma_wait3A_223] : memref<16x80x128xi32, #tpu.memory_space<hbm>> -> memref<1x1x128xi32, #tpu.memory_space<hbm>>
        %dma_wait3A_225 = tpu.memref_squeeze %dma_wait3A_224 : memref<1x1x128xi32, #tpu.memory_space<hbm>> -> memref<128xi32, #tpu.memory_space<hbm>>
        %dma_wait3A_226 = arith.constant 0 : i32
        %dma_wait3A_227 = tpu.memref_slice %arg9[%dma_wait3A_219, %dma_wait3A_226] : memref<2x128xi32, #tpu.memory_space<vmem>> -> memref<1x128xi32, #tpu.memory_space<vmem>>
        %dma_wait3A_228 = tpu.memref_squeeze %dma_wait3A_227 : memref<1x128xi32, #tpu.memory_space<vmem>> -> memref<128xi32, #tpu.memory_space<vmem>>
        %dma_wait3A_229 = arith.constant 0 : i32
        %dma_wait3A_230 = tpu.memref_slice %arg5[%arg1, %dma_wait3A_218, %dma_wait3A_229] : memref<16x80x128xi32, #tpu.memory_space<hbm>> -> memref<1x1x128xi32, #tpu.memory_space<hbm>>
        %dma_wait3A_231 = tpu.memref_squeeze %dma_wait3A_230 : memref<1x1x128xi32, #tpu.memory_space<hbm>> -> memref<128xi32, #tpu.memory_space<hbm>>
        tpu.wait_dma2 semaphore(%arg19 : memref<!tpu.dma_semaphore, #tpu.memory_space<semaphore_mem>>) src(%dma_wait3A_231 : memref<128xi32, #tpu.memory_space<hbm>>) dst(%dma_wait3A_228 : memref<128xi32, #tpu.memory_space<vmem>>)
        %dma_start3A_232 = arith.constant 0 : i32
        %dma_start3A_233 = arith.constant 0 : i32
        %dma_start3A_234 = tpu.memref_slice %arg9[%dma_start3A_232, %dma_start3A_233] : memref<2x128xi32, #tpu.memory_space<vmem>> -> memref<1x128xi32, #tpu.memory_space<vmem>>
        %dma_start3A_235 = tpu.memref_squeeze %dma_start3A_234 : memref<1x128xi32, #tpu.memory_space<vmem>> -> memref<128xi32, #tpu.memory_space<vmem>>
        %dma_start3A_236 = arith.constant 0 : i32
        %dma_start3A_237 = arith.constant 0 : i32
        %dma_start3A_238 = tpu.memref_slice %arg12[%dma_start3A_236, %dma_start3A_237] : memref<10240x128xf32, #tpu.memory_space<vmem_shared>> -> memref<10240x128xf32, #tpu.memory_space<vmem_shared>>
        tpu.enqueue_indirect_dma source(%arg10 : memref<128x128xf32, #tpu.memory_space<vmem>>) target(%dma_start3A_238 : memref<10240x128xf32, #tpu.memory_space<vmem_shared>>) offsets(%dma_start3A_235 : memref<128xi32, #tpu.memory_space<vmem>>) semaphore(%arg15 : memref<!tpu.dma_semaphore, #tpu.memory_space<semaphore_mem>>) {add = true}
        %add3A_239 = arith.constant 2 : i32
        %add3A_240 = arith.addi %add3A_210, %add3A_239 : i32
        %dma_start3A_241 = arith.constant 0 : i32
        %dma_start3A_242 = arith.constant 0 : i32
        %dma_start3A_243 = tpu.memref_slice %arg8[%dma_start3A_241, %dma_start3A_242] : memref<2x128xi32, #tpu.memory_space<vmem>> -> memref<1x128xi32, #tpu.memory_space<vmem>>
        %dma_start3A_244 = tpu.memref_squeeze %dma_start3A_243 : memref<1x128xi32, #tpu.memory_space<vmem>> -> memref<128xi32, #tpu.memory_space<vmem>>
        %dma_start3A_245 = arith.constant 0 : i32
        %dma_start3A_246 = tpu.memref_slice %arg4[%arg1, %add3A_240, %dma_start3A_245] : memref<16x80x128xi32, #tpu.memory_space<hbm>> -> memref<1x1x128xi32, #tpu.memory_space<hbm>>
        %dma_start3A_247 = tpu.memref_squeeze %dma_start3A_246 : memref<1x1x128xi32, #tpu.memory_space<hbm>> -> memref<128xi32, #tpu.memory_space<hbm>>
        %dma_start3A_248 = arith.constant 0 : i32
        %dma_start3A_249 = tpu.memref_slice %arg8[%dma_start3A_241, %dma_start3A_248] : memref<2x128xi32, #tpu.memory_space<vmem>> -> memref<1x128xi32, #tpu.memory_space<vmem>>
        %dma_start3A_250 = tpu.memref_squeeze %dma_start3A_249 : memref<1x128xi32, #tpu.memory_space<vmem>> -> memref<128xi32, #tpu.memory_space<vmem>>
        %dma_start3A_251 = arith.constant 0 : i32
        %dma_start3A_252 = tpu.memref_slice %arg4[%arg1, %add3A_240, %dma_start3A_251] : memref<16x80x128xi32, #tpu.memory_space<hbm>> -> memref<1x1x128xi32, #tpu.memory_space<hbm>>
        %dma_start3A_253 = tpu.memref_squeeze %dma_start3A_252 : memref<1x1x128xi32, #tpu.memory_space<hbm>> -> memref<128xi32, #tpu.memory_space<hbm>>
        tpu.enqueue_dma source(%dma_start3A_253 : memref<128xi32, #tpu.memory_space<hbm>>) target(%dma_start3A_250 : memref<128xi32, #tpu.memory_space<vmem>>) target_semaphore(%arg17 : memref<!tpu.dma_semaphore, #tpu.memory_space<semaphore_mem>>)
        %add3A_254 = arith.constant 1 : i32
        %add3A_255 = arith.addi %mul3A_208, %add3A_254 : i32
        %dma_wait3A_256 = arith.constant 1 : i32
        %dma_wait3A_257 = arith.constant 0 : i32
        %dma_wait3A_258 = tpu.memref_slice %arg8[%dma_wait3A_256, %dma_wait3A_257] : memref<2x128xi32, #tpu.memory_space<vmem>> -> memref<1x128xi32, #tpu.memory_space<vmem>>
        %dma_wait3A_259 = tpu.memref_squeeze %dma_wait3A_258 : memref<1x128xi32, #tpu.memory_space<vmem>> -> memref<128xi32, #tpu.memory_space<vmem>>
        %dma_wait3A_260 = arith.constant 0 : i32
        %dma_wait3A_261 = arith.constant 0 : i32
        %dma_wait3A_262 = tpu.memref_slice %arg3[%dma_wait3A_260, %dma_wait3A_261] : memref<81920x128xf32, #tpu.memory_space<hbm>> -> memref<81920x128xf32, #tpu.memory_space<hbm>>
        tpu.wait_indirect_dma semaphore(%arg14 : memref<!tpu.dma_semaphore, #tpu.memory_space<semaphore_mem>>) src(%dma_wait3A_262 : memref<81920x128xf32, #tpu.memory_space<hbm>>) dst(%arg11 : memref<128x128xf32, #tpu.memory_space<vmem>>)
        %dma_wait3A_263 = arith.constant 0 : i32
        %dma_wait3A_264 = arith.constant 1 : i32
        %dma_wait3A_265 = arith.constant 0 : i32
        %dma_wait3A_266 = tpu.memref_slice %arg9[%dma_wait3A_264, %dma_wait3A_265] : memref<2x128xi32, #tpu.memory_space<vmem>> -> memref<1x128xi32, #tpu.memory_space<vmem>>
        %dma_wait3A_267 = tpu.memref_squeeze %dma_wait3A_266 : memref<1x128xi32, #tpu.memory_space<vmem>> -> memref<128xi32, #tpu.memory_space<vmem>>
        %dma_wait3A_268 = arith.constant 0 : i32
        %dma_wait3A_269 = tpu.memref_slice %arg5[%arg1, %dma_wait3A_263, %dma_wait3A_268] : memref<16x80x128xi32, #tpu.memory_space<hbm>> -> memref<1x1x128xi32, #tpu.memory_space<hbm>>
        %dma_wait3A_270 = tpu.memref_squeeze %dma_wait3A_269 : memref<1x1x128xi32, #tpu.memory_space<hbm>> -> memref<128xi32, #tpu.memory_space<hbm>>
        %dma_wait3A_271 = arith.constant 0 : i32
        %dma_wait3A_272 = tpu.memref_slice %arg9[%dma_wait3A_264, %dma_wait3A_271] : memref<2x128xi32, #tpu.memory_space<vmem>> -> memref<1x128xi32, #tpu.memory_space<vmem>>
        %dma_wait3A_273 = tpu.memref_squeeze %dma_wait3A_272 : memref<1x128xi32, #tpu.memory_space<vmem>> -> memref<128xi32, #tpu.memory_space<vmem>>
        %dma_wait3A_274 = arith.constant 0 : i32
        %dma_wait3A_275 = tpu.memref_slice %arg5[%arg1, %dma_wait3A_263, %dma_wait3A_274] : memref<16x80x128xi32, #tpu.memory_space<hbm>> -> memref<1x1x128xi32, #tpu.memory_space<hbm>>
        %dma_wait3A_276 = tpu.memref_squeeze %dma_wait3A_275 : memref<1x1x128xi32, #tpu.memory_space<hbm>> -> memref<128xi32, #tpu.memory_space<hbm>>
        tpu.wait_dma2 semaphore(%arg20 : memref<!tpu.dma_semaphore, #tpu.memory_space<semaphore_mem>>) src(%dma_wait3A_276 : memref<128xi32, #tpu.memory_space<hbm>>) dst(%dma_wait3A_273 : memref<128xi32, #tpu.memory_space<vmem>>)
        %dma_start3A_277 = arith.constant 1 : i32
        %dma_start3A_278 = arith.constant 0 : i32
        %dma_start3A_279 = tpu.memref_slice %arg9[%dma_start3A_277, %dma_start3A_278] : memref<2x128xi32, #tpu.memory_space<vmem>> -> memref<1x128xi32, #tpu.memory_space<vmem>>
        %dma_start3A_280 = tpu.memref_squeeze %dma_start3A_279 : memref<1x128xi32, #tpu.memory_space<vmem>> -> memref<128xi32, #tpu.memory_space<vmem>>
        %dma_start3A_281 = arith.constant 0 : i32
        %dma_start3A_282 = arith.constant 0 : i32
        %dma_start3A_283 = tpu.memref_slice %arg12[%dma_start3A_281, %dma_start3A_282] : memref<10240x128xf32, #tpu.memory_space<vmem_shared>> -> memref<10240x128xf32, #tpu.memory_space<vmem_shared>>
        tpu.enqueue_indirect_dma source(%arg11 : memref<128x128xf32, #tpu.memory_space<vmem>>) target(%dma_start3A_283 : memref<10240x128xf32, #tpu.memory_space<vmem_shared>>) offsets(%dma_start3A_280 : memref<128xi32, #tpu.memory_space<vmem>>) semaphore(%arg16 : memref<!tpu.dma_semaphore, #tpu.memory_space<semaphore_mem>>) {add = true}
        %add3A_284 = arith.constant 2 : i32
        %add3A_285 = arith.addi %add3A_255, %add3A_284 : i32
        %dma_start3A_286 = arith.constant 1 : i32
        %dma_start3A_287 = arith.constant 0 : i32
        %dma_start3A_288 = tpu.memref_slice %arg8[%dma_start3A_286, %dma_start3A_287] : memref<2x128xi32, #tpu.memory_space<vmem>> -> memref<1x128xi32, #tpu.memory_space<vmem>>
        %dma_start3A_289 = tpu.memref_squeeze %dma_start3A_288 : memref<1x128xi32, #tpu.memory_space<vmem>> -> memref<128xi32, #tpu.memory_space<vmem>>
        %dma_start3A_290 = arith.constant 0 : i32
        %dma_start3A_291 = tpu.memref_slice %arg4[%arg1, %add3A_285, %dma_start3A_290] : memref<16x80x128xi32, #tpu.memory_space<hbm>> -> memref<1x1x128xi32, #tpu.memory_space<hbm>>
        %dma_start3A_292 = tpu.memref_squeeze %dma_start3A_291 : memref<1x1x128xi32, #tpu.memory_space<hbm>> -> memref<128xi32, #tpu.memory_space<hbm>>
        %dma_start3A_293 = arith.constant 0 : i32
        %dma_start3A_294 = tpu.memref_slice %arg8[%dma_start3A_286, %dma_start3A_293] : memref<2x128xi32, #tpu.memory_space<vmem>> -> memref<1x128xi32, #tpu.memory_space<vmem>>
        %dma_start3A_295 = tpu.memref_squeeze %dma_start3A_294 : memref<1x128xi32, #tpu.memory_space<vmem>> -> memref<128xi32, #tpu.memory_space<vmem>>
        %dma_start3A_296 = arith.constant 0 : i32
        %dma_start3A_297 = tpu.memref_slice %arg4[%arg1, %add3A_285, %dma_start3A_296] : memref<16x80x128xi32, #tpu.memory_space<hbm>> -> memref<1x1x128xi32, #tpu.memory_space<hbm>>
        %dma_start3A_298 = tpu.memref_squeeze %dma_start3A_297 : memref<1x1x128xi32, #tpu.memory_space<hbm>> -> memref<128xi32, #tpu.memory_space<hbm>>
        tpu.enqueue_dma source(%dma_start3A_298 : memref<128xi32, #tpu.memory_space<hbm>>) target(%dma_start3A_295 : memref<128xi32, #tpu.memory_space<vmem>>) target_semaphore(%arg18 : memref<!tpu.dma_semaphore, #tpu.memory_space<semaphore_mem>>)
        %add3A_299 = arith.constant 0 : i32
        %add3A_300 = arith.addi %mul3A_208, %add3A_299 : i32
        %dma_wait3A_301 = arith.constant 0 : i32
        %dma_wait3A_302 = arith.constant 0 : i32
        %dma_wait3A_303 = tpu.memref_slice %arg9[%dma_wait3A_301, %dma_wait3A_302] : memref<2x128xi32, #tpu.memory_space<vmem>> -> memref<1x128xi32, #tpu.memory_space<vmem>>
        %dma_wait3A_304 = tpu.memref_squeeze %dma_wait3A_303 : memref<1x128xi32, #tpu.memory_space<vmem>> -> memref<128xi32, #tpu.memory_space<vmem>>
        %dma_wait3A_305 = arith.constant 0 : i32
        %dma_wait3A_306 = arith.constant 0 : i32
        %dma_wait3A_307 = tpu.memref_slice %arg12[%dma_wait3A_305, %dma_wait3A_306] : memref<10240x128xf32, #tpu.memory_space<vmem_shared>> -> memref<10240x128xf32, #tpu.memory_space<vmem_shared>>
        tpu.wait_indirect_dma semaphore(%arg15 : memref<!tpu.dma_semaphore, #tpu.memory_space<semaphore_mem>>) src(%arg10 : memref<128x128xf32, #tpu.memory_space<vmem>>) dst(%dma_wait3A_307 : memref<10240x128xf32, #tpu.memory_space<vmem_shared>>)
        %add3A_308 = arith.constant 2 : i32
        %add3A_309 = arith.addi %add3A_300, %add3A_308 : i32
        %dma_start3A_310 = arith.constant 0 : i32
        %dma_start3A_311 = arith.constant 0 : i32
        %dma_start3A_312 = tpu.memref_slice %arg9[%dma_start3A_310, %dma_start3A_311] : memref<2x128xi32, #tpu.memory_space<vmem>> -> memref<1x128xi32, #tpu.memory_space<vmem>>
        %dma_start3A_313 = tpu.memref_squeeze %dma_start3A_312 : memref<1x128xi32, #tpu.memory_space<vmem>> -> memref<128xi32, #tpu.memory_space<vmem>>
        %dma_start3A_314 = arith.constant 0 : i32
        %dma_start3A_315 = tpu.memref_slice %arg5[%arg1, %add3A_309, %dma_start3A_314] : memref<16x80x128xi32, #tpu.memory_space<hbm>> -> memref<1x1x128xi32, #tpu.memory_space<hbm>>
        %dma_start3A_316 = tpu.memref_squeeze %dma_start3A_315 : memref<1x1x128xi32, #tpu.memory_space<hbm>> -> memref<128xi32, #tpu.memory_space<hbm>>
        %dma_start3A_317 = arith.constant 0 : i32
        %dma_start3A_318 = tpu.memref_slice %arg9[%dma_start3A_310, %dma_start3A_317] : memref<2x128xi32, #tpu.memory_space<vmem>> -> memref<1x128xi32, #tpu.memory_space<vmem>>
        %dma_start3A_319 = tpu.memref_squeeze %dma_start3A_318 : memref<1x128xi32, #tpu.memory_space<vmem>> -> memref<128xi32, #tpu.memory_space<vmem>>
        %dma_start3A_320 = arith.constant 0 : i32
        %dma_start3A_321 = tpu.memref_slice %arg5[%arg1, %add3A_309, %dma_start3A_320] : memref<16x80x128xi32, #tpu.memory_space<hbm>> -> memref<1x1x128xi32, #tpu.memory_space<hbm>>
        %dma_start3A_322 = tpu.memref_squeeze %dma_start3A_321 : memref<1x1x128xi32, #tpu.memory_space<hbm>> -> memref<128xi32, #tpu.memory_space<hbm>>
        tpu.enqueue_dma source(%dma_start3A_322 : memref<128xi32, #tpu.memory_space<hbm>>) target(%dma_start3A_319 : memref<128xi32, #tpu.memory_space<vmem>>) target_semaphore(%arg19 : memref<!tpu.dma_semaphore, #tpu.memory_space<semaphore_mem>>)
        %add3A_323 = arith.constant 1 : i32
        %add3A_324 = arith.addi %mul3A_208, %add3A_323 : i32
        %dma_wait3A_325 = arith.constant 1 : i32
        %dma_wait3A_326 = arith.constant 0 : i32
        %dma_wait3A_327 = tpu.memref_slice %arg9[%dma_wait3A_325, %dma_wait3A_326] : memref<2x128xi32, #tpu.memory_space<vmem>> -> memref<1x128xi32, #tpu.memory_space<vmem>>
        %dma_wait3A_328 = tpu.memref_squeeze %dma_wait3A_327 : memref<1x128xi32, #tpu.memory_space<vmem>> -> memref<128xi32, #tpu.memory_space<vmem>>
        %dma_wait3A_329 = arith.constant 0 : i32
        %dma_wait3A_330 = arith.constant 0 : i32
        %dma_wait3A_331 = tpu.memref_slice %arg12[%dma_wait3A_329, %dma_wait3A_330] : memref<10240x128xf32, #tpu.memory_space<vmem_shared>> -> memref<10240x128xf32, #tpu.memory_space<vmem_shared>>
        tpu.wait_indirect_dma semaphore(%arg16 : memref<!tpu.dma_semaphore, #tpu.memory_space<semaphore_mem>>) src(%arg11 : memref<128x128xf32, #tpu.memory_space<vmem>>) dst(%dma_wait3A_331 : memref<10240x128xf32, #tpu.memory_space<vmem_shared>>)
        %add3A_332 = arith.constant 2 : i32
        %add3A_333 = arith.addi %add3A_324, %add3A_332 : i32
        %dma_start3A_334 = arith.constant 1 : i32
        %dma_start3A_335 = arith.constant 0 : i32
        %dma_start3A_336 = tpu.memref_slice %arg9[%dma_start3A_334, %dma_start3A_335] : memref<2x128xi32, #tpu.memory_space<vmem>> -> memref<1x128xi32, #tpu.memory_space<vmem>>
        %dma_start3A_337 = tpu.memref_squeeze %dma_start3A_336 : memref<1x128xi32, #tpu.memory_space<vmem>> -> memref<128xi32, #tpu.memory_space<vmem>>
        %dma_start3A_338 = arith.constant 0 : i32
        %dma_start3A_339 = tpu.memref_slice %arg5[%arg1, %add3A_333, %dma_start3A_338] : memref<16x80x128xi32, #tpu.memory_space<hbm>> -> memref<1x1x128xi32, #tpu.memory_space<hbm>>
        %dma_start3A_340 = tpu.memref_squeeze %dma_start3A_339 : memref<1x1x128xi32, #tpu.memory_space<hbm>> -> memref<128xi32, #tpu.memory_space<hbm>>
        %dma_start3A_341 = arith.constant 0 : i32
        %dma_start3A_342 = tpu.memref_slice %arg9[%dma_start3A_334, %dma_start3A_341] : memref<2x128xi32, #tpu.memory_space<vmem>> -> memref<1x128xi32, #tpu.memory_space<vmem>>
        %dma_start3A_343 = tpu.memref_squeeze %dma_start3A_342 : memref<1x128xi32, #tpu.memory_space<vmem>> -> memref<128xi32, #tpu.memory_space<vmem>>
        %dma_start3A_344 = arith.constant 0 : i32
        %dma_start3A_345 = tpu.memref_slice %arg5[%arg1, %add3A_333, %dma_start3A_344] : memref<16x80x128xi32, #tpu.memory_space<hbm>> -> memref<1x1x128xi32, #tpu.memory_space<hbm>>
        %dma_start3A_346 = tpu.memref_squeeze %dma_start3A_345 : memref<1x1x128xi32, #tpu.memory_space<hbm>> -> memref<128xi32, #tpu.memory_space<hbm>>
        tpu.enqueue_dma source(%dma_start3A_346 : memref<128xi32, #tpu.memory_space<hbm>>) target(%dma_start3A_343 : memref<128xi32, #tpu.memory_space<vmem>>) target_semaphore(%arg20 : memref<!tpu.dma_semaphore, #tpu.memory_space<semaphore_mem>>)
        %dma_wait3A_347 = arith.constant 0 : i32
        %dma_wait3A_348 = arith.constant 0 : i32
        %dma_wait3A_349 = arith.constant 0 : i32
        %dma_wait3A_350 = tpu.memref_slice %arg8[%dma_wait3A_348, %dma_wait3A_349] : memref<2x128xi32, #tpu.memory_space<vmem>> -> memref<1x128xi32, #tpu.memory_space<vmem>>
        %dma_wait3A_351 = tpu.memref_squeeze %dma_wait3A_350 : memref<1x128xi32, #tpu.memory_space<vmem>> -> memref<128xi32, #tpu.memory_space<vmem>>
        %dma_wait3A_352 = arith.constant 0 : i32
        %dma_wait3A_353 = tpu.memref_slice %arg4[%arg1, %dma_wait3A_347, %dma_wait3A_352] : memref<16x80x128xi32, #tpu.memory_space<hbm>> -> memref<1x1x128xi32, #tpu.memory_space<hbm>>
        %dma_wait3A_354 = tpu.memref_squeeze %dma_wait3A_353 : memref<1x1x128xi32, #tpu.memory_space<hbm>> -> memref<128xi32, #tpu.memory_space<hbm>>
        %dma_wait3A_355 = arith.constant 0 : i32
        %dma_wait3A_356 = tpu.memref_slice %arg8[%dma_wait3A_348, %dma_wait3A_355] : memref<2x128xi32, #tpu.memory_space<vmem>> -> memref<1x128xi32, #tpu.memory_space<vmem>>
        %dma_wait3A_357 = tpu.memref_squeeze %dma_wait3A_356 : memref<1x128xi32, #tpu.memory_space<vmem>> -> memref<128xi32, #tpu.memory_space<vmem>>
        %dma_wait3A_358 = arith.constant 0 : i32
        %dma_wait3A_359 = tpu.memref_slice %arg4[%arg1, %dma_wait3A_347, %dma_wait3A_358] : memref<16x80x128xi32, #tpu.memory_space<hbm>> -> memref<1x1x128xi32, #tpu.memory_space<hbm>>
        %dma_wait3A_360 = tpu.memref_squeeze %dma_wait3A_359 : memref<1x1x128xi32, #tpu.memory_space<hbm>> -> memref<128xi32, #tpu.memory_space<hbm>>
        tpu.wait_dma2 semaphore(%arg17 : memref<!tpu.dma_semaphore, #tpu.memory_space<semaphore_mem>>) src(%dma_wait3A_360 : memref<128xi32, #tpu.memory_space<hbm>>) dst(%dma_wait3A_357 : memref<128xi32, #tpu.memory_space<vmem>>)
        %dma_start3A_361 = arith.constant 0 : i32
        %dma_start3A_362 = arith.constant 0 : i32
        %dma_start3A_363 = tpu.memref_slice %arg8[%dma_start3A_361, %dma_start3A_362] : memref<2x128xi32, #tpu.memory_space<vmem>> -> memref<1x128xi32, #tpu.memory_space<vmem>>
        %dma_start3A_364 = tpu.memref_squeeze %dma_start3A_363 : memref<1x128xi32, #tpu.memory_space<vmem>> -> memref<128xi32, #tpu.memory_space<vmem>>
        %dma_start3A_365 = arith.constant 0 : i32
        %dma_start3A_366 = arith.constant 0 : i32
        %dma_start3A_367 = tpu.memref_slice %arg3[%dma_start3A_365, %dma_start3A_366] : memref<81920x128xf32, #tpu.memory_space<hbm>> -> memref<81920x128xf32, #tpu.memory_space<hbm>>
        tpu.enqueue_indirect_dma source(%dma_start3A_367 : memref<81920x128xf32, #tpu.memory_space<hbm>>) target(%arg10 : memref<128x128xf32, #tpu.memory_space<vmem>>) offsets(%dma_start3A_364 : memref<128xi32, #tpu.memory_space<vmem>>) semaphore(%arg13 : memref<!tpu.dma_semaphore, #tpu.memory_space<semaphore_mem>>)
        %dma_wait3A_368 = arith.constant 0 : i32
        %dma_wait3A_369 = arith.constant 1 : i32
        %dma_wait3A_370 = arith.constant 0 : i32
        %dma_wait3A_371 = tpu.memref_slice %arg8[%dma_wait3A_369, %dma_wait3A_370] : memref<2x128xi32, #tpu.memory_space<vmem>> -> memref<1x128xi32, #tpu.memory_space<vmem>>
        %dma_wait3A_372 = tpu.memref_squeeze %dma_wait3A_371 : memref<1x128xi32, #tpu.memory_space<vmem>> -> memref<128xi32, #tpu.memory_space<vmem>>
        %dma_wait3A_373 = arith.constant 0 : i32
        %dma_wait3A_374 = tpu.memref_slice %arg4[%arg1, %dma_wait3A_368, %dma_wait3A_373] : memref<16x80x128xi32, #tpu.memory_space<hbm>> -> memref<1x1x128xi32, #tpu.memory_space<hbm>>
        %dma_wait3A_375 = tpu.memref_squeeze %dma_wait3A_374 : memref<1x1x128xi32, #tpu.memory_space<hbm>> -> memref<128xi32, #tpu.memory_space<hbm>>
        %dma_wait3A_376 = arith.constant 0 : i32
        %dma_wait3A_377 = tpu.memref_slice %arg8[%dma_wait3A_369, %dma_wait3A_376] : memref<2x128xi32, #tpu.memory_space<vmem>> -> memref<1x128xi32, #tpu.memory_space<vmem>>
        %dma_wait3A_378 = tpu.memref_squeeze %dma_wait3A_377 : memref<1x128xi32, #tpu.memory_space<vmem>> -> memref<128xi32, #tpu.memory_space<vmem>>
        %dma_wait3A_379 = arith.constant 0 : i32
        %dma_wait3A_380 = tpu.memref_slice %arg4[%arg1, %dma_wait3A_368, %dma_wait3A_379] : memref<16x80x128xi32, #tpu.memory_space<hbm>> -> memref<1x1x128xi32, #tpu.memory_space<hbm>>
        %dma_wait3A_381 = tpu.memref_squeeze %dma_wait3A_380 : memref<1x1x128xi32, #tpu.memory_space<hbm>> -> memref<128xi32, #tpu.memory_space<hbm>>
        tpu.wait_dma2 semaphore(%arg18 : memref<!tpu.dma_semaphore, #tpu.memory_space<semaphore_mem>>) src(%dma_wait3A_381 : memref<128xi32, #tpu.memory_space<hbm>>) dst(%dma_wait3A_378 : memref<128xi32, #tpu.memory_space<vmem>>)
        %dma_start3A_382 = arith.constant 1 : i32
        %dma_start3A_383 = arith.constant 0 : i32
        %dma_start3A_384 = tpu.memref_slice %arg8[%dma_start3A_382, %dma_start3A_383] : memref<2x128xi32, #tpu.memory_space<vmem>> -> memref<1x128xi32, #tpu.memory_space<vmem>>
        %dma_start3A_385 = tpu.memref_squeeze %dma_start3A_384 : memref<1x128xi32, #tpu.memory_space<vmem>> -> memref<128xi32, #tpu.memory_space<vmem>>
        %dma_start3A_386 = arith.constant 0 : i32
        %dma_start3A_387 = arith.constant 0 : i32
        %dma_start3A_388 = tpu.memref_slice %arg3[%dma_start3A_386, %dma_start3A_387] : memref<81920x128xf32, #tpu.memory_space<hbm>> -> memref<81920x128xf32, #tpu.memory_space<hbm>>
        tpu.enqueue_indirect_dma source(%dma_start3A_388 : memref<81920x128xf32, #tpu.memory_space<hbm>>) target(%arg11 : memref<128x128xf32, #tpu.memory_space<vmem>>) offsets(%dma_start3A_385 : memref<128xi32, #tpu.memory_space<vmem>>) semaphore(%arg14 : memref<!tpu.dma_semaphore, #tpu.memory_space<semaphore_mem>>)
      }
      %scan3A_132 = arith.constant 39 : i32
      %dma_wait3A_133 = arith.constant 0 : i32
      %dma_wait3A_134 = arith.constant 0 : i32
      %dma_wait3A_135 = tpu.memref_slice %arg8[%dma_wait3A_133, %dma_wait3A_134] : memref<2x128xi32, #tpu.memory_space<vmem>> -> memref<1x128xi32, #tpu.memory_space<vmem>>
      %dma_wait3A_136 = tpu.memref_squeeze %dma_wait3A_135 : memref<1x128xi32, #tpu.memory_space<vmem>> -> memref<128xi32, #tpu.memory_space<vmem>>
      %dma_wait3A_137 = arith.constant 0 : i32
      %dma_wait3A_138 = arith.constant 0 : i32
      %dma_wait3A_139 = tpu.memref_slice %arg3[%dma_wait3A_137, %dma_wait3A_138] : memref<81920x128xf32, #tpu.memory_space<hbm>> -> memref<81920x128xf32, #tpu.memory_space<hbm>>
      tpu.wait_indirect_dma semaphore(%arg13 : memref<!tpu.dma_semaphore, #tpu.memory_space<semaphore_mem>>) src(%dma_wait3A_139 : memref<81920x128xf32, #tpu.memory_space<hbm>>) dst(%arg10 : memref<128x128xf32, #tpu.memory_space<vmem>>)
      %dma_wait3A_140 = arith.constant 0 : i32
      %dma_wait3A_141 = arith.constant 0 : i32
      %dma_wait3A_142 = arith.constant 0 : i32
      %dma_wait3A_143 = tpu.memref_slice %arg9[%dma_wait3A_141, %dma_wait3A_142] : memref<2x128xi32, #tpu.memory_space<vmem>> -> memref<1x128xi32, #tpu.memory_space<vmem>>
      %dma_wait3A_144 = tpu.memref_squeeze %dma_wait3A_143 : memref<1x128xi32, #tpu.memory_space<vmem>> -> memref<128xi32, #tpu.memory_space<vmem>>
      %dma_wait3A_145 = arith.constant 0 : i32
      %dma_wait3A_146 = tpu.memref_slice %arg5[%arg1, %dma_wait3A_140, %dma_wait3A_145] : memref<16x80x128xi32, #tpu.memory_space<hbm>> -> memref<1x1x128xi32, #tpu.memory_space<hbm>>
      %dma_wait3A_147 = tpu.memref_squeeze %dma_wait3A_146 : memref<1x1x128xi32, #tpu.memory_space<hbm>> -> memref<128xi32, #tpu.memory_space<hbm>>
      %dma_wait3A_148 = arith.constant 0 : i32
      %dma_wait3A_149 = tpu.memref_slice %arg9[%dma_wait3A_141, %dma_wait3A_148] : memref<2x128xi32, #tpu.memory_space<vmem>> -> memref<1x128xi32, #tpu.memory_space<vmem>>
      %dma_wait3A_150 = tpu.memref_squeeze %dma_wait3A_149 : memref<1x128xi32, #tpu.memory_space<vmem>> -> memref<128xi32, #tpu.memory_space<vmem>>
      %dma_wait3A_151 = arith.constant 0 : i32
      %dma_wait3A_152 = tpu.memref_slice %arg5[%arg1, %dma_wait3A_140, %dma_wait3A_151] : memref<16x80x128xi32, #tpu.memory_space<hbm>> -> memref<1x1x128xi32, #tpu.memory_space<hbm>>
      %dma_wait3A_153 = tpu.memref_squeeze %dma_wait3A_152 : memref<1x1x128xi32, #tpu.memory_space<hbm>> -> memref<128xi32, #tpu.memory_space<hbm>>
      tpu.wait_dma2 semaphore(%arg19 : memref<!tpu.dma_semaphore, #tpu.memory_space<semaphore_mem>>) src(%dma_wait3A_153 : memref<128xi32, #tpu.memory_space<hbm>>) dst(%dma_wait3A_150 : memref<128xi32, #tpu.memory_space<vmem>>)
      %dma_start3A_154 = arith.constant 0 : i32
      %dma_start3A_155 = arith.constant 0 : i32
      %dma_start3A_156 = tpu.memref_slice %arg9[%dma_start3A_154, %dma_start3A_155] : memref<2x128xi32, #tpu.memory_space<vmem>> -> memref<1x128xi32, #tpu.memory_space<vmem>>
      %dma_start3A_157 = tpu.memref_squeeze %dma_start3A_156 : memref<1x128xi32, #tpu.memory_space<vmem>> -> memref<128xi32, #tpu.memory_space<vmem>>
      %dma_start3A_158 = arith.constant 0 : i32
      %dma_start3A_159 = arith.constant 0 : i32
      %dma_start3A_160 = tpu.memref_slice %arg12[%dma_start3A_158, %dma_start3A_159] : memref<10240x128xf32, #tpu.memory_space<vmem_shared>> -> memref<10240x128xf32, #tpu.memory_space<vmem_shared>>
      tpu.enqueue_indirect_dma source(%arg10 : memref<128x128xf32, #tpu.memory_space<vmem>>) target(%dma_start3A_160 : memref<10240x128xf32, #tpu.memory_space<vmem_shared>>) offsets(%dma_start3A_157 : memref<128xi32, #tpu.memory_space<vmem>>) semaphore(%arg15 : memref<!tpu.dma_semaphore, #tpu.memory_space<semaphore_mem>>) {add = true}
      %dma_wait3A_161 = arith.constant 1 : i32
      %dma_wait3A_162 = arith.constant 0 : i32
      %dma_wait3A_163 = tpu.memref_slice %arg8[%dma_wait3A_161, %dma_wait3A_162] : memref<2x128xi32, #tpu.memory_space<vmem>> -> memref<1x128xi32, #tpu.memory_space<vmem>>
      %dma_wait3A_164 = tpu.memref_squeeze %dma_wait3A_163 : memref<1x128xi32, #tpu.memory_space<vmem>> -> memref<128xi32, #tpu.memory_space<vmem>>
      %dma_wait3A_165 = arith.constant 0 : i32
      %dma_wait3A_166 = arith.constant 0 : i32
      %dma_wait3A_167 = tpu.memref_slice %arg3[%dma_wait3A_165, %dma_wait3A_166] : memref<81920x128xf32, #tpu.memory_space<hbm>> -> memref<81920x128xf32, #tpu.memory_space<hbm>>
      tpu.wait_indirect_dma semaphore(%arg14 : memref<!tpu.dma_semaphore, #tpu.memory_space<semaphore_mem>>) src(%dma_wait3A_167 : memref<81920x128xf32, #tpu.memory_space<hbm>>) dst(%arg11 : memref<128x128xf32, #tpu.memory_space<vmem>>)
      %dma_wait3A_168 = arith.constant 0 : i32
      %dma_wait3A_169 = arith.constant 1 : i32
      %dma_wait3A_170 = arith.constant 0 : i32
      %dma_wait3A_171 = tpu.memref_slice %arg9[%dma_wait3A_169, %dma_wait3A_170] : memref<2x128xi32, #tpu.memory_space<vmem>> -> memref<1x128xi32, #tpu.memory_space<vmem>>
      %dma_wait3A_172 = tpu.memref_squeeze %dma_wait3A_171 : memref<1x128xi32, #tpu.memory_space<vmem>> -> memref<128xi32, #tpu.memory_space<vmem>>
      %dma_wait3A_173 = arith.constant 0 : i32
      %dma_wait3A_174 = tpu.memref_slice %arg5[%arg1, %dma_wait3A_168, %dma_wait3A_173] : memref<16x80x128xi32, #tpu.memory_space<hbm>> -> memref<1x1x128xi32, #tpu.memory_space<hbm>>
      %dma_wait3A_175 = tpu.memref_squeeze %dma_wait3A_174 : memref<1x1x128xi32, #tpu.memory_space<hbm>> -> memref<128xi32, #tpu.memory_space<hbm>>
      %dma_wait3A_176 = arith.constant 0 : i32
      %dma_wait3A_177 = tpu.memref_slice %arg9[%dma_wait3A_169, %dma_wait3A_176] : memref<2x128xi32, #tpu.memory_space<vmem>> -> memref<1x128xi32, #tpu.memory_space<vmem>>
      %dma_wait3A_178 = tpu.memref_squeeze %dma_wait3A_177 : memref<1x128xi32, #tpu.memory_space<vmem>> -> memref<128xi32, #tpu.memory_space<vmem>>
      %dma_wait3A_179 = arith.constant 0 : i32
      %dma_wait3A_180 = tpu.memref_slice %arg5[%arg1, %dma_wait3A_168, %dma_wait3A_179] : memref<16x80x128xi32, #tpu.memory_space<hbm>> -> memref<1x1x128xi32, #tpu.memory_space<hbm>>
      %dma_wait3A_181 = tpu.memref_squeeze %dma_wait3A_180 : memref<1x1x128xi32, #tpu.memory_space<hbm>> -> memref<128xi32, #tpu.memory_space<hbm>>
      tpu.wait_dma2 semaphore(%arg20 : memref<!tpu.dma_semaphore, #tpu.memory_space<semaphore_mem>>) src(%dma_wait3A_181 : memref<128xi32, #tpu.memory_space<hbm>>) dst(%dma_wait3A_178 : memref<128xi32, #tpu.memory_space<vmem>>)
      %dma_start3A_182 = arith.constant 1 : i32
      %dma_start3A_183 = arith.constant 0 : i32
      %dma_start3A_184 = tpu.memref_slice %arg9[%dma_start3A_182, %dma_start3A_183] : memref<2x128xi32, #tpu.memory_space<vmem>> -> memref<1x128xi32, #tpu.memory_space<vmem>>
      %dma_start3A_185 = tpu.memref_squeeze %dma_start3A_184 : memref<1x128xi32, #tpu.memory_space<vmem>> -> memref<128xi32, #tpu.memory_space<vmem>>
      %dma_start3A_186 = arith.constant 0 : i32
      %dma_start3A_187 = arith.constant 0 : i32
      %dma_start3A_188 = tpu.memref_slice %arg12[%dma_start3A_186, %dma_start3A_187] : memref<10240x128xf32, #tpu.memory_space<vmem_shared>> -> memref<10240x128xf32, #tpu.memory_space<vmem_shared>>
      tpu.enqueue_indirect_dma source(%arg11 : memref<128x128xf32, #tpu.memory_space<vmem>>) target(%dma_start3A_188 : memref<10240x128xf32, #tpu.memory_space<vmem_shared>>) offsets(%dma_start3A_185 : memref<128xi32, #tpu.memory_space<vmem>>) semaphore(%arg16 : memref<!tpu.dma_semaphore, #tpu.memory_space<semaphore_mem>>) {add = true}
      %dma_wait3A_189 = arith.constant 0 : i32
      %dma_wait3A_190 = arith.constant 0 : i32
      %dma_wait3A_191 = tpu.memref_slice %arg9[%dma_wait3A_189, %dma_wait3A_190] : memref<2x128xi32, #tpu.memory_space<vmem>> -> memref<1x128xi32, #tpu.memory_space<vmem>>
      %dma_wait3A_192 = tpu.memref_squeeze %dma_wait3A_191 : memref<1x128xi32, #tpu.memory_space<vmem>> -> memref<128xi32, #tpu.memory_space<vmem>>
      %dma_wait3A_193 = arith.constant 0 : i32
      %dma_wait3A_194 = arith.constant 0 : i32
      %dma_wait3A_195 = tpu.memref_slice %arg12[%dma_wait3A_193, %dma_wait3A_194] : memref<10240x128xf32, #tpu.memory_space<vmem_shared>> -> memref<10240x128xf32, #tpu.memory_space<vmem_shared>>
      tpu.wait_indirect_dma semaphore(%arg15 : memref<!tpu.dma_semaphore, #tpu.memory_space<semaphore_mem>>) src(%arg10 : memref<128x128xf32, #tpu.memory_space<vmem>>) dst(%dma_wait3A_195 : memref<10240x128xf32, #tpu.memory_space<vmem_shared>>)
      %dma_wait3A_196 = arith.constant 1 : i32
      %dma_wait3A_197 = arith.constant 0 : i32
      %dma_wait3A_198 = tpu.memref_slice %arg9[%dma_wait3A_196, %dma_wait3A_197] : memref<2x128xi32, #tpu.memory_space<vmem>> -> memref<1x128xi32, #tpu.memory_space<vmem>>
      %dma_wait3A_199 = tpu.memref_squeeze %dma_wait3A_198 : memref<1x128xi32, #tpu.memory_space<vmem>> -> memref<128xi32, #tpu.memory_space<vmem>>
      %dma_wait3A_200 = arith.constant 0 : i32
      %dma_wait3A_201 = arith.constant 0 : i32
      %dma_wait3A_202 = tpu.memref_slice %arg12[%dma_wait3A_200, %dma_wait3A_201] : memref<10240x128xf32, #tpu.memory_space<vmem_shared>> -> memref<10240x128xf32, #tpu.memory_space<vmem_shared>>
      tpu.wait_indirect_dma semaphore(%arg16 : memref<!tpu.dma_semaphore, #tpu.memory_space<semaphore_mem>>) src(%arg11 : memref<128x128xf32, #tpu.memory_space<vmem>>) dst(%dma_wait3A_202 : memref<10240x128xf32, #tpu.memory_space<vmem_shared>>)
      %barrier3A_203 = arith.constant 0 : index
      tpu.barrier barrier_id(%barrier3A_203)
      %mul3A_204 = arith.constant 640 : i32
      %mul3A_205 = arith.muli %arg1, %mul3A_204 : i32
      "tpu.region"() ({
        %run_scoped3A = tpu.sem_alloc : memref<!tpu.dma_semaphore, #tpu.memory_space<semaphore_mem>>
        %dma_start3A_206 = arith.constant 0 : i32
        %dma_start3A_207 = tpu.memref_slice %arg7[%mul3A_205, %dma_start3A_206] : memref<10240x128xf32, #tpu.memory_space<hbm>> -> memref<640x128xf32, #tpu.memory_space<hbm>>
        %dma_start3A_208 = arith.constant 0 : i32
        %dma_start3A_209 = tpu.memref_slice %arg12[%mul3A_205, %dma_start3A_208] : memref<10240x128xf32, #tpu.memory_space<vmem_shared>> -> memref<640x128xf32, #tpu.memory_space<vmem_shared>>
        tpu.enqueue_dma source(%dma_start3A_209 : memref<640x128xf32, #tpu.memory_space<vmem_shared>>) target(%dma_start3A_207 : memref<640x128xf32, #tpu.memory_space<hbm>>) target_semaphore(%run_scoped3A : memref<!tpu.dma_semaphore, #tpu.memory_space<semaphore_mem>>)
        %dma_wait3A_210 = arith.constant 0 : i32
        %dma_wait3A_211 = tpu.memref_slice %arg7[%mul3A_205, %dma_wait3A_210] : memref<10240x128xf32, #tpu.memory_space<hbm>> -> memref<640x128xf32, #tpu.memory_space<hbm>>
        %dma_wait3A_212 = arith.constant 0 : i32
        %dma_wait3A_213 = tpu.memref_slice %arg12[%mul3A_205, %dma_wait3A_212] : memref<10240x128xf32, #tpu.memory_space<vmem_shared>> -> memref<640x128xf32, #tpu.memory_space<vmem_shared>>
        tpu.wait_dma2 semaphore(%run_scoped3A : memref<!tpu.dma_semaphore, #tpu.memory_space<semaphore_mem>>) src(%dma_wait3A_213 : memref<640x128xf32, #tpu.memory_space<vmem_shared>>) dst(%dma_wait3A_211 : memref<640x128xf32, #tpu.memory_space<hbm>>)
        tpu.yield
      }) : () -> ()
    } else {
    }
    return
  }
}

#map = affine_map<(d0, d1) -> (0, 0)>
#map1 = affine_map<(d0, d1) -> (0, 0, 0)>
module attributes {stable_mosaic.version = 14 : i64} {
  func.func @_mp(%arg0: i32, %arg1: i32, %arg2: memref<81920x128xf32, #tpu.memory_space<hbm>>, %arg3: memref<81920x128xf32, #tpu.memory_space<hbm>>, %arg4: memref<16x80x128xi32, #tpu.memory_space<hbm>>, %arg5: memref<16x80x128xi32, #tpu.memory_space<hbm>>, %arg6: memref<10240x128xf32, #tpu.memory_space<hbm>>, %arg7: memref<10240x128xf32, #tpu.memory_space<hbm>>, %arg8: memref<2x128xi32, #tpu.memory_space<vmem>>, %arg9: memref<2x128xi32, #tpu.memory_space<vmem>>, %arg10: memref<128x128xf32, #tpu.memory_space<vmem>>, %arg11: memref<128x128xf32, #tpu.memory_space<vmem>>, %arg12: memref<10240x128xf32, #tpu.memory_space<vmem_shared>>, %arg13: memref<!tpu.dma_semaphore, #tpu.memory_space<semaphore_mem>>, %arg14: memref<!tpu.dma_semaphore, #tpu.memory_space<semaphore_mem>>, %arg15: memref<!tpu.dma_semaphore, #tpu.memory_space<semaphore_mem>>, %arg16: memref<!tpu.dma_semaphore, #tpu.memory_space<semaphore_mem>>, %arg17: memref<!tpu.dma_semaphore, #tpu.memory_space<semaphore_mem>>, %arg18: memref<!tpu.dma_semaphore, #tpu.memory_space<semaphore_mem>>, %arg19: memref<!tpu.dma_semaphore, #tpu.memory_space<semaphore_mem>>, %arg20: memref<!tpu.dma_semaphore, #tpu.memory_space<semaphore_mem>>) attributes {dimension_semantics = [#tpu.dimension_semantics<core_parallel>, #tpu.dimension_semantics<subcore_parallel>], iteration_bounds = array<i64: 2, 16>, scalar_prefetch = 0 : i64, scratch_operands = 13 : i64, tpu.core_type = #tpu.core_type<sc_vector_subcore>, window_params = [{transform_indices = #map}, {transform_indices = #map}, {transform_indices = #map1}, {transform_indices = #map1}, {transform_indices = #map}, {transform_indices = #map}]} {
    %broadcast_in_dim3A = arith.constant 0.000000e+00 : f32
    %broadcast_in_dim3A_0 = vector.broadcast %broadcast_in_dim3A : f32 to vector<16xf32>
    %eq3A = arith.constant 0 : i32
    %eq3A_1 = arith.cmpi eq, %arg0, %eq3A : i32
    %convert_element_type3A = arith.extui %eq3A_1 : i1 to i32
    %cond3A = arith.constant 0 : i32
    %cond3A_2 = arith.cmpi ne, %convert_element_type3A, %cond3A : i32
    scf.if %cond3A_2 {
      %scan3A = arith.constant 0 : i32
      %scan3A_8 = arith.constant 0 : i32
      %scan3A_9 = arith.constant 128 : i32
      %scan3A_10 = arith.addi %scan3A_8, %scan3A_9 : i32
      %scan3A_11 = arith.constant 1 : i32
      scf.for %scan3A_206 = %scan3A_8 to %scan3A_10 step %scan3A_11  : i32 {
        %swap3A = arith.index_cast %scan3A_206 : i32 to index
        %swap3A_207 = arith.constant 0 : index
        %swap3A_208 = tpu.vector_load %arg10[%swap3A, %swap3A_207] {strides = array<i32>} : memref<128x128xf32, #tpu.memory_space<vmem>>, vector<1x16xf32>,
        %swap3A_209 = vector.shape_cast %swap3A_208 : vector<1x16xf32> to vector<16xf32>
        %swap3A_210 = vector.shape_cast %broadcast_in_dim3A_0 : vector<16xf32> to vector<1x16xf32>
        tpu.vector_store %arg10[%swap3A, %swap3A_207], %swap3A_210 {strides = array<i32>} : memref<128x128xf32, #tpu.memory_space<vmem>>, vector<1x16xf32>,
        %swap3A_211 = arith.index_cast %scan3A_206 : i32 to index
        %swap3A_212 = arith.constant 16 : index
        %swap3A_213 = tpu.vector_load %arg10[%swap3A_211, %swap3A_212] {strides = array<i32>} : memref<128x128xf32, #tpu.memory_space<vmem>>, vector<1x16xf32>,
        %swap3A_214 = vector.shape_cast %swap3A_213 : vector<1x16xf32> to vector<16xf32>
        %swap3A_215 = vector.shape_cast %broadcast_in_dim3A_0 : vector<16xf32> to vector<1x16xf32>
        tpu.vector_store %arg10[%swap3A_211, %swap3A_212], %swap3A_215 {strides = array<i32>} : memref<128x128xf32, #tpu.memory_space<vmem>>, vector<1x16xf32>,
        %swap3A_216 = arith.index_cast %scan3A_206 : i32 to index
        %swap3A_217 = arith.constant 32 : index
        %swap3A_218 = tpu.vector_load %arg10[%swap3A_216, %swap3A_217] {strides = array<i32>} : memref<128x128xf32, #tpu.memory_space<vmem>>, vector<1x16xf32>,
        %swap3A_219 = vector.shape_cast %swap3A_218 : vector<1x16xf32> to vector<16xf32>
        %swap3A_220 = vector.shape_cast %broadcast_in_dim3A_0 : vector<16xf32> to vector<1x16xf32>
        tpu.vector_store %arg10[%swap3A_216, %swap3A_217], %swap3A_220 {strides = array<i32>} : memref<128x128xf32, #tpu.memory_space<vmem>>, vector<1x16xf32>,
        %swap3A_221 = arith.index_cast %scan3A_206 : i32 to index
        %swap3A_222 = arith.constant 48 : index
        %swap3A_223 = tpu.vector_load %arg10[%swap3A_221, %swap3A_222] {strides = array<i32>} : memref<128x128xf32, #tpu.memory_space<vmem>>, vector<1x16xf32>,
        %swap3A_224 = vector.shape_cast %swap3A_223 : vector<1x16xf32> to vector<16xf32>
        %swap3A_225 = vector.shape_cast %broadcast_in_dim3A_0 : vector<16xf32> to vector<1x16xf32>
        tpu.vector_store %arg10[%swap3A_221, %swap3A_222], %swap3A_225 {strides = array<i32>} : memref<128x128xf32, #tpu.memory_space<vmem>>, vector<1x16xf32>,
        %swap3A_226 = arith.index_cast %scan3A_206 : i32 to index
        %swap3A_227 = arith.constant 64 : index
        %swap3A_228 = tpu.vector_load %arg10[%swap3A_226, %swap3A_227] {strides = array<i32>} : memref<128x128xf32, #tpu.memory_space<vmem>>, vector<1x16xf32>,
        %swap3A_229 = vector.shape_cast %swap3A_228 : vector<1x16xf32> to vector<16xf32>
        %swap3A_230 = vector.shape_cast %broadcast_in_dim3A_0 : vector<16xf32> to vector<1x16xf32>
        tpu.vector_store %arg10[%swap3A_226, %swap3A_227], %swap3A_230 {strides = array<i32>} : memref<128x128xf32, #tpu.memory_space<vmem>>, vector<1x16xf32>,
        %swap3A_231 = arith.index_cast %scan3A_206 : i32 to index
        %swap3A_232 = arith.constant 80 : index
        %swap3A_233 = tpu.vector_load %arg10[%swap3A_231, %swap3A_232] {strides = array<i32>} : memref<128x128xf32, #tpu.memory_space<vmem>>, vector<1x16xf32>,
        %swap3A_234 = vector.shape_cast %swap3A_233 : vector<1x16xf32> to vector<16xf32>
        %swap3A_235 = vector.shape_cast %broadcast_in_dim3A_0 : vector<16xf32> to vector<1x16xf32>
        tpu.vector_store %arg10[%swap3A_231, %swap3A_232], %swap3A_235 {strides = array<i32>} : memref<128x128xf32, #tpu.memory_space<vmem>>, vector<1x16xf32>,
        %swap3A_236 = arith.index_cast %scan3A_206 : i32 to index
        %swap3A_237 = arith.constant 96 : index
        %swap3A_238 = tpu.vector_load %arg10[%swap3A_236, %swap3A_237] {strides = array<i32>} : memref<128x128xf32, #tpu.memory_space<vmem>>, vector<1x16xf32>,
        %swap3A_239 = vector.shape_cast %swap3A_238 : vector<1x16xf32> to vector<16xf32>
        %swap3A_240 = vector.shape_cast %broadcast_in_dim3A_0 : vector<16xf32> to vector<1x16xf32>
        tpu.vector_store %arg10[%swap3A_236, %swap3A_237], %swap3A_240 {strides = array<i32>} : memref<128x128xf32, #tpu.memory_space<vmem>>, vector<1x16xf32>,
        %swap3A_241 = arith.index_cast %scan3A_206 : i32 to index
        %swap3A_242 = arith.constant 112 : index
        %swap3A_243 = tpu.vector_load %arg10[%swap3A_241, %swap3A_242] {strides = array<i32>} : memref<128x128xf32, #tpu.memory_space<vmem>>, vector<1x16xf32>,
        %swap3A_244 = vector.shape_cast %swap3A_243 : vector<1x16xf32> to vector<16xf32>
        %swap3A_245 = vector.shape_cast %broadcast_in_dim3A_0 : vector<16xf32> to vector<1x16xf32>
        tpu.vector_store %arg10[%swap3A_241, %swap3A_242], %swap3A_245 {strides = array<i32>} : memref<128x128xf32, #tpu.memory_space<vmem>>, vector<1x16xf32>,
      }
      %scan3A_12 = arith.constant 128 : i32
      %mul3A = arith.constant 640 : i32
      %mul3A_13 = arith.muli %arg1, %mul3A : i32
      %add3A = arith.constant 0 : i32
      %add3A_14 = arith.addi %mul3A_13, %add3A : i32
      "tpu.region"() ({
        %run_scoped3A = tpu.sem_alloc : memref<!tpu.dma_semaphore, #tpu.memory_space<semaphore_mem>>
        %dma_start3A_206 = arith.constant 0 : i32
        %dma_start3A_207 = tpu.memref_slice %arg12[%add3A_14, %dma_start3A_206] : memref<10240x128xf32, #tpu.memory_space<vmem_shared>> -> memref<128x128xf32, #tpu.memory_space<vmem_shared>>
        %dma_start3A_208 = arith.constant 0 : i32
        %dma_start3A_209 = tpu.memref_slice %arg12[%add3A_14, %dma_start3A_208] : memref<10240x128xf32, #tpu.memory_space<vmem_shared>> -> memref<128x128xf32, #tpu.memory_space<vmem_shared>>
        tpu.enqueue_dma source(%arg10 : memref<128x128xf32, #tpu.memory_space<vmem>>) target(%dma_start3A_209 : memref<128x128xf32, #tpu.memory_space<vmem_shared>>) target_semaphore(%run_scoped3A : memref<!tpu.dma_semaphore, #tpu.memory_space<semaphore_mem>>)
        %dma_wait3A_210 = arith.constant 0 : i32
        %dma_wait3A_211 = tpu.memref_slice %arg12[%add3A_14, %dma_wait3A_210] : memref<10240x128xf32, #tpu.memory_space<vmem_shared>> -> memref<128x128xf32, #tpu.memory_space<vmem_shared>>
        %dma_wait3A_212 = arith.constant 0 : i32
        %dma_wait3A_213 = tpu.memref_slice %arg12[%add3A_14, %dma_wait3A_212] : memref<10240x128xf32, #tpu.memory_space<vmem_shared>> -> memref<128x128xf32, #tpu.memory_space<vmem_shared>>
        tpu.wait_dma2 semaphore(%run_scoped3A : memref<!tpu.dma_semaphore, #tpu.memory_space<semaphore_mem>>) src(%arg10 : memref<128x128xf32, #tpu.memory_space<vmem>>) dst(%dma_wait3A_213 : memref<128x128xf32, #tpu.memory_space<vmem_shared>>)
        tpu.yield
      }) : () -> ()
      %mul3A_15 = arith.constant 640 : i32
      %mul3A_16 = arith.muli %arg1, %mul3A_15 : i32
      %add3A_17 = arith.constant 128 : i32
      %add3A_18 = arith.addi %mul3A_16, %add3A_17 : i32
      "tpu.region"() ({
        %run_scoped3A = tpu.sem_alloc : memref<!tpu.dma_semaphore, #tpu.memory_space<semaphore_mem>>
        %dma_start3A_206 = arith.constant 0 : i32
        %dma_start3A_207 = tpu.memref_slice %arg12[%add3A_18, %dma_start3A_206] : memref<10240x128xf32, #tpu.memory_space<vmem_shared>> -> memref<128x128xf32, #tpu.memory_space<vmem_shared>>
        %dma_start3A_208 = arith.constant 0 : i32
        %dma_start3A_209 = tpu.memref_slice %arg12[%add3A_18, %dma_start3A_208] : memref<10240x128xf32, #tpu.memory_space<vmem_shared>> -> memref<128x128xf32, #tpu.memory_space<vmem_shared>>
        tpu.enqueue_dma source(%arg10 : memref<128x128xf32, #tpu.memory_space<vmem>>) target(%dma_start3A_209 : memref<128x128xf32, #tpu.memory_space<vmem_shared>>) target_semaphore(%run_scoped3A : memref<!tpu.dma_semaphore, #tpu.memory_space<semaphore_mem>>)
        %dma_wait3A_210 = arith.constant 0 : i32
        %dma_wait3A_211 = tpu.memref_slice %arg12[%add3A_18, %dma_wait3A_210] : memref<10240x128xf32, #tpu.memory_space<vmem_shared>> -> memref<128x128xf32, #tpu.memory_space<vmem_shared>>
        %dma_wait3A_212 = arith.constant 0 : i32
        %dma_wait3A_213 = tpu.memref_slice %arg12[%add3A_18, %dma_wait3A_212] : memref<10240x128xf32, #tpu.memory_space<vmem_shared>> -> memref<128x128xf32, #tpu.memory_space<vmem_shared>>
        tpu.wait_dma2 semaphore(%run_scoped3A : memref<!tpu.dma_semaphore, #tpu.memory_space<semaphore_mem>>) src(%arg10 : memref<128x128xf32, #tpu.memory_space<vmem>>) dst(%dma_wait3A_213 : memref<128x128xf32, #tpu.memory_space<vmem_shared>>)
        tpu.yield
      }) : () -> ()
      %mul3A_19 = arith.constant 640 : i32
      %mul3A_20 = arith.muli %arg1, %mul3A_19 : i32
      %add3A_21 = arith.constant 256 : i32
      %add3A_22 = arith.addi %mul3A_20, %add3A_21 : i32
      "tpu.region"() ({
        %run_scoped3A = tpu.sem_alloc : memref<!tpu.dma_semaphore, #tpu.memory_space<semaphore_mem>>
        %dma_start3A_206 = arith.constant 0 : i32
        %dma_start3A_207 = tpu.memref_slice %arg12[%add3A_22, %dma_start3A_206] : memref<10240x128xf32, #tpu.memory_space<vmem_shared>> -> memref<128x128xf32, #tpu.memory_space<vmem_shared>>
        %dma_start3A_208 = arith.constant 0 : i32
        %dma_start3A_209 = tpu.memref_slice %arg12[%add3A_22, %dma_start3A_208] : memref<10240x128xf32, #tpu.memory_space<vmem_shared>> -> memref<128x128xf32, #tpu.memory_space<vmem_shared>>
        tpu.enqueue_dma source(%arg10 : memref<128x128xf32, #tpu.memory_space<vmem>>) target(%dma_start3A_209 : memref<128x128xf32, #tpu.memory_space<vmem_shared>>) target_semaphore(%run_scoped3A : memref<!tpu.dma_semaphore, #tpu.memory_space<semaphore_mem>>)
        %dma_wait3A_210 = arith.constant 0 : i32
        %dma_wait3A_211 = tpu.memref_slice %arg12[%add3A_22, %dma_wait3A_210] : memref<10240x128xf32, #tpu.memory_space<vmem_shared>> -> memref<128x128xf32, #tpu.memory_space<vmem_shared>>
        %dma_wait3A_212 = arith.constant 0 : i32
        %dma_wait3A_213 = tpu.memref_slice %arg12[%add3A_22, %dma_wait3A_212] : memref<10240x128xf32, #tpu.memory_space<vmem_shared>> -> memref<128x128xf32, #tpu.memory_space<vmem_shared>>
        tpu.wait_dma2 semaphore(%run_scoped3A : memref<!tpu.dma_semaphore, #tpu.memory_space<semaphore_mem>>) src(%arg10 : memref<128x128xf32, #tpu.memory_space<vmem>>) dst(%dma_wait3A_213 : memref<128x128xf32, #tpu.memory_space<vmem_shared>>)
        tpu.yield
      }) : () -> ()
      %mul3A_23 = arith.constant 640 : i32
      %mul3A_24 = arith.muli %arg1, %mul3A_23 : i32
      %add3A_25 = arith.constant 384 : i32
      %add3A_26 = arith.addi %mul3A_24, %add3A_25 : i32
      "tpu.region"() ({
        %run_scoped3A = tpu.sem_alloc : memref<!tpu.dma_semaphore, #tpu.memory_space<semaphore_mem>>
        %dma_start3A_206 = arith.constant 0 : i32
        %dma_start3A_207 = tpu.memref_slice %arg12[%add3A_26, %dma_start3A_206] : memref<10240x128xf32, #tpu.memory_space<vmem_shared>> -> memref<128x128xf32, #tpu.memory_space<vmem_shared>>
        %dma_start3A_208 = arith.constant 0 : i32
        %dma_start3A_209 = tpu.memref_slice %arg12[%add3A_26, %dma_start3A_208] : memref<10240x128xf32, #tpu.memory_space<vmem_shared>> -> memref<128x128xf32, #tpu.memory_space<vmem_shared>>
        tpu.enqueue_dma source(%arg10 : memref<128x128xf32, #tpu.memory_space<vmem>>) target(%dma_start3A_209 : memref<128x128xf32, #tpu.memory_space<vmem_shared>>) target_semaphore(%run_scoped3A : memref<!tpu.dma_semaphore, #tpu.memory_space<semaphore_mem>>)
        %dma_wait3A_210 = arith.constant 0 : i32
        %dma_wait3A_211 = tpu.memref_slice %arg12[%add3A_26, %dma_wait3A_210] : memref<10240x128xf32, #tpu.memory_space<vmem_shared>> -> memref<128x128xf32, #tpu.memory_space<vmem_shared>>
        %dma_wait3A_212 = arith.constant 0 : i32
        %dma_wait3A_213 = tpu.memref_slice %arg12[%add3A_26, %dma_wait3A_212] : memref<10240x128xf32, #tpu.memory_space<vmem_shared>> -> memref<128x128xf32, #tpu.memory_space<vmem_shared>>
        tpu.wait_dma2 semaphore(%run_scoped3A : memref<!tpu.dma_semaphore, #tpu.memory_space<semaphore_mem>>) src(%arg10 : memref<128x128xf32, #tpu.memory_space<vmem>>) dst(%dma_wait3A_213 : memref<128x128xf32, #tpu.memory_space<vmem_shared>>)
        tpu.yield
      }) : () -> ()
      %mul3A_27 = arith.constant 640 : i32
      %mul3A_28 = arith.muli %arg1, %mul3A_27 : i32
      %add3A_29 = arith.constant 512 : i32
      %add3A_30 = arith.addi %mul3A_28, %add3A_29 : i32
      "tpu.region"() ({
        %run_scoped3A = tpu.sem_alloc : memref<!tpu.dma_semaphore, #tpu.memory_space<semaphore_mem>>
        %dma_start3A_206 = arith.constant 0 : i32
        %dma_start3A_207 = tpu.memref_slice %arg12[%add3A_30, %dma_start3A_206] : memref<10240x128xf32, #tpu.memory_space<vmem_shared>> -> memref<128x128xf32, #tpu.memory_space<vmem_shared>>
        %dma_start3A_208 = arith.constant 0 : i32
        %dma_start3A_209 = tpu.memref_slice %arg12[%add3A_30, %dma_start3A_208] : memref<10240x128xf32, #tpu.memory_space<vmem_shared>> -> memref<128x128xf32, #tpu.memory_space<vmem_shared>>
        tpu.enqueue_dma source(%arg10 : memref<128x128xf32, #tpu.memory_space<vmem>>) target(%dma_start3A_209 : memref<128x128xf32, #tpu.memory_space<vmem_shared>>) target_semaphore(%run_scoped3A : memref<!tpu.dma_semaphore, #tpu.memory_space<semaphore_mem>>)
        %dma_wait3A_210 = arith.constant 0 : i32
        %dma_wait3A_211 = tpu.memref_slice %arg12[%add3A_30, %dma_wait3A_210] : memref<10240x128xf32, #tpu.memory_space<vmem_shared>> -> memref<128x128xf32, #tpu.memory_space<vmem_shared>>
        %dma_wait3A_212 = arith.constant 0 : i32
        %dma_wait3A_213 = tpu.memref_slice %arg12[%add3A_30, %dma_wait3A_212] : memref<10240x128xf32, #tpu.memory_space<vmem_shared>> -> memref<128x128xf32, #tpu.memory_space<vmem_shared>>
        tpu.wait_dma2 semaphore(%run_scoped3A : memref<!tpu.dma_semaphore, #tpu.memory_space<semaphore_mem>>) src(%arg10 : memref<128x128xf32, #tpu.memory_space<vmem>>) dst(%dma_wait3A_213 : memref<128x128xf32, #tpu.memory_space<vmem_shared>>)
        tpu.yield
      }) : () -> ()
      %barrier3A = arith.constant 0 : index
      tpu.barrier barrier_id(%barrier3A)
      %dma_start3A = arith.constant 0 : i32
      %dma_start3A_31 = arith.constant 0 : i32
      %dma_start3A_32 = arith.constant 0 : i32
      %dma_start3A_33 = tpu.memref_slice %arg8[%dma_start3A_31, %dma_start3A_32] : memref<2x128xi32, #tpu.memory_space<vmem>> -> memref<1x128xi32, #tpu.memory_space<vmem>>
      %dma_start3A_34 = tpu.memref_squeeze %dma_start3A_33 : memref<1x128xi32, #tpu.memory_space<vmem>> -> memref<128xi32, #tpu.memory_space<vmem>>
      %dma_start3A_35 = arith.constant 0 : i32
      %dma_start3A_36 = tpu.memref_slice %arg4[%arg1, %dma_start3A, %dma_start3A_35] : memref<16x80x128xi32, #tpu.memory_space<hbm>> -> memref<1x1x128xi32, #tpu.memory_space<hbm>>
      %dma_start3A_37 = tpu.memref_squeeze %dma_start3A_36 : memref<1x1x128xi32, #tpu.memory_space<hbm>> -> memref<128xi32, #tpu.memory_space<hbm>>
      %dma_start3A_38 = arith.constant 0 : i32
      %dma_start3A_39 = tpu.memref_slice %arg8[%dma_start3A_31, %dma_start3A_38] : memref<2x128xi32, #tpu.memory_space<vmem>> -> memref<1x128xi32, #tpu.memory_space<vmem>>
      %dma_start3A_40 = tpu.memref_squeeze %dma_start3A_39 : memref<1x128xi32, #tpu.memory_space<vmem>> -> memref<128xi32, #tpu.memory_space<vmem>>
      %dma_start3A_41 = arith.constant 0 : i32
      %dma_start3A_42 = tpu.memref_slice %arg4[%arg1, %dma_start3A, %dma_start3A_41] : memref<16x80x128xi32, #tpu.memory_space<hbm>> -> memref<1x1x128xi32, #tpu.memory_space<hbm>>
      %dma_start3A_43 = tpu.memref_squeeze %dma_start3A_42 : memref<1x1x128xi32, #tpu.memory_space<hbm>> -> memref<128xi32, #tpu.memory_space<hbm>>
      tpu.enqueue_dma source(%dma_start3A_43 : memref<128xi32, #tpu.memory_space<hbm>>) target(%dma_start3A_40 : memref<128xi32, #tpu.memory_space<vmem>>) target_semaphore(%arg17 : memref<!tpu.dma_semaphore, #tpu.memory_space<semaphore_mem>>)
      %dma_start3A_44 = arith.constant 0 : i32
      %dma_start3A_45 = arith.constant 0 : i32
      %dma_start3A_46 = arith.constant 0 : i32
      %dma_start3A_47 = tpu.memref_slice %arg9[%dma_start3A_45, %dma_start3A_46] : memref<2x128xi32, #tpu.memory_space<vmem>> -> memref<1x128xi32, #tpu.memory_space<vmem>>
      %dma_start3A_48 = tpu.memref_squeeze %dma_start3A_47 : memref<1x128xi32, #tpu.memory_space<vmem>> -> memref<128xi32, #tpu.memory_space<vmem>>
      %dma_start3A_49 = arith.constant 0 : i32
      %dma_start3A_50 = tpu.memref_slice %arg5[%arg1, %dma_start3A_44, %dma_start3A_49] : memref<16x80x128xi32, #tpu.memory_space<hbm>> -> memref<1x1x128xi32, #tpu.memory_space<hbm>>
      %dma_start3A_51 = tpu.memref_squeeze %dma_start3A_50 : memref<1x1x128xi32, #tpu.memory_space<hbm>> -> memref<128xi32, #tpu.memory_space<hbm>>
      %dma_start3A_52 = arith.constant 0 : i32
      %dma_start3A_53 = tpu.memref_slice %arg9[%dma_start3A_45, %dma_start3A_52] : memref<2x128xi32, #tpu.memory_space<vmem>> -> memref<1x128xi32, #tpu.memory_space<vmem>>
      %dma_start3A_54 = tpu.memref_squeeze %dma_start3A_53 : memref<1x128xi32, #tpu.memory_space<vmem>> -> memref<128xi32, #tpu.memory_space<vmem>>
      %dma_start3A_55 = arith.constant 0 : i32
      %dma_start3A_56 = tpu.memref_slice %arg5[%arg1, %dma_start3A_44, %dma_start3A_55] : memref<16x80x128xi32, #tpu.memory_space<hbm>> -> memref<1x1x128xi32, #tpu.memory_space<hbm>>
      %dma_start3A_57 = tpu.memref_squeeze %dma_start3A_56 : memref<1x1x128xi32, #tpu.memory_space<hbm>> -> memref<128xi32, #tpu.memory_space<hbm>>
      tpu.enqueue_dma source(%dma_start3A_57 : memref<128xi32, #tpu.memory_space<hbm>>) target(%dma_start3A_54 : memref<128xi32, #tpu.memory_space<vmem>>) target_semaphore(%arg19 : memref<!tpu.dma_semaphore, #tpu.memory_space<semaphore_mem>>)
      %dma_start3A_58 = arith.constant 1 : i32
      %dma_start3A_59 = arith.constant 1 : i32
      %dma_start3A_60 = arith.constant 0 : i32
      %dma_start3A_61 = tpu.memref_slice %arg8[%dma_start3A_59, %dma_start3A_60] : memref<2x128xi32, #tpu.memory_space<vmem>> -> memref<1x128xi32, #tpu.memory_space<vmem>>
      %dma_start3A_62 = tpu.memref_squeeze %dma_start3A_61 : memref<1x128xi32, #tpu.memory_space<vmem>> -> memref<128xi32, #tpu.memory_space<vmem>>
      %dma_start3A_63 = arith.constant 0 : i32
      %dma_start3A_64 = tpu.memref_slice %arg4[%arg1, %dma_start3A_58, %dma_start3A_63] : memref<16x80x128xi32, #tpu.memory_space<hbm>> -> memref<1x1x128xi32, #tpu.memory_space<hbm>>
      %dma_start3A_65 = tpu.memref_squeeze %dma_start3A_64 : memref<1x1x128xi32, #tpu.memory_space<hbm>> -> memref<128xi32, #tpu.memory_space<hbm>>
      %dma_start3A_66 = arith.constant 0 : i32
      %dma_start3A_67 = tpu.memref_slice %arg8[%dma_start3A_59, %dma_start3A_66] : memref<2x128xi32, #tpu.memory_space<vmem>> -> memref<1x128xi32, #tpu.memory_space<vmem>>
      %dma_start3A_68 = tpu.memref_squeeze %dma_start3A_67 : memref<1x128xi32, #tpu.memory_space<vmem>> -> memref<128xi32, #tpu.memory_space<vmem>>
      %dma_start3A_69 = arith.constant 0 : i32
      %dma_start3A_70 = tpu.memref_slice %arg4[%arg1, %dma_start3A_58, %dma_start3A_69] : memref<16x80x128xi32, #tpu.memory_space<hbm>> -> memref<1x1x128xi32, #tpu.memory_space<hbm>>
      %dma_start3A_71 = tpu.memref_squeeze %dma_start3A_70 : memref<1x1x128xi32, #tpu.memory_space<hbm>> -> memref<128xi32, #tpu.memory_space<hbm>>
      tpu.enqueue_dma source(%dma_start3A_71 : memref<128xi32, #tpu.memory_space<hbm>>) target(%dma_start3A_68 : memref<128xi32, #tpu.memory_space<vmem>>) target_semaphore(%arg18 : memref<!tpu.dma_semaphore, #tpu.memory_space<semaphore_mem>>)
      %dma_start3A_72 = arith.constant 1 : i32
      %dma_start3A_73 = arith.constant 1 : i32
      %dma_start3A_74 = arith.constant 0 : i32
      %dma_start3A_75 = tpu.memref_slice %arg9[%dma_start3A_73, %dma_start3A_74] : memref<2x128xi32, #tpu.memory_space<vmem>> -> memref<1x128xi32, #tpu.memory_space<vmem>>
      %dma_start3A_76 = tpu.memref_squeeze %dma_start3A_75 : memref<1x128xi32, #tpu.memory_space<vmem>> -> memref<128xi32, #tpu.memory_space<vmem>>
      %dma_start3A_77 = arith.constant 0 : i32
      %dma_start3A_78 = tpu.memref_slice %arg5[%arg1, %dma_start3A_72, %dma_start3A_77] : memref<16x80x128xi32, #tpu.memory_space<hbm>> -> memref<1x1x128xi32, #tpu.memory_space<hbm>>
      %dma_start3A_79 = tpu.memref_squeeze %dma_start3A_78 : memref<1x1x128xi32, #tpu.memory_space<hbm>> -> memref<128xi32, #tpu.memory_space<hbm>>
      %dma_start3A_80 = arith.constant 0 : i32
      %dma_start3A_81 = tpu.memref_slice %arg9[%dma_start3A_73, %dma_start3A_80] : memref<2x128xi32, #tpu.memory_space<vmem>> -> memref<1x128xi32, #tpu.memory_space<vmem>>
      %dma_start3A_82 = tpu.memref_squeeze %dma_start3A_81 : memref<1x128xi32, #tpu.memory_space<vmem>> -> memref<128xi32, #tpu.memory_space<vmem>>
      %dma_start3A_83 = arith.constant 0 : i32
      %dma_start3A_84 = tpu.memref_slice %arg5[%arg1, %dma_start3A_72, %dma_start3A_83] : memref<16x80x128xi32, #tpu.memory_space<hbm>> -> memref<1x1x128xi32, #tpu.memory_space<hbm>>
      %dma_start3A_85 = tpu.memref_squeeze %dma_start3A_84 : memref<1x1x128xi32, #tpu.memory_space<hbm>> -> memref<128xi32, #tpu.memory_space<hbm>>
      tpu.enqueue_dma source(%dma_start3A_85 : memref<128xi32, #tpu.memory_space<hbm>>) target(%dma_start3A_82 : memref<128xi32, #tpu.memory_space<vmem>>) target_semaphore(%arg20 : memref<!tpu.dma_semaphore, #tpu.memory_space<semaphore_mem>>)
      %dma_wait3A = arith.constant 0 : i32
      %dma_wait3A_86 = arith.constant 0 : i32
      %dma_wait3A_87 = arith.constant 0 : i32
      %dma_wait3A_88 = tpu.memref_slice %arg8[%dma_wait3A_86, %dma_wait3A_87] : memref<2x128xi32, #tpu.memory_space<vmem>> -> memref<1x128xi32, #tpu.memory_space<vmem>>
      %dma_wait3A_89 = tpu.memref_squeeze %dma_wait3A_88 : memref<1x128xi32, #tpu.memory_space<vmem>> -> memref<128xi32, #tpu.memory_space<vmem>>
      %dma_wait3A_90 = arith.constant 0 : i32
      %dma_wait3A_91 = tpu.memref_slice %arg4[%arg1, %dma_wait3A, %dma_wait3A_90] : memref<16x80x128xi32, #tpu.memory_space<hbm>> -> memref<1x1x128xi32, #tpu.memory_space<hbm>>
      %dma_wait3A_92 = tpu.memref_squeeze %dma_wait3A_91 : memref<1x1x128xi32, #tpu.memory_space<hbm>> -> memref<128xi32, #tpu.memory_space<hbm>>
      %dma_wait3A_93 = arith.constant 0 : i32
      %dma_wait3A_94 = tpu.memref_slice %arg8[%dma_wait3A_86, %dma_wait3A_93] : memref<2x128xi32, #tpu.memory_space<vmem>> -> memref<1x128xi32, #tpu.memory_space<vmem>>
      %dma_wait3A_95 = tpu.memref_squeeze %dma_wait3A_94 : memref<1x128xi32, #tpu.memory_space<vmem>> -> memref<128xi32, #tpu.memory_space<vmem>>
      %dma_wait3A_96 = arith.constant 0 : i32
      %dma_wait3A_97 = tpu.memref_slice %arg4[%arg1, %dma_wait3A, %dma_wait3A_96] : memref<16x80x128xi32, #tpu.memory_space<hbm>> -> memref<1x1x128xi32, #tpu.memory_space<hbm>>
      %dma_wait3A_98 = tpu.memref_squeeze %dma_wait3A_97 : memref<1x1x128xi32, #tpu.memory_space<hbm>> -> memref<128xi32, #tpu.memory_space<hbm>>
      tpu.wait_dma2 semaphore(%arg17 : memref<!tpu.dma_semaphore, #tpu.memory_space<semaphore_mem>>) src(%dma_wait3A_98 : memref<128xi32, #tpu.memory_space<hbm>>) dst(%dma_wait3A_95 : memref<128xi32, #tpu.memory_space<vmem>>)
      %dma_start3A_99 = arith.constant 0 : i32
      %dma_start3A_100 = arith.constant 0 : i32
      %dma_start3A_101 = tpu.memref_slice %arg8[%dma_start3A_99, %dma_start3A_100] : memref<2x128xi32, #tpu.memory_space<vmem>> -> memref<1x128xi32, #tpu.memory_space<vmem>>
      %dma_start3A_102 = tpu.memref_squeeze %dma_start3A_101 : memref<1x128xi32, #tpu.memory_space<vmem>> -> memref<128xi32, #tpu.memory_space<vmem>>
      %dma_start3A_103 = arith.constant 0 : i32
      %dma_start3A_104 = arith.constant 0 : i32
      %dma_start3A_105 = tpu.memref_slice %arg2[%dma_start3A_103, %dma_start3A_104] : memref<81920x128xf32, #tpu.memory_space<hbm>> -> memref<81920x128xf32, #tpu.memory_space<hbm>>
      tpu.enqueue_indirect_dma source(%dma_start3A_105 : memref<81920x128xf32, #tpu.memory_space<hbm>>) target(%arg10 : memref<128x128xf32, #tpu.memory_space<vmem>>) offsets(%dma_start3A_102 : memref<128xi32, #tpu.memory_space<vmem>>) semaphore(%arg13 : memref<!tpu.dma_semaphore, #tpu.memory_space<semaphore_mem>>)
      %dma_wait3A_106 = arith.constant 0 : i32
      %dma_wait3A_107 = arith.constant 1 : i32
      %dma_wait3A_108 = arith.constant 0 : i32
      %dma_wait3A_109 = tpu.memref_slice %arg8[%dma_wait3A_107, %dma_wait3A_108] : memref<2x128xi32, #tpu.memory_space<vmem>> -> memref<1x128xi32, #tpu.memory_space<vmem>>
      %dma_wait3A_110 = tpu.memref_squeeze %dma_wait3A_109 : memref<1x128xi32, #tpu.memory_space<vmem>> -> memref<128xi32, #tpu.memory_space<vmem>>
      %dma_wait3A_111 = arith.constant 0 : i32
      %dma_wait3A_112 = tpu.memref_slice %arg4[%arg1, %dma_wait3A_106, %dma_wait3A_111] : memref<16x80x128xi32, #tpu.memory_space<hbm>> -> memref<1x1x128xi32, #tpu.memory_space<hbm>>
      %dma_wait3A_113 = tpu.memref_squeeze %dma_wait3A_112 : memref<1x1x128xi32, #tpu.memory_space<hbm>> -> memref<128xi32, #tpu.memory_space<hbm>>
      %dma_wait3A_114 = arith.constant 0 : i32
      %dma_wait3A_115 = tpu.memref_slice %arg8[%dma_wait3A_107, %dma_wait3A_114] : memref<2x128xi32, #tpu.memory_space<vmem>> -> memref<1x128xi32, #tpu.memory_space<vmem>>
      %dma_wait3A_116 = tpu.memref_squeeze %dma_wait3A_115 : memref<1x128xi32, #tpu.memory_space<vmem>> -> memref<128xi32, #tpu.memory_space<vmem>>
      %dma_wait3A_117 = arith.constant 0 : i32
      %dma_wait3A_118 = tpu.memref_slice %arg4[%arg1, %dma_wait3A_106, %dma_wait3A_117] : memref<16x80x128xi32, #tpu.memory_space<hbm>> -> memref<1x1x128xi32, #tpu.memory_space<hbm>>
      %dma_wait3A_119 = tpu.memref_squeeze %dma_wait3A_118 : memref<1x1x128xi32, #tpu.memory_space<hbm>> -> memref<128xi32, #tpu.memory_space<hbm>>
      tpu.wait_dma2 semaphore(%arg18 : memref<!tpu.dma_semaphore, #tpu.memory_space<semaphore_mem>>) src(%dma_wait3A_119 : memref<128xi32, #tpu.memory_space<hbm>>) dst(%dma_wait3A_116 : memref<128xi32, #tpu.memory_space<vmem>>)
      %dma_start3A_120 = arith.constant 1 : i32
      %dma_start3A_121 = arith.constant 0 : i32
      %dma_start3A_122 = tpu.memref_slice %arg8[%dma_start3A_120, %dma_start3A_121] : memref<2x128xi32, #tpu.memory_space<vmem>> -> memref<1x128xi32, #tpu.memory_space<vmem>>
      %dma_start3A_123 = tpu.memref_squeeze %dma_start3A_122 : memref<1x128xi32, #tpu.memory_space<vmem>> -> memref<128xi32, #tpu.memory_space<vmem>>
      %dma_start3A_124 = arith.constant 0 : i32
      %dma_start3A_125 = arith.constant 0 : i32
      %dma_start3A_126 = tpu.memref_slice %arg2[%dma_start3A_124, %dma_start3A_125] : memref<81920x128xf32, #tpu.memory_space<hbm>> -> memref<81920x128xf32, #tpu.memory_space<hbm>>
      tpu.enqueue_indirect_dma source(%dma_start3A_126 : memref<81920x128xf32, #tpu.memory_space<hbm>>) target(%arg11 : memref<128x128xf32, #tpu.memory_space<vmem>>) offsets(%dma_start3A_123 : memref<128xi32, #tpu.memory_space<vmem>>) semaphore(%arg14 : memref<!tpu.dma_semaphore, #tpu.memory_space<semaphore_mem>>)
      %scan3A_127 = arith.constant 0 : i32
      %scan3A_128 = arith.constant 0 : i32
      %scan3A_129 = arith.constant 39 : i32
      %scan3A_130 = arith.addi %scan3A_128, %scan3A_129 : i32
      %scan3A_131 = arith.constant 1 : i32
      scf.for %scan3A_206 = %scan3A_128 to %scan3A_130 step %scan3A_131  : i32 {
        %mul3A_207 = arith.constant 2 : i32
        %mul3A_208 = arith.muli %mul3A_207, %scan3A_206 : i32
        %add3A_209 = arith.constant 0 : i32
        %add3A_210 = arith.addi %mul3A_208, %add3A_209 : i32
        %dma_wait3A_211 = arith.constant 0 : i32
        %dma_wait3A_212 = arith.constant 0 : i32
        %dma_wait3A_213 = tpu.memref_slice %arg8[%dma_wait3A_211, %dma_wait3A_212] : memref<2x128xi32, #tpu.memory_space<vmem>> -> memref<1x128xi32, #tpu.memory_space<vmem>>
        %dma_wait3A_214 = tpu.memref_squeeze %dma_wait3A_213 : memref<1x128xi32, #tpu.memory_space<vmem>> -> memref<128xi32, #tpu.memory_space<vmem>>
        %dma_wait3A_215 = arith.constant 0 : i32
        %dma_wait3A_216 = arith.constant 0 : i32
        %dma_wait3A_217 = tpu.memref_slice %arg2[%dma_wait3A_215, %dma_wait3A_216] : memref<81920x128xf32, #tpu.memory_space<hbm>> -> memref<81920x128xf32, #tpu.memory_space<hbm>>
        tpu.wait_indirect_dma semaphore(%arg13 : memref<!tpu.dma_semaphore, #tpu.memory_space<semaphore_mem>>) src(%dma_wait3A_217 : memref<81920x128xf32, #tpu.memory_space<hbm>>) dst(%arg10 : memref<128x128xf32, #tpu.memory_space<vmem>>)
        %dma_wait3A_218 = arith.constant 0 : i32
        %dma_wait3A_219 = arith.constant 0 : i32
        %dma_wait3A_220 = arith.constant 0 : i32
        %dma_wait3A_221 = tpu.memref_slice %arg9[%dma_wait3A_219, %dma_wait3A_220] : memref<2x128xi32, #tpu.memory_space<vmem>> -> memref<1x128xi32, #tpu.memory_space<vmem>>
        %dma_wait3A_222 = tpu.memref_squeeze %dma_wait3A_221 : memref<1x128xi32, #tpu.memory_space<vmem>> -> memref<128xi32, #tpu.memory_space<vmem>>
        %dma_wait3A_223 = arith.constant 0 : i32
        %dma_wait3A_224 = tpu.memref_slice %arg5[%arg1, %dma_wait3A_218, %dma_wait3A_223] : memref<16x80x128xi32, #tpu.memory_space<hbm>> -> memref<1x1x128xi32, #tpu.memory_space<hbm>>
        %dma_wait3A_225 = tpu.memref_squeeze %dma_wait3A_224 : memref<1x1x128xi32, #tpu.memory_space<hbm>> -> memref<128xi32, #tpu.memory_space<hbm>>
        %dma_wait3A_226 = arith.constant 0 : i32
        %dma_wait3A_227 = tpu.memref_slice %arg9[%dma_wait3A_219, %dma_wait3A_226] : memref<2x128xi32, #tpu.memory_space<vmem>> -> memref<1x128xi32, #tpu.memory_space<vmem>>
        %dma_wait3A_228 = tpu.memref_squeeze %dma_wait3A_227 : memref<1x128xi32, #tpu.memory_space<vmem>> -> memref<128xi32, #tpu.memory_space<vmem>>
        %dma_wait3A_229 = arith.constant 0 : i32
        %dma_wait3A_230 = tpu.memref_slice %arg5[%arg1, %dma_wait3A_218, %dma_wait3A_229] : memref<16x80x128xi32, #tpu.memory_space<hbm>> -> memref<1x1x128xi32, #tpu.memory_space<hbm>>
        %dma_wait3A_231 = tpu.memref_squeeze %dma_wait3A_230 : memref<1x1x128xi32, #tpu.memory_space<hbm>> -> memref<128xi32, #tpu.memory_space<hbm>>
        tpu.wait_dma2 semaphore(%arg19 : memref<!tpu.dma_semaphore, #tpu.memory_space<semaphore_mem>>) src(%dma_wait3A_231 : memref<128xi32, #tpu.memory_space<hbm>>) dst(%dma_wait3A_228 : memref<128xi32, #tpu.memory_space<vmem>>)
        %dma_start3A_232 = arith.constant 0 : i32
        %dma_start3A_233 = arith.constant 0 : i32
        %dma_start3A_234 = tpu.memref_slice %arg9[%dma_start3A_232, %dma_start3A_233] : memref<2x128xi32, #tpu.memory_space<vmem>> -> memref<1x128xi32, #tpu.memory_space<vmem>>
        %dma_start3A_235 = tpu.memref_squeeze %dma_start3A_234 : memref<1x128xi32, #tpu.memory_space<vmem>> -> memref<128xi32, #tpu.memory_space<vmem>>
        %dma_start3A_236 = arith.constant 0 : i32
        %dma_start3A_237 = arith.constant 0 : i32
        %dma_start3A_238 = tpu.memref_slice %arg12[%dma_start3A_236, %dma_start3A_237] : memref<10240x128xf32, #tpu.memory_space<vmem_shared>> -> memref<10240x128xf32, #tpu.memory_space<vmem_shared>>
        tpu.enqueue_indirect_dma source(%arg10 : memref<128x128xf32, #tpu.memory_space<vmem>>) target(%dma_start3A_238 : memref<10240x128xf32, #tpu.memory_space<vmem_shared>>) offsets(%dma_start3A_235 : memref<128xi32, #tpu.memory_space<vmem>>) semaphore(%arg15 : memref<!tpu.dma_semaphore, #tpu.memory_space<semaphore_mem>>) {add = true}
        %add3A_239 = arith.constant 2 : i32
        %add3A_240 = arith.addi %add3A_210, %add3A_239 : i32
        %dma_start3A_241 = arith.constant 0 : i32
        %dma_start3A_242 = arith.constant 0 : i32
        %dma_start3A_243 = tpu.memref_slice %arg8[%dma_start3A_241, %dma_start3A_242] : memref<2x128xi32, #tpu.memory_space<vmem>> -> memref<1x128xi32, #tpu.memory_space<vmem>>
        %dma_start3A_244 = tpu.memref_squeeze %dma_start3A_243 : memref<1x128xi32, #tpu.memory_space<vmem>> -> memref<128xi32, #tpu.memory_space<vmem>>
        %dma_start3A_245 = arith.constant 0 : i32
        %dma_start3A_246 = tpu.memref_slice %arg4[%arg1, %add3A_240, %dma_start3A_245] : memref<16x80x128xi32, #tpu.memory_space<hbm>> -> memref<1x1x128xi32, #tpu.memory_space<hbm>>
        %dma_start3A_247 = tpu.memref_squeeze %dma_start3A_246 : memref<1x1x128xi32, #tpu.memory_space<hbm>> -> memref<128xi32, #tpu.memory_space<hbm>>
        %dma_start3A_248 = arith.constant 0 : i32
        %dma_start3A_249 = tpu.memref_slice %arg8[%dma_start3A_241, %dma_start3A_248] : memref<2x128xi32, #tpu.memory_space<vmem>> -> memref<1x128xi32, #tpu.memory_space<vmem>>
        %dma_start3A_250 = tpu.memref_squeeze %dma_start3A_249 : memref<1x128xi32, #tpu.memory_space<vmem>> -> memref<128xi32, #tpu.memory_space<vmem>>
        %dma_start3A_251 = arith.constant 0 : i32
        %dma_start3A_252 = tpu.memref_slice %arg4[%arg1, %add3A_240, %dma_start3A_251] : memref<16x80x128xi32, #tpu.memory_space<hbm>> -> memref<1x1x128xi32, #tpu.memory_space<hbm>>
        %dma_start3A_253 = tpu.memref_squeeze %dma_start3A_252 : memref<1x1x128xi32, #tpu.memory_space<hbm>> -> memref<128xi32, #tpu.memory_space<hbm>>
        tpu.enqueue_dma source(%dma_start3A_253 : memref<128xi32, #tpu.memory_space<hbm>>) target(%dma_start3A_250 : memref<128xi32, #tpu.memory_space<vmem>>) target_semaphore(%arg17 : memref<!tpu.dma_semaphore, #tpu.memory_space<semaphore_mem>>)
        %add3A_254 = arith.constant 1 : i32
        %add3A_255 = arith.addi %mul3A_208, %add3A_254 : i32
        %dma_wait3A_256 = arith.constant 1 : i32
        %dma_wait3A_257 = arith.constant 0 : i32
        %dma_wait3A_258 = tpu.memref_slice %arg8[%dma_wait3A_256, %dma_wait3A_257] : memref<2x128xi32, #tpu.memory_space<vmem>> -> memref<1x128xi32, #tpu.memory_space<vmem>>
        %dma_wait3A_259 = tpu.memref_squeeze %dma_wait3A_258 : memref<1x128xi32, #tpu.memory_space<vmem>> -> memref<128xi32, #tpu.memory_space<vmem>>
        %dma_wait3A_260 = arith.constant 0 : i32
        %dma_wait3A_261 = arith.constant 0 : i32
        %dma_wait3A_262 = tpu.memref_slice %arg2[%dma_wait3A_260, %dma_wait3A_261] : memref<81920x128xf32, #tpu.memory_space<hbm>> -> memref<81920x128xf32, #tpu.memory_space<hbm>>
        tpu.wait_indirect_dma semaphore(%arg14 : memref<!tpu.dma_semaphore, #tpu.memory_space<semaphore_mem>>) src(%dma_wait3A_262 : memref<81920x128xf32, #tpu.memory_space<hbm>>) dst(%arg11 : memref<128x128xf32, #tpu.memory_space<vmem>>)
        %dma_wait3A_263 = arith.constant 0 : i32
        %dma_wait3A_264 = arith.constant 1 : i32
        %dma_wait3A_265 = arith.constant 0 : i32
        %dma_wait3A_266 = tpu.memref_slice %arg9[%dma_wait3A_264, %dma_wait3A_265] : memref<2x128xi32, #tpu.memory_space<vmem>> -> memref<1x128xi32, #tpu.memory_space<vmem>>
        %dma_wait3A_267 = tpu.memref_squeeze %dma_wait3A_266 : memref<1x128xi32, #tpu.memory_space<vmem>> -> memref<128xi32, #tpu.memory_space<vmem>>
        %dma_wait3A_268 = arith.constant 0 : i32
        %dma_wait3A_269 = tpu.memref_slice %arg5[%arg1, %dma_wait3A_263, %dma_wait3A_268] : memref<16x80x128xi32, #tpu.memory_space<hbm>> -> memref<1x1x128xi32, #tpu.memory_space<hbm>>
        %dma_wait3A_270 = tpu.memref_squeeze %dma_wait3A_269 : memref<1x1x128xi32, #tpu.memory_space<hbm>> -> memref<128xi32, #tpu.memory_space<hbm>>
        %dma_wait3A_271 = arith.constant 0 : i32
        %dma_wait3A_272 = tpu.memref_slice %arg9[%dma_wait3A_264, %dma_wait3A_271] : memref<2x128xi32, #tpu.memory_space<vmem>> -> memref<1x128xi32, #tpu.memory_space<vmem>>
        %dma_wait3A_273 = tpu.memref_squeeze %dma_wait3A_272 : memref<1x128xi32, #tpu.memory_space<vmem>> -> memref<128xi32, #tpu.memory_space<vmem>>
        %dma_wait3A_274 = arith.constant 0 : i32
        %dma_wait3A_275 = tpu.memref_slice %arg5[%arg1, %dma_wait3A_263, %dma_wait3A_274] : memref<16x80x128xi32, #tpu.memory_space<hbm>> -> memref<1x1x128xi32, #tpu.memory_space<hbm>>
        %dma_wait3A_276 = tpu.memref_squeeze %dma_wait3A_275 : memref<1x1x128xi32, #tpu.memory_space<hbm>> -> memref<128xi32, #tpu.memory_space<hbm>>
        tpu.wait_dma2 semaphore(%arg20 : memref<!tpu.dma_semaphore, #tpu.memory_space<semaphore_mem>>) src(%dma_wait3A_276 : memref<128xi32, #tpu.memory_space<hbm>>) dst(%dma_wait3A_273 : memref<128xi32, #tpu.memory_space<vmem>>)
        %dma_start3A_277 = arith.constant 1 : i32
        %dma_start3A_278 = arith.constant 0 : i32
        %dma_start3A_279 = tpu.memref_slice %arg9[%dma_start3A_277, %dma_start3A_278] : memref<2x128xi32, #tpu.memory_space<vmem>> -> memref<1x128xi32, #tpu.memory_space<vmem>>
        %dma_start3A_280 = tpu.memref_squeeze %dma_start3A_279 : memref<1x128xi32, #tpu.memory_space<vmem>> -> memref<128xi32, #tpu.memory_space<vmem>>
        %dma_start3A_281 = arith.constant 0 : i32
        %dma_start3A_282 = arith.constant 0 : i32
        %dma_start3A_283 = tpu.memref_slice %arg12[%dma_start3A_281, %dma_start3A_282] : memref<10240x128xf32, #tpu.memory_space<vmem_shared>> -> memref<10240x128xf32, #tpu.memory_space<vmem_shared>>
        tpu.enqueue_indirect_dma source(%arg11 : memref<128x128xf32, #tpu.memory_space<vmem>>) target(%dma_start3A_283 : memref<10240x128xf32, #tpu.memory_space<vmem_shared>>) offsets(%dma_start3A_280 : memref<128xi32, #tpu.memory_space<vmem>>) semaphore(%arg16 : memref<!tpu.dma_semaphore, #tpu.memory_space<semaphore_mem>>) {add = true}
        %add3A_284 = arith.constant 2 : i32
        %add3A_285 = arith.addi %add3A_255, %add3A_284 : i32
        %dma_start3A_286 = arith.constant 1 : i32
        %dma_start3A_287 = arith.constant 0 : i32
        %dma_start3A_288 = tpu.memref_slice %arg8[%dma_start3A_286, %dma_start3A_287] : memref<2x128xi32, #tpu.memory_space<vmem>> -> memref<1x128xi32, #tpu.memory_space<vmem>>
        %dma_start3A_289 = tpu.memref_squeeze %dma_start3A_288 : memref<1x128xi32, #tpu.memory_space<vmem>> -> memref<128xi32, #tpu.memory_space<vmem>>
        %dma_start3A_290 = arith.constant 0 : i32
        %dma_start3A_291 = tpu.memref_slice %arg4[%arg1, %add3A_285, %dma_start3A_290] : memref<16x80x128xi32, #tpu.memory_space<hbm>> -> memref<1x1x128xi32, #tpu.memory_space<hbm>>
        %dma_start3A_292 = tpu.memref_squeeze %dma_start3A_291 : memref<1x1x128xi32, #tpu.memory_space<hbm>> -> memref<128xi32, #tpu.memory_space<hbm>>
        %dma_start3A_293 = arith.constant 0 : i32
        %dma_start3A_294 = tpu.memref_slice %arg8[%dma_start3A_286, %dma_start3A_293] : memref<2x128xi32, #tpu.memory_space<vmem>> -> memref<1x128xi32, #tpu.memory_space<vmem>>
        %dma_start3A_295 = tpu.memref_squeeze %dma_start3A_294 : memref<1x128xi32, #tpu.memory_space<vmem>> -> memref<128xi32, #tpu.memory_space<vmem>>
        %dma_start3A_296 = arith.constant 0 : i32
        %dma_start3A_297 = tpu.memref_slice %arg4[%arg1, %add3A_285, %dma_start3A_296] : memref<16x80x128xi32, #tpu.memory_space<hbm>> -> memref<1x1x128xi32, #tpu.memory_space<hbm>>
        %dma_start3A_298 = tpu.memref_squeeze %dma_start3A_297 : memref<1x1x128xi32, #tpu.memory_space<hbm>> -> memref<128xi32, #tpu.memory_space<hbm>>
        tpu.enqueue_dma source(%dma_start3A_298 : memref<128xi32, #tpu.memory_space<hbm>>) target(%dma_start3A_295 : memref<128xi32, #tpu.memory_space<vmem>>) target_semaphore(%arg18 : memref<!tpu.dma_semaphore, #tpu.memory_space<semaphore_mem>>)
        %add3A_299 = arith.constant 0 : i32
        %add3A_300 = arith.addi %mul3A_208, %add3A_299 : i32
        %dma_wait3A_301 = arith.constant 0 : i32
        %dma_wait3A_302 = arith.constant 0 : i32
        %dma_wait3A_303 = tpu.memref_slice %arg9[%dma_wait3A_301, %dma_wait3A_302] : memref<2x128xi32, #tpu.memory_space<vmem>> -> memref<1x128xi32, #tpu.memory_space<vmem>>
        %dma_wait3A_304 = tpu.memref_squeeze %dma_wait3A_303 : memref<1x128xi32, #tpu.memory_space<vmem>> -> memref<128xi32, #tpu.memory_space<vmem>>
        %dma_wait3A_305 = arith.constant 0 : i32
        %dma_wait3A_306 = arith.constant 0 : i32
        %dma_wait3A_307 = tpu.memref_slice %arg12[%dma_wait3A_305, %dma_wait3A_306] : memref<10240x128xf32, #tpu.memory_space<vmem_shared>> -> memref<10240x128xf32, #tpu.memory_space<vmem_shared>>
        tpu.wait_indirect_dma semaphore(%arg15 : memref<!tpu.dma_semaphore, #tpu.memory_space<semaphore_mem>>) src(%arg10 : memref<128x128xf32, #tpu.memory_space<vmem>>) dst(%dma_wait3A_307 : memref<10240x128xf32, #tpu.memory_space<vmem_shared>>)
        %add3A_308 = arith.constant 2 : i32
        %add3A_309 = arith.addi %add3A_300, %add3A_308 : i32
        %dma_start3A_310 = arith.constant 0 : i32
        %dma_start3A_311 = arith.constant 0 : i32
        %dma_start3A_312 = tpu.memref_slice %arg9[%dma_start3A_310, %dma_start3A_311] : memref<2x128xi32, #tpu.memory_space<vmem>> -> memref<1x128xi32, #tpu.memory_space<vmem>>
        %dma_start3A_313 = tpu.memref_squeeze %dma_start3A_312 : memref<1x128xi32, #tpu.memory_space<vmem>> -> memref<128xi32, #tpu.memory_space<vmem>>
        %dma_start3A_314 = arith.constant 0 : i32
        %dma_start3A_315 = tpu.memref_slice %arg5[%arg1, %add3A_309, %dma_start3A_314] : memref<16x80x128xi32, #tpu.memory_space<hbm>> -> memref<1x1x128xi32, #tpu.memory_space<hbm>>
        %dma_start3A_316 = tpu.memref_squeeze %dma_start3A_315 : memref<1x1x128xi32, #tpu.memory_space<hbm>> -> memref<128xi32, #tpu.memory_space<hbm>>
        %dma_start3A_317 = arith.constant 0 : i32
        %dma_start3A_318 = tpu.memref_slice %arg9[%dma_start3A_310, %dma_start3A_317] : memref<2x128xi32, #tpu.memory_space<vmem>> -> memref<1x128xi32, #tpu.memory_space<vmem>>
        %dma_start3A_319 = tpu.memref_squeeze %dma_start3A_318 : memref<1x128xi32, #tpu.memory_space<vmem>> -> memref<128xi32, #tpu.memory_space<vmem>>
        %dma_start3A_320 = arith.constant 0 : i32
        %dma_start3A_321 = tpu.memref_slice %arg5[%arg1, %add3A_309, %dma_start3A_320] : memref<16x80x128xi32, #tpu.memory_space<hbm>> -> memref<1x1x128xi32, #tpu.memory_space<hbm>>
        %dma_start3A_322 = tpu.memref_squeeze %dma_start3A_321 : memref<1x1x128xi32, #tpu.memory_space<hbm>> -> memref<128xi32, #tpu.memory_space<hbm>>
        tpu.enqueue_dma source(%dma_start3A_322 : memref<128xi32, #tpu.memory_space<hbm>>) target(%dma_start3A_319 : memref<128xi32, #tpu.memory_space<vmem>>) target_semaphore(%arg19 : memref<!tpu.dma_semaphore, #tpu.memory_space<semaphore_mem>>)
        %add3A_323 = arith.constant 1 : i32
        %add3A_324 = arith.addi %mul3A_208, %add3A_323 : i32
        %dma_wait3A_325 = arith.constant 1 : i32
        %dma_wait3A_326 = arith.constant 0 : i32
        %dma_wait3A_327 = tpu.memref_slice %arg9[%dma_wait3A_325, %dma_wait3A_326] : memref<2x128xi32, #tpu.memory_space<vmem>> -> memref<1x128xi32, #tpu.memory_space<vmem>>
        %dma_wait3A_328 = tpu.memref_squeeze %dma_wait3A_327 : memref<1x128xi32, #tpu.memory_space<vmem>> -> memref<128xi32, #tpu.memory_space<vmem>>
        %dma_wait3A_329 = arith.constant 0 : i32
        %dma_wait3A_330 = arith.constant 0 : i32
        %dma_wait3A_331 = tpu.memref_slice %arg12[%dma_wait3A_329, %dma_wait3A_330] : memref<10240x128xf32, #tpu.memory_space<vmem_shared>> -> memref<10240x128xf32, #tpu.memory_space<vmem_shared>>
        tpu.wait_indirect_dma semaphore(%arg16 : memref<!tpu.dma_semaphore, #tpu.memory_space<semaphore_mem>>) src(%arg11 : memref<128x128xf32, #tpu.memory_space<vmem>>) dst(%dma_wait3A_331 : memref<10240x128xf32, #tpu.memory_space<vmem_shared>>)
        %add3A_332 = arith.constant 2 : i32
        %add3A_333 = arith.addi %add3A_324, %add3A_332 : i32
        %dma_start3A_334 = arith.constant 1 : i32
        %dma_start3A_335 = arith.constant 0 : i32
        %dma_start3A_336 = tpu.memref_slice %arg9[%dma_start3A_334, %dma_start3A_335] : memref<2x128xi32, #tpu.memory_space<vmem>> -> memref<1x128xi32, #tpu.memory_space<vmem>>
        %dma_start3A_337 = tpu.memref_squeeze %dma_start3A_336 : memref<1x128xi32, #tpu.memory_space<vmem>> -> memref<128xi32, #tpu.memory_space<vmem>>
        %dma_start3A_338 = arith.constant 0 : i32
        %dma_start3A_339 = tpu.memref_slice %arg5[%arg1, %add3A_333, %dma_start3A_338] : memref<16x80x128xi32, #tpu.memory_space<hbm>> -> memref<1x1x128xi32, #tpu.memory_space<hbm>>
        %dma_start3A_340 = tpu.memref_squeeze %dma_start3A_339 : memref<1x1x128xi32, #tpu.memory_space<hbm>> -> memref<128xi32, #tpu.memory_space<hbm>>
        %dma_start3A_341 = arith.constant 0 : i32
        %dma_start3A_342 = tpu.memref_slice %arg9[%dma_start3A_334, %dma_start3A_341] : memref<2x128xi32, #tpu.memory_space<vmem>> -> memref<1x128xi32, #tpu.memory_space<vmem>>
        %dma_start3A_343 = tpu.memref_squeeze %dma_start3A_342 : memref<1x128xi32, #tpu.memory_space<vmem>> -> memref<128xi32, #tpu.memory_space<vmem>>
        %dma_start3A_344 = arith.constant 0 : i32
        %dma_start3A_345 = tpu.memref_slice %arg5[%arg1, %add3A_333, %dma_start3A_344] : memref<16x80x128xi32, #tpu.memory_space<hbm>> -> memref<1x1x128xi32, #tpu.memory_space<hbm>>
        %dma_start3A_346 = tpu.memref_squeeze %dma_start3A_345 : memref<1x1x128xi32, #tpu.memory_space<hbm>> -> memref<128xi32, #tpu.memory_space<hbm>>
        tpu.enqueue_dma source(%dma_start3A_346 : memref<128xi32, #tpu.memory_space<hbm>>) target(%dma_start3A_343 : memref<128xi32, #tpu.memory_space<vmem>>) target_semaphore(%arg20 : memref<!tpu.dma_semaphore, #tpu.memory_space<semaphore_mem>>)
        %dma_wait3A_347 = arith.constant 0 : i32
        %dma_wait3A_348 = arith.constant 0 : i32
        %dma_wait3A_349 = arith.constant 0 : i32
        %dma_wait3A_350 = tpu.memref_slice %arg8[%dma_wait3A_348, %dma_wait3A_349] : memref<2x128xi32, #tpu.memory_space<vmem>> -> memref<1x128xi32, #tpu.memory_space<vmem>>
        %dma_wait3A_351 = tpu.memref_squeeze %dma_wait3A_350 : memref<1x128xi32, #tpu.memory_space<vmem>> -> memref<128xi32, #tpu.memory_space<vmem>>
        %dma_wait3A_352 = arith.constant 0 : i32
        %dma_wait3A_353 = tpu.memref_slice %arg4[%arg1, %dma_wait3A_347, %dma_wait3A_352] : memref<16x80x128xi32, #tpu.memory_space<hbm>> -> memref<1x1x128xi32, #tpu.memory_space<hbm>>
        %dma_wait3A_354 = tpu.memref_squeeze %dma_wait3A_353 : memref<1x1x128xi32, #tpu.memory_space<hbm>> -> memref<128xi32, #tpu.memory_space<hbm>>
        %dma_wait3A_355 = arith.constant 0 : i32
        %dma_wait3A_356 = tpu.memref_slice %arg8[%dma_wait3A_348, %dma_wait3A_355] : memref<2x128xi32, #tpu.memory_space<vmem>> -> memref<1x128xi32, #tpu.memory_space<vmem>>
        %dma_wait3A_357 = tpu.memref_squeeze %dma_wait3A_356 : memref<1x128xi32, #tpu.memory_space<vmem>> -> memref<128xi32, #tpu.memory_space<vmem>>
        %dma_wait3A_358 = arith.constant 0 : i32
        %dma_wait3A_359 = tpu.memref_slice %arg4[%arg1, %dma_wait3A_347, %dma_wait3A_358] : memref<16x80x128xi32, #tpu.memory_space<hbm>> -> memref<1x1x128xi32, #tpu.memory_space<hbm>>
        %dma_wait3A_360 = tpu.memref_squeeze %dma_wait3A_359 : memref<1x1x128xi32, #tpu.memory_space<hbm>> -> memref<128xi32, #tpu.memory_space<hbm>>
        tpu.wait_dma2 semaphore(%arg17 : memref<!tpu.dma_semaphore, #tpu.memory_space<semaphore_mem>>) src(%dma_wait3A_360 : memref<128xi32, #tpu.memory_space<hbm>>) dst(%dma_wait3A_357 : memref<128xi32, #tpu.memory_space<vmem>>)
        %dma_start3A_361 = arith.constant 0 : i32
        %dma_start3A_362 = arith.constant 0 : i32
        %dma_start3A_363 = tpu.memref_slice %arg8[%dma_start3A_361, %dma_start3A_362] : memref<2x128xi32, #tpu.memory_space<vmem>> -> memref<1x128xi32, #tpu.memory_space<vmem>>
        %dma_start3A_364 = tpu.memref_squeeze %dma_start3A_363 : memref<1x128xi32, #tpu.memory_space<vmem>> -> memref<128xi32, #tpu.memory_space<vmem>>
        %dma_start3A_365 = arith.constant 0 : i32
        %dma_start3A_366 = arith.constant 0 : i32
        %dma_start3A_367 = tpu.memref_slice %arg2[%dma_start3A_365, %dma_start3A_366] : memref<81920x128xf32, #tpu.memory_space<hbm>> -> memref<81920x128xf32, #tpu.memory_space<hbm>>
        tpu.enqueue_indirect_dma source(%dma_start3A_367 : memref<81920x128xf32, #tpu.memory_space<hbm>>) target(%arg10 : memref<128x128xf32, #tpu.memory_space<vmem>>) offsets(%dma_start3A_364 : memref<128xi32, #tpu.memory_space<vmem>>) semaphore(%arg13 : memref<!tpu.dma_semaphore, #tpu.memory_space<semaphore_mem>>)
        %dma_wait3A_368 = arith.constant 0 : i32
        %dma_wait3A_369 = arith.constant 1 : i32
        %dma_wait3A_370 = arith.constant 0 : i32
        %dma_wait3A_371 = tpu.memref_slice %arg8[%dma_wait3A_369, %dma_wait3A_370] : memref<2x128xi32, #tpu.memory_space<vmem>> -> memref<1x128xi32, #tpu.memory_space<vmem>>
        %dma_wait3A_372 = tpu.memref_squeeze %dma_wait3A_371 : memref<1x128xi32, #tpu.memory_space<vmem>> -> memref<128xi32, #tpu.memory_space<vmem>>
        %dma_wait3A_373 = arith.constant 0 : i32
        %dma_wait3A_374 = tpu.memref_slice %arg4[%arg1, %dma_wait3A_368, %dma_wait3A_373] : memref<16x80x128xi32, #tpu.memory_space<hbm>> -> memref<1x1x128xi32, #tpu.memory_space<hbm>>
        %dma_wait3A_375 = tpu.memref_squeeze %dma_wait3A_374 : memref<1x1x128xi32, #tpu.memory_space<hbm>> -> memref<128xi32, #tpu.memory_space<hbm>>
        %dma_wait3A_376 = arith.constant 0 : i32
        %dma_wait3A_377 = tpu.memref_slice %arg8[%dma_wait3A_369, %dma_wait3A_376] : memref<2x128xi32, #tpu.memory_space<vmem>> -> memref<1x128xi32, #tpu.memory_space<vmem>>
        %dma_wait3A_378 = tpu.memref_squeeze %dma_wait3A_377 : memref<1x128xi32, #tpu.memory_space<vmem>> -> memref<128xi32, #tpu.memory_space<vmem>>
        %dma_wait3A_379 = arith.constant 0 : i32
        %dma_wait3A_380 = tpu.memref_slice %arg4[%arg1, %dma_wait3A_368, %dma_wait3A_379] : memref<16x80x128xi32, #tpu.memory_space<hbm>> -> memref<1x1x128xi32, #tpu.memory_space<hbm>>
        %dma_wait3A_381 = tpu.memref_squeeze %dma_wait3A_380 : memref<1x1x128xi32, #tpu.memory_space<hbm>> -> memref<128xi32, #tpu.memory_space<hbm>>
        tpu.wait_dma2 semaphore(%arg18 : memref<!tpu.dma_semaphore, #tpu.memory_space<semaphore_mem>>) src(%dma_wait3A_381 : memref<128xi32, #tpu.memory_space<hbm>>) dst(%dma_wait3A_378 : memref<128xi32, #tpu.memory_space<vmem>>)
        %dma_start3A_382 = arith.constant 1 : i32
        %dma_start3A_383 = arith.constant 0 : i32
        %dma_start3A_384 = tpu.memref_slice %arg8[%dma_start3A_382, %dma_start3A_383] : memref<2x128xi32, #tpu.memory_space<vmem>> -> memref<1x128xi32, #tpu.memory_space<vmem>>
        %dma_start3A_385 = tpu.memref_squeeze %dma_start3A_384 : memref<1x128xi32, #tpu.memory_space<vmem>> -> memref<128xi32, #tpu.memory_space<vmem>>
        %dma_start3A_386 = arith.constant 0 : i32
        %dma_start3A_387 = arith.constant 0 : i32
        %dma_start3A_388 = tpu.memref_slice %arg2[%dma_start3A_386, %dma_start3A_387] : memref<81920x128xf32, #tpu.memory_space<hbm>> -> memref<81920x128xf32, #tpu.memory_space<hbm>>
        tpu.enqueue_indirect_dma source(%dma_start3A_388 : memref<81920x128xf32, #tpu.memory_space<hbm>>) target(%arg11 : memref<128x128xf32, #tpu.memory_space<vmem>>) offsets(%dma_start3A_385 : memref<128xi32, #tpu.memory_space<vmem>>) semaphore(%arg14 : memref<!tpu.dma_semaphore, #tpu.memory_space<semaphore_mem>>)
      }
      %scan3A_132 = arith.constant 39 : i32
      %dma_wait3A_133 = arith.constant 0 : i32
      %dma_wait3A_134 = arith.constant 0 : i32
      %dma_wait3A_135 = tpu.memref_slice %arg8[%dma_wait3A_133, %dma_wait3A_134] : memref<2x128xi32, #tpu.memory_space<vmem>> -> memref<1x128xi32, #tpu.memory_space<vmem>>
      %dma_wait3A_136 = tpu.memref_squeeze %dma_wait3A_135 : memref<1x128xi32, #tpu.memory_space<vmem>> -> memref<128xi32, #tpu.memory_space<vmem>>
      %dma_wait3A_137 = arith.constant 0 : i32
      %dma_wait3A_138 = arith.constant 0 : i32
      %dma_wait3A_139 = tpu.memref_slice %arg2[%dma_wait3A_137, %dma_wait3A_138] : memref<81920x128xf32, #tpu.memory_space<hbm>> -> memref<81920x128xf32, #tpu.memory_space<hbm>>
      tpu.wait_indirect_dma semaphore(%arg13 : memref<!tpu.dma_semaphore, #tpu.memory_space<semaphore_mem>>) src(%dma_wait3A_139 : memref<81920x128xf32, #tpu.memory_space<hbm>>) dst(%arg10 : memref<128x128xf32, #tpu.memory_space<vmem>>)
      %dma_wait3A_140 = arith.constant 0 : i32
      %dma_wait3A_141 = arith.constant 0 : i32
      %dma_wait3A_142 = arith.constant 0 : i32
      %dma_wait3A_143 = tpu.memref_slice %arg9[%dma_wait3A_141, %dma_wait3A_142] : memref<2x128xi32, #tpu.memory_space<vmem>> -> memref<1x128xi32, #tpu.memory_space<vmem>>
      %dma_wait3A_144 = tpu.memref_squeeze %dma_wait3A_143 : memref<1x128xi32, #tpu.memory_space<vmem>> -> memref<128xi32, #tpu.memory_space<vmem>>
      %dma_wait3A_145 = arith.constant 0 : i32
      %dma_wait3A_146 = tpu.memref_slice %arg5[%arg1, %dma_wait3A_140, %dma_wait3A_145] : memref<16x80x128xi32, #tpu.memory_space<hbm>> -> memref<1x1x128xi32, #tpu.memory_space<hbm>>
      %dma_wait3A_147 = tpu.memref_squeeze %dma_wait3A_146 : memref<1x1x128xi32, #tpu.memory_space<hbm>> -> memref<128xi32, #tpu.memory_space<hbm>>
      %dma_wait3A_148 = arith.constant 0 : i32
      %dma_wait3A_149 = tpu.memref_slice %arg9[%dma_wait3A_141, %dma_wait3A_148] : memref<2x128xi32, #tpu.memory_space<vmem>> -> memref<1x128xi32, #tpu.memory_space<vmem>>
      %dma_wait3A_150 = tpu.memref_squeeze %dma_wait3A_149 : memref<1x128xi32, #tpu.memory_space<vmem>> -> memref<128xi32, #tpu.memory_space<vmem>>
      %dma_wait3A_151 = arith.constant 0 : i32
      %dma_wait3A_152 = tpu.memref_slice %arg5[%arg1, %dma_wait3A_140, %dma_wait3A_151] : memref<16x80x128xi32, #tpu.memory_space<hbm>> -> memref<1x1x128xi32, #tpu.memory_space<hbm>>
      %dma_wait3A_153 = tpu.memref_squeeze %dma_wait3A_152 : memref<1x1x128xi32, #tpu.memory_space<hbm>> -> memref<128xi32, #tpu.memory_space<hbm>>
      tpu.wait_dma2 semaphore(%arg19 : memref<!tpu.dma_semaphore, #tpu.memory_space<semaphore_mem>>) src(%dma_wait3A_153 : memref<128xi32, #tpu.memory_space<hbm>>) dst(%dma_wait3A_150 : memref<128xi32, #tpu.memory_space<vmem>>)
      %dma_start3A_154 = arith.constant 0 : i32
      %dma_start3A_155 = arith.constant 0 : i32
      %dma_start3A_156 = tpu.memref_slice %arg9[%dma_start3A_154, %dma_start3A_155] : memref<2x128xi32, #tpu.memory_space<vmem>> -> memref<1x128xi32, #tpu.memory_space<vmem>>
      %dma_start3A_157 = tpu.memref_squeeze %dma_start3A_156 : memref<1x128xi32, #tpu.memory_space<vmem>> -> memref<128xi32, #tpu.memory_space<vmem>>
      %dma_start3A_158 = arith.constant 0 : i32
      %dma_start3A_159 = arith.constant 0 : i32
      %dma_start3A_160 = tpu.memref_slice %arg12[%dma_start3A_158, %dma_start3A_159] : memref<10240x128xf32, #tpu.memory_space<vmem_shared>> -> memref<10240x128xf32, #tpu.memory_space<vmem_shared>>
      tpu.enqueue_indirect_dma source(%arg10 : memref<128x128xf32, #tpu.memory_space<vmem>>) target(%dma_start3A_160 : memref<10240x128xf32, #tpu.memory_space<vmem_shared>>) offsets(%dma_start3A_157 : memref<128xi32, #tpu.memory_space<vmem>>) semaphore(%arg15 : memref<!tpu.dma_semaphore, #tpu.memory_space<semaphore_mem>>) {add = true}
      %dma_wait3A_161 = arith.constant 1 : i32
      %dma_wait3A_162 = arith.constant 0 : i32
      %dma_wait3A_163 = tpu.memref_slice %arg8[%dma_wait3A_161, %dma_wait3A_162] : memref<2x128xi32, #tpu.memory_space<vmem>> -> memref<1x128xi32, #tpu.memory_space<vmem>>
      %dma_wait3A_164 = tpu.memref_squeeze %dma_wait3A_163 : memref<1x128xi32, #tpu.memory_space<vmem>> -> memref<128xi32, #tpu.memory_space<vmem>>
      %dma_wait3A_165 = arith.constant 0 : i32
      %dma_wait3A_166 = arith.constant 0 : i32
      %dma_wait3A_167 = tpu.memref_slice %arg2[%dma_wait3A_165, %dma_wait3A_166] : memref<81920x128xf32, #tpu.memory_space<hbm>> -> memref<81920x128xf32, #tpu.memory_space<hbm>>
      tpu.wait_indirect_dma semaphore(%arg14 : memref<!tpu.dma_semaphore, #tpu.memory_space<semaphore_mem>>) src(%dma_wait3A_167 : memref<81920x128xf32, #tpu.memory_space<hbm>>) dst(%arg11 : memref<128x128xf32, #tpu.memory_space<vmem>>)
      %dma_wait3A_168 = arith.constant 0 : i32
      %dma_wait3A_169 = arith.constant 1 : i32
      %dma_wait3A_170 = arith.constant 0 : i32
      %dma_wait3A_171 = tpu.memref_slice %arg9[%dma_wait3A_169, %dma_wait3A_170] : memref<2x128xi32, #tpu.memory_space<vmem>> -> memref<1x128xi32, #tpu.memory_space<vmem>>
      %dma_wait3A_172 = tpu.memref_squeeze %dma_wait3A_171 : memref<1x128xi32, #tpu.memory_space<vmem>> -> memref<128xi32, #tpu.memory_space<vmem>>
      %dma_wait3A_173 = arith.constant 0 : i32
      %dma_wait3A_174 = tpu.memref_slice %arg5[%arg1, %dma_wait3A_168, %dma_wait3A_173] : memref<16x80x128xi32, #tpu.memory_space<hbm>> -> memref<1x1x128xi32, #tpu.memory_space<hbm>>
      %dma_wait3A_175 = tpu.memref_squeeze %dma_wait3A_174 : memref<1x1x128xi32, #tpu.memory_space<hbm>> -> memref<128xi32, #tpu.memory_space<hbm>>
      %dma_wait3A_176 = arith.constant 0 : i32
      %dma_wait3A_177 = tpu.memref_slice %arg9[%dma_wait3A_169, %dma_wait3A_176] : memref<2x128xi32, #tpu.memory_space<vmem>> -> memref<1x128xi32, #tpu.memory_space<vmem>>
      %dma_wait3A_178 = tpu.memref_squeeze %dma_wait3A_177 : memref<1x128xi32, #tpu.memory_space<vmem>> -> memref<128xi32, #tpu.memory_space<vmem>>
      %dma_wait3A_179 = arith.constant 0 : i32
      %dma_wait3A_180 = tpu.memref_slice %arg5[%arg1, %dma_wait3A_168, %dma_wait3A_179] : memref<16x80x128xi32, #tpu.memory_space<hbm>> -> memref<1x1x128xi32, #tpu.memory_space<hbm>>
      %dma_wait3A_181 = tpu.memref_squeeze %dma_wait3A_180 : memref<1x1x128xi32, #tpu.memory_space<hbm>> -> memref<128xi32, #tpu.memory_space<hbm>>
      tpu.wait_dma2 semaphore(%arg20 : memref<!tpu.dma_semaphore, #tpu.memory_space<semaphore_mem>>) src(%dma_wait3A_181 : memref<128xi32, #tpu.memory_space<hbm>>) dst(%dma_wait3A_178 : memref<128xi32, #tpu.memory_space<vmem>>)
      %dma_start3A_182 = arith.constant 1 : i32
      %dma_start3A_183 = arith.constant 0 : i32
      %dma_start3A_184 = tpu.memref_slice %arg9[%dma_start3A_182, %dma_start3A_183] : memref<2x128xi32, #tpu.memory_space<vmem>> -> memref<1x128xi32, #tpu.memory_space<vmem>>
      %dma_start3A_185 = tpu.memref_squeeze %dma_start3A_184 : memref<1x128xi32, #tpu.memory_space<vmem>> -> memref<128xi32, #tpu.memory_space<vmem>>
      %dma_start3A_186 = arith.constant 0 : i32
      %dma_start3A_187 = arith.constant 0 : i32
      %dma_start3A_188 = tpu.memref_slice %arg12[%dma_start3A_186, %dma_start3A_187] : memref<10240x128xf32, #tpu.memory_space<vmem_shared>> -> memref<10240x128xf32, #tpu.memory_space<vmem_shared>>
      tpu.enqueue_indirect_dma source(%arg11 : memref<128x128xf32, #tpu.memory_space<vmem>>) target(%dma_start3A_188 : memref<10240x128xf32, #tpu.memory_space<vmem_shared>>) offsets(%dma_start3A_185 : memref<128xi32, #tpu.memory_space<vmem>>) semaphore(%arg16 : memref<!tpu.dma_semaphore, #tpu.memory_space<semaphore_mem>>) {add = true}
      %dma_wait3A_189 = arith.constant 0 : i32
      %dma_wait3A_190 = arith.constant 0 : i32
      %dma_wait3A_191 = tpu.memref_slice %arg9[%dma_wait3A_189, %dma_wait3A_190] : memref<2x128xi32, #tpu.memory_space<vmem>> -> memref<1x128xi32, #tpu.memory_space<vmem>>
      %dma_wait3A_192 = tpu.memref_squeeze %dma_wait3A_191 : memref<1x128xi32, #tpu.memory_space<vmem>> -> memref<128xi32, #tpu.memory_space<vmem>>
      %dma_wait3A_193 = arith.constant 0 : i32
      %dma_wait3A_194 = arith.constant 0 : i32
      %dma_wait3A_195 = tpu.memref_slice %arg12[%dma_wait3A_193, %dma_wait3A_194] : memref<10240x128xf32, #tpu.memory_space<vmem_shared>> -> memref<10240x128xf32, #tpu.memory_space<vmem_shared>>
      tpu.wait_indirect_dma semaphore(%arg15 : memref<!tpu.dma_semaphore, #tpu.memory_space<semaphore_mem>>) src(%arg10 : memref<128x128xf32, #tpu.memory_space<vmem>>) dst(%dma_wait3A_195 : memref<10240x128xf32, #tpu.memory_space<vmem_shared>>)
      %dma_wait3A_196 = arith.constant 1 : i32
      %dma_wait3A_197 = arith.constant 0 : i32
      %dma_wait3A_198 = tpu.memref_slice %arg9[%dma_wait3A_196, %dma_wait3A_197] : memref<2x128xi32, #tpu.memory_space<vmem>> -> memref<1x128xi32, #tpu.memory_space<vmem>>
      %dma_wait3A_199 = tpu.memref_squeeze %dma_wait3A_198 : memref<1x128xi32, #tpu.memory_space<vmem>> -> memref<128xi32, #tpu.memory_space<vmem>>
      %dma_wait3A_200 = arith.constant 0 : i32
      %dma_wait3A_201 = arith.constant 0 : i32
      %dma_wait3A_202 = tpu.memref_slice %arg12[%dma_wait3A_200, %dma_wait3A_201] : memref<10240x128xf32, #tpu.memory_space<vmem_shared>> -> memref<10240x128xf32, #tpu.memory_space<vmem_shared>>
      tpu.wait_indirect_dma semaphore(%arg16 : memref<!tpu.dma_semaphore, #tpu.memory_space<semaphore_mem>>) src(%arg11 : memref<128x128xf32, #tpu.memory_space<vmem>>) dst(%dma_wait3A_202 : memref<10240x128xf32, #tpu.memory_space<vmem_shared>>)
      %barrier3A_203 = arith.constant 0 : index
      tpu.barrier barrier_id(%barrier3A_203)
      %mul3A_204 = arith.constant 640 : i32
      %mul3A_205 = arith.muli %arg1, %mul3A_204 : i32
      "tpu.region"() ({
        %run_scoped3A = tpu.sem_alloc : memref<!tpu.dma_semaphore, #tpu.memory_space<semaphore_mem>>
        %dma_start3A_206 = arith.constant 0 : i32
        %dma_start3A_207 = tpu.memref_slice %arg6[%mul3A_205, %dma_start3A_206] : memref<10240x128xf32, #tpu.memory_space<hbm>> -> memref<640x128xf32, #tpu.memory_space<hbm>>
        %dma_start3A_208 = arith.constant 0 : i32
        %dma_start3A_209 = tpu.memref_slice %arg12[%mul3A_205, %dma_start3A_208] : memref<10240x128xf32, #tpu.memory_space<vmem_shared>> -> memref<640x128xf32, #tpu.memory_space<vmem_shared>>
        tpu.enqueue_dma source(%dma_start3A_209 : memref<640x128xf32, #tpu.memory_space<vmem_shared>>) target(%dma_start3A_207 : memref<640x128xf32, #tpu.memory_space<hbm>>) target_semaphore(%run_scoped3A : memref<!tpu.dma_semaphore, #tpu.memory_space<semaphore_mem>>)
        %dma_wait3A_210 = arith.constant 0 : i32
        %dma_wait3A_211 = tpu.memref_slice %arg6[%mul3A_205, %dma_wait3A_210] : memref<10240x128xf32, #tpu.memory_space<hbm>> -> memref<640x128xf32, #tpu.memory_space<hbm>>
        %dma_wait3A_212 = arith.constant 0 : i32
        %dma_wait3A_213 = tpu.memref_slice %arg12[%mul3A_205, %dma_wait3A_212] : memref<10240x128xf32, #tpu.memory_space<vmem_shared>> -> memref<640x128xf32, #tpu.memory_space<vmem_shared>>
        tpu.wait_dma2 semaphore(%run_scoped3A : memref<!tpu.dma_semaphore, #tpu.memory_space<semaphore_mem>>) src(%dma_wait3A_213 : memref<640x128xf32, #tpu.memory_space<vmem_shared>>) dst(%dma_wait3A_211 : memref<640x128xf32, #tpu.memory_space<hbm>>)
        tpu.yield
      }) : () -> ()
    } else {
    }
    %eq3A_3 = arith.constant 1 : i32
    %eq3A_4 = arith.cmpi eq, %arg0, %eq3A_3 : i32
    %convert_element_type3A_5 = arith.extui %eq3A_4 : i1 to i32
    %cond3A_6 = arith.constant 0 : i32
    %cond3A_7 = arith.cmpi ne, %convert_element_type3A_5, %cond3A_6 : i32
    scf.if %cond3A_7 {
      %scan3A = arith.constant 0 : i32
      %scan3A_8 = arith.constant 0 : i32
      %scan3A_9 = arith.constant 128 : i32
      %scan3A_10 = arith.addi %scan3A_8, %scan3A_9 : i32
      %scan3A_11 = arith.constant 1 : i32
      scf.for %scan3A_206 = %scan3A_8 to %scan3A_10 step %scan3A_11  : i32 {
        %swap3A = arith.index_cast %scan3A_206 : i32 to index
        %swap3A_207 = arith.constant 0 : index
        %swap3A_208 = tpu.vector_load %arg10[%swap3A, %swap3A_207] {strides = array<i32>} : memref<128x128xf32, #tpu.memory_space<vmem>>, vector<1x16xf32>,
        %swap3A_209 = vector.shape_cast %swap3A_208 : vector<1x16xf32> to vector<16xf32>
        %swap3A_210 = vector.shape_cast %broadcast_in_dim3A_0 : vector<16xf32> to vector<1x16xf32>
        tpu.vector_store %arg10[%swap3A, %swap3A_207], %swap3A_210 {strides = array<i32>} : memref<128x128xf32, #tpu.memory_space<vmem>>, vector<1x16xf32>,
        %swap3A_211 = arith.index_cast %scan3A_206 : i32 to index
        %swap3A_212 = arith.constant 16 : index
        %swap3A_213 = tpu.vector_load %arg10[%swap3A_211, %swap3A_212] {strides = array<i32>} : memref<128x128xf32, #tpu.memory_space<vmem>>, vector<1x16xf32>,
        %swap3A_214 = vector.shape_cast %swap3A_213 : vector<1x16xf32> to vector<16xf32>
        %swap3A_215 = vector.shape_cast %broadcast_in_dim3A_0 : vector<16xf32> to vector<1x16xf32>
        tpu.vector_store %arg10[%swap3A_211, %swap3A_212], %swap3A_215 {strides = array<i32>} : memref<128x128xf32, #tpu.memory_space<vmem>>, vector<1x16xf32>,
        %swap3A_216 = arith.index_cast %scan3A_206 : i32 to index
        %swap3A_217 = arith.constant 32 : index
        %swap3A_218 = tpu.vector_load %arg10[%swap3A_216, %swap3A_217] {strides = array<i32>} : memref<128x128xf32, #tpu.memory_space<vmem>>, vector<1x16xf32>,
        %swap3A_219 = vector.shape_cast %swap3A_218 : vector<1x16xf32> to vector<16xf32>
        %swap3A_220 = vector.shape_cast %broadcast_in_dim3A_0 : vector<16xf32> to vector<1x16xf32>
        tpu.vector_store %arg10[%swap3A_216, %swap3A_217], %swap3A_220 {strides = array<i32>} : memref<128x128xf32, #tpu.memory_space<vmem>>, vector<1x16xf32>,
        %swap3A_221 = arith.index_cast %scan3A_206 : i32 to index
        %swap3A_222 = arith.constant 48 : index
        %swap3A_223 = tpu.vector_load %arg10[%swap3A_221, %swap3A_222] {strides = array<i32>} : memref<128x128xf32, #tpu.memory_space<vmem>>, vector<1x16xf32>,
        %swap3A_224 = vector.shape_cast %swap3A_223 : vector<1x16xf32> to vector<16xf32>
        %swap3A_225 = vector.shape_cast %broadcast_in_dim3A_0 : vector<16xf32> to vector<1x16xf32>
        tpu.vector_store %arg10[%swap3A_221, %swap3A_222], %swap3A_225 {strides = array<i32>} : memref<128x128xf32, #tpu.memory_space<vmem>>, vector<1x16xf32>,
        %swap3A_226 = arith.index_cast %scan3A_206 : i32 to index
        %swap3A_227 = arith.constant 64 : index
        %swap3A_228 = tpu.vector_load %arg10[%swap3A_226, %swap3A_227] {strides = array<i32>} : memref<128x128xf32, #tpu.memory_space<vmem>>, vector<1x16xf32>,
        %swap3A_229 = vector.shape_cast %swap3A_228 : vector<1x16xf32> to vector<16xf32>
        %swap3A_230 = vector.shape_cast %broadcast_in_dim3A_0 : vector<16xf32> to vector<1x16xf32>
        tpu.vector_store %arg10[%swap3A_226, %swap3A_227], %swap3A_230 {strides = array<i32>} : memref<128x128xf32, #tpu.memory_space<vmem>>, vector<1x16xf32>,
        %swap3A_231 = arith.index_cast %scan3A_206 : i32 to index
        %swap3A_232 = arith.constant 80 : index
        %swap3A_233 = tpu.vector_load %arg10[%swap3A_231, %swap3A_232] {strides = array<i32>} : memref<128x128xf32, #tpu.memory_space<vmem>>, vector<1x16xf32>,
        %swap3A_234 = vector.shape_cast %swap3A_233 : vector<1x16xf32> to vector<16xf32>
        %swap3A_235 = vector.shape_cast %broadcast_in_dim3A_0 : vector<16xf32> to vector<1x16xf32>
        tpu.vector_store %arg10[%swap3A_231, %swap3A_232], %swap3A_235 {strides = array<i32>} : memref<128x128xf32, #tpu.memory_space<vmem>>, vector<1x16xf32>,
        %swap3A_236 = arith.index_cast %scan3A_206 : i32 to index
        %swap3A_237 = arith.constant 96 : index
        %swap3A_238 = tpu.vector_load %arg10[%swap3A_236, %swap3A_237] {strides = array<i32>} : memref<128x128xf32, #tpu.memory_space<vmem>>, vector<1x16xf32>,
        %swap3A_239 = vector.shape_cast %swap3A_238 : vector<1x16xf32> to vector<16xf32>
        %swap3A_240 = vector.shape_cast %broadcast_in_dim3A_0 : vector<16xf32> to vector<1x16xf32>
        tpu.vector_store %arg10[%swap3A_236, %swap3A_237], %swap3A_240 {strides = array<i32>} : memref<128x128xf32, #tpu.memory_space<vmem>>, vector<1x16xf32>,
        %swap3A_241 = arith.index_cast %scan3A_206 : i32 to index
        %swap3A_242 = arith.constant 112 : index
        %swap3A_243 = tpu.vector_load %arg10[%swap3A_241, %swap3A_242] {strides = array<i32>} : memref<128x128xf32, #tpu.memory_space<vmem>>, vector<1x16xf32>,
        %swap3A_244 = vector.shape_cast %swap3A_243 : vector<1x16xf32> to vector<16xf32>
        %swap3A_245 = vector.shape_cast %broadcast_in_dim3A_0 : vector<16xf32> to vector<1x16xf32>
        tpu.vector_store %arg10[%swap3A_241, %swap3A_242], %swap3A_245 {strides = array<i32>} : memref<128x128xf32, #tpu.memory_space<vmem>>, vector<1x16xf32>,
      }
      %scan3A_12 = arith.constant 128 : i32
      %mul3A = arith.constant 640 : i32
      %mul3A_13 = arith.muli %arg1, %mul3A : i32
      %add3A = arith.constant 0 : i32
      %add3A_14 = arith.addi %mul3A_13, %add3A : i32
      "tpu.region"() ({
        %run_scoped3A = tpu.sem_alloc : memref<!tpu.dma_semaphore, #tpu.memory_space<semaphore_mem>>
        %dma_start3A_206 = arith.constant 0 : i32
        %dma_start3A_207 = tpu.memref_slice %arg12[%add3A_14, %dma_start3A_206] : memref<10240x128xf32, #tpu.memory_space<vmem_shared>> -> memref<128x128xf32, #tpu.memory_space<vmem_shared>>
        %dma_start3A_208 = arith.constant 0 : i32
        %dma_start3A_209 = tpu.memref_slice %arg12[%add3A_14, %dma_start3A_208] : memref<10240x128xf32, #tpu.memory_space<vmem_shared>> -> memref<128x128xf32, #tpu.memory_space<vmem_shared>>
        tpu.enqueue_dma source(%arg10 : memref<128x128xf32, #tpu.memory_space<vmem>>) target(%dma_start3A_209 : memref<128x128xf32, #tpu.memory_space<vmem_shared>>) target_semaphore(%run_scoped3A : memref<!tpu.dma_semaphore, #tpu.memory_space<semaphore_mem>>)
        %dma_wait3A_210 = arith.constant 0 : i32
        %dma_wait3A_211 = tpu.memref_slice %arg12[%add3A_14, %dma_wait3A_210] : memref<10240x128xf32, #tpu.memory_space<vmem_shared>> -> memref<128x128xf32, #tpu.memory_space<vmem_shared>>
        %dma_wait3A_212 = arith.constant 0 : i32
        %dma_wait3A_213 = tpu.memref_slice %arg12[%add3A_14, %dma_wait3A_212] : memref<10240x128xf32, #tpu.memory_space<vmem_shared>> -> memref<128x128xf32, #tpu.memory_space<vmem_shared>>
        tpu.wait_dma2 semaphore(%run_scoped3A : memref<!tpu.dma_semaphore, #tpu.memory_space<semaphore_mem>>) src(%arg10 : memref<128x128xf32, #tpu.memory_space<vmem>>) dst(%dma_wait3A_213 : memref<128x128xf32, #tpu.memory_space<vmem_shared>>)
        tpu.yield
      }) : () -> ()
      %mul3A_15 = arith.constant 640 : i32
      %mul3A_16 = arith.muli %arg1, %mul3A_15 : i32
      %add3A_17 = arith.constant 128 : i32
      %add3A_18 = arith.addi %mul3A_16, %add3A_17 : i32
      "tpu.region"() ({
        %run_scoped3A = tpu.sem_alloc : memref<!tpu.dma_semaphore, #tpu.memory_space<semaphore_mem>>
        %dma_start3A_206 = arith.constant 0 : i32
        %dma_start3A_207 = tpu.memref_slice %arg12[%add3A_18, %dma_start3A_206] : memref<10240x128xf32, #tpu.memory_space<vmem_shared>> -> memref<128x128xf32, #tpu.memory_space<vmem_shared>>
        %dma_start3A_208 = arith.constant 0 : i32
        %dma_start3A_209 = tpu.memref_slice %arg12[%add3A_18, %dma_start3A_208] : memref<10240x128xf32, #tpu.memory_space<vmem_shared>> -> memref<128x128xf32, #tpu.memory_space<vmem_shared>>
        tpu.enqueue_dma source(%arg10 : memref<128x128xf32, #tpu.memory_space<vmem>>) target(%dma_start3A_209 : memref<128x128xf32, #tpu.memory_space<vmem_shared>>) target_semaphore(%run_scoped3A : memref<!tpu.dma_semaphore, #tpu.memory_space<semaphore_mem>>)
        %dma_wait3A_210 = arith.constant 0 : i32
        %dma_wait3A_211 = tpu.memref_slice %arg12[%add3A_18, %dma_wait3A_210] : memref<10240x128xf32, #tpu.memory_space<vmem_shared>> -> memref<128x128xf32, #tpu.memory_space<vmem_shared>>
        %dma_wait3A_212 = arith.constant 0 : i32
        %dma_wait3A_213 = tpu.memref_slice %arg12[%add3A_18, %dma_wait3A_212] : memref<10240x128xf32, #tpu.memory_space<vmem_shared>> -> memref<128x128xf32, #tpu.memory_space<vmem_shared>>
        tpu.wait_dma2 semaphore(%run_scoped3A : memref<!tpu.dma_semaphore, #tpu.memory_space<semaphore_mem>>) src(%arg10 : memref<128x128xf32, #tpu.memory_space<vmem>>) dst(%dma_wait3A_213 : memref<128x128xf32, #tpu.memory_space<vmem_shared>>)
        tpu.yield
      }) : () -> ()
      %mul3A_19 = arith.constant 640 : i32
      %mul3A_20 = arith.muli %arg1, %mul3A_19 : i32
      %add3A_21 = arith.constant 256 : i32
      %add3A_22 = arith.addi %mul3A_20, %add3A_21 : i32
      "tpu.region"() ({
        %run_scoped3A = tpu.sem_alloc : memref<!tpu.dma_semaphore, #tpu.memory_space<semaphore_mem>>
        %dma_start3A_206 = arith.constant 0 : i32
        %dma_start3A_207 = tpu.memref_slice %arg12[%add3A_22, %dma_start3A_206] : memref<10240x128xf32, #tpu.memory_space<vmem_shared>> -> memref<128x128xf32, #tpu.memory_space<vmem_shared>>
        %dma_start3A_208 = arith.constant 0 : i32
        %dma_start3A_209 = tpu.memref_slice %arg12[%add3A_22, %dma_start3A_208] : memref<10240x128xf32, #tpu.memory_space<vmem_shared>> -> memref<128x128xf32, #tpu.memory_space<vmem_shared>>
        tpu.enqueue_dma source(%arg10 : memref<128x128xf32, #tpu.memory_space<vmem>>) target(%dma_start3A_209 : memref<128x128xf32, #tpu.memory_space<vmem_shared>>) target_semaphore(%run_scoped3A : memref<!tpu.dma_semaphore, #tpu.memory_space<semaphore_mem>>)
        %dma_wait3A_210 = arith.constant 0 : i32
        %dma_wait3A_211 = tpu.memref_slice %arg12[%add3A_22, %dma_wait3A_210] : memref<10240x128xf32, #tpu.memory_space<vmem_shared>> -> memref<128x128xf32, #tpu.memory_space<vmem_shared>>
        %dma_wait3A_212 = arith.constant 0 : i32
        %dma_wait3A_213 = tpu.memref_slice %arg12[%add3A_22, %dma_wait3A_212] : memref<10240x128xf32, #tpu.memory_space<vmem_shared>> -> memref<128x128xf32, #tpu.memory_space<vmem_shared>>
        tpu.wait_dma2 semaphore(%run_scoped3A : memref<!tpu.dma_semaphore, #tpu.memory_space<semaphore_mem>>) src(%arg10 : memref<128x128xf32, #tpu.memory_space<vmem>>) dst(%dma_wait3A_213 : memref<128x128xf32, #tpu.memory_space<vmem_shared>>)
        tpu.yield
      }) : () -> ()
      %mul3A_23 = arith.constant 640 : i32
      %mul3A_24 = arith.muli %arg1, %mul3A_23 : i32
      %add3A_25 = arith.constant 384 : i32
      %add3A_26 = arith.addi %mul3A_24, %add3A_25 : i32
      "tpu.region"() ({
        %run_scoped3A = tpu.sem_alloc : memref<!tpu.dma_semaphore, #tpu.memory_space<semaphore_mem>>
        %dma_start3A_206 = arith.constant 0 : i32
        %dma_start3A_207 = tpu.memref_slice %arg12[%add3A_26, %dma_start3A_206] : memref<10240x128xf32, #tpu.memory_space<vmem_shared>> -> memref<128x128xf32, #tpu.memory_space<vmem_shared>>
        %dma_start3A_208 = arith.constant 0 : i32
        %dma_start3A_209 = tpu.memref_slice %arg12[%add3A_26, %dma_start3A_208] : memref<10240x128xf32, #tpu.memory_space<vmem_shared>> -> memref<128x128xf32, #tpu.memory_space<vmem_shared>>
        tpu.enqueue_dma source(%arg10 : memref<128x128xf32, #tpu.memory_space<vmem>>) target(%dma_start3A_209 : memref<128x128xf32, #tpu.memory_space<vmem_shared>>) target_semaphore(%run_scoped3A : memref<!tpu.dma_semaphore, #tpu.memory_space<semaphore_mem>>)
        %dma_wait3A_210 = arith.constant 0 : i32
        %dma_wait3A_211 = tpu.memref_slice %arg12[%add3A_26, %dma_wait3A_210] : memref<10240x128xf32, #tpu.memory_space<vmem_shared>> -> memref<128x128xf32, #tpu.memory_space<vmem_shared>>
        %dma_wait3A_212 = arith.constant 0 : i32
        %dma_wait3A_213 = tpu.memref_slice %arg12[%add3A_26, %dma_wait3A_212] : memref<10240x128xf32, #tpu.memory_space<vmem_shared>> -> memref<128x128xf32, #tpu.memory_space<vmem_shared>>
        tpu.wait_dma2 semaphore(%run_scoped3A : memref<!tpu.dma_semaphore, #tpu.memory_space<semaphore_mem>>) src(%arg10 : memref<128x128xf32, #tpu.memory_space<vmem>>) dst(%dma_wait3A_213 : memref<128x128xf32, #tpu.memory_space<vmem_shared>>)
        tpu.yield
      }) : () -> ()
      %mul3A_27 = arith.constant 640 : i32
      %mul3A_28 = arith.muli %arg1, %mul3A_27 : i32
      %add3A_29 = arith.constant 512 : i32
      %add3A_30 = arith.addi %mul3A_28, %add3A_29 : i32
      "tpu.region"() ({
        %run_scoped3A = tpu.sem_alloc : memref<!tpu.dma_semaphore, #tpu.memory_space<semaphore_mem>>
        %dma_start3A_206 = arith.constant 0 : i32
        %dma_start3A_207 = tpu.memref_slice %arg12[%add3A_30, %dma_start3A_206] : memref<10240x128xf32, #tpu.memory_space<vmem_shared>> -> memref<128x128xf32, #tpu.memory_space<vmem_shared>>
        %dma_start3A_208 = arith.constant 0 : i32
        %dma_start3A_209 = tpu.memref_slice %arg12[%add3A_30, %dma_start3A_208] : memref<10240x128xf32, #tpu.memory_space<vmem_shared>> -> memref<128x128xf32, #tpu.memory_space<vmem_shared>>
        tpu.enqueue_dma source(%arg10 : memref<128x128xf32, #tpu.memory_space<vmem>>) target(%dma_start3A_209 : memref<128x128xf32, #tpu.memory_space<vmem_shared>>) target_semaphore(%run_scoped3A : memref<!tpu.dma_semaphore, #tpu.memory_space<semaphore_mem>>)
        %dma_wait3A_210 = arith.constant 0 : i32
        %dma_wait3A_211 = tpu.memref_slice %arg12[%add3A_30, %dma_wait3A_210] : memref<10240x128xf32, #tpu.memory_space<vmem_shared>> -> memref<128x128xf32, #tpu.memory_space<vmem_shared>>
        %dma_wait3A_212 = arith.constant 0 : i32
        %dma_wait3A_213 = tpu.memref_slice %arg12[%add3A_30, %dma_wait3A_212] : memref<10240x128xf32, #tpu.memory_space<vmem_shared>> -> memref<128x128xf32, #tpu.memory_space<vmem_shared>>
        tpu.wait_dma2 semaphore(%run_scoped3A : memref<!tpu.dma_semaphore, #tpu.memory_space<semaphore_mem>>) src(%arg10 : memref<128x128xf32, #tpu.memory_space<vmem>>) dst(%dma_wait3A_213 : memref<128x128xf32, #tpu.memory_space<vmem_shared>>)
        tpu.yield
      }) : () -> ()
      %barrier3A = arith.constant 0 : index
      tpu.barrier barrier_id(%barrier3A)
      %dma_start3A = arith.constant 0 : i32
      %dma_start3A_31 = arith.constant 0 : i32
      %dma_start3A_32 = arith.constant 0 : i32
      %dma_start3A_33 = tpu.memref_slice %arg8[%dma_start3A_31, %dma_start3A_32] : memref<2x128xi32, #tpu.memory_space<vmem>> -> memref<1x128xi32, #tpu.memory_space<vmem>>
      %dma_start3A_34 = tpu.memref_squeeze %dma_start3A_33 : memref<1x128xi32, #tpu.memory_space<vmem>> -> memref<128xi32, #tpu.memory_space<vmem>>
      %dma_start3A_35 = arith.constant 0 : i32
      %dma_start3A_36 = tpu.memref_slice %arg4[%arg1, %dma_start3A, %dma_start3A_35] : memref<16x80x128xi32, #tpu.memory_space<hbm>> -> memref<1x1x128xi32, #tpu.memory_space<hbm>>
      %dma_start3A_37 = tpu.memref_squeeze %dma_start3A_36 : memref<1x1x128xi32, #tpu.memory_space<hbm>> -> memref<128xi32, #tpu.memory_space<hbm>>
      %dma_start3A_38 = arith.constant 0 : i32
      %dma_start3A_39 = tpu.memref_slice %arg8[%dma_start3A_31, %dma_start3A_38] : memref<2x128xi32, #tpu.memory_space<vmem>> -> memref<1x128xi32, #tpu.memory_space<vmem>>
      %dma_start3A_40 = tpu.memref_squeeze %dma_start3A_39 : memref<1x128xi32, #tpu.memory_space<vmem>> -> memref<128xi32, #tpu.memory_space<vmem>>
      %dma_start3A_41 = arith.constant 0 : i32
      %dma_start3A_42 = tpu.memref_slice %arg4[%arg1, %dma_start3A, %dma_start3A_41] : memref<16x80x128xi32, #tpu.memory_space<hbm>> -> memref<1x1x128xi32, #tpu.memory_space<hbm>>
      %dma_start3A_43 = tpu.memref_squeeze %dma_start3A_42 : memref<1x1x128xi32, #tpu.memory_space<hbm>> -> memref<128xi32, #tpu.memory_space<hbm>>
      tpu.enqueue_dma source(%dma_start3A_43 : memref<128xi32, #tpu.memory_space<hbm>>) target(%dma_start3A_40 : memref<128xi32, #tpu.memory_space<vmem>>) target_semaphore(%arg17 : memref<!tpu.dma_semaphore, #tpu.memory_space<semaphore_mem>>)
      %dma_start3A_44 = arith.constant 0 : i32
      %dma_start3A_45 = arith.constant 0 : i32
      %dma_start3A_46 = arith.constant 0 : i32
      %dma_start3A_47 = tpu.memref_slice %arg9[%dma_start3A_45, %dma_start3A_46] : memref<2x128xi32, #tpu.memory_space<vmem>> -> memref<1x128xi32, #tpu.memory_space<vmem>>
      %dma_start3A_48 = tpu.memref_squeeze %dma_start3A_47 : memref<1x128xi32, #tpu.memory_space<vmem>> -> memref<128xi32, #tpu.memory_space<vmem>>
      %dma_start3A_49 = arith.constant 0 : i32
      %dma_start3A_50 = tpu.memref_slice %arg5[%arg1, %dma_start3A_44, %dma_start3A_49] : memref<16x80x128xi32, #tpu.memory_space<hbm>> -> memref<1x1x128xi32, #tpu.memory_space<hbm>>
      %dma_start3A_51 = tpu.memref_squeeze %dma_start3A_50 : memref<1x1x128xi32, #tpu.memory_space<hbm>> -> memref<128xi32, #tpu.memory_space<hbm>>
      %dma_start3A_52 = arith.constant 0 : i32
      %dma_start3A_53 = tpu.memref_slice %arg9[%dma_start3A_45, %dma_start3A_52] : memref<2x128xi32, #tpu.memory_space<vmem>> -> memref<1x128xi32, #tpu.memory_space<vmem>>
      %dma_start3A_54 = tpu.memref_squeeze %dma_start3A_53 : memref<1x128xi32, #tpu.memory_space<vmem>> -> memref<128xi32, #tpu.memory_space<vmem>>
      %dma_start3A_55 = arith.constant 0 : i32
      %dma_start3A_56 = tpu.memref_slice %arg5[%arg1, %dma_start3A_44, %dma_start3A_55] : memref<16x80x128xi32, #tpu.memory_space<hbm>> -> memref<1x1x128xi32, #tpu.memory_space<hbm>>
      %dma_start3A_57 = tpu.memref_squeeze %dma_start3A_56 : memref<1x1x128xi32, #tpu.memory_space<hbm>> -> memref<128xi32, #tpu.memory_space<hbm>>
      tpu.enqueue_dma source(%dma_start3A_57 : memref<128xi32, #tpu.memory_space<hbm>>) target(%dma_start3A_54 : memref<128xi32, #tpu.memory_space<vmem>>) target_semaphore(%arg19 : memref<!tpu.dma_semaphore, #tpu.memory_space<semaphore_mem>>)
      %dma_start3A_58 = arith.constant 1 : i32
      %dma_start3A_59 = arith.constant 1 : i32
      %dma_start3A_60 = arith.constant 0 : i32
      %dma_start3A_61 = tpu.memref_slice %arg8[%dma_start3A_59, %dma_start3A_60] : memref<2x128xi32, #tpu.memory_space<vmem>> -> memref<1x128xi32, #tpu.memory_space<vmem>>
      %dma_start3A_62 = tpu.memref_squeeze %dma_start3A_61 : memref<1x128xi32, #tpu.memory_space<vmem>> -> memref<128xi32, #tpu.memory_space<vmem>>
      %dma_start3A_63 = arith.constant 0 : i32
      %dma_start3A_64 = tpu.memref_slice %arg4[%arg1, %dma_start3A_58, %dma_start3A_63] : memref<16x80x128xi32, #tpu.memory_space<hbm>> -> memref<1x1x128xi32, #tpu.memory_space<hbm>>
      %dma_start3A_65 = tpu.memref_squeeze %dma_start3A_64 : memref<1x1x128xi32, #tpu.memory_space<hbm>> -> memref<128xi32, #tpu.memory_space<hbm>>
      %dma_start3A_66 = arith.constant 0 : i32
      %dma_start3A_67 = tpu.memref_slice %arg8[%dma_start3A_59, %dma_start3A_66] : memref<2x128xi32, #tpu.memory_space<vmem>> -> memref<1x128xi32, #tpu.memory_space<vmem>>
      %dma_start3A_68 = tpu.memref_squeeze %dma_start3A_67 : memref<1x128xi32, #tpu.memory_space<vmem>> -> memref<128xi32, #tpu.memory_space<vmem>>
      %dma_start3A_69 = arith.constant 0 : i32
      %dma_start3A_70 = tpu.memref_slice %arg4[%arg1, %dma_start3A_58, %dma_start3A_69] : memref<16x80x128xi32, #tpu.memory_space<hbm>> -> memref<1x1x128xi32, #tpu.memory_space<hbm>>
      %dma_start3A_71 = tpu.memref_squeeze %dma_start3A_70 : memref<1x1x128xi32, #tpu.memory_space<hbm>> -> memref<128xi32, #tpu.memory_space<hbm>>
      tpu.enqueue_dma source(%dma_start3A_71 : memref<128xi32, #tpu.memory_space<hbm>>) target(%dma_start3A_68 : memref<128xi32, #tpu.memory_space<vmem>>) target_semaphore(%arg18 : memref<!tpu.dma_semaphore, #tpu.memory_space<semaphore_mem>>)
      %dma_start3A_72 = arith.constant 1 : i32
      %dma_start3A_73 = arith.constant 1 : i32
      %dma_start3A_74 = arith.constant 0 : i32
      %dma_start3A_75 = tpu.memref_slice %arg9[%dma_start3A_73, %dma_start3A_74] : memref<2x128xi32, #tpu.memory_space<vmem>> -> memref<1x128xi32, #tpu.memory_space<vmem>>
      %dma_start3A_76 = tpu.memref_squeeze %dma_start3A_75 : memref<1x128xi32, #tpu.memory_space<vmem>> -> memref<128xi32, #tpu.memory_space<vmem>>
      %dma_start3A_77 = arith.constant 0 : i32
      %dma_start3A_78 = tpu.memref_slice %arg5[%arg1, %dma_start3A_72, %dma_start3A_77] : memref<16x80x128xi32, #tpu.memory_space<hbm>> -> memref<1x1x128xi32, #tpu.memory_space<hbm>>
      %dma_start3A_79 = tpu.memref_squeeze %dma_start3A_78 : memref<1x1x128xi32, #tpu.memory_space<hbm>> -> memref<128xi32, #tpu.memory_space<hbm>>
      %dma_start3A_80 = arith.constant 0 : i32
      %dma_start3A_81 = tpu.memref_slice %arg9[%dma_start3A_73, %dma_start3A_80] : memref<2x128xi32, #tpu.memory_space<vmem>> -> memref<1x128xi32, #tpu.memory_space<vmem>>
      %dma_start3A_82 = tpu.memref_squeeze %dma_start3A_81 : memref<1x128xi32, #tpu.memory_space<vmem>> -> memref<128xi32, #tpu.memory_space<vmem>>
      %dma_start3A_83 = arith.constant 0 : i32
      %dma_start3A_84 = tpu.memref_slice %arg5[%arg1, %dma_start3A_72, %dma_start3A_83] : memref<16x80x128xi32, #tpu.memory_space<hbm>> -> memref<1x1x128xi32, #tpu.memory_space<hbm>>
      %dma_start3A_85 = tpu.memref_squeeze %dma_start3A_84 : memref<1x1x128xi32, #tpu.memory_space<hbm>> -> memref<128xi32, #tpu.memory_space<hbm>>
      tpu.enqueue_dma source(%dma_start3A_85 : memref<128xi32, #tpu.memory_space<hbm>>) target(%dma_start3A_82 : memref<128xi32, #tpu.memory_space<vmem>>) target_semaphore(%arg20 : memref<!tpu.dma_semaphore, #tpu.memory_space<semaphore_mem>>)
      %dma_wait3A = arith.constant 0 : i32
      %dma_wait3A_86 = arith.constant 0 : i32
      %dma_wait3A_87 = arith.constant 0 : i32
      %dma_wait3A_88 = tpu.memref_slice %arg8[%dma_wait3A_86, %dma_wait3A_87] : memref<2x128xi32, #tpu.memory_space<vmem>> -> memref<1x128xi32, #tpu.memory_space<vmem>>
      %dma_wait3A_89 = tpu.memref_squeeze %dma_wait3A_88 : memref<1x128xi32, #tpu.memory_space<vmem>> -> memref<128xi32, #tpu.memory_space<vmem>>
      %dma_wait3A_90 = arith.constant 0 : i32
      %dma_wait3A_91 = tpu.memref_slice %arg4[%arg1, %dma_wait3A, %dma_wait3A_90] : memref<16x80x128xi32, #tpu.memory_space<hbm>> -> memref<1x1x128xi32, #tpu.memory_space<hbm>>
      %dma_wait3A_92 = tpu.memref_squeeze %dma_wait3A_91 : memref<1x1x128xi32, #tpu.memory_space<hbm>> -> memref<128xi32, #tpu.memory_space<hbm>>
      %dma_wait3A_93 = arith.constant 0 : i32
      %dma_wait3A_94 = tpu.memref_slice %arg8[%dma_wait3A_86, %dma_wait3A_93] : memref<2x128xi32, #tpu.memory_space<vmem>> -> memref<1x128xi32, #tpu.memory_space<vmem>>
      %dma_wait3A_95 = tpu.memref_squeeze %dma_wait3A_94 : memref<1x128xi32, #tpu.memory_space<vmem>> -> memref<128xi32, #tpu.memory_space<vmem>>
      %dma_wait3A_96 = arith.constant 0 : i32
      %dma_wait3A_97 = tpu.memref_slice %arg4[%arg1, %dma_wait3A, %dma_wait3A_96] : memref<16x80x128xi32, #tpu.memory_space<hbm>> -> memref<1x1x128xi32, #tpu.memory_space<hbm>>
      %dma_wait3A_98 = tpu.memref_squeeze %dma_wait3A_97 : memref<1x1x128xi32, #tpu.memory_space<hbm>> -> memref<128xi32, #tpu.memory_space<hbm>>
      tpu.wait_dma2 semaphore(%arg17 : memref<!tpu.dma_semaphore, #tpu.memory_space<semaphore_mem>>) src(%dma_wait3A_98 : memref<128xi32, #tpu.memory_space<hbm>>) dst(%dma_wait3A_95 : memref<128xi32, #tpu.memory_space<vmem>>)
      %dma_start3A_99 = arith.constant 0 : i32
      %dma_start3A_100 = arith.constant 0 : i32
      %dma_start3A_101 = tpu.memref_slice %arg8[%dma_start3A_99, %dma_start3A_100] : memref<2x128xi32, #tpu.memory_space<vmem>> -> memref<1x128xi32, #tpu.memory_space<vmem>>
      %dma_start3A_102 = tpu.memref_squeeze %dma_start3A_101 : memref<1x128xi32, #tpu.memory_space<vmem>> -> memref<128xi32, #tpu.memory_space<vmem>>
      %dma_start3A_103 = arith.constant 0 : i32
      %dma_start3A_104 = arith.constant 0 : i32
      %dma_start3A_105 = tpu.memref_slice %arg3[%dma_start3A_103, %dma_start3A_104] : memref<81920x128xf32, #tpu.memory_space<hbm>> -> memref<81920x128xf32, #tpu.memory_space<hbm>>
      tpu.enqueue_indirect_dma source(%dma_start3A_105 : memref<81920x128xf32, #tpu.memory_space<hbm>>) target(%arg10 : memref<128x128xf32, #tpu.memory_space<vmem>>) offsets(%dma_start3A_102 : memref<128xi32, #tpu.memory_space<vmem>>) semaphore(%arg13 : memref<!tpu.dma_semaphore, #tpu.memory_space<semaphore_mem>>)
      %dma_wait3A_106 = arith.constant 0 : i32
      %dma_wait3A_107 = arith.constant 1 : i32
      %dma_wait3A_108 = arith.constant 0 : i32
      %dma_wait3A_109 = tpu.memref_slice %arg8[%dma_wait3A_107, %dma_wait3A_108] : memref<2x128xi32, #tpu.memory_space<vmem>> -> memref<1x128xi32, #tpu.memory_space<vmem>>
      %dma_wait3A_110 = tpu.memref_squeeze %dma_wait3A_109 : memref<1x128xi32, #tpu.memory_space<vmem>> -> memref<128xi32, #tpu.memory_space<vmem>>
      %dma_wait3A_111 = arith.constant 0 : i32
      %dma_wait3A_112 = tpu.memref_slice %arg4[%arg1, %dma_wait3A_106, %dma_wait3A_111] : memref<16x80x128xi32, #tpu.memory_space<hbm>> -> memref<1x1x128xi32, #tpu.memory_space<hbm>>
      %dma_wait3A_113 = tpu.memref_squeeze %dma_wait3A_112 : memref<1x1x128xi32, #tpu.memory_space<hbm>> -> memref<128xi32, #tpu.memory_space<hbm>>
      %dma_wait3A_114 = arith.constant 0 : i32
      %dma_wait3A_115 = tpu.memref_slice %arg8[%dma_wait3A_107, %dma_wait3A_114] : memref<2x128xi32, #tpu.memory_space<vmem>> -> memref<1x128xi32, #tpu.memory_space<vmem>>
      %dma_wait3A_116 = tpu.memref_squeeze %dma_wait3A_115 : memref<1x128xi32, #tpu.memory_space<vmem>> -> memref<128xi32, #tpu.memory_space<vmem>>
      %dma_wait3A_117 = arith.constant 0 : i32
      %dma_wait3A_118 = tpu.memref_slice %arg4[%arg1, %dma_wait3A_106, %dma_wait3A_117] : memref<16x80x128xi32, #tpu.memory_space<hbm>> -> memref<1x1x128xi32, #tpu.memory_space<hbm>>
      %dma_wait3A_119 = tpu.memref_squeeze %dma_wait3A_118 : memref<1x1x128xi32, #tpu.memory_space<hbm>> -> memref<128xi32, #tpu.memory_space<hbm>>
      tpu.wait_dma2 semaphore(%arg18 : memref<!tpu.dma_semaphore, #tpu.memory_space<semaphore_mem>>) src(%dma_wait3A_119 : memref<128xi32, #tpu.memory_space<hbm>>) dst(%dma_wait3A_116 : memref<128xi32, #tpu.memory_space<vmem>>)
      %dma_start3A_120 = arith.constant 1 : i32
      %dma_start3A_121 = arith.constant 0 : i32
      %dma_start3A_122 = tpu.memref_slice %arg8[%dma_start3A_120, %dma_start3A_121] : memref<2x128xi32, #tpu.memory_space<vmem>> -> memref<1x128xi32, #tpu.memory_space<vmem>>
      %dma_start3A_123 = tpu.memref_squeeze %dma_start3A_122 : memref<1x128xi32, #tpu.memory_space<vmem>> -> memref<128xi32, #tpu.memory_space<vmem>>
      %dma_start3A_124 = arith.constant 0 : i32
      %dma_start3A_125 = arith.constant 0 : i32
      %dma_start3A_126 = tpu.memref_slice %arg3[%dma_start3A_124, %dma_start3A_125] : memref<81920x128xf32, #tpu.memory_space<hbm>> -> memref<81920x128xf32, #tpu.memory_space<hbm>>
      tpu.enqueue_indirect_dma source(%dma_start3A_126 : memref<81920x128xf32, #tpu.memory_space<hbm>>) target(%arg11 : memref<128x128xf32, #tpu.memory_space<vmem>>) offsets(%dma_start3A_123 : memref<128xi32, #tpu.memory_space<vmem>>) semaphore(%arg14 : memref<!tpu.dma_semaphore, #tpu.memory_space<semaphore_mem>>)
      %scan3A_127 = arith.constant 0 : i32
      %scan3A_128 = arith.constant 0 : i32
      %scan3A_129 = arith.constant 39 : i32
      %scan3A_130 = arith.addi %scan3A_128, %scan3A_129 : i32
      %scan3A_131 = arith.constant 1 : i32
      scf.for %scan3A_206 = %scan3A_128 to %scan3A_130 step %scan3A_131  : i32 {
        %mul3A_207 = arith.constant 2 : i32
        %mul3A_208 = arith.muli %mul3A_207, %scan3A_206 : i32
        %add3A_209 = arith.constant 0 : i32
        %add3A_210 = arith.addi %mul3A_208, %add3A_209 : i32
        %dma_wait3A_211 = arith.constant 0 : i32
        %dma_wait3A_212 = arith.constant 0 : i32
        %dma_wait3A_213 = tpu.memref_slice %arg8[%dma_wait3A_211, %dma_wait3A_212] : memref<2x128xi32, #tpu.memory_space<vmem>> -> memref<1x128xi32, #tpu.memory_space<vmem>>
        %dma_wait3A_214 = tpu.memref_squeeze %dma_wait3A_213 : memref<1x128xi32, #tpu.memory_space<vmem>> -> memref<128xi32, #tpu.memory_space<vmem>>
        %dma_wait3A_215 = arith.constant 0 : i32
        %dma_wait3A_216 = arith.constant 0 : i32
        %dma_wait3A_217 = tpu.memref_slice %arg3[%dma_wait3A_215, %dma_wait3A_216] : memref<81920x128xf32, #tpu.memory_space<hbm>> -> memref<81920x128xf32, #tpu.memory_space<hbm>>
        tpu.wait_indirect_dma semaphore(%arg13 : memref<!tpu.dma_semaphore, #tpu.memory_space<semaphore_mem>>) src(%dma_wait3A_217 : memref<81920x128xf32, #tpu.memory_space<hbm>>) dst(%arg10 : memref<128x128xf32, #tpu.memory_space<vmem>>)
        %dma_wait3A_218 = arith.constant 0 : i32
        %dma_wait3A_219 = arith.constant 0 : i32
        %dma_wait3A_220 = arith.constant 0 : i32
        %dma_wait3A_221 = tpu.memref_slice %arg9[%dma_wait3A_219, %dma_wait3A_220] : memref<2x128xi32, #tpu.memory_space<vmem>> -> memref<1x128xi32, #tpu.memory_space<vmem>>
        %dma_wait3A_222 = tpu.memref_squeeze %dma_wait3A_221 : memref<1x128xi32, #tpu.memory_space<vmem>> -> memref<128xi32, #tpu.memory_space<vmem>>
        %dma_wait3A_223 = arith.constant 0 : i32
        %dma_wait3A_224 = tpu.memref_slice %arg5[%arg1, %dma_wait3A_218, %dma_wait3A_223] : memref<16x80x128xi32, #tpu.memory_space<hbm>> -> memref<1x1x128xi32, #tpu.memory_space<hbm>>
        %dma_wait3A_225 = tpu.memref_squeeze %dma_wait3A_224 : memref<1x1x128xi32, #tpu.memory_space<hbm>> -> memref<128xi32, #tpu.memory_space<hbm>>
        %dma_wait3A_226 = arith.constant 0 : i32
        %dma_wait3A_227 = tpu.memref_slice %arg9[%dma_wait3A_219, %dma_wait3A_226] : memref<2x128xi32, #tpu.memory_space<vmem>> -> memref<1x128xi32, #tpu.memory_space<vmem>>
        %dma_wait3A_228 = tpu.memref_squeeze %dma_wait3A_227 : memref<1x128xi32, #tpu.memory_space<vmem>> -> memref<128xi32, #tpu.memory_space<vmem>>
        %dma_wait3A_229 = arith.constant 0 : i32
        %dma_wait3A_230 = tpu.memref_slice %arg5[%arg1, %dma_wait3A_218, %dma_wait3A_229] : memref<16x80x128xi32, #tpu.memory_space<hbm>> -> memref<1x1x128xi32, #tpu.memory_space<hbm>>
        %dma_wait3A_231 = tpu.memref_squeeze %dma_wait3A_230 : memref<1x1x128xi32, #tpu.memory_space<hbm>> -> memref<128xi32, #tpu.memory_space<hbm>>
        tpu.wait_dma2 semaphore(%arg19 : memref<!tpu.dma_semaphore, #tpu.memory_space<semaphore_mem>>) src(%dma_wait3A_231 : memref<128xi32, #tpu.memory_space<hbm>>) dst(%dma_wait3A_228 : memref<128xi32, #tpu.memory_space<vmem>>)
        %dma_start3A_232 = arith.constant 0 : i32
        %dma_start3A_233 = arith.constant 0 : i32
        %dma_start3A_234 = tpu.memref_slice %arg9[%dma_start3A_232, %dma_start3A_233] : memref<2x128xi32, #tpu.memory_space<vmem>> -> memref<1x128xi32, #tpu.memory_space<vmem>>
        %dma_start3A_235 = tpu.memref_squeeze %dma_start3A_234 : memref<1x128xi32, #tpu.memory_space<vmem>> -> memref<128xi32, #tpu.memory_space<vmem>>
        %dma_start3A_236 = arith.constant 0 : i32
        %dma_start3A_237 = arith.constant 0 : i32
        %dma_start3A_238 = tpu.memref_slice %arg12[%dma_start3A_236, %dma_start3A_237] : memref<10240x128xf32, #tpu.memory_space<vmem_shared>> -> memref<10240x128xf32, #tpu.memory_space<vmem_shared>>
        tpu.enqueue_indirect_dma source(%arg10 : memref<128x128xf32, #tpu.memory_space<vmem>>) target(%dma_start3A_238 : memref<10240x128xf32, #tpu.memory_space<vmem_shared>>) offsets(%dma_start3A_235 : memref<128xi32, #tpu.memory_space<vmem>>) semaphore(%arg15 : memref<!tpu.dma_semaphore, #tpu.memory_space<semaphore_mem>>) {add = true}
        %add3A_239 = arith.constant 2 : i32
        %add3A_240 = arith.addi %add3A_210, %add3A_239 : i32
        %dma_start3A_241 = arith.constant 0 : i32
        %dma_start3A_242 = arith.constant 0 : i32
        %dma_start3A_243 = tpu.memref_slice %arg8[%dma_start3A_241, %dma_start3A_242] : memref<2x128xi32, #tpu.memory_space<vmem>> -> memref<1x128xi32, #tpu.memory_space<vmem>>
        %dma_start3A_244 = tpu.memref_squeeze %dma_start3A_243 : memref<1x128xi32, #tpu.memory_space<vmem>> -> memref<128xi32, #tpu.memory_space<vmem>>
        %dma_start3A_245 = arith.constant 0 : i32
        %dma_start3A_246 = tpu.memref_slice %arg4[%arg1, %add3A_240, %dma_start3A_245] : memref<16x80x128xi32, #tpu.memory_space<hbm>> -> memref<1x1x128xi32, #tpu.memory_space<hbm>>
        %dma_start3A_247 = tpu.memref_squeeze %dma_start3A_246 : memref<1x1x128xi32, #tpu.memory_space<hbm>> -> memref<128xi32, #tpu.memory_space<hbm>>
        %dma_start3A_248 = arith.constant 0 : i32
        %dma_start3A_249 = tpu.memref_slice %arg8[%dma_start3A_241, %dma_start3A_248] : memref<2x128xi32, #tpu.memory_space<vmem>> -> memref<1x128xi32, #tpu.memory_space<vmem>>
        %dma_start3A_250 = tpu.memref_squeeze %dma_start3A_249 : memref<1x128xi32, #tpu.memory_space<vmem>> -> memref<128xi32, #tpu.memory_space<vmem>>
        %dma_start3A_251 = arith.constant 0 : i32
        %dma_start3A_252 = tpu.memref_slice %arg4[%arg1, %add3A_240, %dma_start3A_251] : memref<16x80x128xi32, #tpu.memory_space<hbm>> -> memref<1x1x128xi32, #tpu.memory_space<hbm>>
        %dma_start3A_253 = tpu.memref_squeeze %dma_start3A_252 : memref<1x1x128xi32, #tpu.memory_space<hbm>> -> memref<128xi32, #tpu.memory_space<hbm>>
        tpu.enqueue_dma source(%dma_start3A_253 : memref<128xi32, #tpu.memory_space<hbm>>) target(%dma_start3A_250 : memref<128xi32, #tpu.memory_space<vmem>>) target_semaphore(%arg17 : memref<!tpu.dma_semaphore, #tpu.memory_space<semaphore_mem>>)
        %add3A_254 = arith.constant 1 : i32
        %add3A_255 = arith.addi %mul3A_208, %add3A_254 : i32
        %dma_wait3A_256 = arith.constant 1 : i32
        %dma_wait3A_257 = arith.constant 0 : i32
        %dma_wait3A_258 = tpu.memref_slice %arg8[%dma_wait3A_256, %dma_wait3A_257] : memref<2x128xi32, #tpu.memory_space<vmem>> -> memref<1x128xi32, #tpu.memory_space<vmem>>
        %dma_wait3A_259 = tpu.memref_squeeze %dma_wait3A_258 : memref<1x128xi32, #tpu.memory_space<vmem>> -> memref<128xi32, #tpu.memory_space<vmem>>
        %dma_wait3A_260 = arith.constant 0 : i32
        %dma_wait3A_261 = arith.constant 0 : i32
        %dma_wait3A_262 = tpu.memref_slice %arg3[%dma_wait3A_260, %dma_wait3A_261] : memref<81920x128xf32, #tpu.memory_space<hbm>> -> memref<81920x128xf32, #tpu.memory_space<hbm>>
        tpu.wait_indirect_dma semaphore(%arg14 : memref<!tpu.dma_semaphore, #tpu.memory_space<semaphore_mem>>) src(%dma_wait3A_262 : memref<81920x128xf32, #tpu.memory_space<hbm>>) dst(%arg11 : memref<128x128xf32, #tpu.memory_space<vmem>>)
        %dma_wait3A_263 = arith.constant 0 : i32
        %dma_wait3A_264 = arith.constant 1 : i32
        %dma_wait3A_265 = arith.constant 0 : i32
        %dma_wait3A_266 = tpu.memref_slice %arg9[%dma_wait3A_264, %dma_wait3A_265] : memref<2x128xi32, #tpu.memory_space<vmem>> -> memref<1x128xi32, #tpu.memory_space<vmem>>
        %dma_wait3A_267 = tpu.memref_squeeze %dma_wait3A_266 : memref<1x128xi32, #tpu.memory_space<vmem>> -> memref<128xi32, #tpu.memory_space<vmem>>
        %dma_wait3A_268 = arith.constant 0 : i32
        %dma_wait3A_269 = tpu.memref_slice %arg5[%arg1, %dma_wait3A_263, %dma_wait3A_268] : memref<16x80x128xi32, #tpu.memory_space<hbm>> -> memref<1x1x128xi32, #tpu.memory_space<hbm>>
        %dma_wait3A_270 = tpu.memref_squeeze %dma_wait3A_269 : memref<1x1x128xi32, #tpu.memory_space<hbm>> -> memref<128xi32, #tpu.memory_space<hbm>>
        %dma_wait3A_271 = arith.constant 0 : i32
        %dma_wait3A_272 = tpu.memref_slice %arg9[%dma_wait3A_264, %dma_wait3A_271] : memref<2x128xi32, #tpu.memory_space<vmem>> -> memref<1x128xi32, #tpu.memory_space<vmem>>
        %dma_wait3A_273 = tpu.memref_squeeze %dma_wait3A_272 : memref<1x128xi32, #tpu.memory_space<vmem>> -> memref<128xi32, #tpu.memory_space<vmem>>
        %dma_wait3A_274 = arith.constant 0 : i32
        %dma_wait3A_275 = tpu.memref_slice %arg5[%arg1, %dma_wait3A_263, %dma_wait3A_274] : memref<16x80x128xi32, #tpu.memory_space<hbm>> -> memref<1x1x128xi32, #tpu.memory_space<hbm>>
        %dma_wait3A_276 = tpu.memref_squeeze %dma_wait3A_275 : memref<1x1x128xi32, #tpu.memory_space<hbm>> -> memref<128xi32, #tpu.memory_space<hbm>>
        tpu.wait_dma2 semaphore(%arg20 : memref<!tpu.dma_semaphore, #tpu.memory_space<semaphore_mem>>) src(%dma_wait3A_276 : memref<128xi32, #tpu.memory_space<hbm>>) dst(%dma_wait3A_273 : memref<128xi32, #tpu.memory_space<vmem>>)
        %dma_start3A_277 = arith.constant 1 : i32
        %dma_start3A_278 = arith.constant 0 : i32
        %dma_start3A_279 = tpu.memref_slice %arg9[%dma_start3A_277, %dma_start3A_278] : memref<2x128xi32, #tpu.memory_space<vmem>> -> memref<1x128xi32, #tpu.memory_space<vmem>>
        %dma_start3A_280 = tpu.memref_squeeze %dma_start3A_279 : memref<1x128xi32, #tpu.memory_space<vmem>> -> memref<128xi32, #tpu.memory_space<vmem>>
        %dma_start3A_281 = arith.constant 0 : i32
        %dma_start3A_282 = arith.constant 0 : i32
        %dma_start3A_283 = tpu.memref_slice %arg12[%dma_start3A_281, %dma_start3A_282] : memref<10240x128xf32, #tpu.memory_space<vmem_shared>> -> memref<10240x128xf32, #tpu.memory_space<vmem_shared>>
        tpu.enqueue_indirect_dma source(%arg11 : memref<128x128xf32, #tpu.memory_space<vmem>>) target(%dma_start3A_283 : memref<10240x128xf32, #tpu.memory_space<vmem_shared>>) offsets(%dma_start3A_280 : memref<128xi32, #tpu.memory_space<vmem>>) semaphore(%arg16 : memref<!tpu.dma_semaphore, #tpu.memory_space<semaphore_mem>>) {add = true}
        %add3A_284 = arith.constant 2 : i32
        %add3A_285 = arith.addi %add3A_255, %add3A_284 : i32
        %dma_start3A_286 = arith.constant 1 : i32
        %dma_start3A_287 = arith.constant 0 : i32
        %dma_start3A_288 = tpu.memref_slice %arg8[%dma_start3A_286, %dma_start3A_287] : memref<2x128xi32, #tpu.memory_space<vmem>> -> memref<1x128xi32, #tpu.memory_space<vmem>>
        %dma_start3A_289 = tpu.memref_squeeze %dma_start3A_288 : memref<1x128xi32, #tpu.memory_space<vmem>> -> memref<128xi32, #tpu.memory_space<vmem>>
        %dma_start3A_290 = arith.constant 0 : i32
        %dma_start3A_291 = tpu.memref_slice %arg4[%arg1, %add3A_285, %dma_start3A_290] : memref<16x80x128xi32, #tpu.memory_space<hbm>> -> memref<1x1x128xi32, #tpu.memory_space<hbm>>
        %dma_start3A_292 = tpu.memref_squeeze %dma_start3A_291 : memref<1x1x128xi32, #tpu.memory_space<hbm>> -> memref<128xi32, #tpu.memory_space<hbm>>
        %dma_start3A_293 = arith.constant 0 : i32
        %dma_start3A_294 = tpu.memref_slice %arg8[%dma_start3A_286, %dma_start3A_293] : memref<2x128xi32, #tpu.memory_space<vmem>> -> memref<1x128xi32, #tpu.memory_space<vmem>>
        %dma_start3A_295 = tpu.memref_squeeze %dma_start3A_294 : memref<1x128xi32, #tpu.memory_space<vmem>> -> memref<128xi32, #tpu.memory_space<vmem>>
        %dma_start3A_296 = arith.constant 0 : i32
        %dma_start3A_297 = tpu.memref_slice %arg4[%arg1, %add3A_285, %dma_start3A_296] : memref<16x80x128xi32, #tpu.memory_space<hbm>> -> memref<1x1x128xi32, #tpu.memory_space<hbm>>
        %dma_start3A_298 = tpu.memref_squeeze %dma_start3A_297 : memref<1x1x128xi32, #tpu.memory_space<hbm>> -> memref<128xi32, #tpu.memory_space<hbm>>
        tpu.enqueue_dma source(%dma_start3A_298 : memref<128xi32, #tpu.memory_space<hbm>>) target(%dma_start3A_295 : memref<128xi32, #tpu.memory_space<vmem>>) target_semaphore(%arg18 : memref<!tpu.dma_semaphore, #tpu.memory_space<semaphore_mem>>)
        %add3A_299 = arith.constant 0 : i32
        %add3A_300 = arith.addi %mul3A_208, %add3A_299 : i32
        %dma_wait3A_301 = arith.constant 0 : i32
        %dma_wait3A_302 = arith.constant 0 : i32
        %dma_wait3A_303 = tpu.memref_slice %arg9[%dma_wait3A_301, %dma_wait3A_302] : memref<2x128xi32, #tpu.memory_space<vmem>> -> memref<1x128xi32, #tpu.memory_space<vmem>>
        %dma_wait3A_304 = tpu.memref_squeeze %dma_wait3A_303 : memref<1x128xi32, #tpu.memory_space<vmem>> -> memref<128xi32, #tpu.memory_space<vmem>>
        %dma_wait3A_305 = arith.constant 0 : i32
        %dma_wait3A_306 = arith.constant 0 : i32
        %dma_wait3A_307 = tpu.memref_slice %arg12[%dma_wait3A_305, %dma_wait3A_306] : memref<10240x128xf32, #tpu.memory_space<vmem_shared>> -> memref<10240x128xf32, #tpu.memory_space<vmem_shared>>
        tpu.wait_indirect_dma semaphore(%arg15 : memref<!tpu.dma_semaphore, #tpu.memory_space<semaphore_mem>>) src(%arg10 : memref<128x128xf32, #tpu.memory_space<vmem>>) dst(%dma_wait3A_307 : memref<10240x128xf32, #tpu.memory_space<vmem_shared>>)
        %add3A_308 = arith.constant 2 : i32
        %add3A_309 = arith.addi %add3A_300, %add3A_308 : i32
        %dma_start3A_310 = arith.constant 0 : i32
        %dma_start3A_311 = arith.constant 0 : i32
        %dma_start3A_312 = tpu.memref_slice %arg9[%dma_start3A_310, %dma_start3A_311] : memref<2x128xi32, #tpu.memory_space<vmem>> -> memref<1x128xi32, #tpu.memory_space<vmem>>
        %dma_start3A_313 = tpu.memref_squeeze %dma_start3A_312 : memref<1x128xi32, #tpu.memory_space<vmem>> -> memref<128xi32, #tpu.memory_space<vmem>>
        %dma_start3A_314 = arith.constant 0 : i32
        %dma_start3A_315 = tpu.memref_slice %arg5[%arg1, %add3A_309, %dma_start3A_314] : memref<16x80x128xi32, #tpu.memory_space<hbm>> -> memref<1x1x128xi32, #tpu.memory_space<hbm>>
        %dma_start3A_316 = tpu.memref_squeeze %dma_start3A_315 : memref<1x1x128xi32, #tpu.memory_space<hbm>> -> memref<128xi32, #tpu.memory_space<hbm>>
        %dma_start3A_317 = arith.constant 0 : i32
        %dma_start3A_318 = tpu.memref_slice %arg9[%dma_start3A_310, %dma_start3A_317] : memref<2x128xi32, #tpu.memory_space<vmem>> -> memref<1x128xi32, #tpu.memory_space<vmem>>
        %dma_start3A_319 = tpu.memref_squeeze %dma_start3A_318 : memref<1x128xi32, #tpu.memory_space<vmem>> -> memref<128xi32, #tpu.memory_space<vmem>>
        %dma_start3A_320 = arith.constant 0 : i32
        %dma_start3A_321 = tpu.memref_slice %arg5[%arg1, %add3A_309, %dma_start3A_320] : memref<16x80x128xi32, #tpu.memory_space<hbm>> -> memref<1x1x128xi32, #tpu.memory_space<hbm>>
        %dma_start3A_322 = tpu.memref_squeeze %dma_start3A_321 : memref<1x1x128xi32, #tpu.memory_space<hbm>> -> memref<128xi32, #tpu.memory_space<hbm>>
        tpu.enqueue_dma source(%dma_start3A_322 : memref<128xi32, #tpu.memory_space<hbm>>) target(%dma_start3A_319 : memref<128xi32, #tpu.memory_space<vmem>>) target_semaphore(%arg19 : memref<!tpu.dma_semaphore, #tpu.memory_space<semaphore_mem>>)
        %add3A_323 = arith.constant 1 : i32
        %add3A_324 = arith.addi %mul3A_208, %add3A_323 : i32
        %dma_wait3A_325 = arith.constant 1 : i32
        %dma_wait3A_326 = arith.constant 0 : i32
        %dma_wait3A_327 = tpu.memref_slice %arg9[%dma_wait3A_325, %dma_wait3A_326] : memref<2x128xi32, #tpu.memory_space<vmem>> -> memref<1x128xi32, #tpu.memory_space<vmem>>
        %dma_wait3A_328 = tpu.memref_squeeze %dma_wait3A_327 : memref<1x128xi32, #tpu.memory_space<vmem>> -> memref<128xi32, #tpu.memory_space<vmem>>
        %dma_wait3A_329 = arith.constant 0 : i32
        %dma_wait3A_330 = arith.constant 0 : i32
        %dma_wait3A_331 = tpu.memref_slice %arg12[%dma_wait3A_329, %dma_wait3A_330] : memref<10240x128xf32, #tpu.memory_space<vmem_shared>> -> memref<10240x128xf32, #tpu.memory_space<vmem_shared>>
        tpu.wait_indirect_dma semaphore(%arg16 : memref<!tpu.dma_semaphore, #tpu.memory_space<semaphore_mem>>) src(%arg11 : memref<128x128xf32, #tpu.memory_space<vmem>>) dst(%dma_wait3A_331 : memref<10240x128xf32, #tpu.memory_space<vmem_shared>>)
        %add3A_332 = arith.constant 2 : i32
        %add3A_333 = arith.addi %add3A_324, %add3A_332 : i32
        %dma_start3A_334 = arith.constant 1 : i32
        %dma_start3A_335 = arith.constant 0 : i32
        %dma_start3A_336 = tpu.memref_slice %arg9[%dma_start3A_334, %dma_start3A_335] : memref<2x128xi32, #tpu.memory_space<vmem>> -> memref<1x128xi32, #tpu.memory_space<vmem>>
        %dma_start3A_337 = tpu.memref_squeeze %dma_start3A_336 : memref<1x128xi32, #tpu.memory_space<vmem>> -> memref<128xi32, #tpu.memory_space<vmem>>
        %dma_start3A_338 = arith.constant 0 : i32
        %dma_start3A_339 = tpu.memref_slice %arg5[%arg1, %add3A_333, %dma_start3A_338] : memref<16x80x128xi32, #tpu.memory_space<hbm>> -> memref<1x1x128xi32, #tpu.memory_space<hbm>>
        %dma_start3A_340 = tpu.memref_squeeze %dma_start3A_339 : memref<1x1x128xi32, #tpu.memory_space<hbm>> -> memref<128xi32, #tpu.memory_space<hbm>>
        %dma_start3A_341 = arith.constant 0 : i32
        %dma_start3A_342 = tpu.memref_slice %arg9[%dma_start3A_334, %dma_start3A_341] : memref<2x128xi32, #tpu.memory_space<vmem>> -> memref<1x128xi32, #tpu.memory_space<vmem>>
        %dma_start3A_343 = tpu.memref_squeeze %dma_start3A_342 : memref<1x128xi32, #tpu.memory_space<vmem>> -> memref<128xi32, #tpu.memory_space<vmem>>
        %dma_start3A_344 = arith.constant 0 : i32
        %dma_start3A_345 = tpu.memref_slice %arg5[%arg1, %add3A_333, %dma_start3A_344] : memref<16x80x128xi32, #tpu.memory_space<hbm>> -> memref<1x1x128xi32, #tpu.memory_space<hbm>>
        %dma_start3A_346 = tpu.memref_squeeze %dma_start3A_345 : memref<1x1x128xi32, #tpu.memory_space<hbm>> -> memref<128xi32, #tpu.memory_space<hbm>>
        tpu.enqueue_dma source(%dma_start3A_346 : memref<128xi32, #tpu.memory_space<hbm>>) target(%dma_start3A_343 : memref<128xi32, #tpu.memory_space<vmem>>) target_semaphore(%arg20 : memref<!tpu.dma_semaphore, #tpu.memory_space<semaphore_mem>>)
        %dma_wait3A_347 = arith.constant 0 : i32
        %dma_wait3A_348 = arith.constant 0 : i32
        %dma_wait3A_349 = arith.constant 0 : i32
        %dma_wait3A_350 = tpu.memref_slice %arg8[%dma_wait3A_348, %dma_wait3A_349] : memref<2x128xi32, #tpu.memory_space<vmem>> -> memref<1x128xi32, #tpu.memory_space<vmem>>
        %dma_wait3A_351 = tpu.memref_squeeze %dma_wait3A_350 : memref<1x128xi32, #tpu.memory_space<vmem>> -> memref<128xi32, #tpu.memory_space<vmem>>
        %dma_wait3A_352 = arith.constant 0 : i32
        %dma_wait3A_353 = tpu.memref_slice %arg4[%arg1, %dma_wait3A_347, %dma_wait3A_352] : memref<16x80x128xi32, #tpu.memory_space<hbm>> -> memref<1x1x128xi32, #tpu.memory_space<hbm>>
        %dma_wait3A_354 = tpu.memref_squeeze %dma_wait3A_353 : memref<1x1x128xi32, #tpu.memory_space<hbm>> -> memref<128xi32, #tpu.memory_space<hbm>>
        %dma_wait3A_355 = arith.constant 0 : i32
        %dma_wait3A_356 = tpu.memref_slice %arg8[%dma_wait3A_348, %dma_wait3A_355] : memref<2x128xi32, #tpu.memory_space<vmem>> -> memref<1x128xi32, #tpu.memory_space<vmem>>
        %dma_wait3A_357 = tpu.memref_squeeze %dma_wait3A_356 : memref<1x128xi32, #tpu.memory_space<vmem>> -> memref<128xi32, #tpu.memory_space<vmem>>
        %dma_wait3A_358 = arith.constant 0 : i32
        %dma_wait3A_359 = tpu.memref_slice %arg4[%arg1, %dma_wait3A_347, %dma_wait3A_358] : memref<16x80x128xi32, #tpu.memory_space<hbm>> -> memref<1x1x128xi32, #tpu.memory_space<hbm>>
        %dma_wait3A_360 = tpu.memref_squeeze %dma_wait3A_359 : memref<1x1x128xi32, #tpu.memory_space<hbm>> -> memref<128xi32, #tpu.memory_space<hbm>>
        tpu.wait_dma2 semaphore(%arg17 : memref<!tpu.dma_semaphore, #tpu.memory_space<semaphore_mem>>) src(%dma_wait3A_360 : memref<128xi32, #tpu.memory_space<hbm>>) dst(%dma_wait3A_357 : memref<128xi32, #tpu.memory_space<vmem>>)
        %dma_start3A_361 = arith.constant 0 : i32
        %dma_start3A_362 = arith.constant 0 : i32
        %dma_start3A_363 = tpu.memref_slice %arg8[%dma_start3A_361, %dma_start3A_362] : memref<2x128xi32, #tpu.memory_space<vmem>> -> memref<1x128xi32, #tpu.memory_space<vmem>>
        %dma_start3A_364 = tpu.memref_squeeze %dma_start3A_363 : memref<1x128xi32, #tpu.memory_space<vmem>> -> memref<128xi32, #tpu.memory_space<vmem>>
        %dma_start3A_365 = arith.constant 0 : i32
        %dma_start3A_366 = arith.constant 0 : i32
        %dma_start3A_367 = tpu.memref_slice %arg3[%dma_start3A_365, %dma_start3A_366] : memref<81920x128xf32, #tpu.memory_space<hbm>> -> memref<81920x128xf32, #tpu.memory_space<hbm>>
        tpu.enqueue_indirect_dma source(%dma_start3A_367 : memref<81920x128xf32, #tpu.memory_space<hbm>>) target(%arg10 : memref<128x128xf32, #tpu.memory_space<vmem>>) offsets(%dma_start3A_364 : memref<128xi32, #tpu.memory_space<vmem>>) semaphore(%arg13 : memref<!tpu.dma_semaphore, #tpu.memory_space<semaphore_mem>>)
        %dma_wait3A_368 = arith.constant 0 : i32
        %dma_wait3A_369 = arith.constant 1 : i32
        %dma_wait3A_370 = arith.constant 0 : i32
        %dma_wait3A_371 = tpu.memref_slice %arg8[%dma_wait3A_369, %dma_wait3A_370] : memref<2x128xi32, #tpu.memory_space<vmem>> -> memref<1x128xi32, #tpu.memory_space<vmem>>
        %dma_wait3A_372 = tpu.memref_squeeze %dma_wait3A_371 : memref<1x128xi32, #tpu.memory_space<vmem>> -> memref<128xi32, #tpu.memory_space<vmem>>
        %dma_wait3A_373 = arith.constant 0 : i32
        %dma_wait3A_374 = tpu.memref_slice %arg4[%arg1, %dma_wait3A_368, %dma_wait3A_373] : memref<16x80x128xi32, #tpu.memory_space<hbm>> -> memref<1x1x128xi32, #tpu.memory_space<hbm>>
        %dma_wait3A_375 = tpu.memref_squeeze %dma_wait3A_374 : memref<1x1x128xi32, #tpu.memory_space<hbm>> -> memref<128xi32, #tpu.memory_space<hbm>>
        %dma_wait3A_376 = arith.constant 0 : i32
        %dma_wait3A_377 = tpu.memref_slice %arg8[%dma_wait3A_369, %dma_wait3A_376] : memref<2x128xi32, #tpu.memory_space<vmem>> -> memref<1x128xi32, #tpu.memory_space<vmem>>
        %dma_wait3A_378 = tpu.memref_squeeze %dma_wait3A_377 : memref<1x128xi32, #tpu.memory_space<vmem>> -> memref<128xi32, #tpu.memory_space<vmem>>
        %dma_wait3A_379 = arith.constant 0 : i32
        %dma_wait3A_380 = tpu.memref_slice %arg4[%arg1, %dma_wait3A_368, %dma_wait3A_379] : memref<16x80x128xi32, #tpu.memory_space<hbm>> -> memref<1x1x128xi32, #tpu.memory_space<hbm>>
        %dma_wait3A_381 = tpu.memref_squeeze %dma_wait3A_380 : memref<1x1x128xi32, #tpu.memory_space<hbm>> -> memref<128xi32, #tpu.memory_space<hbm>>
        tpu.wait_dma2 semaphore(%arg18 : memref<!tpu.dma_semaphore, #tpu.memory_space<semaphore_mem>>) src(%dma_wait3A_381 : memref<128xi32, #tpu.memory_space<hbm>>) dst(%dma_wait3A_378 : memref<128xi32, #tpu.memory_space<vmem>>)
        %dma_start3A_382 = arith.constant 1 : i32
        %dma_start3A_383 = arith.constant 0 : i32
        %dma_start3A_384 = tpu.memref_slice %arg8[%dma_start3A_382, %dma_start3A_383] : memref<2x128xi32, #tpu.memory_space<vmem>> -> memref<1x128xi32, #tpu.memory_space<vmem>>
        %dma_start3A_385 = tpu.memref_squeeze %dma_start3A_384 : memref<1x128xi32, #tpu.memory_space<vmem>> -> memref<128xi32, #tpu.memory_space<vmem>>
        %dma_start3A_386 = arith.constant 0 : i32
        %dma_start3A_387 = arith.constant 0 : i32
        %dma_start3A_388 = tpu.memref_slice %arg3[%dma_start3A_386, %dma_start3A_387] : memref<81920x128xf32, #tpu.memory_space<hbm>> -> memref<81920x128xf32, #tpu.memory_space<hbm>>
        tpu.enqueue_indirect_dma source(%dma_start3A_388 : memref<81920x128xf32, #tpu.memory_space<hbm>>) target(%arg11 : memref<128x128xf32, #tpu.memory_space<vmem>>) offsets(%dma_start3A_385 : memref<128xi32, #tpu.memory_space<vmem>>) semaphore(%arg14 : memref<!tpu.dma_semaphore, #tpu.memory_space<semaphore_mem>>)
      }
      %scan3A_132 = arith.constant 39 : i32
      %dma_wait3A_133 = arith.constant 0 : i32
      %dma_wait3A_134 = arith.constant 0 : i32
      %dma_wait3A_135 = tpu.memref_slice %arg8[%dma_wait3A_133, %dma_wait3A_134] : memref<2x128xi32, #tpu.memory_space<vmem>> -> memref<1x128xi32, #tpu.memory_space<vmem>>
      %dma_wait3A_136 = tpu.memref_squeeze %dma_wait3A_135 : memref<1x128xi32, #tpu.memory_space<vmem>> -> memref<128xi32, #tpu.memory_space<vmem>>
      %dma_wait3A_137 = arith.constant 0 : i32
      %dma_wait3A_138 = arith.constant 0 : i32
      %dma_wait3A_139 = tpu.memref_slice %arg3[%dma_wait3A_137, %dma_wait3A_138] : memref<81920x128xf32, #tpu.memory_space<hbm>> -> memref<81920x128xf32, #tpu.memory_space<hbm>>
      tpu.wait_indirect_dma semaphore(%arg13 : memref<!tpu.dma_semaphore, #tpu.memory_space<semaphore_mem>>) src(%dma_wait3A_139 : memref<81920x128xf32, #tpu.memory_space<hbm>>) dst(%arg10 : memref<128x128xf32, #tpu.memory_space<vmem>>)
      %dma_wait3A_140 = arith.constant 0 : i32
      %dma_wait3A_141 = arith.constant 0 : i32
      %dma_wait3A_142 = arith.constant 0 : i32
      %dma_wait3A_143 = tpu.memref_slice %arg9[%dma_wait3A_141, %dma_wait3A_142] : memref<2x128xi32, #tpu.memory_space<vmem>> -> memref<1x128xi32, #tpu.memory_space<vmem>>
      %dma_wait3A_144 = tpu.memref_squeeze %dma_wait3A_143 : memref<1x128xi32, #tpu.memory_space<vmem>> -> memref<128xi32, #tpu.memory_space<vmem>>
      %dma_wait3A_145 = arith.constant 0 : i32
      %dma_wait3A_146 = tpu.memref_slice %arg5[%arg1, %dma_wait3A_140, %dma_wait3A_145] : memref<16x80x128xi32, #tpu.memory_space<hbm>> -> memref<1x1x128xi32, #tpu.memory_space<hbm>>
      %dma_wait3A_147 = tpu.memref_squeeze %dma_wait3A_146 : memref<1x1x128xi32, #tpu.memory_space<hbm>> -> memref<128xi32, #tpu.memory_space<hbm>>
      %dma_wait3A_148 = arith.constant 0 : i32
      %dma_wait3A_149 = tpu.memref_slice %arg9[%dma_wait3A_141, %dma_wait3A_148] : memref<2x128xi32, #tpu.memory_space<vmem>> -> memref<1x128xi32, #tpu.memory_space<vmem>>
      %dma_wait3A_150 = tpu.memref_squeeze %dma_wait3A_149 : memref<1x128xi32, #tpu.memory_space<vmem>> -> memref<128xi32, #tpu.memory_space<vmem>>
      %dma_wait3A_151 = arith.constant 0 : i32
      %dma_wait3A_152 = tpu.memref_slice %arg5[%arg1, %dma_wait3A_140, %dma_wait3A_151] : memref<16x80x128xi32, #tpu.memory_space<hbm>> -> memref<1x1x128xi32, #tpu.memory_space<hbm>>
      %dma_wait3A_153 = tpu.memref_squeeze %dma_wait3A_152 : memref<1x1x128xi32, #tpu.memory_space<hbm>> -> memref<128xi32, #tpu.memory_space<hbm>>
      tpu.wait_dma2 semaphore(%arg19 : memref<!tpu.dma_semaphore, #tpu.memory_space<semaphore_mem>>) src(%dma_wait3A_153 : memref<128xi32, #tpu.memory_space<hbm>>) dst(%dma_wait3A_150 : memref<128xi32, #tpu.memory_space<vmem>>)
      %dma_start3A_154 = arith.constant 0 : i32
      %dma_start3A_155 = arith.constant 0 : i32
      %dma_start3A_156 = tpu.memref_slice %arg9[%dma_start3A_154, %dma_start3A_155] : memref<2x128xi32, #tpu.memory_space<vmem>> -> memref<1x128xi32, #tpu.memory_space<vmem>>
      %dma_start3A_157 = tpu.memref_squeeze %dma_start3A_156 : memref<1x128xi32, #tpu.memory_space<vmem>> -> memref<128xi32, #tpu.memory_space<vmem>>
      %dma_start3A_158 = arith.constant 0 : i32
      %dma_start3A_159 = arith.constant 0 : i32
      %dma_start3A_160 = tpu.memref_slice %arg12[%dma_start3A_158, %dma_start3A_159] : memref<10240x128xf32, #tpu.memory_space<vmem_shared>> -> memref<10240x128xf32, #tpu.memory_space<vmem_shared>>
      tpu.enqueue_indirect_dma source(%arg10 : memref<128x128xf32, #tpu.memory_space<vmem>>) target(%dma_start3A_160 : memref<10240x128xf32, #tpu.memory_space<vmem_shared>>) offsets(%dma_start3A_157 : memref<128xi32, #tpu.memory_space<vmem>>) semaphore(%arg15 : memref<!tpu.dma_semaphore, #tpu.memory_space<semaphore_mem>>) {add = true}
      %dma_wait3A_161 = arith.constant 1 : i32
      %dma_wait3A_162 = arith.constant 0 : i32
      %dma_wait3A_163 = tpu.memref_slice %arg8[%dma_wait3A_161, %dma_wait3A_162] : memref<2x128xi32, #tpu.memory_space<vmem>> -> memref<1x128xi32, #tpu.memory_space<vmem>>
      %dma_wait3A_164 = tpu.memref_squeeze %dma_wait3A_163 : memref<1x128xi32, #tpu.memory_space<vmem>> -> memref<128xi32, #tpu.memory_space<vmem>>
      %dma_wait3A_165 = arith.constant 0 : i32
      %dma_wait3A_166 = arith.constant 0 : i32
      %dma_wait3A_167 = tpu.memref_slice %arg3[%dma_wait3A_165, %dma_wait3A_166] : memref<81920x128xf32, #tpu.memory_space<hbm>> -> memref<81920x128xf32, #tpu.memory_space<hbm>>
      tpu.wait_indirect_dma semaphore(%arg14 : memref<!tpu.dma_semaphore, #tpu.memory_space<semaphore_mem>>) src(%dma_wait3A_167 : memref<81920x128xf32, #tpu.memory_space<hbm>>) dst(%arg11 : memref<128x128xf32, #tpu.memory_space<vmem>>)
      %dma_wait3A_168 = arith.constant 0 : i32
      %dma_wait3A_169 = arith.constant 1 : i32
      %dma_wait3A_170 = arith.constant 0 : i32
      %dma_wait3A_171 = tpu.memref_slice %arg9[%dma_wait3A_169, %dma_wait3A_170] : memref<2x128xi32, #tpu.memory_space<vmem>> -> memref<1x128xi32, #tpu.memory_space<vmem>>
      %dma_wait3A_172 = tpu.memref_squeeze %dma_wait3A_171 : memref<1x128xi32, #tpu.memory_space<vmem>> -> memref<128xi32, #tpu.memory_space<vmem>>
      %dma_wait3A_173 = arith.constant 0 : i32
      %dma_wait3A_174 = tpu.memref_slice %arg5[%arg1, %dma_wait3A_168, %dma_wait3A_173] : memref<16x80x128xi32, #tpu.memory_space<hbm>> -> memref<1x1x128xi32, #tpu.memory_space<hbm>>
      %dma_wait3A_175 = tpu.memref_squeeze %dma_wait3A_174 : memref<1x1x128xi32, #tpu.memory_space<hbm>> -> memref<128xi32, #tpu.memory_space<hbm>>
      %dma_wait3A_176 = arith.constant 0 : i32
      %dma_wait3A_177 = tpu.memref_slice %arg9[%dma_wait3A_169, %dma_wait3A_176] : memref<2x128xi32, #tpu.memory_space<vmem>> -> memref<1x128xi32, #tpu.memory_space<vmem>>
      %dma_wait3A_178 = tpu.memref_squeeze %dma_wait3A_177 : memref<1x128xi32, #tpu.memory_space<vmem>> -> memref<128xi32, #tpu.memory_space<vmem>>
      %dma_wait3A_179 = arith.constant 0 : i32
      %dma_wait3A_180 = tpu.memref_slice %arg5[%arg1, %dma_wait3A_168, %dma_wait3A_179] : memref<16x80x128xi32, #tpu.memory_space<hbm>> -> memref<1x1x128xi32, #tpu.memory_space<hbm>>
      %dma_wait3A_181 = tpu.memref_squeeze %dma_wait3A_180 : memref<1x1x128xi32, #tpu.memory_space<hbm>> -> memref<128xi32, #tpu.memory_space<hbm>>
      tpu.wait_dma2 semaphore(%arg20 : memref<!tpu.dma_semaphore, #tpu.memory_space<semaphore_mem>>) src(%dma_wait3A_181 : memref<128xi32, #tpu.memory_space<hbm>>) dst(%dma_wait3A_178 : memref<128xi32, #tpu.memory_space<vmem>>)
      %dma_start3A_182 = arith.constant 1 : i32
      %dma_start3A_183 = arith.constant 0 : i32
      %dma_start3A_184 = tpu.memref_slice %arg9[%dma_start3A_182, %dma_start3A_183] : memref<2x128xi32, #tpu.memory_space<vmem>> -> memref<1x128xi32, #tpu.memory_space<vmem>>
      %dma_start3A_185 = tpu.memref_squeeze %dma_start3A_184 : memref<1x128xi32, #tpu.memory_space<vmem>> -> memref<128xi32, #tpu.memory_space<vmem>>
      %dma_start3A_186 = arith.constant 0 : i32
      %dma_start3A_187 = arith.constant 0 : i32
      %dma_start3A_188 = tpu.memref_slice %arg12[%dma_start3A_186, %dma_start3A_187] : memref<10240x128xf32, #tpu.memory_space<vmem_shared>> -> memref<10240x128xf32, #tpu.memory_space<vmem_shared>>
      tpu.enqueue_indirect_dma source(%arg11 : memref<128x128xf32, #tpu.memory_space<vmem>>) target(%dma_start3A_188 : memref<10240x128xf32, #tpu.memory_space<vmem_shared>>) offsets(%dma_start3A_185 : memref<128xi32, #tpu.memory_space<vmem>>) semaphore(%arg16 : memref<!tpu.dma_semaphore, #tpu.memory_space<semaphore_mem>>) {add = true}
      %dma_wait3A_189 = arith.constant 0 : i32
      %dma_wait3A_190 = arith.constant 0 : i32
      %dma_wait3A_191 = tpu.memref_slice %arg9[%dma_wait3A_189, %dma_wait3A_190] : memref<2x128xi32, #tpu.memory_space<vmem>> -> memref<1x128xi32, #tpu.memory_space<vmem>>
      %dma_wait3A_192 = tpu.memref_squeeze %dma_wait3A_191 : memref<1x128xi32, #tpu.memory_space<vmem>> -> memref<128xi32, #tpu.memory_space<vmem>>
      %dma_wait3A_193 = arith.constant 0 : i32
      %dma_wait3A_194 = arith.constant 0 : i32
      %dma_wait3A_195 = tpu.memref_slice %arg12[%dma_wait3A_193, %dma_wait3A_194] : memref<10240x128xf32, #tpu.memory_space<vmem_shared>> -> memref<10240x128xf32, #tpu.memory_space<vmem_shared>>
      tpu.wait_indirect_dma semaphore(%arg15 : memref<!tpu.dma_semaphore, #tpu.memory_space<semaphore_mem>>) src(%arg10 : memref<128x128xf32, #tpu.memory_space<vmem>>) dst(%dma_wait3A_195 : memref<10240x128xf32, #tpu.memory_space<vmem_shared>>)
      %dma_wait3A_196 = arith.constant 1 : i32
      %dma_wait3A_197 = arith.constant 0 : i32
      %dma_wait3A_198 = tpu.memref_slice %arg9[%dma_wait3A_196, %dma_wait3A_197] : memref<2x128xi32, #tpu.memory_space<vmem>> -> memref<1x128xi32, #tpu.memory_space<vmem>>
      %dma_wait3A_199 = tpu.memref_squeeze %dma_wait3A_198 : memref<1x128xi32, #tpu.memory_space<vmem>> -> memref<128xi32, #tpu.memory_space<vmem>>
      %dma_wait3A_200 = arith.constant 0 : i32
      %dma_wait3A_201 = arith.constant 0 : i32
      %dma_wait3A_202 = tpu.memref_slice %arg12[%dma_wait3A_200, %dma_wait3A_201] : memref<10240x128xf32, #tpu.memory_space<vmem_shared>> -> memref<10240x128xf32, #tpu.memory_space<vmem_shared>>
      tpu.wait_indirect_dma semaphore(%arg16 : memref<!tpu.dma_semaphore, #tpu.memory_space<semaphore_mem>>) src(%arg11 : memref<128x128xf32, #tpu.memory_space<vmem>>) dst(%dma_wait3A_202 : memref<10240x128xf32, #tpu.memory_space<vmem_shared>>)
      %barrier3A_203 = arith.constant 0 : index
      tpu.barrier barrier_id(%barrier3A_203)
      %mul3A_204 = arith.constant 640 : i32
      %mul3A_205 = arith.muli %arg1, %mul3A_204 : i32
      "tpu.region"() ({
        %run_scoped3A = tpu.sem_alloc : memref<!tpu.dma_semaphore, #tpu.memory_space<semaphore_mem>>
        %dma_start3A_206 = arith.constant 0 : i32
        %dma_start3A_207 = tpu.memref_slice %arg7[%mul3A_205, %dma_start3A_206] : memref<10240x128xf32, #tpu.memory_space<hbm>> -> memref<640x128xf32, #tpu.memory_space<hbm>>
        %dma_start3A_208 = arith.constant 0 : i32
        %dma_start3A_209 = tpu.memref_slice %arg12[%mul3A_205, %dma_start3A_208] : memref<10240x128xf32, #tpu.memory_space<vmem_shared>> -> memref<640x128xf32, #tpu.memory_space<vmem_shared>>
        tpu.enqueue_dma source(%dma_start3A_209 : memref<640x128xf32, #tpu.memory_space<vmem_shared>>) target(%dma_start3A_207 : memref<640x128xf32, #tpu.memory_space<hbm>>) target_semaphore(%run_scoped3A : memref<!tpu.dma_semaphore, #tpu.memory_space<semaphore_mem>>)
        %dma_wait3A_210 = arith.constant 0 : i32
        %dma_wait3A_211 = tpu.memref_slice %arg7[%mul3A_205, %dma_wait3A_210] : memref<10240x128xf32, #tpu.memory_space<hbm>> -> memref<640x128xf32, #tpu.memory_space<hbm>>
        %dma_wait3A_212 = arith.constant 0 : i32
        %dma_wait3A_213 = tpu.memref_slice %arg12[%mul3A_205, %dma_wait3A_212] : memref<10240x128xf32, #tpu.memory_space<vmem_shared>> -> memref<640x128xf32, #tpu.memory_space<vmem_shared>>
        tpu.wait_dma2 semaphore(%run_scoped3A : memref<!tpu.dma_semaphore, #tpu.memory_space<semaphore_mem>>) src(%dma_wait3A_213 : memref<640x128xf32, #tpu.memory_space<vmem_shared>>) dst(%dma_wait3A_211 : memref<640x128xf32, #tpu.memory_space<hbm>>)
        tpu.yield
      }) : () -> ()
    } else {
    }
    return
  }
}

module attributes {stable_mosaic.version = 14 : i64} {
  func.func @_mm_body(%arg0: i32, %arg1: memref<1000x256xf32, #tpu.memory_space<vmem>>, %arg2: memref<256x256xf32, #tpu.memory_space<vmem>>, %arg3: memref<1000x256xf32, #tpu.memory_space<vmem>>) attributes {dimension_semantics = [#tpu.dimension_semantics<arbitrary>], iteration_bounds = array<i64: 10>, scalar_prefetch = 0 : i64, scratch_operands = 0 : i64, tpu.core_type = #tpu.core_type<tc>, window_params = [{transform_indices = @transform_0, window_bounds = array<i64: 1000, 256>}, {pipeline_mode = #tpu.pipeline_mode<synchronous>, transform_indices = @transform_1, window_bounds = array<i64: 256, 256>}, {transform_indices = @transform_2, window_bounds = array<i64: 1000, 256>}]} {
    %get3A = arith.constant 0 : index
    %get3A_0 = arith.constant 0 : index
    %get3A_1 = vector.load %arg1[%get3A, %get3A_0] : memref<1000x256xf32, #tpu.memory_space<vmem>>, vector<1000x256xf32>
    %get3A_2 = arith.constant 0 : index
    %get3A_3 = arith.constant 0 : index
    %get3A_4 = vector.load %arg2[%get3A_2, %get3A_3] : memref<256x256xf32, #tpu.memory_space<vmem>>, vector<256x256xf32>
    %dot_general3A = arith.constant dense<0.000000e+00> : vector<1000x256xf32>
    %dot_general3A_5 = tpu.matmul %get3A_1, %get3A_4, %dot_general3A {dimension_numbers = #tpu.dot_dimension_numbers<[1], [0], [0], [1], [0, 0, 1, 1], [], []>, precision = #tpu.contract_precision<fp32>, transpose_lhs_hint = false} : vector<1000x256xf32>, vector<256x256xf32>, vector<1000x256xf32> -> vector<1000x256xf32>
    %swap3A = arith.constant 0 : index
    %swap3A_6 = arith.constant 0 : index
    %swap3A_7 = vector.load %arg3[%swap3A, %swap3A_6] : memref<1000x256xf32, #tpu.memory_space<vmem>>, vector<1000x256xf32>
    tpu.vector_store %arg3[%swap3A, %swap3A_6], %dot_general3A_5 {strides = array<i32>} : memref<1000x256xf32, #tpu.memory_space<vmem>>, vector<1000x256xf32>,
    return
  }
  func.func @transform_0(%arg0: i32) -> (i32, i32) {
    %c0_i32 = arith.constant 0 : i32
    %c0_i32_0 = arith.constant 0 : i32
    return %arg0, %c0_i32 : i32, i32
  }
  func.func @transform_1(%arg0: i32) -> (i32, i32) {
    %c0_i32 = arith.constant 0 : i32
    %c0_i32_0 = arith.constant 0 : i32
    %c0_i32_1 = arith.constant 0 : i32
    return %c0_i32, %c0_i32_0 : i32, i32
  }
  func.func @transform_2(%arg0: i32) -> (i32, i32) {
    %c0_i32 = arith.constant 0 : i32
    %c0_i32_0 = arith.constant 0 : i32
    return %arg0, %c0_i32 : i32, i32
  }
}

module attributes {stable_mosaic.version = 14 : i64} {
  func.func @_gidx_body(%arg0: memref<1280x128xi32, #tpu.memory_space<vmem>>, %arg1: memref<1280x128xi32, #tpu.memory_space<vmem>>, %arg2: memref<1280x128xi32, #tpu.memory_space<vmem>>) attributes {dimension_semantics = [], scalar_prefetch = 0 : i64, scratch_operands = 0 : i64, tpu.core_type = #tpu.core_type<tc>} {
    %get3A = arith.constant 0 : index
    %get3A_0 = arith.constant 0 : index
    %get3A_1 = vector.load %arg1[%get3A, %get3A_0] : memref<1280x128xi32, #tpu.memory_space<vmem>>, vector<1280x128xi32>
    %mul3A = arith.constant 10240 : i32
    %mul3A_2 = vector.broadcast %mul3A : i32 to vector<1280x128xi32>
    %mul3A_3 = arith.muli %get3A_1, %mul3A_2 : vector<1280x128xi32>
    %get3A_4 = arith.constant 0 : index
    %get3A_5 = arith.constant 0 : index
    %get3A_6 = vector.load %arg0[%get3A_4, %get3A_5] : memref<1280x128xi32, #tpu.memory_space<vmem>>, vector<1280x128xi32>
    %add3A = arith.addi %mul3A_3, %get3A_6 : vector<1280x128xi32>
    %swap3A = arith.constant 0 : index
    %swap3A_7 = arith.constant 0 : index
    %swap3A_8 = vector.load %arg2[%swap3A, %swap3A_7] : memref<1280x128xi32, #tpu.memory_space<vmem>>, vector<1280x128xi32>
    tpu.vector_store %arg2[%swap3A, %swap3A_7], %add3A {strides = array<i32>} : memref<1280x128xi32, #tpu.memory_space<vmem>>, vector<1280x128xi32>,
    return
  }
}

module attributes {stable_mosaic.version = 14 : i64} {
  func.func @_tab1_body(%arg0: i32, %arg1: memref<512x1xf32, #tpu.memory_space<vmem>>, %arg2: memref<512x1xf32, #tpu.memory_space<vmem>>, %arg3: memref<512x256xf32, #tpu.memory_space<vmem>>, %arg4: memref<1x128xf32, #tpu.memory_space<vmem>>, %arg5: memref<8x512x128xf32, #tpu.memory_space<vmem>>, %arg6: memref<8x512x128xf32, #tpu.memory_space<vmem>>, %arg7: memref<512x1xf32, #tpu.memory_space<vmem>>, %arg8: memref<512x1xf32, #tpu.memory_space<vmem>>) attributes {dimension_semantics = [#tpu.dimension_semantics<arbitrary>], iteration_bounds = array<i64: 20>, scalar_prefetch = 0 : i64, scratch_operands = 0 : i64, tpu.core_type = #tpu.core_type<tc>, window_params = [{transform_indices = @transform_0, window_bounds = array<i64: 512, 1>}, {transform_indices = @transform_1, window_bounds = array<i64: 512, 1>}, {transform_indices = @transform_2, window_bounds = array<i64: 512, 256>}, {pipeline_mode = #tpu.pipeline_mode<synchronous>, transform_indices = @transform_3, window_bounds = array<i64: 1, 128>}, {transform_indices = @transform_4, window_bounds = array<i64: 8, 512, 128>}, {transform_indices = @transform_5, window_bounds = array<i64: 8, 512, 128>}, {transform_indices = @transform_6, window_bounds = array<i64: 512, 1>}, {transform_indices = @transform_7, window_bounds = array<i64: 512, 1>}]} {
    %get3A = arith.constant 0 : index
    %get3A_0 = arith.constant 0 : index
    %get3A_1 = vector.load %arg1[%get3A, %get3A_0] : memref<512x1xf32, #tpu.memory_space<vmem>>, vector<512x1xf32>
    %add3A = arith.constant 1.000000e+00 : f32
    %add3A_2 = vector.broadcast %add3A : f32 to vector<512x1xf32>
    %add3A_3 = arith.addf %add3A_2, %get3A_1 : vector<512x1xf32>
    %get3A_4 = arith.constant 0 : index
    %get3A_5 = arith.constant 0 : index
    %get3A_6 = vector.load %arg2[%get3A_4, %get3A_5] : memref<512x1xf32, #tpu.memory_space<vmem>>, vector<512x1xf32>
    %add3A_7 = arith.addf %add3A_3, %get3A_6 : vector<512x1xf32>
    %rsqrt3A = math.rsqrt %add3A_7 : vector<512x1xf32>
    %swap3A = arith.constant 0 : index
    %swap3A_8 = arith.constant 0 : index
    %swap3A_9 = vector.load %arg7[%swap3A, %swap3A_8] : memref<512x1xf32, #tpu.memory_space<vmem>>, vector<512x1xf32>
    tpu.vector_store %arg7[%swap3A, %swap3A_8], %rsqrt3A {strides = array<i32>} : memref<512x1xf32, #tpu.memory_space<vmem>>, vector<512x1xf32>,
    %div3A = arith.constant 1.000000e+00 : f32
    %div3A_10 = vector.broadcast %div3A : f32 to vector<512x1xf32>
    %div3A_11 = arith.divf %div3A_10, %add3A_7 : vector<512x1xf32>
    %swap3A_12 = arith.constant 0 : index
    %swap3A_13 = arith.constant 0 : index
    %swap3A_14 = vector.load %arg8[%swap3A_12, %swap3A_13] : memref<512x1xf32, #tpu.memory_space<vmem>>, vector<512x1xf32>
    tpu.vector_store %arg8[%swap3A_12, %swap3A_13], %div3A_11 {strides = array<i32>} : memref<512x1xf32, #tpu.memory_space<vmem>>, vector<512x1xf32>,
    %get3A_15 = arith.constant 0 : index
    %get3A_16 = arith.constant 0 : index
    %get3A_17 = vector.load %arg3[%get3A_15, %get3A_16] : memref<512x256xf32, #tpu.memory_space<vmem>>, vector<512x256xf32>
    %mul3A = vector.broadcast %rsqrt3A : vector<512x1xf32> to vector<512x256xf32>
    %mul3A_18 = arith.mulf %mul3A, %get3A_17 : vector<512x256xf32>
    %get3A_19 = arith.constant 0 : index
    %get3A_20 = arith.constant 0 : index
    %get3A_21 = vector.load %arg4[%get3A_19, %get3A_20] : memref<1x128xf32, #tpu.memory_space<vmem>>, vector<1x1xf32>
    %get3A_22 = vector.extract %get3A_21[0, 0] : f32 from vector<1x1xf32>
    %slice3A = vector.extract_strided_slice %mul3A_18 {offsets = [0, 0], sizes = [512, 128], strides = [1, 1]} : vector<512x256xf32> to vector<512x128xf32>
    %mul3A_23 = vector.broadcast %get3A_22 : f32 to vector<512x128xf32>
    %mul3A_24 = arith.mulf %mul3A_23, %slice3A : vector<512x128xf32>
    %swap3A_25 = arith.constant 0 : index
    %swap3A_26 = arith.constant 0 : index
    %swap3A_27 = arith.constant 0 : index
    %swap3A_28 = vector.load %arg5[%swap3A_25, %swap3A_26, %swap3A_27] : memref<8x512x128xf32, #tpu.memory_space<vmem>>, vector<1x512x128xf32>
    %swap3A_29 = vector.shape_cast %swap3A_28 : vector<1x512x128xf32> to vector<512x128xf32>
    %swap3A_30 = vector.shape_cast %mul3A_24 : vector<512x128xf32> to vector<1x512x128xf32>
    tpu.vector_store %arg5[%swap3A_25, %swap3A_26, %swap3A_27], %swap3A_30 {strides = array<i32>} : memref<8x512x128xf32, #tpu.memory_space<vmem>>, vector<1x512x128xf32>,
    %slice3A_31 = vector.extract_strided_slice %mul3A_18 {offsets = [0, 128], sizes = [512, 128], strides = [1, 1]} : vector<512x256xf32> to vector<512x128xf32>
    %mul3A_32 = vector.broadcast %get3A_22 : f32 to vector<512x128xf32>
    %mul3A_33 = arith.mulf %mul3A_32, %slice3A_31 : vector<512x128xf32>
    %swap3A_34 = arith.constant 0 : index
    %swap3A_35 = arith.constant 0 : index
    %swap3A_36 = arith.constant 0 : index
    %swap3A_37 = vector.load %arg6[%swap3A_34, %swap3A_35, %swap3A_36] : memref<8x512x128xf32, #tpu.memory_space<vmem>>, vector<1x512x128xf32>
    %swap3A_38 = vector.shape_cast %swap3A_37 : vector<1x512x128xf32> to vector<512x128xf32>
    %swap3A_39 = vector.shape_cast %mul3A_33 : vector<512x128xf32> to vector<1x512x128xf32>
    tpu.vector_store %arg6[%swap3A_34, %swap3A_35, %swap3A_36], %swap3A_39 {strides = array<i32>} : memref<8x512x128xf32, #tpu.memory_space<vmem>>, vector<1x512x128xf32>,
    %get3A_40 = arith.constant 0 : index
    %get3A_41 = arith.constant 1 : index
    %get3A_42 = vector.load %arg4[%get3A_40, %get3A_41] : memref<1x128xf32, #tpu.memory_space<vmem>>, vector<1x1xf32>
    %get3A_43 = vector.extract %get3A_42[0, 0] : f32 from vector<1x1xf32>
    %slice3A_44 = vector.extract_strided_slice %mul3A_18 {offsets = [0, 0], sizes = [512, 128], strides = [1, 1]} : vector<512x256xf32> to vector<512x128xf32>
    %mul3A_45 = vector.broadcast %get3A_43 : f32 to vector<512x128xf32>
    %mul3A_46 = arith.mulf %mul3A_45, %slice3A_44 : vector<512x128xf32>
    %swap3A_47 = arith.constant 1 : index
    %swap3A_48 = arith.constant 0 : index
    %swap3A_49 = arith.constant 0 : index
    %swap3A_50 = vector.load %arg5[%swap3A_47, %swap3A_48, %swap3A_49] : memref<8x512x128xf32, #tpu.memory_space<vmem>>, vector<1x512x128xf32>
    %swap3A_51 = vector.shape_cast %swap3A_50 : vector<1x512x128xf32> to vector<512x128xf32>
    %swap3A_52 = vector.shape_cast %mul3A_46 : vector<512x128xf32> to vector<1x512x128xf32>
    tpu.vector_store %arg5[%swap3A_47, %swap3A_48, %swap3A_49], %swap3A_52 {strides = array<i32>} : memref<8x512x128xf32, #tpu.memory_space<vmem>>, vector<1x512x128xf32>,
    %slice3A_53 = vector.extract_strided_slice %mul3A_18 {offsets = [0, 128], sizes = [512, 128], strides = [1, 1]} : vector<512x256xf32> to vector<512x128xf32>
    %mul3A_54 = vector.broadcast %get3A_43 : f32 to vector<512x128xf32>
    %mul3A_55 = arith.mulf %mul3A_54, %slice3A_53 : vector<512x128xf32>
    %swap3A_56 = arith.constant 1 : index
    %swap3A_57 = arith.constant 0 : index
    %swap3A_58 = arith.constant 0 : index
    %swap3A_59 = vector.load %arg6[%swap3A_56, %swap3A_57, %swap3A_58] : memref<8x512x128xf32, #tpu.memory_space<vmem>>, vector<1x512x128xf32>
    %swap3A_60 = vector.shape_cast %swap3A_59 : vector<1x512x128xf32> to vector<512x128xf32>
    %swap3A_61 = vector.shape_cast %mul3A_55 : vector<512x128xf32> to vector<1x512x128xf32>
    tpu.vector_store %arg6[%swap3A_56, %swap3A_57, %swap3A_58], %swap3A_61 {strides = array<i32>} : memref<8x512x128xf32, #tpu.memory_space<vmem>>, vector<1x512x128xf32>,
    %get3A_62 = arith.constant 0 : index
    %get3A_63 = arith.constant 2 : index
    %get3A_64 = vector.load %arg4[%get3A_62, %get3A_63] : memref<1x128xf32, #tpu.memory_space<vmem>>, vector<1x1xf32>
    %get3A_65 = vector.extract %get3A_64[0, 0] : f32 from vector<1x1xf32>
    %slice3A_66 = vector.extract_strided_slice %mul3A_18 {offsets = [0, 0], sizes = [512, 128], strides = [1, 1]} : vector<512x256xf32> to vector<512x128xf32>
    %mul3A_67 = vector.broadcast %get3A_65 : f32 to vector<512x128xf32>
    %mul3A_68 = arith.mulf %mul3A_67, %slice3A_66 : vector<512x128xf32>
    %swap3A_69 = arith.constant 2 : index
    %swap3A_70 = arith.constant 0 : index
    %swap3A_71 = arith.constant 0 : index
    %swap3A_72 = vector.load %arg5[%swap3A_69, %swap3A_70, %swap3A_71] : memref<8x512x128xf32, #tpu.memory_space<vmem>>, vector<1x512x128xf32>
    %swap3A_73 = vector.shape_cast %swap3A_72 : vector<1x512x128xf32> to vector<512x128xf32>
    %swap3A_74 = vector.shape_cast %mul3A_68 : vector<512x128xf32> to vector<1x512x128xf32>
    tpu.vector_store %arg5[%swap3A_69, %swap3A_70, %swap3A_71], %swap3A_74 {strides = array<i32>} : memref<8x512x128xf32, #tpu.memory_space<vmem>>, vector<1x512x128xf32>,
    %slice3A_75 = vector.extract_strided_slice %mul3A_18 {offsets = [0, 128], sizes = [512, 128], strides = [1, 1]} : vector<512x256xf32> to vector<512x128xf32>
    %mul3A_76 = vector.broadcast %get3A_65 : f32 to vector<512x128xf32>
    %mul3A_77 = arith.mulf %mul3A_76, %slice3A_75 : vector<512x128xf32>
    %swap3A_78 = arith.constant 2 : index
    %swap3A_79 = arith.constant 0 : index
    %swap3A_80 = arith.constant 0 : index
    %swap3A_81 = vector.load %arg6[%swap3A_78, %swap3A_79, %swap3A_80] : memref<8x512x128xf32, #tpu.memory_space<vmem>>, vector<1x512x128xf32>
    %swap3A_82 = vector.shape_cast %swap3A_81 : vector<1x512x128xf32> to vector<512x128xf32>
    %swap3A_83 = vector.shape_cast %mul3A_77 : vector<512x128xf32> to vector<1x512x128xf32>
    tpu.vector_store %arg6[%swap3A_78, %swap3A_79, %swap3A_80], %swap3A_83 {strides = array<i32>} : memref<8x512x128xf32, #tpu.memory_space<vmem>>, vector<1x512x128xf32>,
    %get3A_84 = arith.constant 0 : index
    %get3A_85 = arith.constant 3 : index
    %get3A_86 = vector.load %arg4[%get3A_84, %get3A_85] : memref<1x128xf32, #tpu.memory_space<vmem>>, vector<1x1xf32>
    %get3A_87 = vector.extract %get3A_86[0, 0] : f32 from vector<1x1xf32>
    %slice3A_88 = vector.extract_strided_slice %mul3A_18 {offsets = [0, 0], sizes = [512, 128], strides = [1, 1]} : vector<512x256xf32> to vector<512x128xf32>
    %mul3A_89 = vector.broadcast %get3A_87 : f32 to vector<512x128xf32>
    %mul3A_90 = arith.mulf %mul3A_89, %slice3A_88 : vector<512x128xf32>
    %swap3A_91 = arith.constant 3 : index
    %swap3A_92 = arith.constant 0 : index
    %swap3A_93 = arith.constant 0 : index
    %swap3A_94 = vector.load %arg5[%swap3A_91, %swap3A_92, %swap3A_93] : memref<8x512x128xf32, #tpu.memory_space<vmem>>, vector<1x512x128xf32>
    %swap3A_95 = vector.shape_cast %swap3A_94 : vector<1x512x128xf32> to vector<512x128xf32>
    %swap3A_96 = vector.shape_cast %mul3A_90 : vector<512x128xf32> to vector<1x512x128xf32>
    tpu.vector_store %arg5[%swap3A_91, %swap3A_92, %swap3A_93], %swap3A_96 {strides = array<i32>} : memref<8x512x128xf32, #tpu.memory_space<vmem>>, vector<1x512x128xf32>,
    %slice3A_97 = vector.extract_strided_slice %mul3A_18 {offsets = [0, 128], sizes = [512, 128], strides = [1, 1]} : vector<512x256xf32> to vector<512x128xf32>
    %mul3A_98 = vector.broadcast %get3A_87 : f32 to vector<512x128xf32>
    %mul3A_99 = arith.mulf %mul3A_98, %slice3A_97 : vector<512x128xf32>
    %swap3A_100 = arith.constant 3 : index
    %swap3A_101 = arith.constant 0 : index
    %swap3A_102 = arith.constant 0 : index
    %swap3A_103 = vector.load %arg6[%swap3A_100, %swap3A_101, %swap3A_102] : memref<8x512x128xf32, #tpu.memory_space<vmem>>, vector<1x512x128xf32>
    %swap3A_104 = vector.shape_cast %swap3A_103 : vector<1x512x128xf32> to vector<512x128xf32>
    %swap3A_105 = vector.shape_cast %mul3A_99 : vector<512x128xf32> to vector<1x512x128xf32>
    tpu.vector_store %arg6[%swap3A_100, %swap3A_101, %swap3A_102], %swap3A_105 {strides = array<i32>} : memref<8x512x128xf32, #tpu.memory_space<vmem>>, vector<1x512x128xf32>,
    %get3A_106 = arith.constant 0 : index
    %get3A_107 = arith.constant 4 : index
    %get3A_108 = vector.load %arg4[%get3A_106, %get3A_107] : memref<1x128xf32, #tpu.memory_space<vmem>>, vector<1x1xf32>
    %get3A_109 = vector.extract %get3A_108[0, 0] : f32 from vector<1x1xf32>
    %slice3A_110 = vector.extract_strided_slice %mul3A_18 {offsets = [0, 0], sizes = [512, 128], strides = [1, 1]} : vector<512x256xf32> to vector<512x128xf32>
    %mul3A_111 = vector.broadcast %get3A_109 : f32 to vector<512x128xf32>
    %mul3A_112 = arith.mulf %mul3A_111, %slice3A_110 : vector<512x128xf32>
    %swap3A_113 = arith.constant 4 : index
    %swap3A_114 = arith.constant 0 : index
    %swap3A_115 = arith.constant 0 : index
    %swap3A_116 = vector.load %arg5[%swap3A_113, %swap3A_114, %swap3A_115] : memref<8x512x128xf32, #tpu.memory_space<vmem>>, vector<1x512x128xf32>
    %swap3A_117 = vector.shape_cast %swap3A_116 : vector<1x512x128xf32> to vector<512x128xf32>
    %swap3A_118 = vector.shape_cast %mul3A_112 : vector<512x128xf32> to vector<1x512x128xf32>
    tpu.vector_store %arg5[%swap3A_113, %swap3A_114, %swap3A_115], %swap3A_118 {strides = array<i32>} : memref<8x512x128xf32, #tpu.memory_space<vmem>>, vector<1x512x128xf32>,
    %slice3A_119 = vector.extract_strided_slice %mul3A_18 {offsets = [0, 128], sizes = [512, 128], strides = [1, 1]} : vector<512x256xf32> to vector<512x128xf32>
    %mul3A_120 = vector.broadcast %get3A_109 : f32 to vector<512x128xf32>
    %mul3A_121 = arith.mulf %mul3A_120, %slice3A_119 : vector<512x128xf32>
    %swap3A_122 = arith.constant 4 : index
    %swap3A_123 = arith.constant 0 : index
    %swap3A_124 = arith.constant 0 : index
    %swap3A_125 = vector.load %arg6[%swap3A_122, %swap3A_123, %swap3A_124] : memref<8x512x128xf32, #tpu.memory_space<vmem>>, vector<1x512x128xf32>
    %swap3A_126 = vector.shape_cast %swap3A_125 : vector<1x512x128xf32> to vector<512x128xf32>
    %swap3A_127 = vector.shape_cast %mul3A_121 : vector<512x128xf32> to vector<1x512x128xf32>
    tpu.vector_store %arg6[%swap3A_122, %swap3A_123, %swap3A_124], %swap3A_127 {strides = array<i32>} : memref<8x512x128xf32, #tpu.memory_space<vmem>>, vector<1x512x128xf32>,
    %get3A_128 = arith.constant 0 : index
    %get3A_129 = arith.constant 5 : index
    %get3A_130 = vector.load %arg4[%get3A_128, %get3A_129] : memref<1x128xf32, #tpu.memory_space<vmem>>, vector<1x1xf32>
    %get3A_131 = vector.extract %get3A_130[0, 0] : f32 from vector<1x1xf32>
    %slice3A_132 = vector.extract_strided_slice %mul3A_18 {offsets = [0, 0], sizes = [512, 128], strides = [1, 1]} : vector<512x256xf32> to vector<512x128xf32>
    %mul3A_133 = vector.broadcast %get3A_131 : f32 to vector<512x128xf32>
    %mul3A_134 = arith.mulf %mul3A_133, %slice3A_132 : vector<512x128xf32>
    %swap3A_135 = arith.constant 5 : index
    %swap3A_136 = arith.constant 0 : index
    %swap3A_137 = arith.constant 0 : index
    %swap3A_138 = vector.load %arg5[%swap3A_135, %swap3A_136, %swap3A_137] : memref<8x512x128xf32, #tpu.memory_space<vmem>>, vector<1x512x128xf32>
    %swap3A_139 = vector.shape_cast %swap3A_138 : vector<1x512x128xf32> to vector<512x128xf32>
    %swap3A_140 = vector.shape_cast %mul3A_134 : vector<512x128xf32> to vector<1x512x128xf32>
    tpu.vector_store %arg5[%swap3A_135, %swap3A_136, %swap3A_137], %swap3A_140 {strides = array<i32>} : memref<8x512x128xf32, #tpu.memory_space<vmem>>, vector<1x512x128xf32>,
    %slice3A_141 = vector.extract_strided_slice %mul3A_18 {offsets = [0, 128], sizes = [512, 128], strides = [1, 1]} : vector<512x256xf32> to vector<512x128xf32>
    %mul3A_142 = vector.broadcast %get3A_131 : f32 to vector<512x128xf32>
    %mul3A_143 = arith.mulf %mul3A_142, %slice3A_141 : vector<512x128xf32>
    %swap3A_144 = arith.constant 5 : index
    %swap3A_145 = arith.constant 0 : index
    %swap3A_146 = arith.constant 0 : index
    %swap3A_147 = vector.load %arg6[%swap3A_144, %swap3A_145, %swap3A_146] : memref<8x512x128xf32, #tpu.memory_space<vmem>>, vector<1x512x128xf32>
    %swap3A_148 = vector.shape_cast %swap3A_147 : vector<1x512x128xf32> to vector<512x128xf32>
    %swap3A_149 = vector.shape_cast %mul3A_143 : vector<512x128xf32> to vector<1x512x128xf32>
    tpu.vector_store %arg6[%swap3A_144, %swap3A_145, %swap3A_146], %swap3A_149 {strides = array<i32>} : memref<8x512x128xf32, #tpu.memory_space<vmem>>, vector<1x512x128xf32>,
    %get3A_150 = arith.constant 0 : index
    %get3A_151 = arith.constant 6 : index
    %get3A_152 = vector.load %arg4[%get3A_150, %get3A_151] : memref<1x128xf32, #tpu.memory_space<vmem>>, vector<1x1xf32>
    %get3A_153 = vector.extract %get3A_152[0, 0] : f32 from vector<1x1xf32>
    %slice3A_154 = vector.extract_strided_slice %mul3A_18 {offsets = [0, 0], sizes = [512, 128], strides = [1, 1]} : vector<512x256xf32> to vector<512x128xf32>
    %mul3A_155 = vector.broadcast %get3A_153 : f32 to vector<512x128xf32>
    %mul3A_156 = arith.mulf %mul3A_155, %slice3A_154 : vector<512x128xf32>
    %swap3A_157 = arith.constant 6 : index
    %swap3A_158 = arith.constant 0 : index
    %swap3A_159 = arith.constant 0 : index
    %swap3A_160 = vector.load %arg5[%swap3A_157, %swap3A_158, %swap3A_159] : memref<8x512x128xf32, #tpu.memory_space<vmem>>, vector<1x512x128xf32>
    %swap3A_161 = vector.shape_cast %swap3A_160 : vector<1x512x128xf32> to vector<512x128xf32>
    %swap3A_162 = vector.shape_cast %mul3A_156 : vector<512x128xf32> to vector<1x512x128xf32>
    tpu.vector_store %arg5[%swap3A_157, %swap3A_158, %swap3A_159], %swap3A_162 {strides = array<i32>} : memref<8x512x128xf32, #tpu.memory_space<vmem>>, vector<1x512x128xf32>,
    %slice3A_163 = vector.extract_strided_slice %mul3A_18 {offsets = [0, 128], sizes = [512, 128], strides = [1, 1]} : vector<512x256xf32> to vector<512x128xf32>
    %mul3A_164 = vector.broadcast %get3A_153 : f32 to vector<512x128xf32>
    %mul3A_165 = arith.mulf %mul3A_164, %slice3A_163 : vector<512x128xf32>
    %swap3A_166 = arith.constant 6 : index
    %swap3A_167 = arith.constant 0 : index
    %swap3A_168 = arith.constant 0 : index
    %swap3A_169 = vector.load %arg6[%swap3A_166, %swap3A_167, %swap3A_168] : memref<8x512x128xf32, #tpu.memory_space<vmem>>, vector<1x512x128xf32>
    %swap3A_170 = vector.shape_cast %swap3A_169 : vector<1x512x128xf32> to vector<512x128xf32>
    %swap3A_171 = vector.shape_cast %mul3A_165 : vector<512x128xf32> to vector<1x512x128xf32>
    tpu.vector_store %arg6[%swap3A_166, %swap3A_167, %swap3A_168], %swap3A_171 {strides = array<i32>} : memref<8x512x128xf32, #tpu.memory_space<vmem>>, vector<1x512x128xf32>,
    %get3A_172 = arith.constant 0 : index
    %get3A_173 = arith.constant 7 : index
    %get3A_174 = vector.load %arg4[%get3A_172, %get3A_173] : memref<1x128xf32, #tpu.memory_space<vmem>>, vector<1x1xf32>
    %get3A_175 = vector.extract %get3A_174[0, 0] : f32 from vector<1x1xf32>
    %slice3A_176 = vector.extract_strided_slice %mul3A_18 {offsets = [0, 0], sizes = [512, 128], strides = [1, 1]} : vector<512x256xf32> to vector<512x128xf32>
    %mul3A_177 = vector.broadcast %get3A_175 : f32 to vector<512x128xf32>
    %mul3A_178 = arith.mulf %mul3A_177, %slice3A_176 : vector<512x128xf32>
    %swap3A_179 = arith.constant 7 : index
    %swap3A_180 = arith.constant 0 : index
    %swap3A_181 = arith.constant 0 : index
    %swap3A_182 = vector.load %arg5[%swap3A_179, %swap3A_180, %swap3A_181] : memref<8x512x128xf32, #tpu.memory_space<vmem>>, vector<1x512x128xf32>
    %swap3A_183 = vector.shape_cast %swap3A_182 : vector<1x512x128xf32> to vector<512x128xf32>
    %swap3A_184 = vector.shape_cast %mul3A_178 : vector<512x128xf32> to vector<1x512x128xf32>
    tpu.vector_store %arg5[%swap3A_179, %swap3A_180, %swap3A_181], %swap3A_184 {strides = array<i32>} : memref<8x512x128xf32, #tpu.memory_space<vmem>>, vector<1x512x128xf32>,
    %slice3A_185 = vector.extract_strided_slice %mul3A_18 {offsets = [0, 128], sizes = [512, 128], strides = [1, 1]} : vector<512x256xf32> to vector<512x128xf32>
    %mul3A_186 = vector.broadcast %get3A_175 : f32 to vector<512x128xf32>
    %mul3A_187 = arith.mulf %mul3A_186, %slice3A_185 : vector<512x128xf32>
    %swap3A_188 = arith.constant 7 : index
    %swap3A_189 = arith.constant 0 : index
    %swap3A_190 = arith.constant 0 : index
    %swap3A_191 = vector.load %arg6[%swap3A_188, %swap3A_189, %swap3A_190] : memref<8x512x128xf32, #tpu.memory_space<vmem>>, vector<1x512x128xf32>
    %swap3A_192 = vector.shape_cast %swap3A_191 : vector<1x512x128xf32> to vector<512x128xf32>
    %swap3A_193 = vector.shape_cast %mul3A_187 : vector<512x128xf32> to vector<1x512x128xf32>
    tpu.vector_store %arg6[%swap3A_188, %swap3A_189, %swap3A_190], %swap3A_193 {strides = array<i32>} : memref<8x512x128xf32, #tpu.memory_space<vmem>>, vector<1x512x128xf32>,
    return
  }
  func.func @transform_0(%arg0: i32) -> (i32, i32) {
    %c0_i32 = arith.constant 0 : i32
    %c0_i32_0 = arith.constant 0 : i32
    return %arg0, %c0_i32 : i32, i32
  }
  func.func @transform_1(%arg0: i32) -> (i32, i32) {
    %c0_i32 = arith.constant 0 : i32
    %c0_i32_0 = arith.constant 0 : i32
    return %arg0, %c0_i32 : i32, i32
  }
  func.func @transform_2(%arg0: i32) -> (i32, i32) {
    %c0_i32 = arith.constant 0 : i32
    %c0_i32_0 = arith.constant 0 : i32
    return %arg0, %c0_i32 : i32, i32
  }
  func.func @transform_3(%arg0: i32) -> (i32, i32) {
    %c0_i32 = arith.constant 0 : i32
    %c0_i32_0 = arith.constant 0 : i32
    %c0_i32_1 = arith.constant 0 : i32
    return %c0_i32, %c0_i32_0 : i32, i32
  }
  func.func @transform_4(%arg0: i32) -> (i32, i32, i32) {
    %c0_i32 = arith.constant 0 : i32
    %c0_i32_0 = arith.constant 0 : i32
    %c0_i32_1 = arith.constant 0 : i32
    return %c0_i32, %arg0, %c0_i32_0 : i32, i32, i32
  }
  func.func @transform_5(%arg0: i32) -> (i32, i32, i32) {
    %c0_i32 = arith.constant 0 : i32
    %c0_i32_0 = arith.constant 0 : i32
    %c0_i32_1 = arith.constant 0 : i32
    return %c0_i32, %arg0, %c0_i32_0 : i32, i32, i32
  }
  func.func @transform_6(%arg0: i32) -> (i32, i32) {
    %c0_i32 = arith.constant 0 : i32
    %c0_i32_0 = arith.constant 0 : i32
    return %arg0, %c0_i32 : i32, i32
  }
  func.func @transform_7(%arg0: i32) -> (i32, i32) {
    %c0_i32 = arith.constant 0 : i32
    %c0_i32_0 = arith.constant 0 : i32
    return %arg0, %c0_i32 : i32, i32
  }
}

module attributes {stable_mosaic.version = 14 : i64} {
  func.func @_mid_body(%arg0: i32, %arg1: memref<512x128xf32, #tpu.memory_space<vmem>>, %arg2: memref<512x128xf32, #tpu.memory_space<vmem>>, %arg3: memref<512x256xf32, #tpu.memory_space<vmem>>, %arg4: memref<512x1xf32, #tpu.memory_space<vmem>>, %arg5: memref<512x1xf32, #tpu.memory_space<vmem>>, %arg6: memref<1x256xf32, #tpu.memory_space<vmem>>, %arg7: memref<1x256xf32, #tpu.memory_space<vmem>>, %arg8: memref<1x256xf32, #tpu.memory_space<vmem>>, %arg9: memref<256x256xf32, #tpu.memory_space<vmem>>, %arg10: memref<1x128xf32, #tpu.memory_space<vmem>>, %arg11: memref<512x256xf32, #tpu.memory_space<vmem>>, %arg12: memref<512x256xf32, #tpu.memory_space<vmem>>, %arg13: memref<8x512x128xf32, #tpu.memory_space<vmem>>, %arg14: memref<8x512x128xf32, #tpu.memory_space<vmem>>) attributes {dimension_semantics = [#tpu.dimension_semantics<arbitrary>], iteration_bounds = array<i64: 20>, scalar_prefetch = 0 : i64, scratch_operands = 0 : i64, tpu.core_type = #tpu.core_type<tc>, window_params = [{transform_indices = @transform_0, window_bounds = array<i64: 512, 128>}, {transform_indices = @transform_1, window_bounds = array<i64: 512, 128>}, {transform_indices = @transform_2, window_bounds = array<i64: 512, 256>}, {transform_indices = @transform_3, window_bounds = array<i64: 512, 1>}, {transform_indices = @transform_4, window_bounds = array<i64: 512, 1>}, {pipeline_mode = #tpu.pipeline_mode<synchronous>, transform_indices = @transform_5, window_bounds = array<i64: 1, 256>}, {pipeline_mode = #tpu.pipeline_mode<synchronous>, transform_indices = @transform_6, window_bounds = array<i64: 1, 256>}, {pipeline_mode = #tpu.pipeline_mode<synchronous>, transform_indices = @transform_7, window_bounds = array<i64: 1, 256>}, {pipeline_mode = #tpu.pipeline_mode<synchronous>, transform_indices = @transform_8, window_bounds = array<i64: 256, 256>}, {pipeline_mode = #tpu.pipeline_mode<synchronous>, transform_indices = @transform_9, window_bounds = array<i64: 1, 128>}, {transform_indices = @transform_10, window_bounds = array<i64: 512, 256>}, {transform_indices = @transform_11, window_bounds = array<i64: 512, 256>}, {transform_indices = @transform_12, window_bounds = array<i64: 8, 512, 128>}, {transform_indices = @transform_13, window_bounds = array<i64: 8, 512, 128>}]} {
    %get3A = arith.constant 0 : index
    %get3A_0 = arith.constant 0 : index
    %get3A_1 = vector.load %arg4[%get3A, %get3A_0] : memref<512x1xf32, #tpu.memory_space<vmem>>, vector<512x1xf32>
    %get3A_2 = arith.constant 0 : index
    %get3A_3 = arith.constant 0 : index
    %get3A_4 = vector.load %arg1[%get3A_2, %get3A_3] : memref<512x128xf32, #tpu.memory_space<vmem>>, vector<512x128xf32>
    %get3A_5 = arith.constant 0 : index
    %get3A_6 = arith.constant 0 : index
    %get3A_7 = vector.load %arg2[%get3A_5, %get3A_6] : memref<512x128xf32, #tpu.memory_space<vmem>>, vector<512x128xf32>
    %concatenate3A = tpu.concatenate %get3A_4, %get3A_7 in 1 : vector<512x128xf32>, vector<512x128xf32> -> vector<512x256xf32>
    %mul3A = vector.broadcast %get3A_1 : vector<512x1xf32> to vector<512x256xf32>
    %mul3A_8 = arith.mulf %mul3A, %concatenate3A : vector<512x256xf32>
    %get3A_9 = arith.constant 0 : index
    %get3A_10 = arith.constant 0 : index
    %get3A_11 = vector.load %arg5[%get3A_9, %get3A_10] : memref<512x1xf32, #tpu.memory_space<vmem>>, vector<512x1xf32>
    %get3A_12 = arith.constant 0 : index
    %get3A_13 = arith.constant 0 : index
    %get3A_14 = vector.load %arg3[%get3A_12, %get3A_13] : memref<512x256xf32, #tpu.memory_space<vmem>>, vector<512x256xf32>
    %mul3A_15 = vector.broadcast %get3A_11 : vector<512x1xf32> to vector<512x256xf32>
    %mul3A_16 = arith.mulf %mul3A_15, %get3A_14 : vector<512x256xf32>
    %add3A = arith.addf %mul3A_8, %mul3A_16 : vector<512x256xf32>
    %get3A_17 = arith.constant 0 : index
    %get3A_18 = arith.constant 0 : index
    %get3A_19 = vector.load %arg6[%get3A_17, %get3A_18] : memref<1x256xf32, #tpu.memory_space<vmem>>, vector<1x256xf32>
    %add3A_20 = vector.broadcast %get3A_19 : vector<1x256xf32> to vector<512x256xf32>
    %add3A_21 = arith.addf %add3A, %add3A_20 : vector<512x256xf32>
    %get3A_22 = arith.constant 0 : index
    %get3A_23 = arith.constant 0 : index
    %get3A_24 = vector.load %arg7[%get3A_22, %get3A_23] : memref<1x256xf32, #tpu.memory_space<vmem>>, vector<1x256xf32>
    %get3A_25 = arith.constant 0 : index
    %get3A_26 = arith.constant 0 : index
    %get3A_27 = vector.load %arg8[%get3A_25, %get3A_26] : memref<1x256xf32, #tpu.memory_space<vmem>>, vector<1x256xf32>
    %sqrt3A = arith.constant 1.000010e+00 : f32
    %sqrt3A_28 = math.sqrt %sqrt3A : f32
    %div3A = vector.broadcast %sqrt3A_28 : f32 to vector<512x256xf32>
    %div3A_29 = arith.divf %add3A_21, %div3A : vector<512x256xf32>
    %mul3A_30 = vector.broadcast %get3A_24 : vector<1x256xf32> to vector<512x256xf32>
    %mul3A_31 = arith.mulf %div3A_29, %mul3A_30 : vector<512x256xf32>
    %add3A_32 = vector.broadcast %get3A_27 : vector<1x256xf32> to vector<512x256xf32>
    %add3A_33 = arith.addf %mul3A_31, %add3A_32 : vector<512x256xf32>
    %gt3A = arith.constant 0.000000e+00 : f32
    %gt3A_34 = vector.broadcast %gt3A : f32 to vector<512x256xf32>
    %gt3A_35 = arith.cmpf ogt, %add3A_33, %gt3A_34 : vector<512x256xf32>
    %exp3A = math.exp %add3A_33 : vector<512x256xf32>
    %sub3A = arith.constant 1.000000e+00 : f32
    %sub3A_36 = vector.broadcast %sub3A : f32 to vector<512x256xf32>
    %sub3A_37 = arith.subf %exp3A, %sub3A_36 : vector<512x256xf32>
    %select_n3A = arith.select %gt3A_35, %add3A_33, %sub3A_37 : vector<512x256xi1>, vector<512x256xf32>
    %swap3A = arith.constant 0 : index
    %swap3A_38 = arith.constant 0 : index
    %swap3A_39 = vector.load %arg11[%swap3A, %swap3A_38] : memref<512x256xf32, #tpu.memory_space<vmem>>, vector<512x256xf32>
    tpu.vector_store %arg11[%swap3A, %swap3A_38], %select_n3A {strides = array<i32>} : memref<512x256xf32, #tpu.memory_space<vmem>>, vector<512x256xf32>,
    %get3A_40 = arith.constant 0 : index
    %get3A_41 = arith.constant 0 : index
    %get3A_42 = vector.load %arg9[%get3A_40, %get3A_41] : memref<256x256xf32, #tpu.memory_space<vmem>>, vector<256x256xf32>
    %dot_general3A = arith.constant dense<0.000000e+00> : vector<512x256xf32>
    %dot_general3A_43 = tpu.matmul %select_n3A, %get3A_42, %dot_general3A {dimension_numbers = #tpu.dot_dimension_numbers<[1], [0], [0], [1], [0, 0, 1, 1], [], []>, precision = #tpu.contract_precision<fp32>, transpose_lhs_hint = false} : vector<512x256xf32>, vector<256x256xf32>, vector<512x256xf32> -> vector<512x256xf32>
    %mul3A_44 = arith.constant 512 : i32
    %mul3A_45 = arith.muli %arg0, %mul3A_44 : i32
    %iota3A = tpu.iota {dimensions = array<i32: 0>} : vector<512x1xi32>
    %add3A_46 = vector.broadcast %mul3A_45 : i32 to vector<512x1xi32>
    %add3A_47 = arith.addi %add3A_46, %iota3A : vector<512x1xi32>
    %lt3A = arith.constant 10000 : i32
    %lt3A_48 = vector.broadcast %lt3A : i32 to vector<512x1xi32>
    %lt3A_49 = arith.cmpi slt, %add3A_47, %lt3A_48 : vector<512x1xi32>
    %jit3A = arith.constant 0.000000e+00 : f32
    %broadcast_in_dim3A = vector.shape_cast %lt3A_49 : vector<512x1xi1> to vector<512x1xi1>
    %broadcast_in_dim3A_50 = vector.broadcast %broadcast_in_dim3A : vector<512x1xi1> to vector<512x256xi1>
    %broadcast_in_dim3A_51 = vector.broadcast %jit3A : f32 to vector<512x256xf32>
    %select_n3A_52 = arith.select %broadcast_in_dim3A_50, %dot_general3A_43, %broadcast_in_dim3A_51 : vector<512x256xi1>, vector<512x256xf32>
    %swap3A_53 = arith.constant 0 : index
    %swap3A_54 = arith.constant 0 : index
    %swap3A_55 = vector.load %arg12[%swap3A_53, %swap3A_54] : memref<512x256xf32, #tpu.memory_space<vmem>>, vector<512x256xf32>
    tpu.vector_store %arg12[%swap3A_53, %swap3A_54], %select_n3A_52 {strides = array<i32>} : memref<512x256xf32, #tpu.memory_space<vmem>>, vector<512x256xf32>,
    %mul3A_56 = vector.broadcast %get3A_1 : vector<512x1xf32> to vector<512x256xf32>
    %mul3A_57 = arith.mulf %mul3A_56, %select_n3A_52 : vector<512x256xf32>
    %get3A_58 = arith.constant 0 : index
    %get3A_59 = arith.constant 0 : index
    %get3A_60 = vector.load %arg10[%get3A_58, %get3A_59] : memref<1x128xf32, #tpu.memory_space<vmem>>, vector<1x1xf32>
    %get3A_61 = vector.extract %get3A_60[0, 0] : f32 from vector<1x1xf32>
    %slice3A = vector.extract_strided_slice %mul3A_57 {offsets = [0, 0], sizes = [512, 128], strides = [1, 1]} : vector<512x256xf32> to vector<512x128xf32>
    %mul3A_62 = vector.broadcast %get3A_61 : f32 to vector<512x128xf32>
    %mul3A_63 = arith.mulf %mul3A_62, %slice3A : vector<512x128xf32>
    %swap3A_64 = arith.constant 0 : index
    %swap3A_65 = arith.constant 0 : index
    %swap3A_66 = arith.constant 0 : index
    %swap3A_67 = vector.load %arg13[%swap3A_64, %swap3A_65, %swap3A_66] : memref<8x512x128xf32, #tpu.memory_space<vmem>>, vector<1x512x128xf32>
    %swap3A_68 = vector.shape_cast %swap3A_67 : vector<1x512x128xf32> to vector<512x128xf32>
    %swap3A_69 = vector.shape_cast %mul3A_63 : vector<512x128xf32> to vector<1x512x128xf32>
    tpu.vector_store %arg13[%swap3A_64, %swap3A_65, %swap3A_66], %swap3A_69 {strides = array<i32>} : memref<8x512x128xf32, #tpu.memory_space<vmem>>, vector<1x512x128xf32>,
    %slice3A_70 = vector.extract_strided_slice %mul3A_57 {offsets = [0, 128], sizes = [512, 128], strides = [1, 1]} : vector<512x256xf32> to vector<512x128xf32>
    %mul3A_71 = vector.broadcast %get3A_61 : f32 to vector<512x128xf32>
    %mul3A_72 = arith.mulf %mul3A_71, %slice3A_70 : vector<512x128xf32>
    %swap3A_73 = arith.constant 0 : index
    %swap3A_74 = arith.constant 0 : index
    %swap3A_75 = arith.constant 0 : index
    %swap3A_76 = vector.load %arg14[%swap3A_73, %swap3A_74, %swap3A_75] : memref<8x512x128xf32, #tpu.memory_space<vmem>>, vector<1x512x128xf32>
    %swap3A_77 = vector.shape_cast %swap3A_76 : vector<1x512x128xf32> to vector<512x128xf32>
    %swap3A_78 = vector.shape_cast %mul3A_72 : vector<512x128xf32> to vector<1x512x128xf32>
    tpu.vector_store %arg14[%swap3A_73, %swap3A_74, %swap3A_75], %swap3A_78 {strides = array<i32>} : memref<8x512x128xf32, #tpu.memory_space<vmem>>, vector<1x512x128xf32>,
    %get3A_79 = arith.constant 0 : index
    %get3A_80 = arith.constant 1 : index
    %get3A_81 = vector.load %arg10[%get3A_79, %get3A_80] : memref<1x128xf32, #tpu.memory_space<vmem>>, vector<1x1xf32>
    %get3A_82 = vector.extract %get3A_81[0, 0] : f32 from vector<1x1xf32>
    %slice3A_83 = vector.extract_strided_slice %mul3A_57 {offsets = [0, 0], sizes = [512, 128], strides = [1, 1]} : vector<512x256xf32> to vector<512x128xf32>
    %mul3A_84 = vector.broadcast %get3A_82 : f32 to vector<512x128xf32>
    %mul3A_85 = arith.mulf %mul3A_84, %slice3A_83 : vector<512x128xf32>
    %swap3A_86 = arith.constant 1 : index
    %swap3A_87 = arith.constant 0 : index
    %swap3A_88 = arith.constant 0 : index
    %swap3A_89 = vector.load %arg13[%swap3A_86, %swap3A_87, %swap3A_88] : memref<8x512x128xf32, #tpu.memory_space<vmem>>, vector<1x512x128xf32>
    %swap3A_90 = vector.shape_cast %swap3A_89 : vector<1x512x128xf32> to vector<512x128xf32>
    %swap3A_91 = vector.shape_cast %mul3A_85 : vector<512x128xf32> to vector<1x512x128xf32>
    tpu.vector_store %arg13[%swap3A_86, %swap3A_87, %swap3A_88], %swap3A_91 {strides = array<i32>} : memref<8x512x128xf32, #tpu.memory_space<vmem>>, vector<1x512x128xf32>,
    %slice3A_92 = vector.extract_strided_slice %mul3A_57 {offsets = [0, 128], sizes = [512, 128], strides = [1, 1]} : vector<512x256xf32> to vector<512x128xf32>
    %mul3A_93 = vector.broadcast %get3A_82 : f32 to vector<512x128xf32>
    %mul3A_94 = arith.mulf %mul3A_93, %slice3A_92 : vector<512x128xf32>
    %swap3A_95 = arith.constant 1 : index
    %swap3A_96 = arith.constant 0 : index
    %swap3A_97 = arith.constant 0 : index
    %swap3A_98 = vector.load %arg14[%swap3A_95, %swap3A_96, %swap3A_97] : memref<8x512x128xf32, #tpu.memory_space<vmem>>, vector<1x512x128xf32>
    %swap3A_99 = vector.shape_cast %swap3A_98 : vector<1x512x128xf32> to vector<512x128xf32>
    %swap3A_100 = vector.shape_cast %mul3A_94 : vector<512x128xf32> to vector<1x512x128xf32>
    tpu.vector_store %arg14[%swap3A_95, %swap3A_96, %swap3A_97], %swap3A_100 {strides = array<i32>} : memref<8x512x128xf32, #tpu.memory_space<vmem>>, vector<1x512x128xf32>,
    %get3A_101 = arith.constant 0 : index
    %get3A_102 = arith.constant 2 : index
    %get3A_103 = vector.load %arg10[%get3A_101, %get3A_102] : memref<1x128xf32, #tpu.memory_space<vmem>>, vector<1x1xf32>
    %get3A_104 = vector.extract %get3A_103[0, 0] : f32 from vector<1x1xf32>
    %slice3A_105 = vector.extract_strided_slice %mul3A_57 {offsets = [0, 0], sizes = [512, 128], strides = [1, 1]} : vector<512x256xf32> to vector<512x128xf32>
    %mul3A_106 = vector.broadcast %get3A_104 : f32 to vector<512x128xf32>
    %mul3A_107 = arith.mulf %mul3A_106, %slice3A_105 : vector<512x128xf32>
    %swap3A_108 = arith.constant 2 : index
    %swap3A_109 = arith.constant 0 : index
    %swap3A_110 = arith.constant 0 : index
    %swap3A_111 = vector.load %arg13[%swap3A_108, %swap3A_109, %swap3A_110] : memref<8x512x128xf32, #tpu.memory_space<vmem>>, vector<1x512x128xf32>
    %swap3A_112 = vector.shape_cast %swap3A_111 : vector<1x512x128xf32> to vector<512x128xf32>
    %swap3A_113 = vector.shape_cast %mul3A_107 : vector<512x128xf32> to vector<1x512x128xf32>
    tpu.vector_store %arg13[%swap3A_108, %swap3A_109, %swap3A_110], %swap3A_113 {strides = array<i32>} : memref<8x512x128xf32, #tpu.memory_space<vmem>>, vector<1x512x128xf32>,
    %slice3A_114 = vector.extract_strided_slice %mul3A_57 {offsets = [0, 128], sizes = [512, 128], strides = [1, 1]} : vector<512x256xf32> to vector<512x128xf32>
    %mul3A_115 = vector.broadcast %get3A_104 : f32 to vector<512x128xf32>
    %mul3A_116 = arith.mulf %mul3A_115, %slice3A_114 : vector<512x128xf32>
    %swap3A_117 = arith.constant 2 : index
    %swap3A_118 = arith.constant 0 : index
    %swap3A_119 = arith.constant 0 : index
    %swap3A_120 = vector.load %arg14[%swap3A_117, %swap3A_118, %swap3A_119] : memref<8x512x128xf32, #tpu.memory_space<vmem>>, vector<1x512x128xf32>
    %swap3A_121 = vector.shape_cast %swap3A_120 : vector<1x512x128xf32> to vector<512x128xf32>
    %swap3A_122 = vector.shape_cast %mul3A_116 : vector<512x128xf32> to vector<1x512x128xf32>
    tpu.vector_store %arg14[%swap3A_117, %swap3A_118, %swap3A_119], %swap3A_122 {strides = array<i32>} : memref<8x512x128xf32, #tpu.memory_space<vmem>>, vector<1x512x128xf32>,
    %get3A_123 = arith.constant 0 : index
    %get3A_124 = arith.constant 3 : index
    %get3A_125 = vector.load %arg10[%get3A_123, %get3A_124] : memref<1x128xf32, #tpu.memory_space<vmem>>, vector<1x1xf32>
    %get3A_126 = vector.extract %get3A_125[0, 0] : f32 from vector<1x1xf32>
    %slice3A_127 = vector.extract_strided_slice %mul3A_57 {offsets = [0, 0], sizes = [512, 128], strides = [1, 1]} : vector<512x256xf32> to vector<512x128xf32>
    %mul3A_128 = vector.broadcast %get3A_126 : f32 to vector<512x128xf32>
    %mul3A_129 = arith.mulf %mul3A_128, %slice3A_127 : vector<512x128xf32>
    %swap3A_130 = arith.constant 3 : index
    %swap3A_131 = arith.constant 0 : index
    %swap3A_132 = arith.constant 0 : index
    %swap3A_133 = vector.load %arg13[%swap3A_130, %swap3A_131, %swap3A_132] : memref<8x512x128xf32, #tpu.memory_space<vmem>>, vector<1x512x128xf32>
    %swap3A_134 = vector.shape_cast %swap3A_133 : vector<1x512x128xf32> to vector<512x128xf32>
    %swap3A_135 = vector.shape_cast %mul3A_129 : vector<512x128xf32> to vector<1x512x128xf32>
    tpu.vector_store %arg13[%swap3A_130, %swap3A_131, %swap3A_132], %swap3A_135 {strides = array<i32>} : memref<8x512x128xf32, #tpu.memory_space<vmem>>, vector<1x512x128xf32>,
    %slice3A_136 = vector.extract_strided_slice %mul3A_57 {offsets = [0, 128], sizes = [512, 128], strides = [1, 1]} : vector<512x256xf32> to vector<512x128xf32>
    %mul3A_137 = vector.broadcast %get3A_126 : f32 to vector<512x128xf32>
    %mul3A_138 = arith.mulf %mul3A_137, %slice3A_136 : vector<512x128xf32>
    %swap3A_139 = arith.constant 3 : index
    %swap3A_140 = arith.constant 0 : index
    %swap3A_141 = arith.constant 0 : index
    %swap3A_142 = vector.load %arg14[%swap3A_139, %swap3A_140, %swap3A_141] : memref<8x512x128xf32, #tpu.memory_space<vmem>>, vector<1x512x128xf32>
    %swap3A_143 = vector.shape_cast %swap3A_142 : vector<1x512x128xf32> to vector<512x128xf32>
    %swap3A_144 = vector.shape_cast %mul3A_138 : vector<512x128xf32> to vector<1x512x128xf32>
    tpu.vector_store %arg14[%swap3A_139, %swap3A_140, %swap3A_141], %swap3A_144 {strides = array<i32>} : memref<8x512x128xf32, #tpu.memory_space<vmem>>, vector<1x512x128xf32>,
    %get3A_145 = arith.constant 0 : index
    %get3A_146 = arith.constant 4 : index
    %get3A_147 = vector.load %arg10[%get3A_145, %get3A_146] : memref<1x128xf32, #tpu.memory_space<vmem>>, vector<1x1xf32>
    %get3A_148 = vector.extract %get3A_147[0, 0] : f32 from vector<1x1xf32>
    %slice3A_149 = vector.extract_strided_slice %mul3A_57 {offsets = [0, 0], sizes = [512, 128], strides = [1, 1]} : vector<512x256xf32> to vector<512x128xf32>
    %mul3A_150 = vector.broadcast %get3A_148 : f32 to vector<512x128xf32>
    %mul3A_151 = arith.mulf %mul3A_150, %slice3A_149 : vector<512x128xf32>
    %swap3A_152 = arith.constant 4 : index
    %swap3A_153 = arith.constant 0 : index
    %swap3A_154 = arith.constant 0 : index
    %swap3A_155 = vector.load %arg13[%swap3A_152, %swap3A_153, %swap3A_154] : memref<8x512x128xf32, #tpu.memory_space<vmem>>, vector<1x512x128xf32>
    %swap3A_156 = vector.shape_cast %swap3A_155 : vector<1x512x128xf32> to vector<512x128xf32>
    %swap3A_157 = vector.shape_cast %mul3A_151 : vector<512x128xf32> to vector<1x512x128xf32>
    tpu.vector_store %arg13[%swap3A_152, %swap3A_153, %swap3A_154], %swap3A_157 {strides = array<i32>} : memref<8x512x128xf32, #tpu.memory_space<vmem>>, vector<1x512x128xf32>,
    %slice3A_158 = vector.extract_strided_slice %mul3A_57 {offsets = [0, 128], sizes = [512, 128], strides = [1, 1]} : vector<512x256xf32> to vector<512x128xf32>
    %mul3A_159 = vector.broadcast %get3A_148 : f32 to vector<512x128xf32>
    %mul3A_160 = arith.mulf %mul3A_159, %slice3A_158 : vector<512x128xf32>
    %swap3A_161 = arith.constant 4 : index
    %swap3A_162 = arith.constant 0 : index
    %swap3A_163 = arith.constant 0 : index
    %swap3A_164 = vector.load %arg14[%swap3A_161, %swap3A_162, %swap3A_163] : memref<8x512x128xf32, #tpu.memory_space<vmem>>, vector<1x512x128xf32>
    %swap3A_165 = vector.shape_cast %swap3A_164 : vector<1x512x128xf32> to vector<512x128xf32>
    %swap3A_166 = vector.shape_cast %mul3A_160 : vector<512x128xf32> to vector<1x512x128xf32>
    tpu.vector_store %arg14[%swap3A_161, %swap3A_162, %swap3A_163], %swap3A_166 {strides = array<i32>} : memref<8x512x128xf32, #tpu.memory_space<vmem>>, vector<1x512x128xf32>,
    %get3A_167 = arith.constant 0 : index
    %get3A_168 = arith.constant 5 : index
    %get3A_169 = vector.load %arg10[%get3A_167, %get3A_168] : memref<1x128xf32, #tpu.memory_space<vmem>>, vector<1x1xf32>
    %get3A_170 = vector.extract %get3A_169[0, 0] : f32 from vector<1x1xf32>
    %slice3A_171 = vector.extract_strided_slice %mul3A_57 {offsets = [0, 0], sizes = [512, 128], strides = [1, 1]} : vector<512x256xf32> to vector<512x128xf32>
    %mul3A_172 = vector.broadcast %get3A_170 : f32 to vector<512x128xf32>
    %mul3A_173 = arith.mulf %mul3A_172, %slice3A_171 : vector<512x128xf32>
    %swap3A_174 = arith.constant 5 : index
    %swap3A_175 = arith.constant 0 : index
    %swap3A_176 = arith.constant 0 : index
    %swap3A_177 = vector.load %arg13[%swap3A_174, %swap3A_175, %swap3A_176] : memref<8x512x128xf32, #tpu.memory_space<vmem>>, vector<1x512x128xf32>
    %swap3A_178 = vector.shape_cast %swap3A_177 : vector<1x512x128xf32> to vector<512x128xf32>
    %swap3A_179 = vector.shape_cast %mul3A_173 : vector<512x128xf32> to vector<1x512x128xf32>
    tpu.vector_store %arg13[%swap3A_174, %swap3A_175, %swap3A_176], %swap3A_179 {strides = array<i32>} : memref<8x512x128xf32, #tpu.memory_space<vmem>>, vector<1x512x128xf32>,
    %slice3A_180 = vector.extract_strided_slice %mul3A_57 {offsets = [0, 128], sizes = [512, 128], strides = [1, 1]} : vector<512x256xf32> to vector<512x128xf32>
    %mul3A_181 = vector.broadcast %get3A_170 : f32 to vector<512x128xf32>
    %mul3A_182 = arith.mulf %mul3A_181, %slice3A_180 : vector<512x128xf32>
    %swap3A_183 = arith.constant 5 : index
    %swap3A_184 = arith.constant 0 : index
    %swap3A_185 = arith.constant 0 : index
    %swap3A_186 = vector.load %arg14[%swap3A_183, %swap3A_184, %swap3A_185] : memref<8x512x128xf32, #tpu.memory_space<vmem>>, vector<1x512x128xf32>
    %swap3A_187 = vector.shape_cast %swap3A_186 : vector<1x512x128xf32> to vector<512x128xf32>
    %swap3A_188 = vector.shape_cast %mul3A_182 : vector<512x128xf32> to vector<1x512x128xf32>
    tpu.vector_store %arg14[%swap3A_183, %swap3A_184, %swap3A_185], %swap3A_188 {strides = array<i32>} : memref<8x512x128xf32, #tpu.memory_space<vmem>>, vector<1x512x128xf32>,
    %get3A_189 = arith.constant 0 : index
    %get3A_190 = arith.constant 6 : index
    %get3A_191 = vector.load %arg10[%get3A_189, %get3A_190] : memref<1x128xf32, #tpu.memory_space<vmem>>, vector<1x1xf32>
    %get3A_192 = vector.extract %get3A_191[0, 0] : f32 from vector<1x1xf32>
    %slice3A_193 = vector.extract_strided_slice %mul3A_57 {offsets = [0, 0], sizes = [512, 128], strides = [1, 1]} : vector<512x256xf32> to vector<512x128xf32>
    %mul3A_194 = vector.broadcast %get3A_192 : f32 to vector<512x128xf32>
    %mul3A_195 = arith.mulf %mul3A_194, %slice3A_193 : vector<512x128xf32>
    %swap3A_196 = arith.constant 6 : index
    %swap3A_197 = arith.constant 0 : index
    %swap3A_198 = arith.constant 0 : index
    %swap3A_199 = vector.load %arg13[%swap3A_196, %swap3A_197, %swap3A_198] : memref<8x512x128xf32, #tpu.memory_space<vmem>>, vector<1x512x128xf32>
    %swap3A_200 = vector.shape_cast %swap3A_199 : vector<1x512x128xf32> to vector<512x128xf32>
    %swap3A_201 = vector.shape_cast %mul3A_195 : vector<512x128xf32> to vector<1x512x128xf32>
    tpu.vector_store %arg13[%swap3A_196, %swap3A_197, %swap3A_198], %swap3A_201 {strides = array<i32>} : memref<8x512x128xf32, #tpu.memory_space<vmem>>, vector<1x512x128xf32>,
    %slice3A_202 = vector.extract_strided_slice %mul3A_57 {offsets = [0, 128], sizes = [512, 128], strides = [1, 1]} : vector<512x256xf32> to vector<512x128xf32>
    %mul3A_203 = vector.broadcast %get3A_192 : f32 to vector<512x128xf32>
    %mul3A_204 = arith.mulf %mul3A_203, %slice3A_202 : vector<512x128xf32>
    %swap3A_205 = arith.constant 6 : index
    %swap3A_206 = arith.constant 0 : index
    %swap3A_207 = arith.constant 0 : index
    %swap3A_208 = vector.load %arg14[%swap3A_205, %swap3A_206, %swap3A_207] : memref<8x512x128xf32, #tpu.memory_space<vmem>>, vector<1x512x128xf32>
    %swap3A_209 = vector.shape_cast %swap3A_208 : vector<1x512x128xf32> to vector<512x128xf32>
    %swap3A_210 = vector.shape_cast %mul3A_204 : vector<512x128xf32> to vector<1x512x128xf32>
    tpu.vector_store %arg14[%swap3A_205, %swap3A_206, %swap3A_207], %swap3A_210 {strides = array<i32>} : memref<8x512x128xf32, #tpu.memory_space<vmem>>, vector<1x512x128xf32>,
    %get3A_211 = arith.constant 0 : index
    %get3A_212 = arith.constant 7 : index
    %get3A_213 = vector.load %arg10[%get3A_211, %get3A_212] : memref<1x128xf32, #tpu.memory_space<vmem>>, vector<1x1xf32>
    %get3A_214 = vector.extract %get3A_213[0, 0] : f32 from vector<1x1xf32>
    %slice3A_215 = vector.extract_strided_slice %mul3A_57 {offsets = [0, 0], sizes = [512, 128], strides = [1, 1]} : vector<512x256xf32> to vector<512x128xf32>
    %mul3A_216 = vector.broadcast %get3A_214 : f32 to vector<512x128xf32>
    %mul3A_217 = arith.mulf %mul3A_216, %slice3A_215 : vector<512x128xf32>
    %swap3A_218 = arith.constant 7 : index
    %swap3A_219 = arith.constant 0 : index
    %swap3A_220 = arith.constant 0 : index
    %swap3A_221 = vector.load %arg13[%swap3A_218, %swap3A_219, %swap3A_220] : memref<8x512x128xf32, #tpu.memory_space<vmem>>, vector<1x512x128xf32>
    %swap3A_222 = vector.shape_cast %swap3A_221 : vector<1x512x128xf32> to vector<512x128xf32>
    %swap3A_223 = vector.shape_cast %mul3A_217 : vector<512x128xf32> to vector<1x512x128xf32>
    tpu.vector_store %arg13[%swap3A_218, %swap3A_219, %swap3A_220], %swap3A_223 {strides = array<i32>} : memref<8x512x128xf32, #tpu.memory_space<vmem>>, vector<1x512x128xf32>,
    %slice3A_224 = vector.extract_strided_slice %mul3A_57 {offsets = [0, 128], sizes = [512, 128], strides = [1, 1]} : vector<512x256xf32> to vector<512x128xf32>
    %mul3A_225 = vector.broadcast %get3A_214 : f32 to vector<512x128xf32>
    %mul3A_226 = arith.mulf %mul3A_225, %slice3A_224 : vector<512x128xf32>
    %swap3A_227 = arith.constant 7 : index
    %swap3A_228 = arith.constant 0 : index
    %swap3A_229 = arith.constant 0 : index
    %swap3A_230 = vector.load %arg14[%swap3A_227, %swap3A_228, %swap3A_229] : memref<8x512x128xf32, #tpu.memory_space<vmem>>, vector<1x512x128xf32>
    %swap3A_231 = vector.shape_cast %swap3A_230 : vector<1x512x128xf32> to vector<512x128xf32>
    %swap3A_232 = vector.shape_cast %mul3A_226 : vector<512x128xf32> to vector<1x512x128xf32>
    tpu.vector_store %arg14[%swap3A_227, %swap3A_228, %swap3A_229], %swap3A_232 {strides = array<i32>} : memref<8x512x128xf32, #tpu.memory_space<vmem>>, vector<1x512x128xf32>,
    return
  }
  func.func @transform_0(%arg0: i32) -> (i32, i32) {
    %c0_i32 = arith.constant 0 : i32
    %c0_i32_0 = arith.constant 0 : i32
    return %arg0, %c0_i32 : i32, i32
  }
  func.func @transform_1(%arg0: i32) -> (i32, i32) {
    %c0_i32 = arith.constant 0 : i32
    %c0_i32_0 = arith.constant 0 : i32
    return %arg0, %c0_i32 : i32, i32
  }
  func.func @transform_2(%arg0: i32) -> (i32, i32) {
    %c0_i32 = arith.constant 0 : i32
    %c0_i32_0 = arith.constant 0 : i32
    return %arg0, %c0_i32 : i32, i32
  }
  func.func @transform_3(%arg0: i32) -> (i32, i32) {
    %c0_i32 = arith.constant 0 : i32
    %c0_i32_0 = arith.constant 0 : i32
    return %arg0, %c0_i32 : i32, i32
  }
  func.func @transform_4(%arg0: i32) -> (i32, i32) {
    %c0_i32 = arith.constant 0 : i32
    %c0_i32_0 = arith.constant 0 : i32
    return %arg0, %c0_i32 : i32, i32
  }
  func.func @transform_5(%arg0: i32) -> (i32, i32) {
    %c0_i32 = arith.constant 0 : i32
    %c0_i32_0 = arith.constant 0 : i32
    %c0_i32_1 = arith.constant 0 : i32
    return %c0_i32, %c0_i32_0 : i32, i32
  }
  func.func @transform_6(%arg0: i32) -> (i32, i32) {
    %c0_i32 = arith.constant 0 : i32
    %c0_i32_0 = arith.constant 0 : i32
    %c0_i32_1 = arith.constant 0 : i32
    return %c0_i32, %c0_i32_0 : i32, i32
  }
  func.func @transform_7(%arg0: i32) -> (i32, i32) {
    %c0_i32 = arith.constant 0 : i32
    %c0_i32_0 = arith.constant 0 : i32
    %c0_i32_1 = arith.constant 0 : i32
    return %c0_i32, %c0_i32_0 : i32, i32
  }
  func.func @transform_8(%arg0: i32) -> (i32, i32) {
    %c0_i32 = arith.constant 0 : i32
    %c0_i32_0 = arith.constant 0 : i32
    %c0_i32_1 = arith.constant 0 : i32
    return %c0_i32, %c0_i32_0 : i32, i32
  }
  func.func @transform_9(%arg0: i32) -> (i32, i32) {
    %c0_i32 = arith.constant 0 : i32
    %c0_i32_0 = arith.constant 0 : i32
    %c0_i32_1 = arith.constant 0 : i32
    return %c0_i32, %c0_i32_0 : i32, i32
  }
  func.func @transform_10(%arg0: i32) -> (i32, i32) {
    %c0_i32 = arith.constant 0 : i32
    %c0_i32_0 = arith.constant 0 : i32
    return %arg0, %c0_i32 : i32, i32
  }
  func.func @transform_11(%arg0: i32) -> (i32, i32) {
    %c0_i32 = arith.constant 0 : i32
    %c0_i32_0 = arith.constant 0 : i32
    return %arg0, %c0_i32 : i32, i32
  }
  func.func @transform_12(%arg0: i32) -> (i32, i32, i32) {
    %c0_i32 = arith.constant 0 : i32
    %c0_i32_0 = arith.constant 0 : i32
    %c0_i32_1 = arith.constant 0 : i32
    return %c0_i32, %arg0, %c0_i32_0 : i32, i32, i32
  }
  func.func @transform_13(%arg0: i32) -> (i32, i32, i32) {
    %c0_i32 = arith.constant 0 : i32
    %c0_i32_0 = arith.constant 0 : i32
    %c0_i32_1 = arith.constant 0 : i32
    return %c0_i32, %arg0, %c0_i32_0 : i32, i32, i32
  }
}

module attributes {stable_mosaic.version = 14 : i64} {
  func.func @_epi_body(%arg0: i32, %arg1: memref<512x128xf32, #tpu.memory_space<vmem>>, %arg2: memref<512x128xf32, #tpu.memory_space<vmem>>, %arg3: memref<512x256xf32, #tpu.memory_space<vmem>>, %arg4: memref<512x256xf32, #tpu.memory_space<vmem>>, %arg5: memref<512x1xf32, #tpu.memory_space<vmem>>, %arg6: memref<512x1xf32, #tpu.memory_space<vmem>>, %arg7: memref<1x256xf32, #tpu.memory_space<vmem>>, %arg8: memref<1x256xf32, #tpu.memory_space<vmem>>, %arg9: memref<1x256xf32, #tpu.memory_space<vmem>>, %arg10: memref<256x128xf32, #tpu.memory_space<vmem>>, %arg11: memref<1x128xf32, #tpu.memory_space<vmem>>, %arg12: memref<128x256xf32, #tpu.memory_space<vmem>>, %arg13: memref<1x256xf32, #tpu.memory_space<vmem>>, %arg14: memref<1x64xf32, #tpu.memory_space<vmem>>, %arg15: memref<64x256xf32, #tpu.memory_space<vmem>>, %arg16: memref<1x256xf32, #tpu.memory_space<vmem>>, %arg17: memref<1024x256xf32, #tpu.memory_space<vmem>>, %arg18: memref<1x256xf32, #tpu.memory_space<vmem>>, %arg19: memref<256x1xf32, #tpu.memory_space<vmem>>, %arg20: memref<1x1xf32, #tpu.memory_space<vmem>>, %arg21: memref<1x1xf32, #tpu.memory_space<vmem>>, %arg22: memref<1x256xf32, #tpu.memory_space<vmem>>, %arg23: memref<1x256xf32, #tpu.memory_space<vmem>>) attributes {dimension_semantics = [#tpu.dimension_semantics<arbitrary>], iteration_bounds = array<i64: 20>, scalar_prefetch = 0 : i64, scratch_operands = 2 : i64, tpu.core_type = #tpu.core_type<tc>, window_params = [{transform_indices = @transform_0, window_bounds = array<i64: 512, 128>}, {transform_indices = @transform_1, window_bounds = array<i64: 512, 128>}, {transform_indices = @transform_2, window_bounds = array<i64: 512, 256>}, {transform_indices = @transform_3, window_bounds = array<i64: 512, 256>}, {transform_indices = @transform_4, window_bounds = array<i64: 512, 1>}, {transform_indices = @transform_5, window_bounds = array<i64: 512, 1>}, {pipeline_mode = #tpu.pipeline_mode<synchronous>, transform_indices = @transform_6, window_bounds = array<i64: 1, 256>}, {pipeline_mode = #tpu.pipeline_mode<synchronous>, transform_indices = @transform_7, window_bounds = array<i64: 1, 256>}, {pipeline_mode = #tpu.pipeline_mode<synchronous>, transform_indices = @transform_8, window_bounds = array<i64: 1, 256>}, {pipeline_mode = #tpu.pipeline_mode<synchronous>, transform_indices = @transform_9, window_bounds = array<i64: 256, 128>}, {pipeline_mode = #tpu.pipeline_mode<synchronous>, transform_indices = @transform_10, window_bounds = array<i64: 1, 128>}, {pipeline_mode = #tpu.pipeline_mode<synchronous>, transform_indices = @transform_11, window_bounds = array<i64: 128, 256>}, {pipeline_mode = #tpu.pipeline_mode<synchronous>, transform_indices = @transform_12, window_bounds = array<i64: 1, 256>}, {pipeline_mode = #tpu.pipeline_mode<synchronous>, transform_indices = @transform_13, window_bounds = array<i64: 1, 64>}, {pipeline_mode = #tpu.pipeline_mode<synchronous>, transform_indices = @transform_14, window_bounds = array<i64: 64, 256>}, {pipeline_mode = #tpu.pipeline_mode<synchronous>, transform_indices = @transform_15, window_bounds = array<i64: 1, 256>}, {pipeline_mode = #tpu.pipeline_mode<synchronous>, transform_indices = @transform_16, window_bounds = array<i64: 1024, 256>}, {pipeline_mode = #tpu.pipeline_mode<synchronous>, transform_indices = @transform_17, window_bounds = array<i64: 1, 256>}, {pipeline_mode = #tpu.pipeline_mode<synchronous>, transform_indices = @transform_18, window_bounds = array<i64: 256, 1>}, {pipeline_mode = #tpu.pipeline_mode<synchronous>, transform_indices = @transform_19, window_bounds = array<i64: 1, 1>}, {pipeline_mode = #tpu.pipeline_mode<synchronous>, transform_indices = @transform_20, window_bounds = array<i64: 1, 1>}]} {
    %get3A = arith.constant 0 : index
    %get3A_0 = arith.constant 0 : index
    %get3A_1 = vector.load %arg1[%get3A, %get3A_0] : memref<512x128xf32, #tpu.memory_space<vmem>>, vector<512x128xf32>
    %get3A_2 = arith.constant 0 : index
    %get3A_3 = arith.constant 0 : index
    %get3A_4 = vector.load %arg2[%get3A_2, %get3A_3] : memref<512x128xf32, #tpu.memory_space<vmem>>, vector<512x128xf32>
    %concatenate3A = tpu.concatenate %get3A_1, %get3A_4 in 1 : vector<512x128xf32>, vector<512x128xf32> -> vector<512x256xf32>
    %get3A_5 = arith.constant 0 : index
    %get3A_6 = arith.constant 0 : index
    %get3A_7 = vector.load %arg5[%get3A_5, %get3A_6] : memref<512x1xf32, #tpu.memory_space<vmem>>, vector<512x1xf32>
    %mul3A = vector.broadcast %get3A_7 : vector<512x1xf32> to vector<512x256xf32>
    %mul3A_8 = arith.mulf %mul3A, %concatenate3A : vector<512x256xf32>
    %get3A_9 = arith.constant 0 : index
    %get3A_10 = arith.constant 0 : index
    %get3A_11 = vector.load %arg6[%get3A_9, %get3A_10] : memref<512x1xf32, #tpu.memory_space<vmem>>, vector<512x1xf32>
    %get3A_12 = arith.constant 0 : index
    %get3A_13 = arith.constant 0 : index
    %get3A_14 = vector.load %arg3[%get3A_12, %get3A_13] : memref<512x256xf32, #tpu.memory_space<vmem>>, vector<512x256xf32>
    %mul3A_15 = vector.broadcast %get3A_11 : vector<512x1xf32> to vector<512x256xf32>
    %mul3A_16 = arith.mulf %mul3A_15, %get3A_14 : vector<512x256xf32>
    %add3A = arith.addf %mul3A_8, %mul3A_16 : vector<512x256xf32>
    %get3A_17 = arith.constant 0 : index
    %get3A_18 = arith.constant 0 : index
    %get3A_19 = vector.load %arg7[%get3A_17, %get3A_18] : memref<1x256xf32, #tpu.memory_space<vmem>>, vector<1x256xf32>
    %add3A_20 = vector.broadcast %get3A_19 : vector<1x256xf32> to vector<512x256xf32>
    %add3A_21 = arith.addf %add3A, %add3A_20 : vector<512x256xf32>
    %get3A_22 = arith.constant 0 : index
    %get3A_23 = arith.constant 0 : index
    %get3A_24 = vector.load %arg8[%get3A_22, %get3A_23] : memref<1x256xf32, #tpu.memory_space<vmem>>, vector<1x256xf32>
    %get3A_25 = arith.constant 0 : index
    %get3A_26 = arith.constant 0 : index
    %get3A_27 = vector.load %arg9[%get3A_25, %get3A_26] : memref<1x256xf32, #tpu.memory_space<vmem>>, vector<1x256xf32>
    %sqrt3A = arith.constant 1.000010e+00 : f32
    %sqrt3A_28 = math.sqrt %sqrt3A : f32
    %div3A = vector.broadcast %sqrt3A_28 : f32 to vector<512x256xf32>
    %div3A_29 = arith.divf %add3A_21, %div3A : vector<512x256xf32>
    %mul3A_30 = vector.broadcast %get3A_24 : vector<1x256xf32> to vector<512x256xf32>
    %mul3A_31 = arith.mulf %div3A_29, %mul3A_30 : vector<512x256xf32>
    %add3A_32 = vector.broadcast %get3A_27 : vector<1x256xf32> to vector<512x256xf32>
    %add3A_33 = arith.addf %mul3A_31, %add3A_32 : vector<512x256xf32>
    %gt3A = arith.constant 0.000000e+00 : f32
    %gt3A_34 = vector.broadcast %gt3A : f32 to vector<512x256xf32>
    %gt3A_35 = arith.cmpf ogt, %add3A_33, %gt3A_34 : vector<512x256xf32>
    %exp3A = math.exp %add3A_33 : vector<512x256xf32>
    %sub3A = arith.constant 1.000000e+00 : f32
    %sub3A_36 = vector.broadcast %sub3A : f32 to vector<512x256xf32>
    %sub3A_37 = arith.subf %exp3A, %sub3A_36 : vector<512x256xf32>
    %select_n3A = arith.select %gt3A_35, %add3A_33, %sub3A_37 : vector<512x256xi1>, vector<512x256xf32>
    %get3A_38 = arith.constant 0 : index
    %get3A_39 = arith.constant 0 : index
    %get3A_40 = vector.load %arg4[%get3A_38, %get3A_39] : memref<512x256xf32, #tpu.memory_space<vmem>>, vector<512x256xf32>
    %add3A_41 = arith.addf %select_n3A, %get3A_40 : vector<512x256xf32>
    %get3A_42 = arith.constant 0 : index
    %get3A_43 = arith.constant 0 : index
    %get3A_44 = vector.load %arg10[%get3A_42, %get3A_43] : memref<256x128xf32, #tpu.memory_space<vmem>>, vector<256x128xf32>
    %dot_general3A = arith.constant dense<0.000000e+00> : vector<512x128xf32>
    %dot_general3A_45 = tpu.matmul %add3A_41, %get3A_44, %dot_general3A {dimension_numbers = #tpu.dot_dimension_numbers<[1], [0], [0], [1], [0, 0, 1, 1], [], []>, precision = #tpu.contract_precision<fp32>, transpose_lhs_hint = false} : vector<512x256xf32>, vector<256x128xf32>, vector<512x128xf32> -> vector<512x128xf32>
    %get3A_46 = arith.constant 0 : index
    %get3A_47 = arith.constant 0 : index
    %get3A_48 = vector.load %arg11[%get3A_46, %get3A_47] : memref<1x128xf32, #tpu.memory_space<vmem>>, vector<1x128xf32>
    %add3A_49 = vector.broadcast %get3A_48 : vector<1x128xf32> to vector<512x128xf32>
    %add3A_50 = arith.addf %dot_general3A_45, %add3A_49 : vector<512x128xf32>
    %max3A = arith.constant 0.000000e+00 : f32
    %max3A_51 = vector.broadcast %max3A : f32 to vector<512x128xf32>
    %max3A_52 = arith.maximumf %add3A_50, %max3A_51 : vector<512x128xf32>
    %get3A_53 = arith.constant 0 : index
    %get3A_54 = arith.constant 0 : index
    %get3A_55 = vector.load %arg12[%get3A_53, %get3A_54] : memref<128x256xf32, #tpu.memory_space<vmem>>, vector<128x256xf32>
    %dot_general3A_56 = arith.constant dense<0.000000e+00> : vector<512x256xf32>
    %dot_general3A_57 = tpu.matmul %max3A_52, %get3A_55, %dot_general3A_56 {dimension_numbers = #tpu.dot_dimension_numbers<[1], [0], [0], [1], [0, 0, 1, 1], [], []>, precision = #tpu.contract_precision<fp32>, transpose_lhs_hint = false} : vector<512x128xf32>, vector<128x256xf32>, vector<512x256xf32> -> vector<512x256xf32>
    %get3A_58 = arith.constant 0 : index
    %get3A_59 = arith.constant 0 : index
    %get3A_60 = vector.load %arg13[%get3A_58, %get3A_59] : memref<1x256xf32, #tpu.memory_space<vmem>>, vector<1x256xf32>
    %add3A_61 = vector.broadcast %get3A_60 : vector<1x256xf32> to vector<512x256xf32>
    %add3A_62 = arith.addf %dot_general3A_57, %add3A_61 : vector<512x256xf32>
    %neg3A = arith.constant 0.000000e+00 : f32
    %neg3A_63 = vector.broadcast %neg3A : f32 to vector<512x256xf32>
    %neg3A_64 = arith.subf %neg3A_63, %add3A_62 : vector<512x256xf32>
    %exp3A_65 = math.exp %neg3A_64 : vector<512x256xf32>
    %add3A_66 = arith.constant 1.000000e+00 : f32
    %add3A_67 = vector.broadcast %add3A_66 : f32 to vector<512x256xf32>
    %add3A_68 = arith.addf %add3A_67, %exp3A_65 : vector<512x256xf32>
    %div3A_69 = arith.constant 1.000000e+00 : f32
    %div3A_70 = vector.broadcast %div3A_69 : f32 to vector<512x256xf32>
    %div3A_71 = arith.divf %div3A_70, %add3A_68 : vector<512x256xf32>
    %mul3A_72 = arith.mulf %add3A_41, %div3A_71 : vector<512x256xf32>
    %mul3A_73 = arith.constant 512 : i32
    %mul3A_74 = arith.muli %arg0, %mul3A_73 : i32
    %iota3A = tpu.iota {dimensions = array<i32: 0>} : vector<512x1xi32>
    %add3A_75 = vector.broadcast %mul3A_74 : i32 to vector<512x1xi32>
    %add3A_76 = arith.addi %add3A_75, %iota3A : vector<512x1xi32>
    %lt3A = arith.constant 10000 : i32
    %lt3A_77 = vector.broadcast %lt3A : i32 to vector<512x1xi32>
    %lt3A_78 = arith.cmpi slt, %add3A_76, %lt3A_77 : vector<512x1xi32>
    %eq3A = arith.constant 0 : i32
    %eq3A_79 = arith.cmpi eq, %arg0, %eq3A : i32
    %convert_element_type3A = arith.extui %eq3A_79 : i1 to i32
    %cond3A = arith.constant 0 : i32
    %cond3A_80 = arith.cmpi ne, %convert_element_type3A, %cond3A : i32
    scf.if %cond3A_80 {
      %broadcast_in_dim3A_111 = arith.constant 0.000000e+00 : f32
      %broadcast_in_dim3A_112 = vector.broadcast %broadcast_in_dim3A_111 : f32 to vector<1x256xf32>
      %swap3A_113 = arith.constant 0 : index
      %swap3A_114 = arith.constant 0 : index
      %swap3A_115 = vector.load %arg22[%swap3A_113, %swap3A_114] : memref<1x256xf32, #tpu.memory_space<vmem>>, vector<1x256xf32>
      tpu.vector_store %arg22[%swap3A_113, %swap3A_114], %broadcast_in_dim3A_112 {strides = array<i32>} : memref<1x256xf32, #tpu.memory_space<vmem>>, vector<1x256xf32>,
      %broadcast_in_dim3A_116 = arith.constant 0xFF800000 : f32
      %broadcast_in_dim3A_117 = vector.broadcast %broadcast_in_dim3A_116 : f32 to vector<1x256xf32>
      %swap3A_118 = arith.constant 0 : index
      %swap3A_119 = arith.constant 0 : index
      %swap3A_120 = vector.load %arg23[%swap3A_118, %swap3A_119] : memref<1x256xf32, #tpu.memory_space<vmem>>, vector<1x256xf32>
      tpu.vector_store %arg23[%swap3A_118, %swap3A_119], %broadcast_in_dim3A_117 {strides = array<i32>} : memref<1x256xf32, #tpu.memory_space<vmem>>, vector<1x256xf32>,
    } else {
    }
    %get3A_81 = arith.constant 0 : index
    %get3A_82 = arith.constant 0 : index
    %get3A_83 = vector.load %arg22[%get3A_81, %get3A_82] : memref<1x256xf32, #tpu.memory_space<vmem>>, vector<1x256xf32>
    %jit3A = arith.constant 0.000000e+00 : f32
    %broadcast_in_dim3A = vector.shape_cast %lt3A_78 : vector<512x1xi1> to vector<512x1xi1>
    %broadcast_in_dim3A_84 = vector.broadcast %broadcast_in_dim3A : vector<512x1xi1> to vector<512x256xi1>
    %broadcast_in_dim3A_85 = vector.broadcast %jit3A : f32 to vector<512x256xf32>
    %select_n3A_86 = arith.select %broadcast_in_dim3A_84, %mul3A_72, %broadcast_in_dim3A_85 : vector<512x256xi1>, vector<512x256xf32>
    %reduce_sum3A = arith.constant dense<0.000000e+00> : vector<256xf32>
    %reduce_sum3A_87 = vector.multi_reduction <add>, %select_n3A_86, %reduce_sum3A [0] : vector<512x256xf32> to vector<256xf32>
    %broadcast_in_dim3A_88 = vector.shape_cast %reduce_sum3A_87 : vector<256xf32> to vector<1x256xf32>
    %add3A_89 = arith.addf %get3A_83, %broadcast_in_dim3A_88 : vector<1x256xf32>
    %swap3A = arith.constant 0 : index
    %swap3A_90 = arith.constant 0 : index
    %swap3A_91 = vector.load %arg22[%swap3A, %swap3A_90] : memref<1x256xf32, #tpu.memory_space<vmem>>, vector<1x256xf32>
    tpu.vector_store %arg22[%swap3A, %swap3A_90], %add3A_89 {strides = array<i32>} : memref<1x256xf32, #tpu.memory_space<vmem>>, vector<1x256xf32>,
    %get3A_92 = arith.constant 0 : index
    %get3A_93 = arith.constant 0 : index
    %get3A_94 = vector.load %arg23[%get3A_92, %get3A_93] : memref<1x256xf32, #tpu.memory_space<vmem>>, vector<1x256xf32>
    %jit3A_95 = arith.constant 0xFF800000 : f32
    %broadcast_in_dim3A_96 = vector.shape_cast %lt3A_78 : vector<512x1xi1> to vector<512x1xi1>
    %broadcast_in_dim3A_97 = vector.broadcast %broadcast_in_dim3A_96 : vector<512x1xi1> to vector<512x256xi1>
    %broadcast_in_dim3A_98 = vector.broadcast %jit3A_95 : f32 to vector<512x256xf32>
    %select_n3A_99 = arith.select %broadcast_in_dim3A_97, %mul3A_72, %broadcast_in_dim3A_98 : vector<512x256xi1>, vector<512x256xf32>
    %reduce_max3A = arith.constant dense<0xFF800000> : vector<256xf32>
    %reduce_max3A_100 = vector.multi_reduction <maximumf>, %select_n3A_99, %reduce_max3A [0] : vector<512x256xf32> to vector<256xf32>
    %broadcast_in_dim3A_101 = vector.shape_cast %reduce_max3A_100 : vector<256xf32> to vector<1x256xf32>
    %max3A_102 = arith.maximumf %get3A_94, %broadcast_in_dim3A_101 : vector<1x256xf32>
    %swap3A_103 = arith.constant 0 : index
    %swap3A_104 = arith.constant 0 : index
    %swap3A_105 = vector.load %arg23[%swap3A_103, %swap3A_104] : memref<1x256xf32, #tpu.memory_space<vmem>>, vector<1x256xf32>
    tpu.vector_store %arg23[%swap3A_103, %swap3A_104], %max3A_102 {strides = array<i32>} : memref<1x256xf32, #tpu.memory_space<vmem>>, vector<1x256xf32>,
    %eq3A_106 = arith.constant 19 : i32
    %eq3A_107 = arith.cmpi eq, %arg0, %eq3A_106 : i32
    %convert_element_type3A_108 = arith.extui %eq3A_107 : i1 to i32
    %cond3A_109 = arith.constant 0 : i32
    %cond3A_110 = arith.cmpi ne, %convert_element_type3A_108, %cond3A_109 : i32
    scf.if %cond3A_110 {
      %get3A_111 = arith.constant 0 : index
      %get3A_112 = arith.constant 0 : index
      %get3A_113 = vector.load %arg22[%get3A_111, %get3A_112] : memref<1x256xf32, #tpu.memory_space<vmem>>, vector<1x256xf32>
      %div3A_114 = arith.constant 1.000000e+04 : f32
      %div3A_115 = vector.broadcast %div3A_114 : f32 to vector<1x256xf32>
      %div3A_116 = arith.divf %get3A_113, %div3A_115 : vector<1x256xf32>
      %get3A_117 = arith.constant 0 : index
      %get3A_118 = arith.constant 0 : index
      %get3A_119 = vector.load %arg23[%get3A_117, %get3A_118] : memref<1x256xf32, #tpu.memory_space<vmem>>, vector<1x256xf32>
      %get3A_120 = arith.constant 0 : index
      %get3A_121 = arith.constant 0 : index
      %get3A_122 = vector.load %arg14[%get3A_120, %get3A_121] : memref<1x64xf32, #tpu.memory_space<vmem>>, vector<1x64xf32>
      %get3A_123 = arith.constant 0 : index
      %get3A_124 = arith.constant 0 : index
      %get3A_125 = vector.load %arg15[%get3A_123, %get3A_124] : memref<64x256xf32, #tpu.memory_space<vmem>>, vector<64x256xf32>
      %dot_general3A_126 = arith.constant dense<0.000000e+00> : vector<1x256xf32>
      %dot_general3A_127 = tpu.matmul %get3A_122, %get3A_125, %dot_general3A_126 {dimension_numbers = #tpu.dot_dimension_numbers<[1], [0], [0], [1], [0, 0, 1, 1], [], []>, precision = #tpu.contract_precision<fp32>, transpose_lhs_hint = false} : vector<1x64xf32>, vector<64x256xf32>, vector<1x256xf32> -> vector<1x256xf32>
      %get3A_128 = arith.constant 0 : index
      %get3A_129 = arith.constant 0 : index
      %get3A_130 = vector.load %arg16[%get3A_128, %get3A_129] : memref<1x256xf32, #tpu.memory_space<vmem>>, vector<1x256xf32>
      %add3A_131 = arith.addf %dot_general3A_127, %get3A_130 : vector<1x256xf32>
      %max3A_132 = arith.constant 0.000000e+00 : f32
      %max3A_133 = vector.broadcast %max3A_132 : f32 to vector<1x256xf32>
      %max3A_134 = arith.maximumf %add3A_131, %max3A_133 : vector<1x256xf32>
      %mul3A_135 = arith.mulf %div3A_116, %get3A_119 : vector<1x256xf32>
      %concatenate3A_136 = tpu.concatenate %div3A_116, %get3A_119, %max3A_134, %mul3A_135 in 1 : vector<1x256xf32>, vector<1x256xf32>, vector<1x256xf32>, vector<1x256xf32> -> vector<1x1024xf32>
      %get3A_137 = arith.constant 0 : index
      %get3A_138 = arith.constant 0 : index
      %get3A_139 = vector.load %arg17[%get3A_137, %get3A_138] : memref<1024x256xf32, #tpu.memory_space<vmem>>, vector<1024x256xf32>
      %dot_general3A_140 = arith.constant dense<0.000000e+00> : vector<1x256xf32>
      %dot_general3A_141 = tpu.matmul %concatenate3A_136, %get3A_139, %dot_general3A_140 {dimension_numbers = #tpu.dot_dimension_numbers<[1], [0], [0], [1], [0, 0, 1, 1], [], []>, precision = #tpu.contract_precision<fp32>, transpose_lhs_hint = false} : vector<1x1024xf32>, vector<1024x256xf32>, vector<1x256xf32> -> vector<1x256xf32>
      %get3A_142 = arith.constant 0 : index
      %get3A_143 = arith.constant 0 : index
      %get3A_144 = vector.load %arg18[%get3A_142, %get3A_143] : memref<1x256xf32, #tpu.memory_space<vmem>>, vector<1x256xf32>
      %add3A_145 = arith.addf %dot_general3A_141, %get3A_144 : vector<1x256xf32>
      %max3A_146 = arith.constant 0.000000e+00 : f32
      %max3A_147 = vector.broadcast %max3A_146 : f32 to vector<1x256xf32>
      %max3A_148 = arith.maximumf %add3A_145, %max3A_147 : vector<1x256xf32>
      %get3A_149 = arith.constant 0 : index
      %get3A_150 = arith.constant 0 : index
      %get3A_151 = vector.load %arg19[%get3A_149, %get3A_150] : memref<256x1xf32, #tpu.memory_space<vmem>>, vector<256x1xf32>
      %dot_general3A_152 = arith.constant dense<0.000000e+00> : vector<1x1xf32>
      %dot_general3A_153 = tpu.matmul %max3A_148, %get3A_151, %dot_general3A_152 {dimension_numbers = #tpu.dot_dimension_numbers<[1], [0], [0], [1], [0, 0, 1, 1], [], []>, precision = #tpu.contract_precision<fp32>, transpose_lhs_hint = false} : vector<1x256xf32>, vector<256x1xf32>, vector<1x1xf32> -> vector<1x1xf32>
      %get3A_154 = arith.constant 0 : index
      %get3A_155 = arith.constant 0 : index
      %get3A_156 = vector.load %arg20[%get3A_154, %get3A_155] : memref<1x1xf32, #tpu.memory_space<vmem>>, vector<1x1xf32>
      %add3A_157 = arith.addf %dot_general3A_153, %get3A_156 : vector<1x1xf32>
      %swap3A_158 = arith.constant 0 : index
      %swap3A_159 = arith.constant 0 : index
      %swap3A_160 = vector.load %arg21[%swap3A_158, %swap3A_159] : memref<1x1xf32, #tpu.memory_space<vmem>>, vector<1x1xf32>
      tpu.vector_store %arg21[%swap3A_158, %swap3A_159], %add3A_157 {strides = array<i32>} : memref<1x1xf32, #tpu.memory_space<vmem>>, vector<1x1xf32>,
    } else {
    }
    return
  }
  func.func @transform_0(%arg0: i32) -> (i32, i32) {
    %c0_i32 = arith.constant 0 : i32
    %c0_i32_0 = arith.constant 0 : i32
    return %arg0, %c0_i32 : i32, i32
  }
  func.func @transform_1(%arg0: i32) -> (i32, i32) {
    %c0_i32 = arith.constant 0 : i32
    %c0_i32_0 = arith.constant 0 : i32
    return %arg0, %c0_i32 : i32, i32
  }
  func.func @transform_2(%arg0: i32) -> (i32, i32) {
    %c0_i32 = arith.constant 0 : i32
    %c0_i32_0 = arith.constant 0 : i32
    return %arg0, %c0_i32 : i32, i32
  }
  func.func @transform_3(%arg0: i32) -> (i32, i32) {
    %c0_i32 = arith.constant 0 : i32
    %c0_i32_0 = arith.constant 0 : i32
    return %arg0, %c0_i32 : i32, i32
  }
  func.func @transform_4(%arg0: i32) -> (i32, i32) {
    %c0_i32 = arith.constant 0 : i32
    %c0_i32_0 = arith.constant 0 : i32
    return %arg0, %c0_i32 : i32, i32
  }
  func.func @transform_5(%arg0: i32) -> (i32, i32) {
    %c0_i32 = arith.constant 0 : i32
    %c0_i32_0 = arith.constant 0 : i32
    return %arg0, %c0_i32 : i32, i32
  }
  func.func @transform_6(%arg0: i32) -> (i32, i32) {
    %c0_i32 = arith.constant 0 : i32
    %c0_i32_0 = arith.constant 0 : i32
    %c0_i32_1 = arith.constant 0 : i32
    return %c0_i32, %c0_i32_0 : i32, i32
  }
  func.func @transform_7(%arg0: i32) -> (i32, i32) {
    %c0_i32 = arith.constant 0 : i32
    %c0_i32_0 = arith.constant 0 : i32
    %c0_i32_1 = arith.constant 0 : i32
    return %c0_i32, %c0_i32_0 : i32, i32
  }
  func.func @transform_8(%arg0: i32) -> (i32, i32) {
    %c0_i32 = arith.constant 0 : i32
    %c0_i32_0 = arith.constant 0 : i32
    %c0_i32_1 = arith.constant 0 : i32
    return %c0_i32, %c0_i32_0 : i32, i32
  }
  func.func @transform_9(%arg0: i32) -> (i32, i32) {
    %c0_i32 = arith.constant 0 : i32
    %c0_i32_0 = arith.constant 0 : i32
    %c0_i32_1 = arith.constant 0 : i32
    return %c0_i32, %c0_i32_0 : i32, i32
  }
  func.func @transform_10(%arg0: i32) -> (i32, i32) {
    %c0_i32 = arith.constant 0 : i32
    %c0_i32_0 = arith.constant 0 : i32
    %c0_i32_1 = arith.constant 0 : i32
    return %c0_i32, %c0_i32_0 : i32, i32
  }
  func.func @transform_11(%arg0: i32) -> (i32, i32) {
    %c0_i32 = arith.constant 0 : i32
    %c0_i32_0 = arith.constant 0 : i32
    %c0_i32_1 = arith.constant 0 : i32
    return %c0_i32, %c0_i32_0 : i32, i32
  }
  func.func @transform_12(%arg0: i32) -> (i32, i32) {
    %c0_i32 = arith.constant 0 : i32
    %c0_i32_0 = arith.constant 0 : i32
    %c0_i32_1 = arith.constant 0 : i32
    return %c0_i32, %c0_i32_0 : i32, i32
  }
  func.func @transform_13(%arg0: i32) -> (i32, i32) {
    %c0_i32 = arith.constant 0 : i32
    %c0_i32_0 = arith.constant 0 : i32
    %c0_i32_1 = arith.constant 0 : i32
    return %c0_i32, %c0_i32_0 : i32, i32
  }
  func.func @transform_14(%arg0: i32) -> (i32, i32) {
    %c0_i32 = arith.constant 0 : i32
    %c0_i32_0 = arith.constant 0 : i32
    %c0_i32_1 = arith.constant 0 : i32
    return %c0_i32, %c0_i32_0 : i32, i32
  }
  func.func @transform_15(%arg0: i32) -> (i32, i32) {
    %c0_i32 = arith.constant 0 : i32
    %c0_i32_0 = arith.constant 0 : i32
    %c0_i32_1 = arith.constant 0 : i32
    return %c0_i32, %c0_i32_0 : i32, i32
  }
  func.func @transform_16(%arg0: i32) -> (i32, i32) {
    %c0_i32 = arith.constant 0 : i32
    %c0_i32_0 = arith.constant 0 : i32
    %c0_i32_1 = arith.constant 0 : i32
    return %c0_i32, %c0_i32_0 : i32, i32
  }
  func.func @transform_17(%arg0: i32) -> (i32, i32) {
    %c0_i32 = arith.constant 0 : i32
    %c0_i32_0 = arith.constant 0 : i32
    %c0_i32_1 = arith.constant 0 : i32
    return %c0_i32, %c0_i32_0 : i32, i32
  }
  func.func @transform_18(%arg0: i32) -> (i32, i32) {
    %c0_i32 = arith.constant 0 : i32
    %c0_i32_0 = arith.constant 0 : i32
    %c0_i32_1 = arith.constant 0 : i32
    return %c0_i32, %c0_i32_0 : i32, i32
  }
  func.func @transform_19(%arg0: i32) -> (i32, i32) {
    %c0_i32 = arith.constant 0 : i32
    %c0_i32_0 = arith.constant 0 : i32
    %c0_i32_1 = arith.constant 0 : i32
    return %c0_i32, %c0_i32_0 : i32, i32
  }
  func.func @transform_20(%arg0: i32) -> (i32, i32) {
    %c0_i32 = arith.constant 0 : i32
    %c0_i32_0 = arith.constant 0 : i32
    %c0_i32_1 = arith.constant 0 : i32
    return %c0_i32, %c0_i32_0 : i32, i32
  }
}

</mosaic_0001>

<sc_bundles>
// kernel: kernel.10.cloned.1.call-start
scs
__scs_entry_jumppad:
0x0: {  	(pc) =	sbr.rel $0x88, $3  }
0x1: {  	(tag) =	ssettag $0x0;
	lr =	simm.s32 $0x1  }
0x2: {  	[smem:$0x3F8A] =	sst lr;
	_ =	strace $0xD0000000  }
0x3: {  	_ = 	snop  }
0x4: {  	_ = 	snop  }
0x5: {  	_ = 	snop  }
0x6: {  	_ = 	snop  }
0x7: {  	_ = 	snop  }
__scs_overlays_trampoline_lowered:
0x8: {  	[smem:$0x3F99] =	sst s0  }
0x9: {  	[smem:$0x3F9A] =	sst s1  }
0xa: {  	[smem:$0x3F9B] =	sst s2  }
0xb: {  	[smem:$0x3F9C] =	sst s3  }
0xc: {  	[smem:$0x3F9D] =	sst s4  }
0xd: {  	[smem:$0x3F9E] =	sst s5  }
0xe: {  	[smem:$0x3F9F] =	sst s6  }
0xf: {  	[smem:$0x3FA0] =	sst s7  }
0x10: {  	[smem:$0x3FA1] =	sst s8  }
0x11: {  	[smem:$0x3FA2] =	sst s9;
	s0 =	simm.s32 @!p0 $0x0  }
0x12: {  	s1 =	sld [smem:$0x3F88];
	s0 =	simm.s32 @p0 $0x1  }
0x13: {  	[smem:$0x3FA3] =	sst s0;
	s0 =	simm.s32 @!p1 $0x0  }
0x14: {  	s2 =	sld [smem:$0x3F87];
	s0 =	simm.s32 @p1 $0x1  }
0x15: {  	[smem:$0x3FA4] =	sst s0;
	s0 =	simm.s32 @!p2 $0x0  }
0x16: {  	s3 =	sld [smem:$0x3FDB];
	s0 =	simm.s32 @p2 $0x1  }
0x17: {  	s4 =	simm.s32 $0x1BF5;
	[smem:$0x3FA6] =	sst s0  }
0x18: {  	s0 =	sld [smem:$0x3F89];
	_ =	swait.ge [sflag:s4], $0x0  }
0x19: {  	s7 =	sld [smem:$0x3F8A]  }
0x1a: {  	s8 =	sadd.s32 $0xFFFFE003, lr  }
0x1b: {  	s9 =	sadd.s32 $0xFFFFFEF7, lr;
	s5 =	simm.s32 $0xFFFFFFFF;
	p2 =	slt.u32 s8, $0xFFFFF086  }
0x1c: {  	p1 =	slt.u32 s9, $0xF7A;
	s5 =	simm.s32 @!p2 $0x0  }
0x1d: {  	s5 =	simm.s32 @p1 $0x1;
	p0 =	seq.s32 s7, s2  }
0x1e: {  	s7 =	smul.u32 @!p0 $0xF7A, s2;
	p2 =	seq.s32 @!p0 s5, $0x0  }
0x1f: {  	s9 =	smul.u32 $0xF7A, s1;
	s8 =	simm.s32 @!p0 $0x1BF5;
	p2 =	por !p2, p0  }
0x20: {  	[sflag:s8] =	ssyncset.s32 @!p0 $0xFFFFF086;
	s6 =	sadd.s32 @!p0 s3, s7;
	s7 =	simm.s32 @!p0 $0x108  }
0x21: {  	s3 =	sadd.s32 s3, s9;
	s6 =	sadd.s32 @!p0 $0x88, s6;
	s7 =	simm.s32 @p2 $0x1082  }
0x22: {  	[simem:s7], [sflag:s8] =	dma.local @!p0 [hbm:s6], $0xF7A  }
0x23: {  	s9 =	sor.u32 $0xD0000000, s2;
	s6 =	simm.s32 $0x108;
	_ =	swait.ge @!p0 [sflag:s8], $0x0  }
0x24: {  	s3 =	sadd.s32 $0x88, s3;
	s6 =	simm.s32 @!p1 $0x1082;
	[sflag:s4] =	ssyncset.s32 $0xFFFFF086  }
0x25: {  	[simem:s6], [sflag:s4] =	dma.local [hbm:s3], $0xF7A  }
0x26: {  	[smem:$0x3F8A] =	sst s1;
	(tag) =	ssettag s2;
	_ =	strace s9  }
0x27: {  	s1 =	sld [smem:$0x3F9A]  }
0x28: {  	s2 =	sld [smem:$0x3F9B]  }
0x29: {  	s4 =	sld [smem:$0x3F9D]  }
0x2a: {  	p0 =	seq.s32 s5, $0x0;
	s5 =	sld [smem:$0x3F9E]  }
0x2b: {  	s6 =	sld [smem:$0x3F9F]  }
0x2c: {  	s7 =	sld [smem:$0x3FA0]  }
0x2d: {  	s3 =	simm.s32 $0x108;
	s8 =	sld [smem:$0x3FA1]  }
0x2e: {  	s3 =	simm.s32 @!p0 $0x1082;
	s9 =	sld [smem:$0x3FA2]  }
0x2f: {  	lr =	sadd.s32 s0, s3;
	s0 =	sld [smem:$0x3F99]  }
0x30: {  	s3 =	sld [smem:$0x3F9C]  }
0x31: {  	[smem:$0x3FA5] =	sst s10  }
0x32: {  	s10 =	sld [smem:$0x3FA3];
	_ =	sdelay $0x3  }
0x33: {  	p0 =	seq.s32 s10, $0x1;
	s10 =	sld [smem:$0x3FA5];
	_ =	sdelay $0x3  }
0x34: {  	[smem:$0x3FA5] =	sst s10  }
0x35: {  	s10 =	sld [smem:$0x3FA4];
	_ =	sdelay $0x3  }
0x36: {  	p1 =	seq.s32 s10, $0x1;
	s10 =	sld [smem:$0x3FA5];
	_ =	sdelay $0x3  }
0x37: {  	[smem:$0x3FA5] =	sst s10  }
0x38: {  	s10 =	sld [smem:$0x3FA6]  }
0x39: {  	_ = 	snop;
	(pc) =	sbr.ind lr, $3  }
0x3a: {  	_ = 	snop  }
0x3b: {  	_ = 	snop  }
0x3c: {  	p2 =	seq.s32 s10, $0x1;
	s10 =	sld [smem:$0x3FA5]  }
0x3d: {  	_ =	shalt  }
0x3e: {  	_ =	shalt  }
0x3f: {  	_ =	shalt  }
0x40: {  	_ =	shalt  }
0x41: {  	_ =	shalt  }
0x42: {  	_ =	shalt  }
0x43: {  	_ =	shalt  }
0x44: {  	_ =	shalt  }
0x45: {  	_ =	shalt  }
0x46: {  	_ =	shalt  }
0x47: {  	_ =	shalt  }
0x48: {  	_ =	shalt  }
0x49: {  	_ =	shalt  }
0x4a: {  	_ =	shalt  }
0x4b: {  	_ =	shalt  }
0x4c: {  	_ =	shalt  }
0x4d: {  	_ =	shalt  }
0x4e: {  	_ =	shalt  }
0x4f: {  	_ =	shalt  }
0x50: {  	_ =	shalt  }
0x51: {  	_ =	shalt  }
0x52: {  	_ =	shalt  }
0x53: {  	_ =	shalt  }
0x54: {  	_ =	shalt  }
0x55: {  	_ =	shalt  }
0x56: {  	_ =	shalt  }
0x57: {  	_ =	shalt  }
0x58: {  	_ =	shalt  }
0x59: {  	_ =	shalt  }
0x5a: {  	_ =	shalt  }
0x5b: {  	_ =	shalt  }
0x5c: {  	_ =	shalt  }
0x5d: {  	_ =	shalt  }
0x5e: {  	_ =	shalt  }
0x5f: {  	_ =	shalt  }
0x60: {  	_ =	shalt  }
0x61: {  	_ =	shalt  }
0x62: {  	_ =	shalt  }
0x63: {  	_ =	shalt  }
0x64: {  	_ =	shalt  }
0x65: {  	_ =	shalt  }
0x66: {  	_ =	shalt  }
0x67: {  	_ =	shalt  }
0x68: {  	_ =	shalt  }
0x69: {  	_ =	shalt  }
0x6a: {  	_ =	shalt  }
0x6b: {  	_ =	shalt  }
0x6c: {  	_ =	shalt  }
0x6d: {  	_ =	shalt  }
0x6e: {  	_ =	shalt  }
0x6f: {  	_ =	shalt  }
0x70: {  	_ =	shalt  }
0x71: {  	_ =	shalt  }
0x72: {  	_ =	shalt  }
0x73: {  	_ =	shalt  }
0x74: {  	_ =	shalt  }
0x75: {  	_ =	shalt  }
0x76: {  	_ =	shalt  }
0x77: {  	_ =	shalt  }
0x78: {  	_ =	shalt  }
0x79: {  	_ =	shalt  }
0x7a: {  	_ =	shalt  }
0x7b: {  	_ =	shalt  }
0x7c: {  	_ =	shalt  }
0x7d: {  	_ =	shalt  }
0x7e: {  	_ =	shalt  }
0x7f: {  	_ =	shalt  }
0x80: {  	_ =	shalt  }
0x81: {  	_ =	shalt  }
0x82: {  	_ =	shalt  }
0x83: {  	_ =	shalt  }
0x84: {  	_ =	shalt  }
0x85: {  	_ =	shalt  }
0x86: {  	_ =	shalt  }
0x87: {  	_ =	shalt  }
.Lfunc_end0:
.L_simem_size_0:
called_computation_lowered:
.L_overlay_start_0:
0x88: {  	s2 =	sld [smem:$0x3FD9]  }
0x89: {  	s3 =	sld [smem:$0x3FFE];
	_ =	sdelay $0x1  }
0x8a: {  	s1 =	srdreg.scid  }
0x8b: {  	s0 =	sand.u32 $0x1, s1  }
0x8c: {  	s17 =	sshll.u32 s0, $0xA;
	s2 =	sadd.s32 s3, s2  }
0x8d: {  	s2 =	sadd.s32 s2, s17  }
0x8e: {  	[smem:$0x3FB1] =	sst s2  }
0x8f: {  	_ = 	snop  }
0x90: {  	s2 =	sld [smem:$0x3FD0];
	(tm) =	ssettm $0x1  }
0x91: {  	s18 =	sld [smem:$0x3FFB];
	_ =	sdelay $0x3  }
0x92: {  	_ =	strace s18  }
0x93: {  	s3 =	sld [smem:$0x3FFC];
	_ =	sdelay $0x3  }
0x94: {  	_ =	strace s3  }
0x95: {  	s3 =	sld [smem:$0x3FFD];
	_ =	sdelay $0x3  }
0x96: {  	_ =	strace s3  }
0x97: {  	_ =	strace $0x8FFFFFFF  }
0x98: {  	s19 =	sld [smem:$0x3FDB];
	_ =	sdelay $0x1  }
0x99: {  	s4 =	simm.s32 $_scs_section_size  }
0x9a: {  	s5 =	simm.s32 $_size__tile_overlayer_lowered;
	s6 =	simm.s32 $_tile_overlayer_lowered  }
0x9b: {  	s22 =	simm.s32 $0x1BFF;
	s21 =	sshll.u32 s6, $0x1;
	s3 =	sadd.s32 s4, s19  }
0x9c: {  	s7 =	simm.s32 $0x0;
	s20 =	sshll.u32 s5, $0x1;
	s5 =	sadd.s32 s21, s3  }
0x9d: {  	[timem:s7], [sflag:s22] =	dma.local [hbm:s5], s20  }
0x9e: {  	_ =	swait.ge [sflag:s22], s20  }
0x9f: {  	s4 =	ssub.s32 $0x0, s20;
	[sflag:s22] =	ssyncset.done $0x0  }
0xa0: {  	[sflag:s22] =	ssyncadd.s32 s4;
	_ =	sdelay $0x1  }
0xa1: {  	s23 =	simm.s32 $0x1B8B  }
0xa2: {  	_ =	swait.ge [sflag:s23], $0x1  }
0xa3: {  	[sflag:s23] =	ssyncset.done $0x0  }
0xa4: {  	s25 =	simm.s32 $0x1B8E;
	s24 =	sld [smem:$0x3FFE];
	[sflag:s23] =	ssyncadd.s32 $0xFFFFFFFF  }
0xa5: {  	s26 =	simm.s32 $execute0_lowered;
	[smem:$0x3FD2] =	sst s25  }
0xa6: {  	s5 =	sshll.u32 s26, $0x1;
	_ =	strace $0x80000046;
	[dreg:$0x1] =	wrdreg $0xFFFFFFFF  }
0xa7: {  	s28 =	simm.s32 $_size_execute0_lowered;
	s3 =	sadd.s32 s3, s5;
	[dreg:$0x0] =	wrdreg $0x0  }
0xa8: {  	s5 =	sshll.u32 s28, $0x1;
	[dreg:$0x2] =	wrdreg s3  }
0xa9: {  	[dreg:$0x3] =	wrdreg s5  }
0xaa: {  	[dreg:$0x4] =	wrdreg $0xC0  }
0xab: {  	_ =	task [dreg:s7], $0x5FFFF  }
0xac: {  	[dreg:$0x1] =	wrdreg $0xFFFFFFFF  }
0xad: {  	[dreg:$0x0] =	wrdreg $0x60  }
0xae: {  	[dreg:$0x2] =	wrdreg s2  }
0xaf: {  	[dreg:$0x3] =	wrdreg s24  }
0xb0: {  	[dreg:$0x4] =	wrdreg $0x3C800  }
0xb1: {  	[dreg:$0x5] =	wrdreg $0x9  }
0xb2: {  	_ =	task.clear_ibuf [dreg:s7], $0x6FFFF;
	_ =	strace $0x90000046  }
0xb3: {  	s29 =	simm.s32 $0x9;
	_ =	strace $0x80000048  }
0xb4: {  	_ =	swait.ge [sflag:s29], $0x1  }
0xb5: {  	[sflag:s29] =	ssyncadd.s32 $0xFFFFFFFF  }
0xb6: {  	_ =	strace $0x90000048  }
0xb7: {  	_ =	sfence  }
0xb8: {  	s30 =	sld [smem:$0x0];
	_ =	sdelay $0x2  }
0xb9: {  	s31 =	sshll.u32 s1, $0xD;
	s1 =	sshrl.u32 s1, $0x2  }
0xba: {  	s3 =	sand.u32 $0x4000, s31;
	s1 =	sadd.s32 s1, s30  }
0xbb: {  	s0 =	sor.u32 s3, s0;
	s1 =	sshll.u32 s1, $0x11  }
0xbc: {  	s0 =	sor.u32 s1, s0  }
0xbd: {  	s0 =	sadd.s32 $0x8F2B, s0  }
0xbe: {  	[sflag:s0] =	ssyncadd.remote.s32 $0x1  }
0xbf: {  	_ =	sfence.sel $0xFFFF  }
0xc0: {  	[dreg:$0x0] =	wrdreg $0xFFFFFFFF;
	(pc) =	sbr.abs _section_cstart, $3  }
0xc1: {  	[dreg:$0x1] =	wrdreg $0xFFFFFFFF  }
0xc2: {  	_ =	task.clear_ibuf [dreg:s7], $0x2FFFF;
	_ =	strace $0x9FFFFFFF  }
0xc3: {  	(tm) =	ssettm $0x7FFFFFFF  }
tec
execute0_lowered:
.L_overlay_start_1:
0x0: {  	(tag) =	ssettag $0x1  }
0x1: {  	s0 =	rddreg [dreg:$0x0]  }
0x2: {  	s1 =	srdreg.scid;
	s10 =	rddreg [dreg:$0x1]  }
0x3: {  	s3 =	rddreg [dreg:$0x2];
	s2 =	stileid.u32  }
0x4: {  	s15 =	simm.s32 $0xF200;
	s16 =	simm.s32 $0x1400;
	s19 =	simm.s32 $0x0  }
0x5: {  	s7 =	sand.u32 $0x1, s1;
	s1 =	rddreg [dreg:$0x3];
	s8 =	sshll.u32 s2, $0x7  }
0x6: {  	s12 =	smul.u32 $0x280, s2;
	s17 =	sshll.u32 s2, $0x6;
	s4 =	sshll.u32 s7, $0x4  }
0x7: {  	s8 =	sand.u32 $0x380, s8;
	s30 =	ssub.s32 $0x2, s7;
	p0 =	seq.s32 s7, $0x1  }
0x8: {  	s17 =	sor.u32 $0x1C01, s17;
	s11 =	sor.u32 s2, s4;
	s4 =	simm.s32 $0x0  }
0x9: {  	s31 =	sshrl.u32 s30, $0x1;
	s5 =	smul.u32 $0x280, s11;
	s6 =	sshrl.u32 s11, $0x3  }
0xa: {  	s15 =	simm.s32 @!p0 $0xEC00;
	[smem:$0x7FF] =	sst s4;
	s6 =	smul.u32 $0xA000, s6  }
0xb: {  	s14 =	ssub.s32 s30, s31;
	p0 =	sne.s32 s11, $0x0;
	s11 =	simm.s32 $0x3C00  }
0xc: {  	_ =	strace $0x80000047;
	s9 =	sadd.s32 s5, s10;
	s29 =	sor.u32 s8, s6  }
0xd: {  	s6 =	sadd.s32 s12, s3;
	s8 =	sadd.s32 $0x9A00, s9;
	s12 =	sshrl.u32 s12, $0x3  }
0xe: {  	s9 =	smax.u32 s14, $0x1;
	s14 =	simm.s32 $0x80;
	s5 =	sshrl.u32 s29, $0x3  }
0xf: {  	s18 =	sshrl.u32 s6, $0x3;
	s13 =	sadd.s32 s5, s10;
	s5 =	sadd.s32 $0xEA00, s10  }
0x10: {  	s10 =	sadd.s32 s15, s10;
	s15 =	simm.s32 $0x400;
	s7 =	sadd.s32 $0x4A00, s13  }
0x11: {  	v0 =	vimm.f32 $0.0e+00;
	s10 =	sadd.s32 s10, s12;
	s12 =	simm.s32 $0x1;
	s13 =	simm.s32 $0x2800  }
.LBB2_1:
0x12: {  	[tilespmem:s11], [sflag:$0x1] =	stream.linear.gather [hbm4b:s0+s4], $0x80, $0x38;
	[tilespmem:$0x3F00] =	vst v63  }
0x13: {  	_ =	swait.ge [sflag:s12], $0x80  }
0x14: {  	[sflag:s12] =	ssyncset.done $0x0  }
0x15: {  	[sflag:s12] =	ssyncadd.s32 $0xFFFFFF80  }
0x16: {  	v1 =	vld [tilespmem:$0x3C00];
	_ =	sdelay $0x4  }
0x17: {  	v1 =	vsub.f32 $0.0e+00, v1;
	_ =	sdelay $0x1  }
0x18: {  	v1 =	vmul.f32 $1.442695020e+00, v1;
	_ =	sdelay $0x1  }
0x19: {  	(erf) = vpow2.f32 v1;
	_ =	sdelay $0x8  }
0x1a: {  	v1 =	vpop (erf)  }
0x1b: {  	v1 =	vadd.f32 $1.000000000e+00, v1;
	_ =	sdelay $0x1  }
0x1c: {  	(erf) = vrcp.f32 v1;
	_ =	sdelay $0x8  }
0x1d: {  	v1 =	vpop (erf)  }
0x1e: {  	s20 =	simm.s32 @!p0 $0x0;
	s21 =	simm.s32 @!p0 $0x3C00;
	[tilespmem:$0x3C00] =	vst v1  }
0x1f: {  	[hbm4b:s5+s20] =	stream.linear.scatter @!p0 [tilespmem:s21], [sflag:$0x1], $0x80, $0x38;
	[tilespmem:$0x3F00] =	vst v63  }
0x20: {  	s20 =	simm.s32 @!p0 $0x1  }
0x21: {  	_ =	swait.ge @!p0 [sflag:s20], $0x80  }
0x22: {  	[sflag:s20] =	ssyncset.done @!p0 $0x0  }
0x23: {  	[sflag:s20] =	ssyncadd.s32 @!p0 $0xFFFFFF80  }
0x24: {  	[tilespmem:$0x2800] =	vst v0  }
0x25: {  	[tilespmem:$0x2810] =	vst v0  }
0x26: {  	[tilespmem:$0x2820] =	vst v0  }
0x27: {  	[tilespmem:$0x2830] =	vst v0  }
0x28: {  	[tilespmem:$0x2840] =	vst v0  }
0x29: {  	[tilespmem:$0x2850] =	vst v0  }
0x2a: {  	[tilespmem:$0x2860] =	vst v0  }
0x2b: {  	[tilespmem:$0x2870] =	vst v0  }
0x2c: {  	[tilespmem:$0x2880] =	vst v0  }
0x2d: {  	[tilespmem:$0x2890] =	vst v0  }
0x2e: {  	[tilespmem:$0x28A0] =	vst v0  }
0x2f: {  	[tilespmem:$0x28B0] =	vst v0  }
0x30: {  	[tilespmem:$0x28C0] =	vst v0  }
0x31: {  	[tilespmem:$0x28D0] =	vst v0  }
0x32: {  	[tilespmem:$0x28E0] =	vst v0  }
0x33: {  	[tilespmem:$0x28F0] =	vst v0  }
0x34: {  	[tilespmem:$0x2900] =	vst v0  }
0x35: {  	[tilespmem:$0x2910] =	vst v0  }
0x36: {  	[tilespmem:$0x2920] =	vst v0  }
0x37: {  	[tilespmem:$0x2930] =	vst v0  }
0x38: {  	[tilespmem:$0x2940] =	vst v0  }
0x39: {  	[tilespmem:$0x2950] =	vst v0  }
0x3a: {  	[tilespmem:$0x2960] =	vst v0  }
0x3b: {  	[tilespmem:$0x2970] =	vst v0  }
0x3c: {  	[tilespmem:$0x2980] =	vst v0  }
0x3d: {  	[tilespmem:$0x2990] =	vst v0  }
0x3e: {  	[tilespmem:$0x29A0] =	vst v0  }
0x3f: {  	[tilespmem:$0x29B0] =	vst v0  }
0x40: {  	[tilespmem:$0x29C0] =	vst v0  }
0x41: {  	[tilespmem:$0x29D0] =	vst v0  }
0x42: {  	[tilespmem:$0x29E0] =	vst v0  }
0x43: {  	[tilespmem:$0x29F0] =	vst v0  }
0x44: {  	[tilespmem:$0x2A00] =	vst v0  }
0x45: {  	[tilespmem:$0x2A10] =	vst v0  }
0x46: {  	[tilespmem:$0x2A20] =	vst v0  }
0x47: {  	[tilespmem:$0x2A30] =	vst v0  }
0x48: {  	[tilespmem:$0x2A40] =	vst v0  }
0x49: {  	[tilespmem:$0x2A50] =	vst v0  }
0x4a: {  	[tilespmem:$0x2A60] =	vst v0  }
0x4b: {  	[tilespmem:$0x2A70] =	vst v0  }
0x4c: {  	[spmem:s6] =	stream.linear.scatter [tilespmem:s13], [sflag:$0x1], $0x280, $0x38;
	[tilespmem:$0x3F00] =	vst v63  }
0x4d: {  	_ =	swait.ge [sflag:s12], $0x280  }
0x4e: {  	[sflag:s12] =	ssyncset.done $0x0  }
0x4f: {  	[sflag:s12] =	ssyncadd.s32 $0xFFFFFD80  }
0x50: {  	[tilespmem:s4], [sflag:$0x1] =	stream.strided.gather [hbm4b:s7+s14], $0x1400, s15, s14, $0x38;
	[tilespmem:$0x3F00] =	vst v63  }
0x51: {  	_ =	swait.ge [sflag:s12], $0x1400  }
0x52: {  	[sflag:s12] =	ssyncset.done $0x0  }
0x53: {  	[sflag:s12] =	ssyncadd.s32 $0xFFFFEC00  }
0x54: {  	[tilespmem:s16], [sflag:$0x1] =	stream.linear.gather [hbm4b:s8+s4], $0x1400, $0x38;
	[tilespmem:$0x3F00] =	vst v63  }
0x55: {  	_ =	swait.ge [sflag:s12], $0x1400  }
0x56: {  	[sflag:s12] =	ssyncset.done $0x0  }
0x57: {  	[sflag:s12] =	ssyncadd.s32 $0xFFFFEC00  }
0x58: {  	s20 =	simm.s32 $0x0;
	[bflag:$0x0] =	sbarrier.arrive $0xFFFF  }
0x59: {  	v2 =	vld [tilespmem:s20+$0x0]  }
0x5a: {  	s21 =	simm.s32 $0x40  }
.LBB2_2:
0x5b: {  	p1 =	sne.s32 s21, $0x4FC0  }
.Ltmp0:
0x5c: {  	_ = 	snop;
	(pc) =	sbr.rel @p1 .LBB2_2-.Ltmp0, $4  }
0x5d: {  	_ = 	snop  }
0x5e: {  	s22 =	sshra.s32 s21, $0x2;
	s21 =	sadd.s32 $0x40, s21;
	v3 =	vperm.xlane v1, v2  }
0x5f: {  	v2 =	vld [tilespmem:s22+$0x0]  }
0x60: {  	[tilespmem:s20+$0x2800] =	vst v3;
	s20 =	smov.u32 s22  }
0x61: {  	_ =	sdelay $0x2  }
0x62: {  	v1 =	vperm.xlane v1, v2;
	_ =	sdelay $0x1  }
0x63: {  	s31 =	simm.s32 $0x2800;
	s21 =	simm.s32 $0x1400;
	[tilespmem:s20+$0x2800] =	vst v1  }
0x64: {  	[spmem:s3] =	stream.indirect.scatter.add.f32 [tilespmem:s31], [sflag:$0x1], $0x1, s21, s14, $0xb8;
	[tilespmem:$0x3F00] =	vst v63  }
0x65: {  	s20 =	simm.s32 $0x200;
	_ =	swait.ge [sflag:s12], $0x80  }
.LBB2_4:
0x66: {  	s21 =	sshra.s32 s20, $0x2  }
0x67: {  	[sflag:s12] =	ssyncset.done $0x0;
	p1 =	sne.s32 s20, $0x4E00;
	s22 =	sadd.s32 $0x2800, s21  }
.Ltmp1:
0x68: {  	s21 =	sadd.s32 $0x1400, s21;
	[sflag:s12] =	ssyncadd.s32 $0xFFFFFF80;
	(pc) =	sbr.rel @p1 .LBB2_4-.Ltmp1, $3  }
0x69: {  	[spmem:s3] =	stream.indirect.scatter.add.f32 [tilespmem:s22], [sflag:$0x1], $0x1, s21, s14, $0xb8;
	[tilespmem:$0x3F00] =	vst v63  }
0x6a: {  	s20 =	sadd.s32 $0x200, s20;
	_ =	sdelay $0x1  }
0x6b: {  	_ =	swait.ge [sflag:s12], $0x80  }
0x6c: {  	[sflag:s12] =	ssyncset.done $0x0;
	s19 =	sadd.s32 $0x1, s19  }
0x6d: {  	[sflag:s12] =	ssyncadd.s32 $0xFFFFFF80;
	p1 =	sne.s32 s19, s9  }
.Ltmp2:
0x6e: {  	[bflag:$0x0] =	sbarrier.arrive $0xFFFF;
	(pc) =	sbr.rel @p1 .LBB2_1-.Ltmp2, $4  }
0x6f: {  	[hbm:s10], [sflag:s17] =	dma.local [spmem:s18], $0x50  }
0x70: {  	_ =	swait.ge [sflag:s12], $0x50  }
0x71: {  	[sflag:s12] =	ssyncset.done $0x0  }
0x72: {  	[sflag:s12] =	ssyncadd.s32 $0xFFFFFFB0  }
0x73: {  	_ =	sfence.sel $0x180000  }
0x74: {  	[bflag:$0x0] =	sbarrier.arrive $0xFFFF  }
0x75: {  	p0 =	sne.s32 s2, $0x0;
	_ =	strace $0x90000047  }
0x76: {  	s0 =	sadd.s32 @!p0 $0x100000, s1;
	[bflag:$0x2] =	sbarrier.arrive $0xFFFF  }
0x77: {  	[sflag:s0] =	ssyncadd.tile.s32 @!p0 $0x1;
	_ =	shalt  }
.Lfunc_end2:
_tile_overlayer_lowered:
.L_overlay_start_2:
0x78: {  	(tag) =	ssettag $0x2  }
0x79: {  	s0 =	rddreg [dreg:$0x0];
	s2 =	stileid.u32  }
0x7a: {  	s1 =	rddreg [dreg:$0x1];
	p0 =	sne.s32 s2, $0x0  }
0x7b: {  	s3 =	rddreg [dreg:$0x2];
	[bflag:$0x3] =	sbarrier.arrive $0xFFFF;
	s2 =	simm.s32 @!p0 $0x1C01  }
0x7c: {  	[timem:s3], [sflag:s2] =	dma.local @!p0 [hbm:s0], s1  }
0x7d: {  	s0 =	simm.s32 @!p0 $0x1  }
0x7e: {  	_ =	swait.ge @!p0 [sflag:s0], s1  }
0x7f: {  	s1 =	ssub.s32 @!p0 $0x0, s1;
	[sflag:s0] =	ssyncset.done @!p0 $0x0  }
0x80: {  	[sflag:s0] =	ssyncadd.s32 @!p0 s1  }
0x81: {  	[bflag:$0x3] =	sbarrier.arrive $0xFFFF  }
0x82: {  	_ =	shalt  }

// kernel: kernel.13.cloned.1.call-start
scs
__scs_entry_jumppad:
0x0: {  	(pc) =	sbr.rel $0x88, $3  }
0x1: {  	(tag) =	ssettag $0x0;
	lr =	simm.s32 $0x1  }
0x2: {  	[smem:$0x3F8A] =	sst lr;
	_ =	strace $0xD0000000  }
0x3: {  	_ = 	snop  }
0x4: {  	_ = 	snop  }
0x5: {  	_ = 	snop  }
0x6: {  	_ = 	snop  }
0x7: {  	_ = 	snop  }
__scs_overlays_trampoline_lowered:
0x8: {  	[smem:$0x3F99] =	sst s0  }
0x9: {  	[smem:$0x3F9A] =	sst s1  }
0xa: {  	[smem:$0x3F9B] =	sst s2  }
0xb: {  	[smem:$0x3F9C] =	sst s3  }
0xc: {  	[smem:$0x3F9D] =	sst s4  }
0xd: {  	[smem:$0x3F9E] =	sst s5  }
0xe: {  	[smem:$0x3F9F] =	sst s6  }
0xf: {  	[smem:$0x3FA0] =	sst s7  }
0x10: {  	[smem:$0x3FA1] =	sst s8  }
0x11: {  	[smem:$0x3FA2] =	sst s9;
	s0 =	simm.s32 @!p0 $0x0  }
0x12: {  	s1 =	sld [smem:$0x3F88];
	s0 =	simm.s32 @p0 $0x1  }
0x13: {  	[smem:$0x3FA3] =	sst s0;
	s0 =	simm.s32 @!p1 $0x0  }
0x14: {  	s2 =	sld [smem:$0x3F87];
	s0 =	simm.s32 @p1 $0x1  }
0x15: {  	[smem:$0x3FA4] =	sst s0;
	s0 =	simm.s32 @!p2 $0x0  }
0x16: {  	s3 =	sld [smem:$0x3FDB];
	s0 =	simm.s32 @p2 $0x1  }
0x17: {  	s4 =	simm.s32 $0x1BF5;
	[smem:$0x3FA6] =	sst s0  }
0x18: {  	s0 =	sld [smem:$0x3F89];
	_ =	swait.ge [sflag:s4], $0x0  }
0x19: {  	s7 =	sld [smem:$0x3F8A]  }
0x1a: {  	s8 =	sadd.s32 $0xFFFFE003, lr  }
0x1b: {  	s9 =	sadd.s32 $0xFFFFFEF7, lr;
	s5 =	simm.s32 $0xFFFFFFFF;
	p2 =	slt.u32 s8, $0xFFFFF086  }
0x1c: {  	p1 =	slt.u32 s9, $0xF7A;
	s5 =	simm.s32 @!p2 $0x0  }
0x1d: {  	s5 =	simm.s32 @p1 $0x1;
	p0 =	seq.s32 s7, s2  }
0x1e: {  	s7 =	smul.u32 @!p0 $0xF7A, s2;
	p2 =	seq.s32 @!p0 s5, $0x0  }
0x1f: {  	s9 =	smul.u32 $0xF7A, s1;
	s8 =	simm.s32 @!p0 $0x1BF5;
	p2 =	por !p2, p0  }
0x20: {  	[sflag:s8] =	ssyncset.s32 @!p0 $0xFFFFF086;
	s6 =	sadd.s32 @!p0 s3, s7;
	s7 =	simm.s32 @!p0 $0x108  }
0x21: {  	s3 =	sadd.s32 s3, s9;
	s6 =	sadd.s32 @!p0 $0x88, s6;
	s7 =	simm.s32 @p2 $0x1082  }
0x22: {  	[simem:s7], [sflag:s8] =	dma.local @!p0 [hbm:s6], $0xF7A  }
0x23: {  	s9 =	sor.u32 $0xD0000000, s2;
	s6 =	simm.s32 $0x108;
	_ =	swait.ge @!p0 [sflag:s8], $0x0  }
0x24: {  	s3 =	sadd.s32 $0x88, s3;
	s6 =	simm.s32 @!p1 $0x1082;
	[sflag:s4] =	ssyncset.s32 $0xFFFFF086  }
0x25: {  	[simem:s6], [sflag:s4] =	dma.local [hbm:s3], $0xF7A  }
0x26: {  	[smem:$0x3F8A] =	sst s1;
	(tag) =	ssettag s2;
	_ =	strace s9  }
0x27: {  	s1 =	sld [smem:$0x3F9A]  }
0x28: {  	s2 =	sld [smem:$0x3F9B]  }
0x29: {  	s4 =	sld [smem:$0x3F9D]  }
0x2a: {  	p0 =	seq.s32 s5, $0x0;
	s5 =	sld [smem:$0x3F9E]  }
0x2b: {  	s6 =	sld [smem:$0x3F9F]  }
0x2c: {  	s7 =	sld [smem:$0x3FA0]  }
0x2d: {  	s3 =	simm.s32 $0x108;
	s8 =	sld [smem:$0x3FA1]  }
0x2e: {  	s3 =	simm.s32 @!p0 $0x1082;
	s9 =	sld [smem:$0x3FA2]  }
0x2f: {  	lr =	sadd.s32 s0, s3;
	s0 =	sld [smem:$0x3F99]  }
0x30: {  	s3 =	sld [smem:$0x3F9C]  }
0x31: {  	[smem:$0x3FA5] =	sst s10  }
0x32: {  	s10 =	sld [smem:$0x3FA3];
	_ =	sdelay $0x3  }
0x33: {  	p0 =	seq.s32 s10, $0x1;
	s10 =	sld [smem:$0x3FA5];
	_ =	sdelay $0x3  }
0x34: {  	[smem:$0x3FA5] =	sst s10  }
0x35: {  	s10 =	sld [smem:$0x3FA4];
	_ =	sdelay $0x3  }
0x36: {  	p1 =	seq.s32 s10, $0x1;
	s10 =	sld [smem:$0x3FA5];
	_ =	sdelay $0x3  }
0x37: {  	[smem:$0x3FA5] =	sst s10  }
0x38: {  	s10 =	sld [smem:$0x3FA6]  }
0x39: {  	_ = 	snop;
	(pc) =	sbr.ind lr, $3  }
0x3a: {  	_ = 	snop  }
0x3b: {  	_ = 	snop  }
0x3c: {  	p2 =	seq.s32 s10, $0x1;
	s10 =	sld [smem:$0x3FA5]  }
0x3d: {  	_ =	shalt  }
0x3e: {  	_ =	shalt  }
0x3f: {  	_ =	shalt  }
0x40: {  	_ =	shalt  }
0x41: {  	_ =	shalt  }
0x42: {  	_ =	shalt  }
0x43: {  	_ =	shalt  }
0x44: {  	_ =	shalt  }
0x45: {  	_ =	shalt  }
0x46: {  	_ =	shalt  }
0x47: {  	_ =	shalt  }
0x48: {  	_ =	shalt  }
0x49: {  	_ =	shalt  }
0x4a: {  	_ =	shalt  }
0x4b: {  	_ =	shalt  }
0x4c: {  	_ =	shalt  }
0x4d: {  	_ =	shalt  }
0x4e: {  	_ =	shalt  }
0x4f: {  	_ =	shalt  }
0x50: {  	_ =	shalt  }
0x51: {  	_ =	shalt  }
0x52: {  	_ =	shalt  }
0x53: {  	_ =	shalt  }
0x54: {  	_ =	shalt  }
0x55: {  	_ =	shalt  }
0x56: {  	_ =	shalt  }
0x57: {  	_ =	shalt  }
0x58: {  	_ =	shalt  }
0x59: {  	_ =	shalt  }
0x5a: {  	_ =	shalt  }
0x5b: {  	_ =	shalt  }
0x5c: {  	_ =	shalt  }
0x5d: {  	_ =	shalt  }
0x5e: {  	_ =	shalt  }
0x5f: {  	_ =	shalt  }
0x60: {  	_ =	shalt  }
0x61: {  	_ =	shalt  }
0x62: {  	_ =	shalt  }
0x63: {  	_ =	shalt  }
0x64: {  	_ =	shalt  }
0x65: {  	_ =	shalt  }
0x66: {  	_ =	shalt  }
0x67: {  	_ =	shalt  }
0x68: {  	_ =	shalt  }
0x69: {  	_ =	shalt  }
0x6a: {  	_ =	shalt  }
0x6b: {  	_ =	shalt  }
0x6c: {  	_ =	shalt  }
0x6d: {  	_ =	shalt  }
0x6e: {  	_ =	shalt  }
0x6f: {  	_ =	shalt  }
0x70: {  	_ =	shalt  }
0x71: {  	_ =	shalt  }
0x72: {  	_ =	shalt  }
0x73: {  	_ =	shalt  }
0x74: {  	_ =	shalt  }
0x75: {  	_ =	shalt  }
0x76: {  	_ =	shalt  }
0x77: {  	_ =	shalt  }
0x78: {  	_ =	shalt  }
0x79: {  	_ =	shalt  }
0x7a: {  	_ =	shalt  }
0x7b: {  	_ =	shalt  }
0x7c: {  	_ =	shalt  }
0x7d: {  	_ =	shalt  }
0x7e: {  	_ =	shalt  }
0x7f: {  	_ =	shalt  }
0x80: {  	_ =	shalt  }
0x81: {  	_ =	shalt  }
0x82: {  	_ =	shalt  }
0x83: {  	_ =	shalt  }
0x84: {  	_ =	shalt  }
0x85: {  	_ =	shalt  }
0x86: {  	_ =	shalt  }
0x87: {  	_ =	shalt  }
.Lfunc_end0:
.L_simem_size_0:
called_computation.1_lowered:
.L_overlay_start_0:
0x88: {  	s2 =	sld [smem:$0x3FD9]  }
0x89: {  	s3 =	sld [smem:$0x3FFE];
	_ =	sdelay $0x1  }
0x8a: {  	s1 =	srdreg.scid  }
0x8b: {  	s0 =	sand.u32 $0x1, s1  }
0x8c: {  	s16 =	sshll.u32 s0, $0xA;
	s2 =	sadd.s32 s3, s2  }
0x8d: {  	s2 =	sadd.s32 s2, s16  }
0x8e: {  	[smem:$0x3FB1] =	sst s2  }
0x8f: {  	_ = 	snop  }
0x90: {  	(tm) =	ssettm $0x1  }
0x91: {  	s17 =	sld [smem:$0x3FFB];
	_ =	sdelay $0x3  }
0x92: {  	_ =	strace s17  }
0x93: {  	s2 =	sld [smem:$0x3FFC];
	_ =	sdelay $0x3  }
0x94: {  	_ =	strace s2  }
0x95: {  	s2 =	sld [smem:$0x3FFD];
	_ =	sdelay $0x3  }
0x96: {  	_ =	strace s2  }
0x97: {  	_ =	strace $0x8FFFFFFF  }
0x98: {  	s18 =	sld [smem:$0x3FDB];
	_ =	sdelay $0x1  }
0x99: {  	s19 =	simm.s32 $_scs_section_size  }
0x9a: {  	s4 =	simm.s32 $_size__tile_overlayer_lowered;
	s5 =	simm.s32 $_tile_overlayer_lowered  }
0x9b: {  	s22 =	simm.s32 $0x1BFF;
	s21 =	sshll.u32 s5, $0x1;
	s2 =	sadd.s32 s19, s18  }
0x9c: {  	s6 =	simm.s32 $0x0;
	s20 =	sshll.u32 s4, $0x1;
	s4 =	sadd.s32 s21, s2  }
0x9d: {  	[timem:s6], [sflag:s22] =	dma.local [hbm:s4], s20  }
0x9e: {  	_ =	swait.ge [sflag:s22], s20  }
0x9f: {  	s3 =	ssub.s32 $0x0, s20;
	[sflag:s22] =	ssyncset.done $0x0  }
0xa0: {  	[sflag:s22] =	ssyncadd.s32 s3;
	_ =	sdelay $0x1  }
0xa1: {  	s23 =	simm.s32 $0x1B8B  }
0xa2: {  	_ =	swait.ge [sflag:s23], $0x1  }
0xa3: {  	[sflag:s23] =	ssyncset.done $0x0  }
0xa4: {  	s25 =	simm.s32 $0x1B8E;
	s24 =	sld [smem:$0x3FFE];
	[sflag:s23] =	ssyncadd.s32 $0xFFFFFFFF  }
0xa5: {  	s26 =	simm.s32 $execute0_lowered;
	[smem:$0x3FD2] =	sst s25  }
0xa6: {  	s4 =	sshll.u32 s26, $0x1;
	_ =	strace $0x80000049;
	[dreg:$0x1] =	wrdreg $0xFFFFFFFF  }
0xa7: {  	s28 =	simm.s32 $_size_execute0_lowered;
	s2 =	sadd.s32 s2, s4;
	[dreg:$0x0] =	wrdreg $0x0  }
0xa8: {  	s4 =	sshll.u32 s28, $0x1;
	[dreg:$0x2] =	wrdreg s2  }
0xa9: {  	[dreg:$0x3] =	wrdreg s4  }
0xaa: {  	[dreg:$0x4] =	wrdreg $0xC0  }
0xab: {  	_ =	task [dreg:s6], $0x5FFFF  }
0xac: {  	[dreg:$0x1] =	wrdreg $0xFFFFFFFF  }
0xad: {  	[dreg:$0x0] =	wrdreg $0x60  }
0xae: {  	[dreg:$0x2] =	wrdreg s24  }
0xaf: {  	[dreg:$0x3] =	wrdreg $0x82000  }
0xb0: {  	[dreg:$0x4] =	wrdreg $0x9  }
0xb1: {  	_ =	task.clear_ibuf [dreg:s6], $0x5FFFF;
	_ =	strace $0x90000049  }
0xb2: {  	s29 =	simm.s32 $0x9;
	_ =	strace $0x8000004B  }
0xb3: {  	_ =	swait.ge [sflag:s29], $0x1  }
0xb4: {  	[sflag:s29] =	ssyncadd.s32 $0xFFFFFFFF  }
0xb5: {  	_ =	strace $0x9000004B  }
0xb6: {  	_ =	sfence  }
0xb7: {  	s30 =	sld [smem:$0x0];
	_ =	sdelay $0x2  }
0xb8: {  	s31 =	sshll.u32 s1, $0xD;
	s1 =	sshrl.u32 s1, $0x2  }
0xb9: {  	s3 =	sand.u32 $0x4000, s31;
	s1 =	sadd.s32 s1, s30  }
0xba: {  	s0 =	sor.u32 s3, s0;
	s1 =	sshll.u32 s1, $0x11  }
0xbb: {  	s0 =	sor.u32 s1, s0  }
0xbc: {  	s0 =	sadd.s32 $0x8F2B, s0  }
0xbd: {  	[sflag:s0] =	ssyncadd.remote.s32 $0x1  }
0xbe: {  	_ =	sfence.sel $0xFFFF  }
0xbf: {  	[dreg:$0x0] =	wrdreg $0xFFFFFFFF;
	(pc) =	sbr.abs _section_cstart, $3  }
0xc0: {  	[dreg:$0x1] =	wrdreg $0xFFFFFFFF  }
0xc1: {  	_ =	task.clear_ibuf [dreg:s6], $0x2FFFF;
	_ =	strace $0x9FFFFFFF  }
0xc2: {  	(tm) =	ssettm $0x7FFFFFFF  }
0xc3: {  	_ =	shalt  }
tec
execute0_lowered:
.L_overlay_start_1:
0x0: {  	(tag) =	ssettag $0x1  }
0x1: {  	s0 =	rddreg [dreg:$0x0]  }
0x2: {  	s1 =	rddreg [dreg:$0x1]  }
0x3: {  	s2 =	simm.s32 $0x0;
	s3 =	srdreg.scid;
	s11 =	stileid.u32  }
0x4: {  	s28 =	simm.s32 $0x4200;
	s29 =	simm.s32 $0x1;
	s30 =	simm.s32 $0x7  }
0x5: {  	s31 =	simm.s32 $0x2;
	s12 =	simm.s32 $0x0;
	[smem:$0x7FF] =	sst s2  }
0x6: {  	s4 =	sadd.s32 $0x64800, s0;
	s5 =	sadd.s32 $0x1A4800, s0;
	s6 =	sadd.s32 $0x5F800, s0  }
0x7: {  	s3 =	sand.u32 $0x1, s3;
	s8 =	smul.u32 $0x50000, s11;
	s9 =	sadd.s32 $0x2E4800, s0  }
0x8: {  	s7 =	sadd.s32 $0x9A00, s0;
	s0 =	sadd.s32 $0x30C800, s0;
	s11 =	smul.u32 $0x2800, s11  }
0x9: {  	_ =	strace $0x8000004A;
	[dreg:$0x3] =	wrdreg s9;
	s19 =	ssub.s32 $0x2, s3  }
0xa: {  	[dreg:$0x4] =	wrdreg s0;
	p0 =	seq.s32 s3, $0x1;
	s9 =	simm.s32 $0x3  }
0xb: {  	s20 =	sshrl.u32 s19, $0x1;
	s8 =	sshrl.u32 s8, $0x2;
	s25 =	sshrl.u32 s11, $0x3  }
0xc: {  	s0 =	ssub.s32 s19, s20;
	s10 =	sadd.s32 s8, s1;
	s26 =	sadd.s32 s6, s25  }
0xd: {  	s17 =	sadd.s32 s7, s25;
	s3 =	sor.u32 $0x10, s25;
	s25 =	simm.s32 $0x5  }
0xe: {  	s8 =	simm.s32 $0x180;
	s21 =	sadd.s32 $0x4000, s10;
	s22 =	sadd.s32 $0x8000, s10  }
0xf: {  	s23 =	sadd.s32 $0xC000, s10;
	s24 =	sadd.s32 $0x10000, s10;
	[dreg:$0x9] =	wrdreg s26  }
.Ltmp0:
0x10: {  	s18 =	sadd.s32 s6, s3;
	[dreg:$0x5] =	wrdreg s21;
	(pc) =	sbr.rel .LBB2_1-.Ltmp0, $4  }
0x11: {  	s19 =	sadd.s32 s7, s3;
	s20 =	smax.u32 s0, $0x1;
	[dreg:$0x6] =	wrdreg s22  }
0x12: {  	s26 =	simm.s32 $0x6;
	s0 =	simm.s32 $0x8;
	[dreg:$0x7] =	wrdreg s23  }
0x13: {  	s3 =	simm.s32 $0x4;
	[dreg:$0x8] =	wrdreg s24;
	s21 =	simm.s32 $0x200  }
0x14: {  	v0 =	vimm.f32 $0.0e+00;
	s22 =	simm.s32 $0x9;
	s23 =	simm.s32 $0x100;
	s24 =	simm.s32 $0x80  }
.LBB2_9:
0x15: {  	[sflag:s26] =	ssyncadd.s32 $0xFFFFFF80;
	s13 =	rddreg [dreg:$0x4]  }
0x16: {  	[tilespmem:s28], [sflag:$0x2] =	stream.indirect.gather [hbm4b:s5+s24], $0x80, s24, s24, $0xb8;
	[tilespmem:$0x1C200] =	vst v63  }
.LBB2_10:
0x17: {  	_ =	swait.ge [sflag:s29], $0x4000  }
0x18: {  	[sflag:s29] =	ssyncset.done $0x0  }
0x19: {  	[sflag:s29] =	ssyncadd.s32 $0xFFFFC000  }
0x1a: {  	_ =	swait.ge [sflag:s30], $0x80  }
0x1b: {  	[sflag:s30] =	ssyncset.done $0x0  }
0x1c: {  	[sflag:s30] =	ssyncadd.s32 $0xFFFFFF80  }
0x1d: {  	[spmem:s1] =	stream.indirect.scatter.add.f32 [tilespmem:s21], [sflag:$0x3], $0x80, s23, s24, $0xb8;
	[tilespmem:$0x1C200] =	vst v63  }
0x1e: {  	_ =	swait.ge [sflag:s31], $0x4000  }
0x1f: {  	[sflag:s31] =	ssyncset.done $0x0  }
0x20: {  	[sflag:s31] =	ssyncadd.s32 $0xFFFFC000  }
0x21: {  	_ =	swait.ge [sflag:s0], $0x80  }
0x22: {  	[sflag:s0] =	ssyncset.done $0x0  }
0x23: {  	[sflag:s0] =	ssyncadd.s32 $0xFFFFFF80  }
0x24: {  	[spmem:s1] =	stream.indirect.scatter.add.f32 [tilespmem:s28], [sflag:$0x4], $0x80, s8, s24, $0xb8;
	[tilespmem:$0x1C200] =	vst v63  }
0x25: {  	_ =	swait.ge [sflag:s9], $0x4000  }
0x26: {  	[sflag:s9] =	ssyncset.done $0x0  }
0x27: {  	[sflag:s9] =	ssyncadd.s32 $0xFFFFC000  }
0x28: {  	s13 =	sadd.s32 s13, s11;
	s14 =	stileid.u32;
	_ =	swait.ge [sflag:s3], $0x4000  }
0x29: {  	s15 =	sshrl.u32 s10, $0x3;
	s12 =	sadd.s32 $0x1, s12;
	[sflag:s3] =	ssyncset.done $0x0  }
0x2a: {  	s14 =	sshll.u32 s14, $0x6;
	p1 =	sne.s32 s12, s20;
	[sflag:s3] =	ssyncadd.s32 $0xFFFFC000  }
.Ltmp1:
0x2b: {  	s14 =	sor.u32 $0x1C09, s14;
	[bflag:$0x0] =	sbarrier.arrive $0xFFFF;
	(pc) =	sbr.rel @!p1 .LBB2_11-.Ltmp1, $4  }
0x2c: {  	[hbm:s13], [sflag:s14] =	dma.local [spmem:s15], $0x2800  }
0x2d: {  	_ =	swait.ge [sflag:s22], $0x2800  }
0x2e: {  	[sflag:s22] =	ssyncset.done $0x0  }
0x2f: {  	[sflag:s22] =	ssyncadd.s32 $0xFFFFD800  }
.LBB2_1:
.Ltmp2:
0x30: {  	(pc) =	sbr.rel @!p0 .LBB2_2-.Ltmp2, $2  }
0x31: {  	_ =	sdelay $0x2  }
0x32: {  	s13 =	sshra.s32 s2, $0x2;
	s14 =	sadd.s32 $0x200, s2  }
.LBB2_6:
0x33: {  	p1 =	sne.s32 s14, $0xFE00;
	[tilespmem:s13+$0x270] =	vst v0  }
0x34: {  	[tilespmem:s13+$0x200] =	vst v0  }
0x35: {  	[tilespmem:s13+$0x210] =	vst v0  }
.Ltmp3:
0x36: {  	[tilespmem:s13+$0x220] =	vst v0;
	(pc) =	sbr.rel @p1 .LBB2_6-.Ltmp3, $4  }
0x37: {  	[tilespmem:s13+$0x230] =	vst v0  }
0x38: {  	[tilespmem:s13+$0x240] =	vst v0  }
0x39: {  	[tilespmem:s13+$0x250] =	vst v0  }
0x3a: {  	[tilespmem:s13+$0x260] =	vst v0;
	s13 =	sshra.s32 s14, $0x2;
	s14 =	sadd.s32 $0x200, s14  }
0x3b: {  	[tilespmem:s13+$0x270] =	vst v0  }
0x3c: {  	[tilespmem:s13+$0x200] =	vst v0  }
0x3d: {  	[tilespmem:s13+$0x210] =	vst v0  }
0x3e: {  	[tilespmem:s13+$0x220] =	vst v0  }
0x3f: {  	[tilespmem:s13+$0x230] =	vst v0  }
0x40: {  	[tilespmem:s13+$0x240] =	vst v0  }
0x41: {  	[tilespmem:s13+$0x250] =	vst v0  }
0x42: {  	[tilespmem:s13+$0x260] =	vst v0  }
0x43: {  	[spmem:s10] =	stream.linear.scatter [tilespmem:s21], [sflag:$0x9], $0x4000, $0x38;
	[tilespmem:$0x1C200] =	vst v63  }
0x44: {  	_ =	swait.ge [sflag:s22], $0x4000  }
0x45: {  	[sflag:s22] =	ssyncset.done $0x0  }
0x46: {  	s14 =	rddreg [dreg:$0x5];
	[sflag:s22] =	ssyncadd.s32 $0xFFFFC000  }
0x47: {  	[spmem:s14] =	stream.linear.scatter [tilespmem:s21], [sflag:$0x9], $0x4000, $0x38;
	[tilespmem:$0x1C200] =	vst v63  }
0x48: {  	_ =	swait.ge [sflag:s22], $0x4000  }
0x49: {  	[sflag:s22] =	ssyncset.done $0x0  }
0x4a: {  	s15 =	rddreg [dreg:$0x6];
	[sflag:s22] =	ssyncadd.s32 $0xFFFFC000  }
0x4b: {  	[spmem:s15] =	stream.linear.scatter [tilespmem:s21], [sflag:$0x9], $0x4000, $0x38;
	[tilespmem:$0x1C200] =	vst v63  }
0x4c: {  	_ =	swait.ge [sflag:s22], $0x4000  }
0x4d: {  	[sflag:s22] =	ssyncset.done $0x0  }
0x4e: {  	s16 =	rddreg [dreg:$0x7];
	[sflag:s22] =	ssyncadd.s32 $0xFFFFC000  }
0x4f: {  	[spmem:s16] =	stream.linear.scatter [tilespmem:s21], [sflag:$0x9], $0x4000, $0x38;
	[tilespmem:$0x1C200] =	vst v63  }
0x50: {  	_ =	swait.ge [sflag:s22], $0x4000  }
0x51: {  	[sflag:s22] =	ssyncset.done $0x0  }
0x52: {  	s14 =	rddreg [dreg:$0x8];
	[sflag:s22] =	ssyncadd.s32 $0xFFFFC000  }
0x53: {  	[spmem:s14] =	stream.linear.scatter [tilespmem:s21], [sflag:$0x9], $0x4000, $0x38;
	[tilespmem:$0x1C200] =	vst v63  }
0x54: {  	_ =	swait.ge [sflag:s22], $0x4000  }
0x55: {  	[sflag:s22] =	ssyncset.done $0x0  }
0x56: {  	[sflag:s22] =	ssyncadd.s32 $0xFFFFC000  }
0x57: {  	[bflag:$0x0] =	sbarrier.arrive $0xFFFF  }
0x58: {  	s15 =	rddreg [dreg:$0x9]  }
0x59: {  	[tilespmem:s2], [sflag:$0x5] =	stream.linear.gather [hbm4b:s15+s2], $0x80, $0x38;
	[tilespmem:$0x1C200] =	vst v63  }
0x5a: {  	_ = 	snop  }
0x5b: {  	[tilespmem:s23], [sflag:$0x7] =	stream.linear.gather [hbm4b:s17+s2], $0x80, $0x38;
	[tilespmem:$0x1C200] =	vst v63  }
0x5c: {  	_ = 	snop  }
0x5d: {  	[tilespmem:s24], [sflag:$0x6] =	stream.linear.gather [hbm4b:s18+s2], $0x80, $0x38;
	[tilespmem:$0x1C200] =	vst v63  }
0x5e: {  	s13 =	simm.s32 $0x180  }
0x5f: {  	[tilespmem:s13], [sflag:$0x8] =	stream.linear.gather [hbm4b:s19+s2], $0x80, $0x38;
	[tilespmem:$0x1C200] =	vst v63  }
0x60: {  	_ =	swait.ge [sflag:s25], $0x80  }
0x61: {  	[sflag:s25] =	ssyncset.done $0x0  }
0x62: {  	[sflag:s25] =	ssyncadd.s32 $0xFFFFFF80  }
0x63: {  	[tilespmem:s21], [sflag:$0x1] =	stream.indirect.gather [hbm4b:s5+s24], $0x80, s2, s24, $0xb8;
	[tilespmem:$0x1C200] =	vst v63  }
0x64: {  	_ =	swait.ge [sflag:s26], $0x80  }
0x65: {  	[sflag:s26] =	ssyncset.done $0x0  }
0x66: {  	[sflag:s26] =	ssyncadd.s32 $0xFFFFFF80  }
0x67: {  	[tilespmem:s28], [sflag:$0x2] =	stream.indirect.gather [hbm4b:s5+s24], $0x80, s24, s24, $0xb8;
	[tilespmem:$0x1C200] =	vst v63  }
0x68: {  	_ =	swait.ge [sflag:s29], $0x4000  }
0x69: {  	s14 =	simm.s32 $0x100;
	[sflag:s29] =	ssyncset.done $0x0  }
0x6a: {  	s15 =	sand.u32 $0x7C00, s14;
	[sflag:s29] =	ssyncadd.s32 $0xFFFFC000  }
0x6b: {  	s14 =	sand.u32 $0x300, s14;
	s15 =	sadd.s32 s11, s15;
	_ =	swait.ge [sflag:s30], $0x80  }
0x6c: {  	s14 =	sor.u32 s14, s15;
	[sflag:s30] =	ssyncset.done $0x0  }
0x6d: {  	s14 =	sshrl.u32 s14, $0x3;
	[sflag:s30] =	ssyncadd.s32 $0xFFFFFF80  }
0x6e: {  	[spmem:s1] =	stream.indirect.scatter.add.f32 [tilespmem:s21], [sflag:$0x3], $0x80, s23, s24, $0xb8;
	[tilespmem:$0x1C200] =	vst v63  }
0x6f: {  	s16 =	sadd.s32 s6, s14  }
0x70: {  	[tilespmem:s2], [sflag:$0x5] =	stream.linear.gather [hbm4b:s16+s2], $0x80, $0x38;
	[tilespmem:$0x1C200] =	vst v63  }
0x71: {  	_ =	swait.ge [sflag:s31], $0x4000  }
0x72: {  	[sflag:s31] =	ssyncset.done $0x0  }
0x73: {  	s16 =	sand.u32 $0x7C00, s13;
	[sflag:s31] =	ssyncadd.s32 $0xFFFFC000  }
0x74: {  	s13 =	sand.u32 $0x380, s13;
	s15 =	sadd.s32 s11, s16;
	_ =	swait.ge [sflag:s0], $0x80  }
0x75: {  	s13 =	sor.u32 s13, s15;
	[sflag:s0] =	ssyncset.done $0x0  }
0x76: {  	s13 =	sshrl.u32 s13, $0x3;
	[sflag:s0] =	ssyncadd.s32 $0xFFFFFF80  }
0x77: {  	[spmem:s1] =	stream.indirect.scatter.add.f32 [tilespmem:s28], [sflag:$0x4], $0x80, s8, s24, $0xb8;
	[tilespmem:$0x1C200] =	vst v63  }
0x78: {  	s16 =	sadd.s32 s6, s13  }
0x79: {  	[tilespmem:s24], [sflag:$0x6] =	stream.linear.gather [hbm4b:s16+s2], $0x80, $0x38;
	[tilespmem:$0x1C200] =	vst v63  }
0x7a: {  	_ =	swait.ge [sflag:s9], $0x4000  }
0x7b: {  	[sflag:s9] =	ssyncset.done $0x0  }
0x7c: {  	s14 =	sadd.s32 s7, s14;
	[sflag:s9] =	ssyncadd.s32 $0xFFFFC000  }
0x7d: {  	[tilespmem:s23], [sflag:$0x7] =	stream.linear.gather [hbm4b:s14+s2], $0x80, $0x38;
	[tilespmem:$0x1C200] =	vst v63  }
0x7e: {  	_ =	swait.ge [sflag:s3], $0x4000  }
0x7f: {  	[sflag:s3] =	ssyncset.done $0x0  }
0x80: {  	s13 =	sadd.s32 s7, s13;
	[sflag:s3] =	ssyncadd.s32 $0xFFFFC000  }
0x81: {  	[tilespmem:s8], [sflag:$0x8] =	stream.linear.gather [hbm4b:s13+s2], $0x80, $0x38;
	[tilespmem:$0x1C200] =	vst v63  }
0x82: {  	_ =	swait.ge [sflag:s25], $0x80  }
0x83: {  	[sflag:s25] =	ssyncset.done $0x0  }
0x84: {  	[sflag:s25] =	ssyncadd.s32 $0xFFFFFF80  }
0x85: {  	[tilespmem:s21], [sflag:$0x1] =	stream.indirect.gather [hbm4b:s5+s24], $0x80, s2, s24, $0xb8;
	[tilespmem:$0x1C200] =	vst v63  }
0x86: {  	_ =	swait.ge [sflag:s26], $0x80  }
0x87: {  	s13 =	simm.s32 $0x280;
	[sflag:s26] =	ssyncset.done $0x0  }
.LBB2_8:
0x88: {  	p1 =	sne.s32 s13, $0x2780  }
0x89: {  	[sflag:s26] =	ssyncadd.s32 $0xFFFFFF80;
	s14 =	smov.u32 s13;
	s13 =	sadd.s32 $0x100, s13  }
0x8a: {  	[tilespmem:s28], [sflag:$0x2] =	stream.indirect.gather [hbm4b:s5+s24], $0x80, s24, s24, $0xb8;
	[tilespmem:$0x1C200] =	vst v63  }
0x8b: {  	_ =	swait.ge [sflag:s29], $0x4000  }
0x8c: {  	s15 =	sadd.s32 $0xFFFFFF80, s14;
	[sflag:s29] =	ssyncset.done $0x0  }
0x8d: {  	s16 =	sand.u32 $0x7C00, s15;
	s15 =	sand.u32 $0x300, s15;
	[sflag:s29] =	ssyncadd.s32 $0xFFFFC000  }
0x8e: {  	s16 =	sadd.s32 s11, s16;
	_ =	swait.ge [sflag:s30], $0x80  }
0x8f: {  	s15 =	sor.u32 s15, s16;
	[sflag:s30] =	ssyncset.done $0x0  }
0x90: {  	s15 =	sshrl.u32 s15, $0x3;
	[sflag:s30] =	ssyncadd.s32 $0xFFFFFF80  }
0x91: {  	[spmem:s1] =	stream.indirect.scatter.add.f32 [tilespmem:s21], [sflag:$0x3], $0x80, s23, s24, $0xb8;
	[tilespmem:$0x1C200] =	vst v63  }
0x92: {  	s16 =	sadd.s32 s6, s15  }
0x93: {  	[tilespmem:s2], [sflag:$0x5] =	stream.linear.gather [hbm4b:s16+s2], $0x80, $0x38;
	[tilespmem:$0x1C200] =	vst v63  }
0x94: {  	_ =	swait.ge [sflag:s31], $0x4000  }
0x95: {  	[sflag:s31] =	ssyncset.done $0x0  }
0x96: {  	s16 =	sand.u32 $0x7C00, s14;
	[sflag:s31] =	ssyncadd.s32 $0xFFFFC000  }
0x97: {  	s14 =	sand.u32 $0x380, s14;
	s16 =	sadd.s32 s11, s16;
	_ =	swait.ge [sflag:s0], $0x80  }
0x98: {  	s14 =	sor.u32 s14, s16;
	[sflag:s0] =	ssyncset.done $0x0  }
0x99: {  	s14 =	sshrl.u32 s14, $0x3;
	[sflag:s0] =	ssyncadd.s32 $0xFFFFFF80  }
0x9a: {  	[spmem:s1] =	stream.indirect.scatter.add.f32 [tilespmem:s28], [sflag:$0x4], $0x80, s8, s24, $0xb8;
	[tilespmem:$0x1C200] =	vst v63  }
0x9b: {  	s16 =	sadd.s32 s6, s14  }
0x9c: {  	[tilespmem:s24], [sflag:$0x6] =	stream.linear.gather [hbm4b:s16+s2], $0x80, $0x38;
	[tilespmem:$0x1C200] =	vst v63  }
0x9d: {  	_ =	swait.ge [sflag:s9], $0x4000  }
0x9e: {  	s15 =	sadd.s32 s7, s15;
	[sflag:s9] =	ssyncset.done $0x0  }
0x9f: {  	[sflag:s9] =	ssyncadd.s32 $0xFFFFC000  }
0xa0: {  	[tilespmem:s23], [sflag:$0x7] =	stream.linear.gather [hbm4b:s15+s2], $0x80, $0x38;
	[tilespmem:$0x1C200] =	vst v63  }
0xa1: {  	_ =	swait.ge [sflag:s3], $0x4000  }
0xa2: {  	s14 =	sadd.s32 s7, s14;
	[sflag:s3] =	ssyncset.done $0x0  }
0xa3: {  	[sflag:s3] =	ssyncadd.s32 $0xFFFFC000  }
0xa4: {  	[tilespmem:s8], [sflag:$0x8] =	stream.linear.gather [hbm4b:s14+s2], $0x80, $0x38;
	[tilespmem:$0x1C200] =	vst v63  }
0xa5: {  	_ =	swait.ge [sflag:s25], $0x80  }
.Ltmp4:
0xa6: {  	[sflag:s25] =	ssyncset.done $0x0;
	(pc) =	sbr.rel @p1 .LBB2_8-.Ltmp4, $4  }
0xa7: {  	[sflag:s25] =	ssyncadd.s32 $0xFFFFFF80  }
0xa8: {  	[tilespmem:s21], [sflag:$0x1] =	stream.indirect.gather [hbm4b:s5+s24], $0x80, s2, s24, $0xb8;
	[tilespmem:$0x1C200] =	vst v63  }
0xa9: {  	_ =	swait.ge [sflag:s26], $0x80  }
0xaa: {  	[sflag:s26] =	ssyncset.done $0x0  }
.Ltmp5:
0xab: {  	_ = 	snop;
	(pc) =	sbr.rel .LBB2_9-.Ltmp5, $1  }
0xac: {  	_ =	sdelay $0x3  }
.LBB2_2:
0xad: {  	p1 =	sne.s32 s14, $0xFE00;
	[tilespmem:s13+$0x270] =	vst v0  }
0xae: {  	[tilespmem:s13+$0x200] =	vst v0  }
0xaf: {  	[tilespmem:s13+$0x210] =	vst v0  }
.Ltmp6:
0xb0: {  	[tilespmem:s13+$0x220] =	vst v0;
	(pc) =	sbr.rel @p1 .LBB2_2-.Ltmp6, $4  }
0xb1: {  	[tilespmem:s13+$0x230] =	vst v0  }
0xb2: {  	[tilespmem:s13+$0x240] =	vst v0  }
0xb3: {  	[tilespmem:s13+$0x250] =	vst v0  }
0xb4: {  	[tilespmem:s13+$0x260] =	vst v0;
	s13 =	sshra.s32 s14, $0x2;
	s14 =	sadd.s32 $0x200, s14  }
0xb5: {  	[tilespmem:s13+$0x270] =	vst v0  }
0xb6: {  	[tilespmem:s13+$0x200] =	vst v0  }
0xb7: {  	[tilespmem:s13+$0x210] =	vst v0  }
0xb8: {  	[tilespmem:s13+$0x220] =	vst v0  }
0xb9: {  	[tilespmem:s13+$0x230] =	vst v0  }
0xba: {  	[tilespmem:s13+$0x240] =	vst v0  }
0xbb: {  	[tilespmem:s13+$0x250] =	vst v0  }
0xbc: {  	[tilespmem:s13+$0x260] =	vst v0  }
0xbd: {  	[spmem:s10] =	stream.linear.scatter [tilespmem:s21], [sflag:$0x9], $0x4000, $0x38;
	[tilespmem:$0x1C200] =	vst v63  }
0xbe: {  	_ =	swait.ge [sflag:s22], $0x4000  }
0xbf: {  	[sflag:s22] =	ssyncset.done $0x0  }
0xc0: {  	s14 =	rddreg [dreg:$0x5];
	[sflag:s22] =	ssyncadd.s32 $0xFFFFC000  }
0xc1: {  	[spmem:s14] =	stream.linear.scatter [tilespmem:s21], [sflag:$0x9], $0x4000, $0x38;
	[tilespmem:$0x1C200] =	vst v63  }
0xc2: {  	_ =	swait.ge [sflag:s22], $0x4000  }
0xc3: {  	[sflag:s22] =	ssyncset.done $0x0  }
0xc4: {  	s15 =	rddreg [dreg:$0x6];
	[sflag:s22] =	ssyncadd.s32 $0xFFFFC000  }
0xc5: {  	[spmem:s15] =	stream.linear.scatter [tilespmem:s21], [sflag:$0x9], $0x4000, $0x38;
	[tilespmem:$0x1C200] =	vst v63  }
0xc6: {  	_ =	swait.ge [sflag:s22], $0x4000  }
0xc7: {  	[sflag:s22] =	ssyncset.done $0x0  }
0xc8: {  	s16 =	rddreg [dreg:$0x7];
	[sflag:s22] =	ssyncadd.s32 $0xFFFFC000  }
0xc9: {  	[spmem:s16] =	stream.linear.scatter [tilespmem:s21], [sflag:$0x9], $0x4000, $0x38;
	[tilespmem:$0x1C200] =	vst v63  }
0xca: {  	_ =	swait.ge [sflag:s22], $0x4000  }
0xcb: {  	[sflag:s22] =	ssyncset.done $0x0  }
0xcc: {  	s14 =	rddreg [dreg:$0x8];
	[sflag:s22] =	ssyncadd.s32 $0xFFFFC000  }
0xcd: {  	[spmem:s14] =	stream.linear.scatter [tilespmem:s21], [sflag:$0x9], $0x4000, $0x38;
	[tilespmem:$0x1C200] =	vst v63  }
0xce: {  	_ =	swait.ge [sflag:s22], $0x4000  }
0xcf: {  	[sflag:s22] =	ssyncset.done $0x0  }
0xd0: {  	[sflag:s22] =	ssyncadd.s32 $0xFFFFC000  }
0xd1: {  	[bflag:$0x0] =	sbarrier.arrive $0xFFFF  }
0xd2: {  	s15 =	rddreg [dreg:$0x9]  }
0xd3: {  	[tilespmem:s2], [sflag:$0x5] =	stream.linear.gather [hbm4b:s15+s2], $0x80, $0x38;
	[tilespmem:$0x1C200] =	vst v63  }
0xd4: {  	_ = 	snop  }
0xd5: {  	[tilespmem:s23], [sflag:$0x7] =	stream.linear.gather [hbm4b:s17+s2], $0x80, $0x38;
	[tilespmem:$0x1C200] =	vst v63  }
0xd6: {  	_ = 	snop  }
0xd7: {  	[tilespmem:s24], [sflag:$0x6] =	stream.linear.gather [hbm4b:s18+s2], $0x80, $0x38;
	[tilespmem:$0x1C200] =	vst v63  }
0xd8: {  	s13 =	simm.s32 $0x180  }
0xd9: {  	[tilespmem:s13], [sflag:$0x8] =	stream.linear.gather [hbm4b:s19+s2], $0x80, $0x38;
	[tilespmem:$0x1C200] =	vst v63  }
0xda: {  	_ =	swait.ge [sflag:s25], $0x80  }
0xdb: {  	[sflag:s25] =	ssyncset.done $0x0  }
0xdc: {  	[sflag:s25] =	ssyncadd.s32 $0xFFFFFF80  }
0xdd: {  	[tilespmem:s21], [sflag:$0x1] =	stream.indirect.gather [hbm4b:s4+s24], $0x80, s2, s24, $0xb8;
	[tilespmem:$0x1C200] =	vst v63  }
0xde: {  	_ =	swait.ge [sflag:s26], $0x80  }
0xdf: {  	[sflag:s26] =	ssyncset.done $0x0  }
0xe0: {  	[sflag:s26] =	ssyncadd.s32 $0xFFFFFF80  }
0xe1: {  	[tilespmem:s28], [sflag:$0x2] =	stream.indirect.gather [hbm4b:s4+s24], $0x80, s24, s24, $0xb8;
	[tilespmem:$0x1C200] =	vst v63  }
0xe2: {  	_ =	swait.ge [sflag:s29], $0x4000  }
0xe3: {  	s14 =	simm.s32 $0x100;
	[sflag:s29] =	ssyncset.done $0x0  }
0xe4: {  	s15 =	sand.u32 $0x7C00, s14;
	[sflag:s29] =	ssyncadd.s32 $0xFFFFC000  }
0xe5: {  	s14 =	sand.u32 $0x300, s14;
	s15 =	sadd.s32 s11, s15;
	_ =	swait.ge [sflag:s30], $0x80  }
0xe6: {  	s14 =	sor.u32 s14, s15;
	[sflag:s30] =	ssyncset.done $0x0  }
0xe7: {  	s14 =	sshrl.u32 s14, $0x3;
	[sflag:s30] =	ssyncadd.s32 $0xFFFFFF80  }
0xe8: {  	[spmem:s1] =	stream.indirect.scatter.add.f32 [tilespmem:s21], [sflag:$0x3], $0x80, s23, s24, $0xb8;
	[tilespmem:$0x1C200] =	vst v63  }
0xe9: {  	s16 =	sadd.s32 s6, s14  }
0xea: {  	[tilespmem:s2], [sflag:$0x5] =	stream.linear.gather [hbm4b:s16+s2], $0x80, $0x38;
	[tilespmem:$0x1C200] =	vst v63  }
0xeb: {  	_ =	swait.ge [sflag:s31], $0x4000  }
0xec: {  	[sflag:s31] =	ssyncset.done $0x0  }
0xed: {  	s16 =	sand.u32 $0x7C00, s13;
	[sflag:s31] =	ssyncadd.s32 $0xFFFFC000  }
0xee: {  	s13 =	sand.u32 $0x380, s13;
	s15 =	sadd.s32 s11, s16;
	_ =	swait.ge [sflag:s0], $0x80  }
0xef: {  	s13 =	sor.u32 s13, s15;
	[sflag:s0] =	ssyncset.done $0x0  }
0xf0: {  	s13 =	sshrl.u32 s13, $0x3;
	[sflag:s0] =	ssyncadd.s32 $0xFFFFFF80  }
0xf1: {  	[spmem:s1] =	stream.indirect.scatter.add.f32 [tilespmem:s28], [sflag:$0x4], $0x80, s8, s24, $0xb8;
	[tilespmem:$0x1C200] =	vst v63  }
0xf2: {  	s16 =	sadd.s32 s6, s13  }
0xf3: {  	[tilespmem:s24], [sflag:$0x6] =	stream.linear.gather [hbm4b:s16+s2], $0x80, $0x38;
	[tilespmem:$0x1C200] =	vst v63  }
0xf4: {  	_ =	swait.ge [sflag:s9], $0x4000  }
0xf5: {  	[sflag:s9] =	ssyncset.done $0x0  }
0xf6: {  	s14 =	sadd.s32 s7, s14;
	[sflag:s9] =	ssyncadd.s32 $0xFFFFC000  }
0xf7: {  	[tilespmem:s23], [sflag:$0x7] =	stream.linear.gather [hbm4b:s14+s2], $0x80, $0x38;
	[tilespmem:$0x1C200] =	vst v63  }
0xf8: {  	_ =	swait.ge [sflag:s3], $0x4000  }
0xf9: {  	[sflag:s3] =	ssyncset.done $0x0  }
0xfa: {  	s13 =	sadd.s32 s7, s13;
	[sflag:s3] =	ssyncadd.s32 $0xFFFFC000  }
0xfb: {  	[tilespmem:s8], [sflag:$0x8] =	stream.linear.gather [hbm4b:s13+s2], $0x80, $0x38;
	[tilespmem:$0x1C200] =	vst v63  }
0xfc: {  	_ =	swait.ge [sflag:s25], $0x80  }
0xfd: {  	[sflag:s25] =	ssyncset.done $0x0  }
0xfe: {  	[sflag:s25] =	ssyncadd.s32 $0xFFFFFF80  }
0xff: {  	[tilespmem:s21], [sflag:$0x1] =	stream.indirect.gather [hbm4b:s4+s24], $0x80, s2, s24, $0xb8;
	[tilespmem:$0x1C200] =	vst v63  }
0x100: {  	_ =	swait.ge [sflag:s26], $0x80  }
0x101: {  	s13 =	simm.s32 $0x280;
	[sflag:s26] =	ssyncset.done $0x0  }
.LBB2_4:
0x102: {  	p1 =	seq.s32 s13, $0x2780  }
0x103: {  	[sflag:s26] =	ssyncadd.s32 $0xFFFFFF80;
	s14 =	smov.u32 s13;
	s13 =	sadd.s32 $0x100, s13  }
0x104: {  	[tilespmem:s28], [sflag:$0x2] =	stream.indirect.gather [hbm4b:s4+s24], $0x80, s24, s24, $0xb8;
	[tilespmem:$0x1C200] =	vst v63  }
0x105: {  	_ =	swait.ge [sflag:s29], $0x4000  }
0x106: {  	s15 =	sadd.s32 $0xFFFFFF80, s14;
	[sflag:s29] =	ssyncset.done $0x0  }
0x107: {  	s16 =	sand.u32 $0x7C00, s15;
	s15 =	sand.u32 $0x300, s15;
	[sflag:s29] =	ssyncadd.s32 $0xFFFFC000  }
0x108: {  	s16 =	sadd.s32 s11, s16;
	_ =	swait.ge [sflag:s30], $0x80  }
0x109: {  	s15 =	sor.u32 s15, s16;
	[sflag:s30] =	ssyncset.done $0x0  }
0x10a: {  	s15 =	sshrl.u32 s15, $0x3;
	[sflag:s30] =	ssyncadd.s32 $0xFFFFFF80  }
0x10b: {  	[spmem:s1] =	stream.indirect.scatter.add.f32 [tilespmem:s21], [sflag:$0x3], $0x80, s23, s24, $0xb8;
	[tilespmem:$0x1C200] =	vst v63  }
0x10c: {  	s16 =	sadd.s32 s6, s15  }
0x10d: {  	[tilespmem:s2], [sflag:$0x5] =	stream.linear.gather [hbm4b:s16+s2], $0x80, $0x38;
	[tilespmem:$0x1C200] =	vst v63  }
0x10e: {  	_ =	swait.ge [sflag:s31], $0x4000  }
0x10f: {  	[sflag:s31] =	ssyncset.done $0x0  }
0x110: {  	s16 =	sand.u32 $0x7C00, s14;
	[sflag:s31] =	ssyncadd.s32 $0xFFFFC000  }
0x111: {  	s14 =	sand.u32 $0x380, s14;
	s16 =	sadd.s32 s11, s16;
	_ =	swait.ge [sflag:s0], $0x80  }
0x112: {  	s14 =	sor.u32 s14, s16;
	[sflag:s0] =	ssyncset.done $0x0  }
0x113: {  	s14 =	sshrl.u32 s14, $0x3;
	[sflag:s0] =	ssyncadd.s32 $0xFFFFFF80  }
0x114: {  	[spmem:s1] =	stream.indirect.scatter.add.f32 [tilespmem:s28], [sflag:$0x4], $0x80, s8, s24, $0xb8;
	[tilespmem:$0x1C200] =	vst v63  }
0x115: {  	s16 =	sadd.s32 s6, s14  }
0x116: {  	[tilespmem:s24], [sflag:$0x6] =	stream.linear.gather [hbm4b:s16+s2], $0x80, $0x38;
	[tilespmem:$0x1C200] =	vst v63  }
0x117: {  	_ =	swait.ge [sflag:s9], $0x4000  }
0x118: {  	s15 =	sadd.s32 s7, s15;
	[sflag:s9] =	ssyncset.done $0x0  }
0x119: {  	[sflag:s9] =	ssyncadd.s32 $0xFFFFC000  }
0x11a: {  	[tilespmem:s23], [sflag:$0x7] =	stream.linear.gather [hbm4b:s15+s2], $0x80, $0x38;
	[tilespmem:$0x1C200] =	vst v63  }
0x11b: {  	_ =	swait.ge [sflag:s3], $0x4000  }
0x11c: {  	s14 =	sadd.s32 s7, s14;
	[sflag:s3] =	ssyncset.done $0x0  }
0x11d: {  	[sflag:s3] =	ssyncadd.s32 $0xFFFFC000  }
0x11e: {  	[tilespmem:s8], [sflag:$0x8] =	stream.linear.gather [hbm4b:s14+s2], $0x80, $0x38;
	[tilespmem:$0x1C200] =	vst v63  }
0x11f: {  	_ =	swait.ge [sflag:s25], $0x80  }
.Ltmp7:
0x120: {  	[sflag:s25] =	ssyncset.done $0x0;
	(pc) =	sbr.rel @!p1 .LBB2_4-.Ltmp7, $4  }
0x121: {  	[sflag:s25] =	ssyncadd.s32 $0xFFFFFF80  }
0x122: {  	[tilespmem:s21], [sflag:$0x1] =	stream.indirect.gather [hbm4b:s4+s24], $0x80, s2, s24, $0xb8;
	[tilespmem:$0x1C200] =	vst v63  }
0x123: {  	_ =	swait.ge [sflag:s26], $0x80  }
0x124: {  	[sflag:s26] =	ssyncset.done $0x0  }
.Ltmp8:
0x125: {  	(pc) =	sbr.rel .LBB2_10-.Ltmp8, $3  }
0x126: {  	_ =	sdelay $0x1  }
0x127: {  	[sflag:s26] =	ssyncadd.s32 $0xFFFFFF80;
	s13 =	rddreg [dreg:$0x3]  }
0x128: {  	[tilespmem:s28], [sflag:$0x2] =	stream.indirect.gather [hbm4b:s4+s24], $0x80, s24, s24, $0xb8;
	[tilespmem:$0x1C200] =	vst v63  }
.LBB2_11:
0x129: {  	_ =	sfence.sel $0x180000  }
0x12a: {  	[bflag:$0x0] =	sbarrier.arrive $0xFFFF  }
0x12b: {  	_ =	strace $0x9000004A  }
0x12c: {  	s0 =	stileid.u32;
	[bflag:$0x2] =	sbarrier.arrive $0xFFFF  }
0x12d: {  	p0 =	sne.s32 s0, $0x0;
	s0 =	rddreg [dreg:$0x2]  }
0x12e: {  	s0 =	sadd.s32 @!p0 $0x100000, s0  }
0x12f: {  	[sflag:s0] =	ssyncadd.tile.s32 @!p0 $0x1;
	_ =	shalt  }
.Lfunc_end2:
_tile_overlayer_lowered:
.L_overlay_start_2:
0x130: {  	(tag) =	ssettag $0x2  }
0x131: {  	s0 =	rddreg [dreg:$0x0];
	s2 =	stileid.u32  }
0x132: {  	s1 =	rddreg [dreg:$0x1];
	p0 =	sne.s32 s2, $0x0  }
0x133: {  	s3 =	rddreg [dreg:$0x2];
	[bflag:$0x3] =	sbarrier.arrive $0xFFFF;
	s2 =	simm.s32 @!p0 $0x1C09  }
0x134: {  	[timem:s3], [sflag:s2] =	dma.local @!p0 [hbm:s0], s1  }
0x135: {  	s0 =	simm.s32 @!p0 $0x9  }
0x136: {  	_ =	swait.ge @!p0 [sflag:s0], s1  }
0x137: {  	s1 =	ssub.s32 @!p0 $0x0, s1;
	[sflag:s0] =	ssyncset.done @!p0 $0x0  }
0x138: {  	[sflag:s0] =	ssyncadd.s32 @!p0 s1  }
0x139: {  	[bflag:$0x3] =	sbarrier.arrive $0xFFFF  }
0x13a: {  	_ =	shalt  }

// kernel: kernel.16.cloned.1.call-start
scs
__scs_entry_jumppad:
0x0: {  	(pc) =	sbr.rel $0x88, $3  }
0x1: {  	(tag) =	ssettag $0x0;
	lr =	simm.s32 $0x1  }
0x2: {  	[smem:$0x3F8A] =	sst lr;
	_ =	strace $0xD0000000  }
0x3: {  	_ = 	snop  }
0x4: {  	_ = 	snop  }
0x5: {  	_ = 	snop  }
0x6: {  	_ = 	snop  }
0x7: {  	_ = 	snop  }
__scs_overlays_trampoline_lowered:
0x8: {  	[smem:$0x3F99] =	sst s0  }
0x9: {  	[smem:$0x3F9A] =	sst s1  }
0xa: {  	[smem:$0x3F9B] =	sst s2  }
0xb: {  	[smem:$0x3F9C] =	sst s3  }
0xc: {  	[smem:$0x3F9D] =	sst s4  }
0xd: {  	[smem:$0x3F9E] =	sst s5  }
0xe: {  	[smem:$0x3F9F] =	sst s6  }
0xf: {  	[smem:$0x3FA0] =	sst s7  }
0x10: {  	[smem:$0x3FA1] =	sst s8  }
0x11: {  	[smem:$0x3FA2] =	sst s9;
	s0 =	simm.s32 @!p0 $0x0  }
0x12: {  	s1 =	sld [smem:$0x3F88];
	s0 =	simm.s32 @p0 $0x1  }
0x13: {  	[smem:$0x3FA3] =	sst s0;
	s0 =	simm.s32 @!p1 $0x0  }
0x14: {  	s2 =	sld [smem:$0x3F87];
	s0 =	simm.s32 @p1 $0x1  }
0x15: {  	[smem:$0x3FA4] =	sst s0;
	s0 =	simm.s32 @!p2 $0x0  }
0x16: {  	s3 =	sld [smem:$0x3FDB];
	s0 =	simm.s32 @p2 $0x1  }
0x17: {  	s4 =	simm.s32 $0x1BF5;
	[smem:$0x3FA6] =	sst s0  }
0x18: {  	s0 =	sld [smem:$0x3F89];
	_ =	swait.ge [sflag:s4], $0x0  }
0x19: {  	s7 =	sld [smem:$0x3F8A]  }
0x1a: {  	s8 =	sadd.s32 $0xFFFFE003, lr  }
0x1b: {  	s9 =	sadd.s32 $0xFFFFFEF7, lr;
	s5 =	simm.s32 $0xFFFFFFFF;
	p2 =	slt.u32 s8, $0xFFFFF086  }
0x1c: {  	p1 =	slt.u32 s9, $0xF7A;
	s5 =	simm.s32 @!p2 $0x0  }
0x1d: {  	s5 =	simm.s32 @p1 $0x1;
	p0 =	seq.s32 s7, s2  }
0x1e: {  	s7 =	smul.u32 @!p0 $0xF7A, s2;
	p2 =	seq.s32 @!p0 s5, $0x0  }
0x1f: {  	s9 =	smul.u32 $0xF7A, s1;
	s8 =	simm.s32 @!p0 $0x1BF5;
	p2 =	por !p2, p0  }
0x20: {  	[sflag:s8] =	ssyncset.s32 @!p0 $0xFFFFF086;
	s6 =	sadd.s32 @!p0 s3, s7;
	s7 =	simm.s32 @!p0 $0x108  }
0x21: {  	s3 =	sadd.s32 s3, s9;
	s6 =	sadd.s32 @!p0 $0x88, s6;
	s7 =	simm.s32 @p2 $0x1082  }
0x22: {  	[simem:s7], [sflag:s8] =	dma.local @!p0 [hbm:s6], $0xF7A  }
0x23: {  	s9 =	sor.u32 $0xD0000000, s2;
	s6 =	simm.s32 $0x108;
	_ =	swait.ge @!p0 [sflag:s8], $0x0  }
0x24: {  	s3 =	sadd.s32 $0x88, s3;
	s6 =	simm.s32 @!p1 $0x1082;
	[sflag:s4] =	ssyncset.s32 $0xFFFFF086  }
0x25: {  	[simem:s6], [sflag:s4] =	dma.local [hbm:s3], $0xF7A  }
0x26: {  	[smem:$0x3F8A] =	sst s1;
	(tag) =	ssettag s2;
	_ =	strace s9  }
0x27: {  	s1 =	sld [smem:$0x3F9A]  }
0x28: {  	s2 =	sld [smem:$0x3F9B]  }
0x29: {  	s4 =	sld [smem:$0x3F9D]  }
0x2a: {  	p0 =	seq.s32 s5, $0x0;
	s5 =	sld [smem:$0x3F9E]  }
0x2b: {  	s6 =	sld [smem:$0x3F9F]  }
0x2c: {  	s7 =	sld [smem:$0x3FA0]  }
0x2d: {  	s3 =	simm.s32 $0x108;
	s8 =	sld [smem:$0x3FA1]  }
0x2e: {  	s3 =	simm.s32 @!p0 $0x1082;
	s9 =	sld [smem:$0x3FA2]  }
0x2f: {  	lr =	sadd.s32 s0, s3;
	s0 =	sld [smem:$0x3F99]  }
0x30: {  	s3 =	sld [smem:$0x3F9C]  }
0x31: {  	[smem:$0x3FA5] =	sst s10  }
0x32: {  	s10 =	sld [smem:$0x3FA3];
	_ =	sdelay $0x3  }
0x33: {  	p0 =	seq.s32 s10, $0x1;
	s10 =	sld [smem:$0x3FA5];
	_ =	sdelay $0x3  }
0x34: {  	[smem:$0x3FA5] =	sst s10  }
0x35: {  	s10 =	sld [smem:$0x3FA4];
	_ =	sdelay $0x3  }
0x36: {  	p1 =	seq.s32 s10, $0x1;
	s10 =	sld [smem:$0x3FA5];
	_ =	sdelay $0x3  }
0x37: {  	[smem:$0x3FA5] =	sst s10  }
0x38: {  	s10 =	sld [smem:$0x3FA6]  }
0x39: {  	_ = 	snop;
	(pc) =	sbr.ind lr, $3  }
0x3a: {  	_ = 	snop  }
0x3b: {  	_ = 	snop  }
0x3c: {  	p2 =	seq.s32 s10, $0x1;
	s10 =	sld [smem:$0x3FA5]  }
0x3d: {  	_ =	shalt  }
0x3e: {  	_ =	shalt  }
0x3f: {  	_ =	shalt  }
0x40: {  	_ =	shalt  }
0x41: {  	_ =	shalt  }
0x42: {  	_ =	shalt  }
0x43: {  	_ =	shalt  }
0x44: {  	_ =	shalt  }
0x45: {  	_ =	shalt  }
0x46: {  	_ =	shalt  }
0x47: {  	_ =	shalt  }
0x48: {  	_ =	shalt  }
0x49: {  	_ =	shalt  }
0x4a: {  	_ =	shalt  }
0x4b: {  	_ =	shalt  }
0x4c: {  	_ =	shalt  }
0x4d: {  	_ =	shalt  }
0x4e: {  	_ =	shalt  }
0x4f: {  	_ =	shalt  }
0x50: {  	_ =	shalt  }
0x51: {  	_ =	shalt  }
0x52: {  	_ =	shalt  }
0x53: {  	_ =	shalt  }
0x54: {  	_ =	shalt  }
0x55: {  	_ =	shalt  }
0x56: {  	_ =	shalt  }
0x57: {  	_ =	shalt  }
0x58: {  	_ =	shalt  }
0x59: {  	_ =	shalt  }
0x5a: {  	_ =	shalt  }
0x5b: {  	_ =	shalt  }
0x5c: {  	_ =	shalt  }
0x5d: {  	_ =	shalt  }
0x5e: {  	_ =	shalt  }
0x5f: {  	_ =	shalt  }
0x60: {  	_ =	shalt  }
0x61: {  	_ =	shalt  }
0x62: {  	_ =	shalt  }
0x63: {  	_ =	shalt  }
0x64: {  	_ =	shalt  }
0x65: {  	_ =	shalt  }
0x66: {  	_ =	shalt  }
0x67: {  	_ =	shalt  }
0x68: {  	_ =	shalt  }
0x69: {  	_ =	shalt  }
0x6a: {  	_ =	shalt  }
0x6b: {  	_ =	shalt  }
0x6c: {  	_ =	shalt  }
0x6d: {  	_ =	shalt  }
0x6e: {  	_ =	shalt  }
0x6f: {  	_ =	shalt  }
0x70: {  	_ =	shalt  }
0x71: {  	_ =	shalt  }
0x72: {  	_ =	shalt  }
0x73: {  	_ =	shalt  }
0x74: {  	_ =	shalt  }
0x75: {  	_ =	shalt  }
0x76: {  	_ =	shalt  }
0x77: {  	_ =	shalt  }
0x78: {  	_ =	shalt  }
0x79: {  	_ =	shalt  }
0x7a: {  	_ =	shalt  }
0x7b: {  	_ =	shalt  }
0x7c: {  	_ =	shalt  }
0x7d: {  	_ =	shalt  }
0x7e: {  	_ =	shalt  }
0x7f: {  	_ =	shalt  }
0x80: {  	_ =	shalt  }
0x81: {  	_ =	shalt  }
0x82: {  	_ =	shalt  }
0x83: {  	_ =	shalt  }
0x84: {  	_ =	shalt  }
0x85: {  	_ =	shalt  }
0x86: {  	_ =	shalt  }
0x87: {  	_ =	shalt  }
.Lfunc_end0:
.L_simem_size_0:
called_computation.2_lowered:
.L_overlay_start_0:
0x88: {  	s2 =	sld [smem:$0x3FD9]  }
0x89: {  	s3 =	sld [smem:$0x3FFE];
	_ =	sdelay $0x1  }
0x8a: {  	s1 =	srdreg.scid  }
0x8b: {  	s0 =	sand.u32 $0x1, s1  }
0x8c: {  	s16 =	sshll.u32 s0, $0xA;
	s2 =	sadd.s32 s3, s2  }
0x8d: {  	s2 =	sadd.s32 s2, s16  }
0x8e: {  	[smem:$0x3FB1] =	sst s2  }
0x8f: {  	_ = 	snop  }
0x90: {  	(tm) =	ssettm $0x1  }
0x91: {  	s17 =	sld [smem:$0x3FFB];
	_ =	sdelay $0x3  }
0x92: {  	_ =	strace s17  }
0x93: {  	s2 =	sld [smem:$0x3FFC];
	_ =	sdelay $0x3  }
0x94: {  	_ =	strace s2  }
0x95: {  	s2 =	sld [smem:$0x3FFD];
	_ =	sdelay $0x3  }
0x96: {  	_ =	strace s2  }
0x97: {  	_ =	strace $0x8FFFFFFF  }
0x98: {  	s18 =	sld [smem:$0x3FDB];
	_ =	sdelay $0x1  }
0x99: {  	s19 =	simm.s32 $_scs_section_size  }
0x9a: {  	s4 =	simm.s32 $_size__tile_overlayer_lowered;
	s5 =	simm.s32 $_tile_overlayer_lowered  }
0x9b: {  	s22 =	simm.s32 $0x1BFF;
	s21 =	sshll.u32 s5, $0x1;
	s2 =	sadd.s32 s19, s18  }
0x9c: {  	s6 =	simm.s32 $0x0;
	s20 =	sshll.u32 s4, $0x1;
	s4 =	sadd.s32 s21, s2  }
0x9d: {  	[timem:s6], [sflag:s22] =	dma.local [hbm:s4], s20  }
0x9e: {  	_ =	swait.ge [sflag:s22], s20  }
0x9f: {  	s3 =	ssub.s32 $0x0, s20;
	[sflag:s22] =	ssyncset.done $0x0  }
0xa0: {  	[sflag:s22] =	ssyncadd.s32 s3;
	_ =	sdelay $0x1  }
0xa1: {  	s23 =	simm.s32 $0x1B8B  }
0xa2: {  	_ =	swait.ge [sflag:s23], $0x1  }
0xa3: {  	[sflag:s23] =	ssyncset.done $0x0  }
0xa4: {  	s25 =	simm.s32 $0x1B8E;
	s24 =	sld [smem:$0x3FFE];
	[sflag:s23] =	ssyncadd.s32 $0xFFFFFFFF  }
0xa5: {  	s26 =	simm.s32 $execute0_lowered;
	[smem:$0x3FD2] =	sst s25  }
0xa6: {  	s4 =	sshll.u32 s26, $0x1;
	_ =	strace $0x8000004C;
	[dreg:$0x1] =	wrdreg $0xFFFFFFFF  }
0xa7: {  	s28 =	simm.s32 $_size_execute0_lowered;
	s2 =	sadd.s32 s2, s4;
	[dreg:$0x0] =	wrdreg $0x0  }
0xa8: {  	s4 =	sshll.u32 s28, $0x1;
	[dreg:$0x2] =	wrdreg s2  }
0xa9: {  	[dreg:$0x3] =	wrdreg s4  }
0xaa: {  	[dreg:$0x4] =	wrdreg $0xC0  }
0xab: {  	_ =	task [dreg:s6], $0x5FFFF  }
0xac: {  	[dreg:$0x1] =	wrdreg $0xFFFFFFFF  }
0xad: {  	[dreg:$0x0] =	wrdreg $0x60  }
0xae: {  	[dreg:$0x2] =	wrdreg s24  }
0xaf: {  	[dreg:$0x3] =	wrdreg $0x82000  }
0xb0: {  	[dreg:$0x4] =	wrdreg $0x9  }
0xb1: {  	_ =	task.clear_ibuf [dreg:s6], $0x5FFFF;
	_ =	strace $0x9000004C  }
0xb2: {  	s29 =	simm.s32 $0x9;
	_ =	strace $0x8000004E  }
0xb3: {  	_ =	swait.ge [sflag:s29], $0x1  }
0xb4: {  	[sflag:s29] =	ssyncadd.s32 $0xFFFFFFFF  }
0xb5: {  	_ =	strace $0x9000004E  }
0xb6: {  	_ =	sfence  }
0xb7: {  	s30 =	sld [smem:$0x0];
	_ =	sdelay $0x2  }
0xb8: {  	s31 =	sshll.u32 s1, $0xD;
	s1 =	sshrl.u32 s1, $0x2  }
0xb9: {  	s3 =	sand.u32 $0x4000, s31;
	s1 =	sadd.s32 s1, s30  }
0xba: {  	s0 =	sor.u32 s3, s0;
	s1 =	sshll.u32 s1, $0x11  }
0xbb: {  	s0 =	sor.u32 s1, s0  }
0xbc: {  	s0 =	sadd.s32 $0x8F2B, s0  }
0xbd: {  	[sflag:s0] =	ssyncadd.remote.s32 $0x1  }
0xbe: {  	_ =	sfence.sel $0xFFFF  }
0xbf: {  	[dreg:$0x0] =	wrdreg $0xFFFFFFFF;
	(pc) =	sbr.abs _section_cstart, $3  }
0xc0: {  	[dreg:$0x1] =	wrdreg $0xFFFFFFFF  }
0xc1: {  	_ =	task.clear_ibuf [dreg:s6], $0x2FFFF;
	_ =	strace $0x9FFFFFFF  }
0xc2: {  	(tm) =	ssettm $0x7FFFFFFF  }
0xc3: {  	_ =	shalt  }
tec
execute0_lowered:
.L_overlay_start_1:
0x0: {  	(tag) =	ssettag $0x1  }
0x1: {  	s0 =	rddreg [dreg:$0x0]  }
0x2: {  	s1 =	rddreg [dreg:$0x1]  }
0x3: {  	s2 =	simm.s32 $0x0;
	s3 =	srdreg.scid;
	s11 =	stileid.u32  }
0x4: {  	s28 =	simm.s32 $0x4200;
	s29 =	simm.s32 $0x1;
	s30 =	simm.s32 $0x7  }
0x5: {  	s31 =	simm.s32 $0x2;
	s12 =	simm.s32 $0x0;
	[smem:$0x7FF] =	sst s2  }
0x6: {  	s4 =	sadd.s32 $0x64800, s0;
	s5 =	sadd.s32 $0x1A4800, s0;
	s6 =	sadd.s32 $0x5F800, s0  }
0x7: {  	s3 =	sand.u32 $0x1, s3;
	s8 =	smul.u32 $0x50000, s11;
	s7 =	sadd.s32 $0x9A00, s0  }
0x8: {  	s9 =	sadd.s32 $0xEA00, s0;
	s0 =	sadd.s32 $0x36A00, s0;
	s11 =	smul.u32 $0x2800, s11  }
0x9: {  	_ =	strace $0x8000004D;
	[dreg:$0x3] =	wrdreg s9;
	s19 =	ssub.s32 $0x2, s3  }
0xa: {  	[dreg:$0x4] =	wrdreg s0;
	p0 =	seq.s32 s3, $0x1;
	s9 =	simm.s32 $0x3  }
0xb: {  	s20 =	sshrl.u32 s19, $0x1;
	s8 =	sshrl.u32 s8, $0x2;
	s25 =	sshrl.u32 s11, $0x3  }
0xc: {  	s0 =	ssub.s32 s19, s20;
	s10 =	sadd.s32 s8, s1;
	s26 =	sadd.s32 s6, s25  }
0xd: {  	s17 =	sadd.s32 s7, s25;
	s3 =	sor.u32 $0x10, s25;
	s25 =	simm.s32 $0x5  }
0xe: {  	s8 =	simm.s32 $0x180;
	s21 =	sadd.s32 $0x4000, s10;
	s22 =	sadd.s32 $0x8000, s10  }
0xf: {  	s23 =	sadd.s32 $0xC000, s10;
	s24 =	sadd.s32 $0x10000, s10;
	[dreg:$0x9] =	wrdreg s26  }
.Ltmp0:
0x10: {  	s18 =	sadd.s32 s6, s3;
	[dreg:$0x5] =	wrdreg s21;
	(pc) =	sbr.rel .LBB2_1-.Ltmp0, $4  }
0x11: {  	s19 =	sadd.s32 s7, s3;
	s20 =	smax.u32 s0, $0x1;
	[dreg:$0x6] =	wrdreg s22  }
0x12: {  	s26 =	simm.s32 $0x6;
	s0 =	simm.s32 $0x8;
	[dreg:$0x7] =	wrdreg s23  }
0x13: {  	s3 =	simm.s32 $0x4;
	[dreg:$0x8] =	wrdreg s24;
	s21 =	simm.s32 $0x200  }
0x14: {  	v0 =	vimm.f32 $0.0e+00;
	s22 =	simm.s32 $0x9;
	s23 =	simm.s32 $0x100;
	s24 =	simm.s32 $0x80  }
.LBB2_9:
0x15: {  	[sflag:s26] =	ssyncadd.s32 $0xFFFFFF80;
	s13 =	rddreg [dreg:$0x4]  }
0x16: {  	[tilespmem:s28], [sflag:$0x2] =	stream.indirect.gather [hbm4b:s5+s24], $0x80, s24, s24, $0xb8;
	[tilespmem:$0x1C200] =	vst v63  }
.LBB2_10:
0x17: {  	_ =	swait.ge [sflag:s29], $0x4000  }
0x18: {  	[sflag:s29] =	ssyncset.done $0x0  }
0x19: {  	[sflag:s29] =	ssyncadd.s32 $0xFFFFC000  }
0x1a: {  	_ =	swait.ge [sflag:s30], $0x80  }
0x1b: {  	[sflag:s30] =	ssyncset.done $0x0  }
0x1c: {  	[sflag:s30] =	ssyncadd.s32 $0xFFFFFF80  }
0x1d: {  	[spmem:s1] =	stream.indirect.scatter.add.f32 [tilespmem:s21], [sflag:$0x3], $0x80, s23, s24, $0xb8;
	[tilespmem:$0x1C200] =	vst v63  }
0x1e: {  	_ =	swait.ge [sflag:s31], $0x4000  }
0x1f: {  	[sflag:s31] =	ssyncset.done $0x0  }
0x20: {  	[sflag:s31] =	ssyncadd.s32 $0xFFFFC000  }
0x21: {  	_ =	swait.ge [sflag:s0], $0x80  }
0x22: {  	[sflag:s0] =	ssyncset.done $0x0  }
0x23: {  	[sflag:s0] =	ssyncadd.s32 $0xFFFFFF80  }
0x24: {  	[spmem:s1] =	stream.indirect.scatter.add.f32 [tilespmem:s28], [sflag:$0x4], $0x80, s8, s24, $0xb8;
	[tilespmem:$0x1C200] =	vst v63  }
0x25: {  	_ =	swait.ge [sflag:s9], $0x4000  }
0x26: {  	[sflag:s9] =	ssyncset.done $0x0  }
0x27: {  	[sflag:s9] =	ssyncadd.s32 $0xFFFFC000  }
0x28: {  	s13 =	sadd.s32 s13, s11;
	s14 =	stileid.u32;
	_ =	swait.ge [sflag:s3], $0x4000  }
0x29: {  	s15 =	sshrl.u32 s10, $0x3;
	s12 =	sadd.s32 $0x1, s12;
	[sflag:s3] =	ssyncset.done $0x0  }
0x2a: {  	s14 =	sshll.u32 s14, $0x6;
	p1 =	sne.s32 s12, s20;
	[sflag:s3] =	ssyncadd.s32 $0xFFFFC000  }
.Ltmp1:
0x2b: {  	s14 =	sor.u32 $0x1C09, s14;
	[bflag:$0x0] =	sbarrier.arrive $0xFFFF;
	(pc) =	sbr.rel @!p1 .LBB2_11-.Ltmp1, $4  }
0x2c: {  	[hbm:s13], [sflag:s14] =	dma.local [spmem:s15], $0x2800  }
0x2d: {  	_ =	swait.ge [sflag:s22], $0x2800  }
0x2e: {  	[sflag:s22] =	ssyncset.done $0x0  }
0x2f: {  	[sflag:s22] =	ssyncadd.s32 $0xFFFFD800  }
.LBB2_1:
.Ltmp2:
0x30: {  	(pc) =	sbr.rel @!p0 .LBB2_2-.Ltmp2, $2  }
0x31: {  	_ =	sdelay $0x2  }
0x32: {  	s13 =	sshra.s32 s2, $0x2;
	s14 =	sadd.s32 $0x200, s2  }
.LBB2_6:
0x33: {  	p1 =	sne.s32 s14, $0xFE00;
	[tilespmem:s13+$0x270] =	vst v0  }
0x34: {  	[tilespmem:s13+$0x200] =	vst v0  }
0x35: {  	[tilespmem:s13+$0x210] =	vst v0  }
.Ltmp3:
0x36: {  	[tilespmem:s13+$0x220] =	vst v0;
	(pc) =	sbr.rel @p1 .LBB2_6-.Ltmp3, $4  }
0x37: {  	[tilespmem:s13+$0x230] =	vst v0  }
0x38: {  	[tilespmem:s13+$0x240] =	vst v0  }
0x39: {  	[tilespmem:s13+$0x250] =	vst v0  }
0x3a: {  	[tilespmem:s13+$0x260] =	vst v0;
	s13 =	sshra.s32 s14, $0x2;
	s14 =	sadd.s32 $0x200, s14  }
0x3b: {  	[tilespmem:s13+$0x270] =	vst v0  }
0x3c: {  	[tilespmem:s13+$0x200] =	vst v0  }
0x3d: {  	[tilespmem:s13+$0x210] =	vst v0  }
0x3e: {  	[tilespmem:s13+$0x220] =	vst v0  }
0x3f: {  	[tilespmem:s13+$0x230] =	vst v0  }
0x40: {  	[tilespmem:s13+$0x240] =	vst v0  }
0x41: {  	[tilespmem:s13+$0x250] =	vst v0  }
0x42: {  	[tilespmem:s13+$0x260] =	vst v0  }
0x43: {  	[spmem:s10] =	stream.linear.scatter [tilespmem:s21], [sflag:$0x9], $0x4000, $0x38;
	[tilespmem:$0x1C200] =	vst v63  }
0x44: {  	_ =	swait.ge [sflag:s22], $0x4000  }
0x45: {  	[sflag:s22] =	ssyncset.done $0x0  }
0x46: {  	s14 =	rddreg [dreg:$0x5];
	[sflag:s22] =	ssyncadd.s32 $0xFFFFC000  }
0x47: {  	[spmem:s14] =	stream.linear.scatter [tilespmem:s21], [sflag:$0x9], $0x4000, $0x38;
	[tilespmem:$0x1C200] =	vst v63  }
0x48: {  	_ =	swait.ge [sflag:s22], $0x4000  }
0x49: {  	[sflag:s22] =	ssyncset.done $0x0  }
0x4a: {  	s15 =	rddreg [dreg:$0x6];
	[sflag:s22] =	ssyncadd.s32 $0xFFFFC000  }
0x4b: {  	[spmem:s15] =	stream.linear.scatter [tilespmem:s21], [sflag:$0x9], $0x4000, $0x38;
	[tilespmem:$0x1C200] =	vst v63  }
0x4c: {  	_ =	swait.ge [sflag:s22], $0x4000  }
0x4d: {  	[sflag:s22] =	ssyncset.done $0x0  }
0x4e: {  	s16 =	rddreg [dreg:$0x7];
	[sflag:s22] =	ssyncadd.s32 $0xFFFFC000  }
0x4f: {  	[spmem:s16] =	stream.linear.scatter [tilespmem:s21], [sflag:$0x9], $0x4000, $0x38;
	[tilespmem:$0x1C200] =	vst v63  }
0x50: {  	_ =	swait.ge [sflag:s22], $0x4000  }
0x51: {  	[sflag:s22] =	ssyncset.done $0x0  }
0x52: {  	s14 =	rddreg [dreg:$0x8];
	[sflag:s22] =	ssyncadd.s32 $0xFFFFC000  }
0x53: {  	[spmem:s14] =	stream.linear.scatter [tilespmem:s21], [sflag:$0x9], $0x4000, $0x38;
	[tilespmem:$0x1C200] =	vst v63  }
0x54: {  	_ =	swait.ge [sflag:s22], $0x4000  }
0x55: {  	[sflag:s22] =	ssyncset.done $0x0  }
0x56: {  	[sflag:s22] =	ssyncadd.s32 $0xFFFFC000  }
0x57: {  	[bflag:$0x0] =	sbarrier.arrive $0xFFFF  }
0x58: {  	s15 =	rddreg [dreg:$0x9]  }
0x59: {  	[tilespmem:s2], [sflag:$0x5] =	stream.linear.gather [hbm4b:s15+s2], $0x80, $0x38;
	[tilespmem:$0x1C200] =	vst v63  }
0x5a: {  	_ = 	snop  }
0x5b: {  	[tilespmem:s23], [sflag:$0x7] =	stream.linear.gather [hbm4b:s17+s2], $0x80, $0x38;
	[tilespmem:$0x1C200] =	vst v63  }
0x5c: {  	_ = 	snop  }
0x5d: {  	[tilespmem:s24], [sflag:$0x6] =	stream.linear.gather [hbm4b:s18+s2], $0x80, $0x38;
	[tilespmem:$0x1C200] =	vst v63  }
0x5e: {  	s13 =	simm.s32 $0x180  }
0x5f: {  	[tilespmem:s13], [sflag:$0x8] =	stream.linear.gather [hbm4b:s19+s2], $0x80, $0x38;
	[tilespmem:$0x1C200] =	vst v63  }
0x60: {  	_ =	swait.ge [sflag:s25], $0x80  }
0x61: {  	[sflag:s25] =	ssyncset.done $0x0  }
0x62: {  	[sflag:s25] =	ssyncadd.s32 $0xFFFFFF80  }
0x63: {  	[tilespmem:s21], [sflag:$0x1] =	stream.indirect.gather [hbm4b:s5+s24], $0x80, s2, s24, $0xb8;
	[tilespmem:$0x1C200] =	vst v63  }
0x64: {  	_ =	swait.ge [sflag:s26], $0x80  }
0x65: {  	[sflag:s26] =	ssyncset.done $0x0  }
0x66: {  	[sflag:s26] =	ssyncadd.s32 $0xFFFFFF80  }
0x67: {  	[tilespmem:s28], [sflag:$0x2] =	stream.indirect.gather [hbm4b:s5+s24], $0x80, s24, s24, $0xb8;
	[tilespmem:$0x1C200] =	vst v63  }
0x68: {  	_ =	swait.ge [sflag:s29], $0x4000  }
0x69: {  	s14 =	simm.s32 $0x100;
	[sflag:s29] =	ssyncset.done $0x0  }
0x6a: {  	s15 =	sand.u32 $0x7C00, s14;
	[sflag:s29] =	ssyncadd.s32 $0xFFFFC000  }
0x6b: {  	s14 =	sand.u32 $0x300, s14;
	s15 =	sadd.s32 s11, s15;
	_ =	swait.ge [sflag:s30], $0x80  }
0x6c: {  	s14 =	sor.u32 s14, s15;
	[sflag:s30] =	ssyncset.done $0x0  }
0x6d: {  	s14 =	sshrl.u32 s14, $0x3;
	[sflag:s30] =	ssyncadd.s32 $0xFFFFFF80  }
0x6e: {  	[spmem:s1] =	stream.indirect.scatter.add.f32 [tilespmem:s21], [sflag:$0x3], $0x80, s23, s24, $0xb8;
	[tilespmem:$0x1C200] =	vst v63  }
0x6f: {  	s16 =	sadd.s32 s6, s14  }
0x70: {  	[tilespmem:s2], [sflag:$0x5] =	stream.linear.gather [hbm4b:s16+s2], $0x80, $0x38;
	[tilespmem:$0x1C200] =	vst v63  }
0x71: {  	_ =	swait.ge [sflag:s31], $0x4000  }
0x72: {  	[sflag:s31] =	ssyncset.done $0x0  }
0x73: {  	s16 =	sand.u32 $0x7C00, s13;
	[sflag:s31] =	ssyncadd.s32 $0xFFFFC000  }
0x74: {  	s13 =	sand.u32 $0x380, s13;
	s15 =	sadd.s32 s11, s16;
	_ =	swait.ge [sflag:s0], $0x80  }
0x75: {  	s13 =	sor.u32 s13, s15;
	[sflag:s0] =	ssyncset.done $0x0  }
0x76: {  	s13 =	sshrl.u32 s13, $0x3;
	[sflag:s0] =	ssyncadd.s32 $0xFFFFFF80  }
0x77: {  	[spmem:s1] =	stream.indirect.scatter.add.f32 [tilespmem:s28], [sflag:$0x4], $0x80, s8, s24, $0xb8;
	[tilespmem:$0x1C200] =	vst v63  }
0x78: {  	s16 =	sadd.s32 s6, s13  }
0x79: {  	[tilespmem:s24], [sflag:$0x6] =	stream.linear.gather [hbm4b:s16+s2], $0x80, $0x38;
	[tilespmem:$0x1C200] =	vst v63  }
0x7a: {  	_ =	swait.ge [sflag:s9], $0x4000  }
0x7b: {  	[sflag:s9] =	ssyncset.done $0x0  }
0x7c: {  	s14 =	sadd.s32 s7, s14;
	[sflag:s9] =	ssyncadd.s32 $0xFFFFC000  }
0x7d: {  	[tilespmem:s23], [sflag:$0x7] =	stream.linear.gather [hbm4b:s14+s2], $0x80, $0x38;
	[tilespmem:$0x1C200] =	vst v63  }
0x7e: {  	_ =	swait.ge [sflag:s3], $0x4000  }
0x7f: {  	[sflag:s3] =	ssyncset.done $0x0  }
0x80: {  	s13 =	sadd.s32 s7, s13;
	[sflag:s3] =	ssyncadd.s32 $0xFFFFC000  }
0x81: {  	[tilespmem:s8], [sflag:$0x8] =	stream.linear.gather [hbm4b:s13+s2], $0x80, $0x38;
	[tilespmem:$0x1C200] =	vst v63  }
0x82: {  	_ =	swait.ge [sflag:s25], $0x80  }
0x83: {  	[sflag:s25] =	ssyncset.done $0x0  }
0x84: {  	[sflag:s25] =	ssyncadd.s32 $0xFFFFFF80  }
0x85: {  	[tilespmem:s21], [sflag:$0x1] =	stream.indirect.gather [hbm4b:s5+s24], $0x80, s2, s24, $0xb8;
	[tilespmem:$0x1C200] =	vst v63  }
0x86: {  	_ =	swait.ge [sflag:s26], $0x80  }
0x87: {  	s13 =	simm.s32 $0x280;
	[sflag:s26] =	ssyncset.done $0x0  }
.LBB2_8:
0x88: {  	p1 =	sne.s32 s13, $0x2780  }
0x89: {  	[sflag:s26] =	ssyncadd.s32 $0xFFFFFF80;
	s14 =	smov.u32 s13;
	s13 =	sadd.s32 $0x100, s13  }
0x8a: {  	[tilespmem:s28], [sflag:$0x2] =	stream.indirect.gather [hbm4b:s5+s24], $0x80, s24, s24, $0xb8;
	[tilespmem:$0x1C200] =	vst v63  }
0x8b: {  	_ =	swait.ge [sflag:s29], $0x4000  }
0x8c: {  	s15 =	sadd.s32 $0xFFFFFF80, s14;
	[sflag:s29] =	ssyncset.done $0x0  }
0x8d: {  	s16 =	sand.u32 $0x7C00, s15;
	s15 =	sand.u32 $0x300, s15;
	[sflag:s29] =	ssyncadd.s32 $0xFFFFC000  }
0x8e: {  	s16 =	sadd.s32 s11, s16;
	_ =	swait.ge [sflag:s30], $0x80  }
0x8f: {  	s15 =	sor.u32 s15, s16;
	[sflag:s30] =	ssyncset.done $0x0  }
0x90: {  	s15 =	sshrl.u32 s15, $0x3;
	[sflag:s30] =	ssyncadd.s32 $0xFFFFFF80  }
0x91: {  	[spmem:s1] =	stream.indirect.scatter.add.f32 [tilespmem:s21], [sflag:$0x3], $0x80, s23, s24, $0xb8;
	[tilespmem:$0x1C200] =	vst v63  }
0x92: {  	s16 =	sadd.s32 s6, s15  }
0x93: {  	[tilespmem:s2], [sflag:$0x5] =	stream.linear.gather [hbm4b:s16+s2], $0x80, $0x38;
	[tilespmem:$0x1C200] =	vst v63  }
0x94: {  	_ =	swait.ge [sflag:s31], $0x4000  }
0x95: {  	[sflag:s31] =	ssyncset.done $0x0  }
0x96: {  	s16 =	sand.u32 $0x7C00, s14;
	[sflag:s31] =	ssyncadd.s32 $0xFFFFC000  }
0x97: {  	s14 =	sand.u32 $0x380, s14;
	s16 =	sadd.s32 s11, s16;
	_ =	swait.ge [sflag:s0], $0x80  }
0x98: {  	s14 =	sor.u32 s14, s16;
	[sflag:s0] =	ssyncset.done $0x0  }
0x99: {  	s14 =	sshrl.u32 s14, $0x3;
	[sflag:s0] =	ssyncadd.s32 $0xFFFFFF80  }
0x9a: {  	[spmem:s1] =	stream.indirect.scatter.add.f32 [tilespmem:s28], [sflag:$0x4], $0x80, s8, s24, $0xb8;
	[tilespmem:$0x1C200] =	vst v63  }
0x9b: {  	s16 =	sadd.s32 s6, s14  }
0x9c: {  	[tilespmem:s24], [sflag:$0x6] =	stream.linear.gather [hbm4b:s16+s2], $0x80, $0x38;
	[tilespmem:$0x1C200] =	vst v63  }
0x9d: {  	_ =	swait.ge [sflag:s9], $0x4000  }
0x9e: {  	s15 =	sadd.s32 s7, s15;
	[sflag:s9] =	ssyncset.done $0x0  }
0x9f: {  	[sflag:s9] =	ssyncadd.s32 $0xFFFFC000  }
0xa0: {  	[tilespmem:s23], [sflag:$0x7] =	stream.linear.gather [hbm4b:s15+s2], $0x80, $0x38;
	[tilespmem:$0x1C200] =	vst v63  }
0xa1: {  	_ =	swait.ge [sflag:s3], $0x4000  }
0xa2: {  	s14 =	sadd.s32 s7, s14;
	[sflag:s3] =	ssyncset.done $0x0  }
0xa3: {  	[sflag:s3] =	ssyncadd.s32 $0xFFFFC000  }
0xa4: {  	[tilespmem:s8], [sflag:$0x8] =	stream.linear.gather [hbm4b:s14+s2], $0x80, $0x38;
	[tilespmem:$0x1C200] =	vst v63  }
0xa5: {  	_ =	swait.ge [sflag:s25], $0x80  }
.Ltmp4:
0xa6: {  	[sflag:s25] =	ssyncset.done $0x0;
	(pc) =	sbr.rel @p1 .LBB2_8-.Ltmp4, $4  }
0xa7: {  	[sflag:s25] =	ssyncadd.s32 $0xFFFFFF80  }
0xa8: {  	[tilespmem:s21], [sflag:$0x1] =	stream.indirect.gather [hbm4b:s5+s24], $0x80, s2, s24, $0xb8;
	[tilespmem:$0x1C200] =	vst v63  }
0xa9: {  	_ =	swait.ge [sflag:s26], $0x80  }
0xaa: {  	[sflag:s26] =	ssyncset.done $0x0  }
.Ltmp5:
0xab: {  	_ = 	snop;
	(pc) =	sbr.rel .LBB2_9-.Ltmp5, $1  }
0xac: {  	_ =	sdelay $0x3  }
.LBB2_2:
0xad: {  	p1 =	sne.s32 s14, $0xFE00;
	[tilespmem:s13+$0x270] =	vst v0  }
0xae: {  	[tilespmem:s13+$0x200] =	vst v0  }
0xaf: {  	[tilespmem:s13+$0x210] =	vst v0  }
.Ltmp6:
0xb0: {  	[tilespmem:s13+$0x220] =	vst v0;
	(pc) =	sbr.rel @p1 .LBB2_2-.Ltmp6, $4  }
0xb1: {  	[tilespmem:s13+$0x230] =	vst v0  }
0xb2: {  	[tilespmem:s13+$0x240] =	vst v0  }
0xb3: {  	[tilespmem:s13+$0x250] =	vst v0  }
0xb4: {  	[tilespmem:s13+$0x260] =	vst v0;
	s13 =	sshra.s32 s14, $0x2;
	s14 =	sadd.s32 $0x200, s14  }
0xb5: {  	[tilespmem:s13+$0x270] =	vst v0  }
0xb6: {  	[tilespmem:s13+$0x200] =	vst v0  }
0xb7: {  	[tilespmem:s13+$0x210] =	vst v0  }
0xb8: {  	[tilespmem:s13+$0x220] =	vst v0  }
0xb9: {  	[tilespmem:s13+$0x230] =	vst v0  }
0xba: {  	[tilespmem:s13+$0x240] =	vst v0  }
0xbb: {  	[tilespmem:s13+$0x250] =	vst v0  }
0xbc: {  	[tilespmem:s13+$0x260] =	vst v0  }
0xbd: {  	[spmem:s10] =	stream.linear.scatter [tilespmem:s21], [sflag:$0x9], $0x4000, $0x38;
	[tilespmem:$0x1C200] =	vst v63  }
0xbe: {  	_ =	swait.ge [sflag:s22], $0x4000  }
0xbf: {  	[sflag:s22] =	ssyncset.done $0x0  }
0xc0: {  	s14 =	rddreg [dreg:$0x5];
	[sflag:s22] =	ssyncadd.s32 $0xFFFFC000  }
0xc1: {  	[spmem:s14] =	stream.linear.scatter [tilespmem:s21], [sflag:$0x9], $0x4000, $0x38;
	[tilespmem:$0x1C200] =	vst v63  }
0xc2: {  	_ =	swait.ge [sflag:s22], $0x4000  }
0xc3: {  	[sflag:s22] =	ssyncset.done $0x0  }
0xc4: {  	s15 =	rddreg [dreg:$0x6];
	[sflag:s22] =	ssyncadd.s32 $0xFFFFC000  }
0xc5: {  	[spmem:s15] =	stream.linear.scatter [tilespmem:s21], [sflag:$0x9], $0x4000, $0x38;
	[tilespmem:$0x1C200] =	vst v63  }
0xc6: {  	_ =	swait.ge [sflag:s22], $0x4000  }
0xc7: {  	[sflag:s22] =	ssyncset.done $0x0  }
0xc8: {  	s16 =	rddreg [dreg:$0x7];
	[sflag:s22] =	ssyncadd.s32 $0xFFFFC000  }
0xc9: {  	[spmem:s16] =	stream.linear.scatter [tilespmem:s21], [sflag:$0x9], $0x4000, $0x38;
	[tilespmem:$0x1C200] =	vst v63  }
0xca: {  	_ =	swait.ge [sflag:s22], $0x4000  }
0xcb: {  	[sflag:s22] =	ssyncset.done $0x0  }
0xcc: {  	s14 =	rddreg [dreg:$0x8];
	[sflag:s22] =	ssyncadd.s32 $0xFFFFC000  }
0xcd: {  	[spmem:s14] =	stream.linear.scatter [tilespmem:s21], [sflag:$0x9], $0x4000, $0x38;
	[tilespmem:$0x1C200] =	vst v63  }
0xce: {  	_ =	swait.ge [sflag:s22], $0x4000  }
0xcf: {  	[sflag:s22] =	ssyncset.done $0x0  }
0xd0: {  	[sflag:s22] =	ssyncadd.s32 $0xFFFFC000  }
0xd1: {  	[bflag:$0x0] =	sbarrier.arrive $0xFFFF  }
0xd2: {  	s15 =	rddreg [dreg:$0x9]  }
0xd3: {  	[tilespmem:s2], [sflag:$0x5] =	stream.linear.gather [hbm4b:s15+s2], $0x80, $0x38;
	[tilespmem:$0x1C200] =	vst v63  }
0xd4: {  	_ = 	snop  }
0xd5: {  	[tilespmem:s23], [sflag:$0x7] =	stream.linear.gather [hbm4b:s17+s2], $0x80, $0x38;
	[tilespmem:$0x1C200] =	vst v63  }
0xd6: {  	_ = 	snop  }
0xd7: {  	[tilespmem:s24], [sflag:$0x6] =	stream.linear.gather [hbm4b:s18+s2], $0x80, $0x38;
	[tilespmem:$0x1C200] =	vst v63  }
0xd8: {  	s13 =	simm.s32 $0x180  }
0xd9: {  	[tilespmem:s13], [sflag:$0x8] =	stream.linear.gather [hbm4b:s19+s2], $0x80, $0x38;
	[tilespmem:$0x1C200] =	vst v63  }
0xda: {  	_ =	swait.ge [sflag:s25], $0x80  }
0xdb: {  	[sflag:s25] =	ssyncset.done $0x0  }
0xdc: {  	[sflag:s25] =	ssyncadd.s32 $0xFFFFFF80  }
0xdd: {  	[tilespmem:s21], [sflag:$0x1] =	stream.indirect.gather [hbm4b:s4+s24], $0x80, s2, s24, $0xb8;
	[tilespmem:$0x1C200] =	vst v63  }
0xde: {  	_ =	swait.ge [sflag:s26], $0x80  }
0xdf: {  	[sflag:s26] =	ssyncset.done $0x0  }
0xe0: {  	[sflag:s26] =	ssyncadd.s32 $0xFFFFFF80  }
0xe1: {  	[tilespmem:s28], [sflag:$0x2] =	stream.indirect.gather [hbm4b:s4+s24], $0x80, s24, s24, $0xb8;
	[tilespmem:$0x1C200] =	vst v63  }
0xe2: {  	_ =	swait.ge [sflag:s29], $0x4000  }
0xe3: {  	s14 =	simm.s32 $0x100;
	[sflag:s29] =	ssyncset.done $0x0  }
0xe4: {  	s15 =	sand.u32 $0x7C00, s14;
	[sflag:s29] =	ssyncadd.s32 $0xFFFFC000  }
0xe5: {  	s14 =	sand.u32 $0x300, s14;
	s15 =	sadd.s32 s11, s15;
	_ =	swait.ge [sflag:s30], $0x80  }
0xe6: {  	s14 =	sor.u32 s14, s15;
	[sflag:s30] =	ssyncset.done $0x0  }
0xe7: {  	s14 =	sshrl.u32 s14, $0x3;
	[sflag:s30] =	ssyncadd.s32 $0xFFFFFF80  }
0xe8: {  	[spmem:s1] =	stream.indirect.scatter.add.f32 [tilespmem:s21], [sflag:$0x3], $0x80, s23, s24, $0xb8;
	[tilespmem:$0x1C200] =	vst v63  }
0xe9: {  	s16 =	sadd.s32 s6, s14  }
0xea: {  	[tilespmem:s2], [sflag:$0x5] =	stream.linear.gather [hbm4b:s16+s2], $0x80, $0x38;
	[tilespmem:$0x1C200] =	vst v63  }
0xeb: {  	_ =	swait.ge [sflag:s31], $0x4000  }
0xec: {  	[sflag:s31] =	ssyncset.done $0x0  }
0xed: {  	s16 =	sand.u32 $0x7C00, s13;
	[sflag:s31] =	ssyncadd.s32 $0xFFFFC000  }
0xee: {  	s13 =	sand.u32 $0x380, s13;
	s15 =	sadd.s32 s11, s16;
	_ =	swait.ge [sflag:s0], $0x80  }
0xef: {  	s13 =	sor.u32 s13, s15;
	[sflag:s0] =	ssyncset.done $0x0  }
0xf0: {  	s13 =	sshrl.u32 s13, $0x3;
	[sflag:s0] =	ssyncadd.s32 $0xFFFFFF80  }
0xf1: {  	[spmem:s1] =	stream.indirect.scatter.add.f32 [tilespmem:s28], [sflag:$0x4], $0x80, s8, s24, $0xb8;
	[tilespmem:$0x1C200] =	vst v63  }
0xf2: {  	s16 =	sadd.s32 s6, s13  }
0xf3: {  	[tilespmem:s24], [sflag:$0x6] =	stream.linear.gather [hbm4b:s16+s2], $0x80, $0x38;
	[tilespmem:$0x1C200] =	vst v63  }
0xf4: {  	_ =	swait.ge [sflag:s9], $0x4000  }
0xf5: {  	[sflag:s9] =	ssyncset.done $0x0  }
0xf6: {  	s14 =	sadd.s32 s7, s14;
	[sflag:s9] =	ssyncadd.s32 $0xFFFFC000  }
0xf7: {  	[tilespmem:s23], [sflag:$0x7] =	stream.linear.gather [hbm4b:s14+s2], $0x80, $0x38;
	[tilespmem:$0x1C200] =	vst v63  }
0xf8: {  	_ =	swait.ge [sflag:s3], $0x4000  }
0xf9: {  	[sflag:s3] =	ssyncset.done $0x0  }
0xfa: {  	s13 =	sadd.s32 s7, s13;
	[sflag:s3] =	ssyncadd.s32 $0xFFFFC000  }
0xfb: {  	[tilespmem:s8], [sflag:$0x8] =	stream.linear.gather [hbm4b:s13+s2], $0x80, $0x38;
	[tilespmem:$0x1C200] =	vst v63  }
0xfc: {  	_ =	swait.ge [sflag:s25], $0x80  }
0xfd: {  	[sflag:s25] =	ssyncset.done $0x0  }
0xfe: {  	[sflag:s25] =	ssyncadd.s32 $0xFFFFFF80  }
0xff: {  	[tilespmem:s21], [sflag:$0x1] =	stream.indirect.gather [hbm4b:s4+s24], $0x80, s2, s24, $0xb8;
	[tilespmem:$0x1C200] =	vst v63  }
0x100: {  	_ =	swait.ge [sflag:s26], $0x80  }
0x101: {  	s13 =	simm.s32 $0x280;
	[sflag:s26] =	ssyncset.done $0x0  }
.LBB2_4:
0x102: {  	p1 =	seq.s32 s13, $0x2780  }
0x103: {  	[sflag:s26] =	ssyncadd.s32 $0xFFFFFF80;
	s14 =	smov.u32 s13;
	s13 =	sadd.s32 $0x100, s13  }
0x104: {  	[tilespmem:s28], [sflag:$0x2] =	stream.indirect.gather [hbm4b:s4+s24], $0x80, s24, s24, $0xb8;
	[tilespmem:$0x1C200] =	vst v63  }
0x105: {  	_ =	swait.ge [sflag:s29], $0x4000  }
0x106: {  	s15 =	sadd.s32 $0xFFFFFF80, s14;
	[sflag:s29] =	ssyncset.done $0x0  }
0x107: {  	s16 =	sand.u32 $0x7C00, s15;
	s15 =	sand.u32 $0x300, s15;
	[sflag:s29] =	ssyncadd.s32 $0xFFFFC000  }
0x108: {  	s16 =	sadd.s32 s11, s16;
	_ =	swait.ge [sflag:s30], $0x80  }
0x109: {  	s15 =	sor.u32 s15, s16;
	[sflag:s30] =	ssyncset.done $0x0  }
0x10a: {  	s15 =	sshrl.u32 s15, $0x3;
	[sflag:s30] =	ssyncadd.s32 $0xFFFFFF80  }
0x10b: {  	[spmem:s1] =	stream.indirect.scatter.add.f32 [tilespmem:s21], [sflag:$0x3], $0x80, s23, s24, $0xb8;
	[tilespmem:$0x1C200] =	vst v63  }
0x10c: {  	s16 =	sadd.s32 s6, s15  }
0x10d: {  	[tilespmem:s2], [sflag:$0x5] =	stream.linear.gather [hbm4b:s16+s2], $0x80, $0x38;
	[tilespmem:$0x1C200] =	vst v63  }
0x10e: {  	_ =	swait.ge [sflag:s31], $0x4000  }
0x10f: {  	[sflag:s31] =	ssyncset.done $0x0  }
0x110: {  	s16 =	sand.u32 $0x7C00, s14;
	[sflag:s31] =	ssyncadd.s32 $0xFFFFC000  }
0x111: {  	s14 =	sand.u32 $0x380, s14;
	s16 =	sadd.s32 s11, s16;
	_ =	swait.ge [sflag:s0], $0x80  }
0x112: {  	s14 =	sor.u32 s14, s16;
	[sflag:s0] =	ssyncset.done $0x0  }
0x113: {  	s14 =	sshrl.u32 s14, $0x3;
	[sflag:s0] =	ssyncadd.s32 $0xFFFFFF80  }
0x114: {  	[spmem:s1] =	stream.indirect.scatter.add.f32 [tilespmem:s28], [sflag:$0x4], $0x80, s8, s24, $0xb8;
	[tilespmem:$0x1C200] =	vst v63  }
0x115: {  	s16 =	sadd.s32 s6, s14  }
0x116: {  	[tilespmem:s24], [sflag:$0x6] =	stream.linear.gather [hbm4b:s16+s2], $0x80, $0x38;
	[tilespmem:$0x1C200] =	vst v63  }
0x117: {  	_ =	swait.ge [sflag:s9], $0x4000  }
0x118: {  	s15 =	sadd.s32 s7, s15;
	[sflag:s9] =	ssyncset.done $0x0  }
0x119: {  	[sflag:s9] =	ssyncadd.s32 $0xFFFFC000  }
0x11a: {  	[tilespmem:s23], [sflag:$0x7] =	stream.linear.gather [hbm4b:s15+s2], $0x80, $0x38;
	[tilespmem:$0x1C200] =	vst v63  }
0x11b: {  	_ =	swait.ge [sflag:s3], $0x4000  }
0x11c: {  	s14 =	sadd.s32 s7, s14;
	[sflag:s3] =	ssyncset.done $0x0  }
0x11d: {  	[sflag:s3] =	ssyncadd.s32 $0xFFFFC000  }
0x11e: {  	[tilespmem:s8], [sflag:$0x8] =	stream.linear.gather [hbm4b:s14+s2], $0x80, $0x38;
	[tilespmem:$0x1C200] =	vst v63  }
0x11f: {  	_ =	swait.ge [sflag:s25], $0x80  }
.Ltmp7:
0x120: {  	[sflag:s25] =	ssyncset.done $0x0;
	(pc) =	sbr.rel @!p1 .LBB2_4-.Ltmp7, $4  }
0x121: {  	[sflag:s25] =	ssyncadd.s32 $0xFFFFFF80  }
0x122: {  	[tilespmem:s21], [sflag:$0x1] =	stream.indirect.gather [hbm4b:s4+s24], $0x80, s2, s24, $0xb8;
	[tilespmem:$0x1C200] =	vst v63  }
0x123: {  	_ =	swait.ge [sflag:s26], $0x80  }
0x124: {  	[sflag:s26] =	ssyncset.done $0x0  }
.Ltmp8:
0x125: {  	(pc) =	sbr.rel .LBB2_10-.Ltmp8, $3  }
0x126: {  	_ =	sdelay $0x1  }
0x127: {  	[sflag:s26] =	ssyncadd.s32 $0xFFFFFF80;
	s13 =	rddreg [dreg:$0x3]  }
0x128: {  	[tilespmem:s28], [sflag:$0x2] =	stream.indirect.gather [hbm4b:s4+s24], $0x80, s24, s24, $0xb8;
	[tilespmem:$0x1C200] =	vst v63  }
.LBB2_11:
0x129: {  	_ =	sfence.sel $0x180000  }
0x12a: {  	[bflag:$0x0] =	sbarrier.arrive $0xFFFF  }
0x12b: {  	_ =	strace $0x9000004D  }
0x12c: {  	s0 =	stileid.u32;
	[bflag:$0x2] =	sbarrier.arrive $0xFFFF  }
0x12d: {  	p0 =	sne.s32 s0, $0x0;
	s0 =	rddreg [dreg:$0x2]  }
0x12e: {  	s0 =	sadd.s32 @!p0 $0x100000, s0  }
0x12f: {  	[sflag:s0] =	ssyncadd.tile.s32 @!p0 $0x1;
	_ =	shalt  }
.Lfunc_end2:
_tile_overlayer_lowered:
.L_overlay_start_2:
0x130: {  	(tag) =	ssettag $0x2  }
0x131: {  	s0 =	rddreg [dreg:$0x0];
	s2 =	stileid.u32  }
0x132: {  	s1 =	rddreg [dreg:$0x1];
	p0 =	sne.s32 s2, $0x0  }
0x133: {  	s3 =	rddreg [dreg:$0x2];
	[bflag:$0x3] =	sbarrier.arrive $0xFFFF;
	s2 =	simm.s32 @!p0 $0x1C09  }
0x134: {  	[timem:s3], [sflag:s2] =	dma.local @!p0 [hbm:s0], s1  }
0x135: {  	s0 =	simm.s32 @!p0 $0x9  }
0x136: {  	_ =	swait.ge @!p0 [sflag:s0], s1  }
0x137: {  	s1 =	ssub.s32 @!p0 $0x0, s1;
	[sflag:s0] =	ssyncset.done @!p0 $0x0  }
0x138: {  	[sflag:s0] =	ssyncadd.s32 @!p0 s1  }
0x139: {  	[bflag:$0x3] =	sbarrier.arrive $0xFFFF  }
0x13a: {  	_ =	shalt  }

</sc_bundles>
